<compile_context>
chip_gen: v7x
topology: tpu7x:2x2x1
jax: 0.10.2.dev20260603
libtpu: 0.0.44.dev20260713+nightly
codegen_flags: <defaults>
</compile_context>

<pallas_src>
import jax
import jax.numpy as jnp
from jax import lax
from jax.experimental import pallas as pl
from jax.experimental.pallas import tpu as pltpu
from jax.experimental.pallas import tpu_sc as plsc

VOCAB = 100000
EMB_DIM = 128
HIDDEN = 128
BATCH = 4096
HIST = 200

NC = 2
NS = 16
NW = NC * NS
BPW = BATCH // NW
C0 = 128
C1 = HIST - C0

RPW = VOCAB // NW
CCH = 125


def _cvt_body(t_hbm, o_hbm, in_v, out_v, si0, si1, so0, so1):
    wid = lax.axis_index("s") * NC + lax.axis_index("c")
    base = wid * RPW
    sis = (si0, si1)
    sos = (so0, so1)

    def issue_in(c, buf):
        pltpu.async_copy(
            t_hbm.at[pl.ds(base + c * CCH, CCH)], in_v.at[buf], sis[buf])

    def conv(buf):
        def rbody(r, carry):
            for g in range(EMB_DIM // 16):
                out_v[buf, r, pl.ds(g * 16, 16)] = (
                    in_v[buf, r, pl.ds(g * 16, 16)].astype(jnp.bfloat16))
            return carry

        lax.fori_loop(0, CCH, rbody, 0, unroll=5)

    NCH = RPW // CCH

    def wait_in(buf):
        pltpu.make_async_copy(
            t_hbm.at[pl.ds(0, CCH)], in_v.at[buf], sis[buf]).wait()

    def wait_out(buf):
        pltpu.make_async_copy(
            out_v.at[buf], o_hbm.at[pl.ds(0, CCH)], sos[buf]).wait()

    def issue_out(c, buf):
        pltpu.async_copy(
            out_v.at[buf], o_hbm.at[pl.ds(base + c * CCH, CCH)], sos[buf])

    issue_in(0, 0)

    @pl.loop(0, NCH, step=2)
    def _chunks(c):
        wait_in(0)

        @pl.when(c + 1 < NCH)
        def _():
            issue_in(c + 1, 1)

        @pl.when(c >= 2)
        def _():
            wait_out(0)

        conv(0)
        issue_out(c, 0)

        @pl.when(c + 1 < NCH)
        def _buf1():
            wait_in(1)

            @pl.when(c + 2 < NCH)
            def _():
                issue_in(c + 2, 0)

            @pl.when(c >= 1)
            def _():
                wait_out(1)

            conv(1)
            issue_out(c + 1, 1)

    wait_out(0)
    wait_out(1)


_cvt = pl.kernel(
    _cvt_body,
    out_type=jax.ShapeDtypeStruct((VOCAB, EMB_DIM), jnp.bfloat16),
    compiler_params=pltpu.CompilerParams(use_tc_tiling_on_sc=False),
    mesh=plsc.VectorSubcoreMesh(core_axis_name="c", subcore_axis_name="s"),
    scratch_types=[
        pltpu.VMEM((2, CCH, EMB_DIM), jnp.float32),
        pltpu.VMEM((2, CCH, EMB_DIM), jnp.bfloat16),
        pltpu.SemaphoreType.DMA,
        pltpu.SemaphoreType.DMA,
        pltpu.SemaphoreType.DMA,
        pltpu.SemaphoreType.DMA,
    ],
)


def _pool_body(table_hbm, x_hbm, out_hbm, idx_v, rows_v, pooled_v,
               sem0, sem1):
    wid = lax.axis_index("s") * NC + lax.axis_index("c")
    base = wid * BPW
    pltpu.sync_copy(x_hbm.at[pl.ds(base, BPW)], idx_v)
    sems = (sem0, sem1)

    def issue(b, buf):
        pltpu.async_copy(
            table_hbm.at[idx_v.at[b, pl.ds(0, C0)]],
            rows_v.at[buf, pl.ds(0, C0)], sems[buf])
        pltpu.async_copy(
            table_hbm.at[idx_v.at[b, pl.ds(C0, C1)]],
            rows_v.at[buf, pl.ds(C0, C1)], sems[buf])

    def wait(buf):
        pltpu.make_async_copy(
            table_hbm.at[pl.ds(0, HIST)], rows_v.at[buf], sems[buf]).wait()

    def accum(buf, out_b):
        def rbody(r, acc):
            acc = list(acc)
            for c in range(EMB_DIM // 16):
                w = rows_v[buf, r, pl.ds(c * 16, 16)]
                acc[c] = acc[c] + w.astype(jnp.float32)
            return tuple(acc)

        acc = lax.fori_loop(
            0, HIST, rbody,
            tuple(jnp.zeros((16,), jnp.float32)
                  for _ in range(EMB_DIM // 16)),
            unroll=8)
        for c in range(EMB_DIM // 16):
            pooled_v[out_b, pl.ds(c * 16, 16)] = acc[c]

    issue(0, 0)

    @pl.loop(0, BPW, step=2)
    def _loop(b):
        issue(b + 1, 1)
        wait(0)
        accum(0, b)

        @pl.when(b + 2 < BPW)
        def _():
            issue(b + 2, 0)

        wait(1)
        accum(1, b + 1)

    pltpu.sync_copy(pooled_v, out_hbm.at[pl.ds(base, BPW)])


_pool = pl.kernel(
    _pool_body,
    out_type=jax.ShapeDtypeStruct((BATCH, EMB_DIM), jnp.float32),
    compiler_params=pltpu.CompilerParams(use_tc_tiling_on_sc=False),
    mesh=plsc.VectorSubcoreMesh(core_axis_name="c", subcore_axis_name="s"),
    scratch_types=[
        pltpu.VMEM((BPW, HIST), jnp.int32),
        pltpu.VMEM((2, HIST, EMB_DIM), jnp.bfloat16),
        pltpu.VMEM((BPW, EMB_DIM), jnp.float32),
        pltpu.SemaphoreType.DMA,
        pltpu.SemaphoreType.DMA,
    ],
)


def _mlp_body(p_ref, w1_ref, b1_ref, w2_ref, b2_ref, o_ref):
    avg = p_ref[...] * (1.0 / HIST)
    h = jnp.maximum(
        jnp.dot(avg, w1_ref[...], preferred_element_type=jnp.float32)
        + b1_ref[...], 0.0)
    o_ref[...] = (
        jnp.dot(h, w2_ref[...], preferred_element_type=jnp.float32)
        + b2_ref[0])


@jax.jit
def kernel(embedding_matrix, x, W1, b1, W2, b2):
    x32 = x.astype(jnp.int32)
    table16 = _cvt(embedding_matrix)
    pooled = _pool(table16, x32)
    out = pl.pallas_call(
        _mlp_body,
        out_shape=jax.ShapeDtypeStruct((BATCH, 1), jnp.float32),
        in_specs=[
            pl.BlockSpec(memory_space=pltpu.VMEM),
            pl.BlockSpec(memory_space=pltpu.VMEM),
            pl.BlockSpec(memory_space=pltpu.VMEM),
            pl.BlockSpec(memory_space=pltpu.VMEM),
            pl.BlockSpec(memory_space=pltpu.SMEM),
        ],
        out_specs=pl.BlockSpec(memory_space=pltpu.VMEM),
    )(pooled, W1, b1, W2, b2)
    return out.reshape(BATCH)

# --- scband reference (transcript-rebuilt; emitter-appended) ---
"""Pipeline reference for scband-deeper-regressor-71330816852558 (READ-ONLY COPY).

The authoritative reference and input builder live on the scoring server;
editing this copy changes nothing except your own understanding.
"""

import jax, jax.numpy as jnp
import numpy as np

VOCAB = 100000
EMB_DIM = 128
HIDDEN = 128
BATCH = 4096
HIST = 200


def setup_inputs(seed: int = 0) -> dict:
    key = jax.random.key(seed)
    k_tab, k_idx, k_w1, k_b1, k_w2, k_b2 = jax.random.split(key, 6)
    embedding_matrix = jax.random.normal(k_tab, (VOCAB, EMB_DIM), dtype=jnp.float32)
    x = jax.random.randint(k_idx, (BATCH, HIST), 0, VOCAB, dtype=jnp.int64)
    # MLP params: Linear(emb_dim, 128) then Linear(128, 1)
    lim1 = 1.0 / np.sqrt(EMB_DIM)
    W1 = jax.random.uniform(k_w1, (EMB_DIM, HIDDEN), minval=-lim1, maxval=lim1, dtype=jnp.float32)
    b1 = jax.random.uniform(k_b1, (HIDDEN,), minval=-lim1, maxval=lim1, dtype=jnp.float32)
    lim2 = 1.0 / np.sqrt(HIDDEN)
    W2 = jax.random.uniform(k_w2, (HIDDEN, 1), minval=-lim2, maxval=lim2, dtype=jnp.float32)
    b2 = jax.random.uniform(k_b2, (1,), minval=-lim2, maxval=lim2, dtype=jnp.float32)
    return {"embedding_matrix": embedding_matrix, "x": x, "W1": W1, "b1": b1, "W2": W2, "b2": b2}


def reference(embedding_matrix, x, W1, b1, W2, b2):
    # embedding lookup (frozen table)
    embeds = jnp.take(embedding_matrix, x, axis=0)          # [B, L, D]
    avg_embeds = jnp.mean(embeds, axis=1)                    # [B, D]
    h = jnp.maximum(avg_embeds @ W1 + b1, 0.0)               # ReLU; dropout is identity in eval
    out = (h @ W2 + b2).squeeze(-1)                          # [B]
    return out

if __name__ == "__main__":
    import jax
    _d = setup_inputs()
    print(jax.jit(kernel)(*tuple(_d.values())))

</pallas_src>

<mosaic_0001>
#map = affine_map<(d0, d1) -> (0, 0)>
module attributes {stable_mosaic.version = 14 : i64} {
  func.func @_pool_body(%arg0: i32, %arg1: i32, %arg2: memref<100000x128xbf16, #tpu.memory_space<hbm>>, %arg3: memref<4096x200xi32, #tpu.memory_space<hbm>>, %arg4: memref<4096x128xf32, #tpu.memory_space<hbm>>, %arg5: memref<128x200xi32, #tpu.memory_space<vmem>>, %arg6: memref<2x200x128xbf16, #tpu.memory_space<vmem>>, %arg7: memref<128x128xf32, #tpu.memory_space<vmem>>, %arg8: memref<!tpu.dma_semaphore, #tpu.memory_space<semaphore_mem>>, %arg9: memref<!tpu.dma_semaphore, #tpu.memory_space<semaphore_mem>>) attributes {dimension_semantics = [#tpu.dimension_semantics<core_parallel>, #tpu.dimension_semantics<subcore_parallel>], iteration_bounds = array<i64: 2, 16>, scalar_prefetch = 0 : i64, scratch_operands = 5 : i64, tpu.core_type = #tpu.core_type<sc_vector_subcore>, window_params = [{transform_indices = #map}, {transform_indices = #map}, {transform_indices = #map}]} {
    %mul3A = arith.constant 2 : i32
    %mul3A_0 = arith.muli %arg1, %mul3A : i32
    %add3A = arith.addi %mul3A_0, %arg0 : i32
    %mul3A_1 = arith.constant 128 : i32
    %mul3A_2 = arith.muli %add3A, %mul3A_1 : i32
    "tpu.region"() ({
      %run_scoped3A = tpu.sem_alloc : memref<!tpu.dma_semaphore, #tpu.memory_space<semaphore_mem>>
      %dma_start3A_30 = arith.constant 0 : i32
      %dma_start3A_31 = tpu.memref_slice %arg3[%mul3A_2, %dma_start3A_30] : memref<4096x200xi32, #tpu.memory_space<hbm>> -> memref<128x200xi32, #tpu.memory_space<hbm>>
      %dma_start3A_32 = arith.constant 0 : i32
      %dma_start3A_33 = tpu.memref_slice %arg3[%mul3A_2, %dma_start3A_32] : memref<4096x200xi32, #tpu.memory_space<hbm>> -> memref<128x200xi32, #tpu.memory_space<hbm>>
      tpu.enqueue_dma source(%dma_start3A_33 : memref<128x200xi32, #tpu.memory_space<hbm>>) target(%arg5 : memref<128x200xi32, #tpu.memory_space<vmem>>) target_semaphore(%run_scoped3A : memref<!tpu.dma_semaphore, #tpu.memory_space<semaphore_mem>>)
      %dma_wait3A = arith.constant 0 : i32
      %dma_wait3A_34 = tpu.memref_slice %arg3[%mul3A_2, %dma_wait3A] : memref<4096x200xi32, #tpu.memory_space<hbm>> -> memref<128x200xi32, #tpu.memory_space<hbm>>
      %dma_wait3A_35 = arith.constant 0 : i32
      %dma_wait3A_36 = tpu.memref_slice %arg3[%mul3A_2, %dma_wait3A_35] : memref<4096x200xi32, #tpu.memory_space<hbm>> -> memref<128x200xi32, #tpu.memory_space<hbm>>
      tpu.wait_dma2 semaphore(%run_scoped3A : memref<!tpu.dma_semaphore, #tpu.memory_space<semaphore_mem>>) src(%dma_wait3A_36 : memref<128x200xi32, #tpu.memory_space<hbm>>) dst(%arg5 : memref<128x200xi32, #tpu.memory_space<vmem>>)
      tpu.yield
    }) : () -> ()
    %dma_start3A = arith.constant 0 : i32
    %dma_start3A_3 = arith.constant 0 : i32
    %dma_start3A_4 = arith.constant 0 : i32
    %dma_start3A_5 = arith.constant 0 : i32
    %dma_start3A_6 = tpu.memref_slice %arg6[%dma_start3A_3, %dma_start3A_4, %dma_start3A_5] : memref<2x200x128xbf16, #tpu.memory_space<vmem>> -> memref<1x128x128xbf16, #tpu.memory_space<vmem>>
    %dma_start3A_7 = tpu.memref_squeeze %dma_start3A_6 : memref<1x128x128xbf16, #tpu.memory_space<vmem>> -> memref<128x128xbf16, #tpu.memory_space<vmem>>
    %dma_start3A_8 = arith.constant 0 : i32
    %dma_start3A_9 = tpu.memref_slice %arg5[%dma_start3A, %dma_start3A_8] : memref<128x200xi32, #tpu.memory_space<vmem>> -> memref<1x128xi32, #tpu.memory_space<vmem>>
    %dma_start3A_10 = tpu.memref_squeeze %dma_start3A_9 : memref<1x128xi32, #tpu.memory_space<vmem>> -> memref<128xi32, #tpu.memory_space<vmem>>
    %dma_start3A_11 = arith.constant 0 : i32
    %dma_start3A_12 = arith.constant 0 : i32
    %dma_start3A_13 = tpu.memref_slice %arg2[%dma_start3A_11, %dma_start3A_12] : memref<100000x128xbf16, #tpu.memory_space<hbm>> -> memref<100000x128xbf16, #tpu.memory_space<hbm>>
    tpu.enqueue_indirect_dma source(%dma_start3A_13 : memref<100000x128xbf16, #tpu.memory_space<hbm>>) target(%dma_start3A_7 : memref<128x128xbf16, #tpu.memory_space<vmem>>) offsets(%dma_start3A_10 : memref<128xi32, #tpu.memory_space<vmem>>) semaphore(%arg8 : memref<!tpu.dma_semaphore, #tpu.memory_space<semaphore_mem>>)
    %dma_start3A_14 = arith.constant 0 : i32
    %dma_start3A_15 = arith.constant 0 : i32
    %dma_start3A_16 = arith.constant 128 : i32
    %dma_start3A_17 = arith.constant 0 : i32
    %dma_start3A_18 = tpu.memref_slice %arg6[%dma_start3A_15, %dma_start3A_16, %dma_start3A_17] : memref<2x200x128xbf16, #tpu.memory_space<vmem>> -> memref<1x72x128xbf16, #tpu.memory_space<vmem>>
    %dma_start3A_19 = tpu.memref_squeeze %dma_start3A_18 : memref<1x72x128xbf16, #tpu.memory_space<vmem>> -> memref<72x128xbf16, #tpu.memory_space<vmem>>
    %dma_start3A_20 = arith.constant 128 : i32
    %dma_start3A_21 = tpu.memref_slice %arg5[%dma_start3A_14, %dma_start3A_20] : memref<128x200xi32, #tpu.memory_space<vmem>> -> memref<1x72xi32, #tpu.memory_space<vmem>>
    %dma_start3A_22 = tpu.memref_squeeze %dma_start3A_21 : memref<1x72xi32, #tpu.memory_space<vmem>> -> memref<72xi32, #tpu.memory_space<vmem>>
    %dma_start3A_23 = arith.constant 0 : i32
    %dma_start3A_24 = arith.constant 0 : i32
    %dma_start3A_25 = tpu.memref_slice %arg2[%dma_start3A_23, %dma_start3A_24] : memref<100000x128xbf16, #tpu.memory_space<hbm>> -> memref<100000x128xbf16, #tpu.memory_space<hbm>>
    tpu.enqueue_indirect_dma source(%dma_start3A_25 : memref<100000x128xbf16, #tpu.memory_space<hbm>>) target(%dma_start3A_19 : memref<72x128xbf16, #tpu.memory_space<vmem>>) offsets(%dma_start3A_22 : memref<72xi32, #tpu.memory_space<vmem>>) semaphore(%arg8 : memref<!tpu.dma_semaphore, #tpu.memory_space<semaphore_mem>>)
    %scan3A = arith.constant 0 : i32
    %scan3A_26 = arith.constant 64 : i32
    %scan3A_27 = arith.addi %scan3A, %scan3A_26 : i32
    %scan3A_28 = arith.constant 1 : i32
    scf.for %scan3A_30 = %scan3A to %scan3A_27 step %scan3A_28  : i32 {
      %mul3A_31 = arith.constant 2 : i32
      %mul3A_32 = arith.muli %scan3A_30, %mul3A_31 : i32
      %add3A_33 = arith.constant 0 : i32
      %add3A_34 = arith.addi %add3A_33, %mul3A_32 : i32
      %add3A_35 = arith.constant 1 : i32
      %add3A_36 = arith.addi %add3A_34, %add3A_35 : i32
      %dma_start3A_37 = arith.constant 1 : i32
      %dma_start3A_38 = arith.constant 0 : i32
      %dma_start3A_39 = arith.constant 0 : i32
      %dma_start3A_40 = tpu.memref_slice %arg6[%dma_start3A_37, %dma_start3A_38, %dma_start3A_39] : memref<2x200x128xbf16, #tpu.memory_space<vmem>> -> memref<1x128x128xbf16, #tpu.memory_space<vmem>>
      %dma_start3A_41 = tpu.memref_squeeze %dma_start3A_40 : memref<1x128x128xbf16, #tpu.memory_space<vmem>> -> memref<128x128xbf16, #tpu.memory_space<vmem>>
      %dma_start3A_42 = arith.constant 0 : i32
      %dma_start3A_43 = tpu.memref_slice %arg5[%add3A_36, %dma_start3A_42] : memref<128x200xi32, #tpu.memory_space<vmem>> -> memref<1x128xi32, #tpu.memory_space<vmem>>
      %dma_start3A_44 = tpu.memref_squeeze %dma_start3A_43 : memref<1x128xi32, #tpu.memory_space<vmem>> -> memref<128xi32, #tpu.memory_space<vmem>>
      %dma_start3A_45 = arith.constant 0 : i32
      %dma_start3A_46 = arith.constant 0 : i32
      %dma_start3A_47 = tpu.memref_slice %arg2[%dma_start3A_45, %dma_start3A_46] : memref<100000x128xbf16, #tpu.memory_space<hbm>> -> memref<100000x128xbf16, #tpu.memory_space<hbm>>
      tpu.enqueue_indirect_dma source(%dma_start3A_47 : memref<100000x128xbf16, #tpu.memory_space<hbm>>) target(%dma_start3A_41 : memref<128x128xbf16, #tpu.memory_space<vmem>>) offsets(%dma_start3A_44 : memref<128xi32, #tpu.memory_space<vmem>>) semaphore(%arg9 : memref<!tpu.dma_semaphore, #tpu.memory_space<semaphore_mem>>)
      %dma_start3A_48 = arith.constant 1 : i32
      %dma_start3A_49 = arith.constant 128 : i32
      %dma_start3A_50 = arith.constant 0 : i32
      %dma_start3A_51 = tpu.memref_slice %arg6[%dma_start3A_48, %dma_start3A_49, %dma_start3A_50] : memref<2x200x128xbf16, #tpu.memory_space<vmem>> -> memref<1x72x128xbf16, #tpu.memory_space<vmem>>
      %dma_start3A_52 = tpu.memref_squeeze %dma_start3A_51 : memref<1x72x128xbf16, #tpu.memory_space<vmem>> -> memref<72x128xbf16, #tpu.memory_space<vmem>>
      %dma_start3A_53 = arith.constant 128 : i32
      %dma_start3A_54 = tpu.memref_slice %arg5[%add3A_36, %dma_start3A_53] : memref<128x200xi32, #tpu.memory_space<vmem>> -> memref<1x72xi32, #tpu.memory_space<vmem>>
      %dma_start3A_55 = tpu.memref_squeeze %dma_start3A_54 : memref<1x72xi32, #tpu.memory_space<vmem>> -> memref<72xi32, #tpu.memory_space<vmem>>
      %dma_start3A_56 = arith.constant 0 : i32
      %dma_start3A_57 = arith.constant 0 : i32
      %dma_start3A_58 = tpu.memref_slice %arg2[%dma_start3A_56, %dma_start3A_57] : memref<100000x128xbf16, #tpu.memory_space<hbm>> -> memref<100000x128xbf16, #tpu.memory_space<hbm>>
      tpu.enqueue_indirect_dma source(%dma_start3A_58 : memref<100000x128xbf16, #tpu.memory_space<hbm>>) target(%dma_start3A_52 : memref<72x128xbf16, #tpu.memory_space<vmem>>) offsets(%dma_start3A_55 : memref<72xi32, #tpu.memory_space<vmem>>) semaphore(%arg9 : memref<!tpu.dma_semaphore, #tpu.memory_space<semaphore_mem>>)
      %dma_wait3A = arith.constant 0 : i32
      %dma_wait3A_59 = arith.constant 0 : i32
      %dma_wait3A_60 = arith.constant 0 : i32
      %dma_wait3A_61 = tpu.memref_slice %arg6[%dma_wait3A, %dma_wait3A_59, %dma_wait3A_60] : memref<2x200x128xbf16, #tpu.memory_space<vmem>> -> memref<1x200x128xbf16, #tpu.memory_space<vmem>>
      %dma_wait3A_62 = tpu.memref_squeeze %dma_wait3A_61 : memref<1x200x128xbf16, #tpu.memory_space<vmem>> -> memref<200x128xbf16, #tpu.memory_space<vmem>>
      %dma_wait3A_63 = arith.constant 0 : i32
      %dma_wait3A_64 = arith.constant 0 : i32
      %dma_wait3A_65 = tpu.memref_slice %arg2[%dma_wait3A_63, %dma_wait3A_64] : memref<100000x128xbf16, #tpu.memory_space<hbm>> -> memref<200x128xbf16, #tpu.memory_space<hbm>>
      %dma_wait3A_66 = arith.constant 0 : i32
      %dma_wait3A_67 = arith.constant 0 : i32
      %dma_wait3A_68 = tpu.memref_slice %arg6[%dma_wait3A, %dma_wait3A_66, %dma_wait3A_67] : memref<2x200x128xbf16, #tpu.memory_space<vmem>> -> memref<1x200x128xbf16, #tpu.memory_space<vmem>>
      %dma_wait3A_69 = tpu.memref_squeeze %dma_wait3A_68 : memref<1x200x128xbf16, #tpu.memory_space<vmem>> -> memref<200x128xbf16, #tpu.memory_space<vmem>>
      %dma_wait3A_70 = arith.constant 0 : i32
      %dma_wait3A_71 = arith.constant 0 : i32
      %dma_wait3A_72 = tpu.memref_slice %arg2[%dma_wait3A_70, %dma_wait3A_71] : memref<100000x128xbf16, #tpu.memory_space<hbm>> -> memref<200x128xbf16, #tpu.memory_space<hbm>>
      tpu.wait_dma2 semaphore(%arg8 : memref<!tpu.dma_semaphore, #tpu.memory_space<semaphore_mem>>) src(%dma_wait3A_72 : memref<200x128xbf16, #tpu.memory_space<hbm>>) dst(%dma_wait3A_69 : memref<200x128xbf16, #tpu.memory_space<vmem>>)
      %broadcast_in_dim3A = arith.constant 0.000000e+00 : f32
      %broadcast_in_dim3A_73 = vector.broadcast %broadcast_in_dim3A : f32 to vector<16xf32>
      %broadcast_in_dim3A_74 = arith.constant 0.000000e+00 : f32
      %broadcast_in_dim3A_75 = vector.broadcast %broadcast_in_dim3A_74 : f32 to vector<16xf32>
      %broadcast_in_dim3A_76 = arith.constant 0.000000e+00 : f32
      %broadcast_in_dim3A_77 = vector.broadcast %broadcast_in_dim3A_76 : f32 to vector<16xf32>
      %broadcast_in_dim3A_78 = arith.constant 0.000000e+00 : f32
      %broadcast_in_dim3A_79 = vector.broadcast %broadcast_in_dim3A_78 : f32 to vector<16xf32>
      %broadcast_in_dim3A_80 = arith.constant 0.000000e+00 : f32
      %broadcast_in_dim3A_81 = vector.broadcast %broadcast_in_dim3A_80 : f32 to vector<16xf32>
      %broadcast_in_dim3A_82 = arith.constant 0.000000e+00 : f32
      %broadcast_in_dim3A_83 = vector.broadcast %broadcast_in_dim3A_82 : f32 to vector<16xf32>
      %broadcast_in_dim3A_84 = arith.constant 0.000000e+00 : f32
      %broadcast_in_dim3A_85 = vector.broadcast %broadcast_in_dim3A_84 : f32 to vector<16xf32>
      %broadcast_in_dim3A_86 = arith.constant 0.000000e+00 : f32
      %broadcast_in_dim3A_87 = vector.broadcast %broadcast_in_dim3A_86 : f32 to vector<16xf32>
      %scan3A_88 = arith.constant 0 : i32
      %scan3A_89 = arith.constant 200 : i32
      %scan3A_90 = arith.addi %scan3A_88, %scan3A_89 : i32
      %scan3A_91 = arith.constant 8 : i32
      %scan3A_92:8 = scf.for %scan3A_216 = %scan3A_88 to %scan3A_90 step %scan3A_91 iter_args(%scan3A_217 = %broadcast_in_dim3A_73, %scan3A_218 = %broadcast_in_dim3A_75, %scan3A_219 = %broadcast_in_dim3A_77, %scan3A_220 = %broadcast_in_dim3A_79, %scan3A_221 = %broadcast_in_dim3A_81, %scan3A_222 = %broadcast_in_dim3A_83, %scan3A_223 = %broadcast_in_dim3A_85, %scan3A_224 = %broadcast_in_dim3A_87) -> (vector<16xf32>, vector<16xf32>, vector<16xf32>, vector<16xf32>, vector<16xf32>, vector<16xf32>, vector<16xf32>, vector<16xf32>)  : i32 {
        %get3A = arith.constant 0 : i32
        %get3A_225 = arith.index_cast %get3A : i32 to index
        %get3A_226 = arith.index_cast %scan3A_216 : i32 to index
        %get3A_227 = arith.constant 0 : index
        %get3A_228 = tpu.vector_load %arg6[%get3A_225, %get3A_226, %get3A_227] {strides = array<i32>} : memref<2x200x128xbf16, #tpu.memory_space<vmem>>, vector<1x1x16xbf16>,
        %get3A_229 = vector.shape_cast %get3A_228 : vector<1x1x16xbf16> to vector<16xbf16>
        %convert_element_type3A_230 = arith.extf %get3A_229 : vector<16xbf16> to vector<16xf32>
        %add3A_231 = arith.addf %scan3A_217, %convert_element_type3A_230 : vector<16xf32>
        %get3A_232 = arith.constant 0 : i32
        %get3A_233 = arith.index_cast %get3A_232 : i32 to index
        %get3A_234 = arith.index_cast %scan3A_216 : i32 to index
        %get3A_235 = arith.constant 16 : index
        %get3A_236 = tpu.vector_load %arg6[%get3A_233, %get3A_234, %get3A_235] {strides = array<i32>} : memref<2x200x128xbf16, #tpu.memory_space<vmem>>, vector<1x1x16xbf16>,
        %get3A_237 = vector.shape_cast %get3A_236 : vector<1x1x16xbf16> to vector<16xbf16>
        %convert_element_type3A_238 = arith.extf %get3A_237 : vector<16xbf16> to vector<16xf32>
        %add3A_239 = arith.addf %scan3A_218, %convert_element_type3A_238 : vector<16xf32>
        %get3A_240 = arith.constant 0 : i32
        %get3A_241 = arith.index_cast %get3A_240 : i32 to index
        %get3A_242 = arith.index_cast %scan3A_216 : i32 to index
        %get3A_243 = arith.constant 32 : index
        %get3A_244 = tpu.vector_load %arg6[%get3A_241, %get3A_242, %get3A_243] {strides = array<i32>} : memref<2x200x128xbf16, #tpu.memory_space<vmem>>, vector<1x1x16xbf16>,
        %get3A_245 = vector.shape_cast %get3A_244 : vector<1x1x16xbf16> to vector<16xbf16>
        %convert_element_type3A_246 = arith.extf %get3A_245 : vector<16xbf16> to vector<16xf32>
        %add3A_247 = arith.addf %scan3A_219, %convert_element_type3A_246 : vector<16xf32>
        %get3A_248 = arith.constant 0 : i32
        %get3A_249 = arith.index_cast %get3A_248 : i32 to index
        %get3A_250 = arith.index_cast %scan3A_216 : i32 to index
        %get3A_251 = arith.constant 48 : index
        %get3A_252 = tpu.vector_load %arg6[%get3A_249, %get3A_250, %get3A_251] {strides = array<i32>} : memref<2x200x128xbf16, #tpu.memory_space<vmem>>, vector<1x1x16xbf16>,
        %get3A_253 = vector.shape_cast %get3A_252 : vector<1x1x16xbf16> to vector<16xbf16>
        %convert_element_type3A_254 = arith.extf %get3A_253 : vector<16xbf16> to vector<16xf32>
        %add3A_255 = arith.addf %scan3A_220, %convert_element_type3A_254 : vector<16xf32>
        %get3A_256 = arith.constant 0 : i32
        %get3A_257 = arith.index_cast %get3A_256 : i32 to index
        %get3A_258 = arith.index_cast %scan3A_216 : i32 to index
        %get3A_259 = arith.constant 64 : index
        %get3A_260 = tpu.vector_load %arg6[%get3A_257, %get3A_258, %get3A_259] {strides = array<i32>} : memref<2x200x128xbf16, #tpu.memory_space<vmem>>, vector<1x1x16xbf16>,
        %get3A_261 = vector.shape_cast %get3A_260 : vector<1x1x16xbf16> to vector<16xbf16>
        %convert_element_type3A_262 = arith.extf %get3A_261 : vector<16xbf16> to vector<16xf32>
        %add3A_263 = arith.addf %scan3A_221, %convert_element_type3A_262 : vector<16xf32>
        %get3A_264 = arith.constant 0 : i32
        %get3A_265 = arith.index_cast %get3A_264 : i32 to index
        %get3A_266 = arith.index_cast %scan3A_216 : i32 to index
        %get3A_267 = arith.constant 80 : index
        %get3A_268 = tpu.vector_load %arg6[%get3A_265, %get3A_266, %get3A_267] {strides = array<i32>} : memref<2x200x128xbf16, #tpu.memory_space<vmem>>, vector<1x1x16xbf16>,
        %get3A_269 = vector.shape_cast %get3A_268 : vector<1x1x16xbf16> to vector<16xbf16>
        %convert_element_type3A_270 = arith.extf %get3A_269 : vector<16xbf16> to vector<16xf32>
        %add3A_271 = arith.addf %scan3A_222, %convert_element_type3A_270 : vector<16xf32>
        %get3A_272 = arith.constant 0 : i32
        %get3A_273 = arith.index_cast %get3A_272 : i32 to index
        %get3A_274 = arith.index_cast %scan3A_216 : i32 to index
        %get3A_275 = arith.constant 96 : index
        %get3A_276 = tpu.vector_load %arg6[%get3A_273, %get3A_274, %get3A_275] {strides = array<i32>} : memref<2x200x128xbf16, #tpu.memory_space<vmem>>, vector<1x1x16xbf16>,
        %get3A_277 = vector.shape_cast %get3A_276 : vector<1x1x16xbf16> to vector<16xbf16>
        %convert_element_type3A_278 = arith.extf %get3A_277 : vector<16xbf16> to vector<16xf32>
        %add3A_279 = arith.addf %scan3A_223, %convert_element_type3A_278 : vector<16xf32>
        %get3A_280 = arith.constant 0 : i32
        %get3A_281 = arith.index_cast %get3A_280 : i32 to index
        %get3A_282 = arith.index_cast %scan3A_216 : i32 to index
        %get3A_283 = arith.constant 112 : index
        %get3A_284 = tpu.vector_load %arg6[%get3A_281, %get3A_282, %get3A_283] {strides = array<i32>} : memref<2x200x128xbf16, #tpu.memory_space<vmem>>, vector<1x1x16xbf16>,
        %get3A_285 = vector.shape_cast %get3A_284 : vector<1x1x16xbf16> to vector<16xbf16>
        %convert_element_type3A_286 = arith.extf %get3A_285 : vector<16xbf16> to vector<16xf32>
        %add3A_287 = arith.addf %scan3A_224, %convert_element_type3A_286 : vector<16xf32>
        %scan3A_288 = arith.constant 1 : i32
        %scan3A_289 = arith.addi %scan3A_216, %scan3A_288 : i32
        %get3A_290 = arith.constant 0 : i32
        %get3A_291 = arith.index_cast %get3A_290 : i32 to index
        %get3A_292 = arith.index_cast %scan3A_289 : i32 to index
        %get3A_293 = arith.constant 0 : index
        %get3A_294 = tpu.vector_load %arg6[%get3A_291, %get3A_292, %get3A_293] {strides = array<i32>} : memref<2x200x128xbf16, #tpu.memory_space<vmem>>, vector<1x1x16xbf16>,
        %get3A_295 = vector.shape_cast %get3A_294 : vector<1x1x16xbf16> to vector<16xbf16>
        %convert_element_type3A_296 = arith.extf %get3A_295 : vector<16xbf16> to vector<16xf32>
        %add3A_297 = arith.addf %add3A_231, %convert_element_type3A_296 : vector<16xf32>
        %get3A_298 = arith.constant 0 : i32
        %get3A_299 = arith.index_cast %get3A_298 : i32 to index
        %get3A_300 = arith.index_cast %scan3A_289 : i32 to index
        %get3A_301 = arith.constant 16 : index
        %get3A_302 = tpu.vector_load %arg6[%get3A_299, %get3A_300, %get3A_301] {strides = array<i32>} : memref<2x200x128xbf16, #tpu.memory_space<vmem>>, vector<1x1x16xbf16>,
        %get3A_303 = vector.shape_cast %get3A_302 : vector<1x1x16xbf16> to vector<16xbf16>
        %convert_element_type3A_304 = arith.extf %get3A_303 : vector<16xbf16> to vector<16xf32>
        %add3A_305 = arith.addf %add3A_239, %convert_element_type3A_304 : vector<16xf32>
        %get3A_306 = arith.constant 0 : i32
        %get3A_307 = arith.index_cast %get3A_306 : i32 to index
        %get3A_308 = arith.index_cast %scan3A_289 : i32 to index
        %get3A_309 = arith.constant 32 : index
        %get3A_310 = tpu.vector_load %arg6[%get3A_307, %get3A_308, %get3A_309] {strides = array<i32>} : memref<2x200x128xbf16, #tpu.memory_space<vmem>>, vector<1x1x16xbf16>,
        %get3A_311 = vector.shape_cast %get3A_310 : vector<1x1x16xbf16> to vector<16xbf16>
        %convert_element_type3A_312 = arith.extf %get3A_311 : vector<16xbf16> to vector<16xf32>
        %add3A_313 = arith.addf %add3A_247, %convert_element_type3A_312 : vector<16xf32>
        %get3A_314 = arith.constant 0 : i32
        %get3A_315 = arith.index_cast %get3A_314 : i32 to index
        %get3A_316 = arith.index_cast %scan3A_289 : i32 to index
        %get3A_317 = arith.constant 48 : index
        %get3A_318 = tpu.vector_load %arg6[%get3A_315, %get3A_316, %get3A_317] {strides = array<i32>} : memref<2x200x128xbf16, #tpu.memory_space<vmem>>, vector<1x1x16xbf16>,
        %get3A_319 = vector.shape_cast %get3A_318 : vector<1x1x16xbf16> to vector<16xbf16>
        %convert_element_type3A_320 = arith.extf %get3A_319 : vector<16xbf16> to vector<16xf32>
        %add3A_321 = arith.addf %add3A_255, %convert_element_type3A_320 : vector<16xf32>
        %get3A_322 = arith.constant 0 : i32
        %get3A_323 = arith.index_cast %get3A_322 : i32 to index
        %get3A_324 = arith.index_cast %scan3A_289 : i32 to index
        %get3A_325 = arith.constant 64 : index
        %get3A_326 = tpu.vector_load %arg6[%get3A_323, %get3A_324, %get3A_325] {strides = array<i32>} : memref<2x200x128xbf16, #tpu.memory_space<vmem>>, vector<1x1x16xbf16>,
        %get3A_327 = vector.shape_cast %get3A_326 : vector<1x1x16xbf16> to vector<16xbf16>
        %convert_element_type3A_328 = arith.extf %get3A_327 : vector<16xbf16> to vector<16xf32>
        %add3A_329 = arith.addf %add3A_263, %convert_element_type3A_328 : vector<16xf32>
        %get3A_330 = arith.constant 0 : i32
        %get3A_331 = arith.index_cast %get3A_330 : i32 to index
        %get3A_332 = arith.index_cast %scan3A_289 : i32 to index
        %get3A_333 = arith.constant 80 : index
        %get3A_334 = tpu.vector_load %arg6[%get3A_331, %get3A_332, %get3A_333] {strides = array<i32>} : memref<2x200x128xbf16, #tpu.memory_space<vmem>>, vector<1x1x16xbf16>,
        %get3A_335 = vector.shape_cast %get3A_334 : vector<1x1x16xbf16> to vector<16xbf16>
        %convert_element_type3A_336 = arith.extf %get3A_335 : vector<16xbf16> to vector<16xf32>
        %add3A_337 = arith.addf %add3A_271, %convert_element_type3A_336 : vector<16xf32>
        %get3A_338 = arith.constant 0 : i32
        %get3A_339 = arith.index_cast %get3A_338 : i32 to index
        %get3A_340 = arith.index_cast %scan3A_289 : i32 to index
        %get3A_341 = arith.constant 96 : index
        %get3A_342 = tpu.vector_load %arg6[%get3A_339, %get3A_340, %get3A_341] {strides = array<i32>} : memref<2x200x128xbf16, #tpu.memory_space<vmem>>, vector<1x1x16xbf16>,
        %get3A_343 = vector.shape_cast %get3A_342 : vector<1x1x16xbf16> to vector<16xbf16>
        %convert_element_type3A_344 = arith.extf %get3A_343 : vector<16xbf16> to vector<16xf32>
        %add3A_345 = arith.addf %add3A_279, %convert_element_type3A_344 : vector<16xf32>
        %get3A_346 = arith.constant 0 : i32
        %get3A_347 = arith.index_cast %get3A_346 : i32 to index
        %get3A_348 = arith.index_cast %scan3A_289 : i32 to index
        %get3A_349 = arith.constant 112 : index
        %get3A_350 = tpu.vector_load %arg6[%get3A_347, %get3A_348, %get3A_349] {strides = array<i32>} : memref<2x200x128xbf16, #tpu.memory_space<vmem>>, vector<1x1x16xbf16>,
        %get3A_351 = vector.shape_cast %get3A_350 : vector<1x1x16xbf16> to vector<16xbf16>
        %convert_element_type3A_352 = arith.extf %get3A_351 : vector<16xbf16> to vector<16xf32>
        %add3A_353 = arith.addf %add3A_287, %convert_element_type3A_352 : vector<16xf32>
        %scan3A_354 = arith.constant 2 : i32
        %scan3A_355 = arith.addi %scan3A_216, %scan3A_354 : i32
        %get3A_356 = arith.constant 0 : i32
        %get3A_357 = arith.index_cast %get3A_356 : i32 to index
        %get3A_358 = arith.index_cast %scan3A_355 : i32 to index
        %get3A_359 = arith.constant 0 : index
        %get3A_360 = tpu.vector_load %arg6[%get3A_357, %get3A_358, %get3A_359] {strides = array<i32>} : memref<2x200x128xbf16, #tpu.memory_space<vmem>>, vector<1x1x16xbf16>,
        %get3A_361 = vector.shape_cast %get3A_360 : vector<1x1x16xbf16> to vector<16xbf16>
        %convert_element_type3A_362 = arith.extf %get3A_361 : vector<16xbf16> to vector<16xf32>
        %add3A_363 = arith.addf %add3A_297, %convert_element_type3A_362 : vector<16xf32>
        %get3A_364 = arith.constant 0 : i32
        %get3A_365 = arith.index_cast %get3A_364 : i32 to index
        %get3A_366 = arith.index_cast %scan3A_355 : i32 to index
        %get3A_367 = arith.constant 16 : index
        %get3A_368 = tpu.vector_load %arg6[%get3A_365, %get3A_366, %get3A_367] {strides = array<i32>} : memref<2x200x128xbf16, #tpu.memory_space<vmem>>, vector<1x1x16xbf16>,
        %get3A_369 = vector.shape_cast %get3A_368 : vector<1x1x16xbf16> to vector<16xbf16>
        %convert_element_type3A_370 = arith.extf %get3A_369 : vector<16xbf16> to vector<16xf32>
        %add3A_371 = arith.addf %add3A_305, %convert_element_type3A_370 : vector<16xf32>
        %get3A_372 = arith.constant 0 : i32
        %get3A_373 = arith.index_cast %get3A_372 : i32 to index
        %get3A_374 = arith.index_cast %scan3A_355 : i32 to index
        %get3A_375 = arith.constant 32 : index
        %get3A_376 = tpu.vector_load %arg6[%get3A_373, %get3A_374, %get3A_375] {strides = array<i32>} : memref<2x200x128xbf16, #tpu.memory_space<vmem>>, vector<1x1x16xbf16>,
        %get3A_377 = vector.shape_cast %get3A_376 : vector<1x1x16xbf16> to vector<16xbf16>
        %convert_element_type3A_378 = arith.extf %get3A_377 : vector<16xbf16> to vector<16xf32>
        %add3A_379 = arith.addf %add3A_313, %convert_element_type3A_378 : vector<16xf32>
        %get3A_380 = arith.constant 0 : i32
        %get3A_381 = arith.index_cast %get3A_380 : i32 to index
        %get3A_382 = arith.index_cast %scan3A_355 : i32 to index
        %get3A_383 = arith.constant 48 : index
        %get3A_384 = tpu.vector_load %arg6[%get3A_381, %get3A_382, %get3A_383] {strides = array<i32>} : memref<2x200x128xbf16, #tpu.memory_space<vmem>>, vector<1x1x16xbf16>,
        %get3A_385 = vector.shape_cast %get3A_384 : vector<1x1x16xbf16> to vector<16xbf16>
        %convert_element_type3A_386 = arith.extf %get3A_385 : vector<16xbf16> to vector<16xf32>
        %add3A_387 = arith.addf %add3A_321, %convert_element_type3A_386 : vector<16xf32>
        %get3A_388 = arith.constant 0 : i32
        %get3A_389 = arith.index_cast %get3A_388 : i32 to index
        %get3A_390 = arith.index_cast %scan3A_355 : i32 to index
        %get3A_391 = arith.constant 64 : index
        %get3A_392 = tpu.vector_load %arg6[%get3A_389, %get3A_390, %get3A_391] {strides = array<i32>} : memref<2x200x128xbf16, #tpu.memory_space<vmem>>, vector<1x1x16xbf16>,
        %get3A_393 = vector.shape_cast %get3A_392 : vector<1x1x16xbf16> to vector<16xbf16>
        %convert_element_type3A_394 = arith.extf %get3A_393 : vector<16xbf16> to vector<16xf32>
        %add3A_395 = arith.addf %add3A_329, %convert_element_type3A_394 : vector<16xf32>
        %get3A_396 = arith.constant 0 : i32
        %get3A_397 = arith.index_cast %get3A_396 : i32 to index
        %get3A_398 = arith.index_cast %scan3A_355 : i32 to index
        %get3A_399 = arith.constant 80 : index
        %get3A_400 = tpu.vector_load %arg6[%get3A_397, %get3A_398, %get3A_399] {strides = array<i32>} : memref<2x200x128xbf16, #tpu.memory_space<vmem>>, vector<1x1x16xbf16>,
        %get3A_401 = vector.shape_cast %get3A_400 : vector<1x1x16xbf16> to vector<16xbf16>
        %convert_element_type3A_402 = arith.extf %get3A_401 : vector<16xbf16> to vector<16xf32>
        %add3A_403 = arith.addf %add3A_337, %convert_element_type3A_402 : vector<16xf32>
        %get3A_404 = arith.constant 0 : i32
        %get3A_405 = arith.index_cast %get3A_404 : i32 to index
        %get3A_406 = arith.index_cast %scan3A_355 : i32 to index
        %get3A_407 = arith.constant 96 : index
        %get3A_408 = tpu.vector_load %arg6[%get3A_405, %get3A_406, %get3A_407] {strides = array<i32>} : memref<2x200x128xbf16, #tpu.memory_space<vmem>>, vector<1x1x16xbf16>,
        %get3A_409 = vector.shape_cast %get3A_408 : vector<1x1x16xbf16> to vector<16xbf16>
        %convert_element_type3A_410 = arith.extf %get3A_409 : vector<16xbf16> to vector<16xf32>
        %add3A_411 = arith.addf %add3A_345, %convert_element_type3A_410 : vector<16xf32>
        %get3A_412 = arith.constant 0 : i32
        %get3A_413 = arith.index_cast %get3A_412 : i32 to index
        %get3A_414 = arith.index_cast %scan3A_355 : i32 to index
        %get3A_415 = arith.constant 112 : index
        %get3A_416 = tpu.vector_load %arg6[%get3A_413, %get3A_414, %get3A_415] {strides = array<i32>} : memref<2x200x128xbf16, #tpu.memory_space<vmem>>, vector<1x1x16xbf16>,
        %get3A_417 = vector.shape_cast %get3A_416 : vector<1x1x16xbf16> to vector<16xbf16>
        %convert_element_type3A_418 = arith.extf %get3A_417 : vector<16xbf16> to vector<16xf32>
        %add3A_419 = arith.addf %add3A_353, %convert_element_type3A_418 : vector<16xf32>
        %scan3A_420 = arith.constant 3 : i32
        %scan3A_421 = arith.addi %scan3A_216, %scan3A_420 : i32
        %get3A_422 = arith.constant 0 : i32
        %get3A_423 = arith.index_cast %get3A_422 : i32 to index
        %get3A_424 = arith.index_cast %scan3A_421 : i32 to index
        %get3A_425 = arith.constant 0 : index
        %get3A_426 = tpu.vector_load %arg6[%get3A_423, %get3A_424, %get3A_425] {strides = array<i32>} : memref<2x200x128xbf16, #tpu.memory_space<vmem>>, vector<1x1x16xbf16>,
        %get3A_427 = vector.shape_cast %get3A_426 : vector<1x1x16xbf16> to vector<16xbf16>
        %convert_element_type3A_428 = arith.extf %get3A_427 : vector<16xbf16> to vector<16xf32>
        %add3A_429 = arith.addf %add3A_363, %convert_element_type3A_428 : vector<16xf32>
        %get3A_430 = arith.constant 0 : i32
        %get3A_431 = arith.index_cast %get3A_430 : i32 to index
        %get3A_432 = arith.index_cast %scan3A_421 : i32 to index
        %get3A_433 = arith.constant 16 : index
        %get3A_434 = tpu.vector_load %arg6[%get3A_431, %get3A_432, %get3A_433] {strides = array<i32>} : memref<2x200x128xbf16, #tpu.memory_space<vmem>>, vector<1x1x16xbf16>,
        %get3A_435 = vector.shape_cast %get3A_434 : vector<1x1x16xbf16> to vector<16xbf16>
        %convert_element_type3A_436 = arith.extf %get3A_435 : vector<16xbf16> to vector<16xf32>
        %add3A_437 = arith.addf %add3A_371, %convert_element_type3A_436 : vector<16xf32>
        %get3A_438 = arith.constant 0 : i32
        %get3A_439 = arith.index_cast %get3A_438 : i32 to index
        %get3A_440 = arith.index_cast %scan3A_421 : i32 to index
        %get3A_441 = arith.constant 32 : index
        %get3A_442 = tpu.vector_load %arg6[%get3A_439, %get3A_440, %get3A_441] {strides = array<i32>} : memref<2x200x128xbf16, #tpu.memory_space<vmem>>, vector<1x1x16xbf16>,
        %get3A_443 = vector.shape_cast %get3A_442 : vector<1x1x16xbf16> to vector<16xbf16>
        %convert_element_type3A_444 = arith.extf %get3A_443 : vector<16xbf16> to vector<16xf32>
        %add3A_445 = arith.addf %add3A_379, %convert_element_type3A_444 : vector<16xf32>
        %get3A_446 = arith.constant 0 : i32
        %get3A_447 = arith.index_cast %get3A_446 : i32 to index
        %get3A_448 = arith.index_cast %scan3A_421 : i32 to index
        %get3A_449 = arith.constant 48 : index
        %get3A_450 = tpu.vector_load %arg6[%get3A_447, %get3A_448, %get3A_449] {strides = array<i32>} : memref<2x200x128xbf16, #tpu.memory_space<vmem>>, vector<1x1x16xbf16>,
        %get3A_451 = vector.shape_cast %get3A_450 : vector<1x1x16xbf16> to vector<16xbf16>
        %convert_element_type3A_452 = arith.extf %get3A_451 : vector<16xbf16> to vector<16xf32>
        %add3A_453 = arith.addf %add3A_387, %convert_element_type3A_452 : vector<16xf32>
        %get3A_454 = arith.constant 0 : i32
        %get3A_455 = arith.index_cast %get3A_454 : i32 to index
        %get3A_456 = arith.index_cast %scan3A_421 : i32 to index
        %get3A_457 = arith.constant 64 : index
        %get3A_458 = tpu.vector_load %arg6[%get3A_455, %get3A_456, %get3A_457] {strides = array<i32>} : memref<2x200x128xbf16, #tpu.memory_space<vmem>>, vector<1x1x16xbf16>,
        %get3A_459 = vector.shape_cast %get3A_458 : vector<1x1x16xbf16> to vector<16xbf16>
        %convert_element_type3A_460 = arith.extf %get3A_459 : vector<16xbf16> to vector<16xf32>
        %add3A_461 = arith.addf %add3A_395, %convert_element_type3A_460 : vector<16xf32>
        %get3A_462 = arith.constant 0 : i32
        %get3A_463 = arith.index_cast %get3A_462 : i32 to index
        %get3A_464 = arith.index_cast %scan3A_421 : i32 to index
        %get3A_465 = arith.constant 80 : index
        %get3A_466 = tpu.vector_load %arg6[%get3A_463, %get3A_464, %get3A_465] {strides = array<i32>} : memref<2x200x128xbf16, #tpu.memory_space<vmem>>, vector<1x1x16xbf16>,
        %get3A_467 = vector.shape_cast %get3A_466 : vector<1x1x16xbf16> to vector<16xbf16>
        %convert_element_type3A_468 = arith.extf %get3A_467 : vector<16xbf16> to vector<16xf32>
        %add3A_469 = arith.addf %add3A_403, %convert_element_type3A_468 : vector<16xf32>
        %get3A_470 = arith.constant 0 : i32
        %get3A_471 = arith.index_cast %get3A_470 : i32 to index
        %get3A_472 = arith.index_cast %scan3A_421 : i32 to index
        %get3A_473 = arith.constant 96 : index
        %get3A_474 = tpu.vector_load %arg6[%get3A_471, %get3A_472, %get3A_473] {strides = array<i32>} : memref<2x200x128xbf16, #tpu.memory_space<vmem>>, vector<1x1x16xbf16>,
        %get3A_475 = vector.shape_cast %get3A_474 : vector<1x1x16xbf16> to vector<16xbf16>
        %convert_element_type3A_476 = arith.extf %get3A_475 : vector<16xbf16> to vector<16xf32>
        %add3A_477 = arith.addf %add3A_411, %convert_element_type3A_476 : vector<16xf32>
        %get3A_478 = arith.constant 0 : i32
        %get3A_479 = arith.index_cast %get3A_478 : i32 to index
        %get3A_480 = arith.index_cast %scan3A_421 : i32 to index
        %get3A_481 = arith.constant 112 : index
        %get3A_482 = tpu.vector_load %arg6[%get3A_479, %get3A_480, %get3A_481] {strides = array<i32>} : memref<2x200x128xbf16, #tpu.memory_space<vmem>>, vector<1x1x16xbf16>,
        %get3A_483 = vector.shape_cast %get3A_482 : vector<1x1x16xbf16> to vector<16xbf16>
        %convert_element_type3A_484 = arith.extf %get3A_483 : vector<16xbf16> to vector<16xf32>
        %add3A_485 = arith.addf %add3A_419, %convert_element_type3A_484 : vector<16xf32>
        %scan3A_486 = arith.constant 4 : i32
        %scan3A_487 = arith.addi %scan3A_216, %scan3A_486 : i32
        %get3A_488 = arith.constant 0 : i32
        %get3A_489 = arith.index_cast %get3A_488 : i32 to index
        %get3A_490 = arith.index_cast %scan3A_487 : i32 to index
        %get3A_491 = arith.constant 0 : index
        %get3A_492 = tpu.vector_load %arg6[%get3A_489, %get3A_490, %get3A_491] {strides = array<i32>} : memref<2x200x128xbf16, #tpu.memory_space<vmem>>, vector<1x1x16xbf16>,
        %get3A_493 = vector.shape_cast %get3A_492 : vector<1x1x16xbf16> to vector<16xbf16>
        %convert_element_type3A_494 = arith.extf %get3A_493 : vector<16xbf16> to vector<16xf32>
        %add3A_495 = arith.addf %add3A_429, %convert_element_type3A_494 : vector<16xf32>
        %get3A_496 = arith.constant 0 : i32
        %get3A_497 = arith.index_cast %get3A_496 : i32 to index
        %get3A_498 = arith.index_cast %scan3A_487 : i32 to index
        %get3A_499 = arith.constant 16 : index
        %get3A_500 = tpu.vector_load %arg6[%get3A_497, %get3A_498, %get3A_499] {strides = array<i32>} : memref<2x200x128xbf16, #tpu.memory_space<vmem>>, vector<1x1x16xbf16>,
        %get3A_501 = vector.shape_cast %get3A_500 : vector<1x1x16xbf16> to vector<16xbf16>
        %convert_element_type3A_502 = arith.extf %get3A_501 : vector<16xbf16> to vector<16xf32>
        %add3A_503 = arith.addf %add3A_437, %convert_element_type3A_502 : vector<16xf32>
        %get3A_504 = arith.constant 0 : i32
        %get3A_505 = arith.index_cast %get3A_504 : i32 to index
        %get3A_506 = arith.index_cast %scan3A_487 : i32 to index
        %get3A_507 = arith.constant 32 : index
        %get3A_508 = tpu.vector_load %arg6[%get3A_505, %get3A_506, %get3A_507] {strides = array<i32>} : memref<2x200x128xbf16, #tpu.memory_space<vmem>>, vector<1x1x16xbf16>,
        %get3A_509 = vector.shape_cast %get3A_508 : vector<1x1x16xbf16> to vector<16xbf16>
        %convert_element_type3A_510 = arith.extf %get3A_509 : vector<16xbf16> to vector<16xf32>
        %add3A_511 = arith.addf %add3A_445, %convert_element_type3A_510 : vector<16xf32>
        %get3A_512 = arith.constant 0 : i32
        %get3A_513 = arith.index_cast %get3A_512 : i32 to index
        %get3A_514 = arith.index_cast %scan3A_487 : i32 to index
        %get3A_515 = arith.constant 48 : index
        %get3A_516 = tpu.vector_load %arg6[%get3A_513, %get3A_514, %get3A_515] {strides = array<i32>} : memref<2x200x128xbf16, #tpu.memory_space<vmem>>, vector<1x1x16xbf16>,
        %get3A_517 = vector.shape_cast %get3A_516 : vector<1x1x16xbf16> to vector<16xbf16>
        %convert_element_type3A_518 = arith.extf %get3A_517 : vector<16xbf16> to vector<16xf32>
        %add3A_519 = arith.addf %add3A_453, %convert_element_type3A_518 : vector<16xf32>
        %get3A_520 = arith.constant 0 : i32
        %get3A_521 = arith.index_cast %get3A_520 : i32 to index
        %get3A_522 = arith.index_cast %scan3A_487 : i32 to index
        %get3A_523 = arith.constant 64 : index
        %get3A_524 = tpu.vector_load %arg6[%get3A_521, %get3A_522, %get3A_523] {strides = array<i32>} : memref<2x200x128xbf16, #tpu.memory_space<vmem>>, vector<1x1x16xbf16>,
        %get3A_525 = vector.shape_cast %get3A_524 : vector<1x1x16xbf16> to vector<16xbf16>
        %convert_element_type3A_526 = arith.extf %get3A_525 : vector<16xbf16> to vector<16xf32>
        %add3A_527 = arith.addf %add3A_461, %convert_element_type3A_526 : vector<16xf32>
        %get3A_528 = arith.constant 0 : i32
        %get3A_529 = arith.index_cast %get3A_528 : i32 to index
        %get3A_530 = arith.index_cast %scan3A_487 : i32 to index
        %get3A_531 = arith.constant 80 : index
        %get3A_532 = tpu.vector_load %arg6[%get3A_529, %get3A_530, %get3A_531] {strides = array<i32>} : memref<2x200x128xbf16, #tpu.memory_space<vmem>>, vector<1x1x16xbf16>,
        %get3A_533 = vector.shape_cast %get3A_532 : vector<1x1x16xbf16> to vector<16xbf16>
        %convert_element_type3A_534 = arith.extf %get3A_533 : vector<16xbf16> to vector<16xf32>
        %add3A_535 = arith.addf %add3A_469, %convert_element_type3A_534 : vector<16xf32>
        %get3A_536 = arith.constant 0 : i32
        %get3A_537 = arith.index_cast %get3A_536 : i32 to index
        %get3A_538 = arith.index_cast %scan3A_487 : i32 to index
        %get3A_539 = arith.constant 96 : index
        %get3A_540 = tpu.vector_load %arg6[%get3A_537, %get3A_538, %get3A_539] {strides = array<i32>} : memref<2x200x128xbf16, #tpu.memory_space<vmem>>, vector<1x1x16xbf16>,
        %get3A_541 = vector.shape_cast %get3A_540 : vector<1x1x16xbf16> to vector<16xbf16>
        %convert_element_type3A_542 = arith.extf %get3A_541 : vector<16xbf16> to vector<16xf32>
        %add3A_543 = arith.addf %add3A_477, %convert_element_type3A_542 : vector<16xf32>
        %get3A_544 = arith.constant 0 : i32
        %get3A_545 = arith.index_cast %get3A_544 : i32 to index
        %get3A_546 = arith.index_cast %scan3A_487 : i32 to index
        %get3A_547 = arith.constant 112 : index
        %get3A_548 = tpu.vector_load %arg6[%get3A_545, %get3A_546, %get3A_547] {strides = array<i32>} : memref<2x200x128xbf16, #tpu.memory_space<vmem>>, vector<1x1x16xbf16>,
        %get3A_549 = vector.shape_cast %get3A_548 : vector<1x1x16xbf16> to vector<16xbf16>
        %convert_element_type3A_550 = arith.extf %get3A_549 : vector<16xbf16> to vector<16xf32>
        %add3A_551 = arith.addf %add3A_485, %convert_element_type3A_550 : vector<16xf32>
        %scan3A_552 = arith.constant 5 : i32
        %scan3A_553 = arith.addi %scan3A_216, %scan3A_552 : i32
        %get3A_554 = arith.constant 0 : i32
        %get3A_555 = arith.index_cast %get3A_554 : i32 to index
        %get3A_556 = arith.index_cast %scan3A_553 : i32 to index
        %get3A_557 = arith.constant 0 : index
        %get3A_558 = tpu.vector_load %arg6[%get3A_555, %get3A_556, %get3A_557] {strides = array<i32>} : memref<2x200x128xbf16, #tpu.memory_space<vmem>>, vector<1x1x16xbf16>,
        %get3A_559 = vector.shape_cast %get3A_558 : vector<1x1x16xbf16> to vector<16xbf16>
        %convert_element_type3A_560 = arith.extf %get3A_559 : vector<16xbf16> to vector<16xf32>
        %add3A_561 = arith.addf %add3A_495, %convert_element_type3A_560 : vector<16xf32>
        %get3A_562 = arith.constant 0 : i32
        %get3A_563 = arith.index_cast %get3A_562 : i32 to index
        %get3A_564 = arith.index_cast %scan3A_553 : i32 to index
        %get3A_565 = arith.constant 16 : index
        %get3A_566 = tpu.vector_load %arg6[%get3A_563, %get3A_564, %get3A_565] {strides = array<i32>} : memref<2x200x128xbf16, #tpu.memory_space<vmem>>, vector<1x1x16xbf16>,
        %get3A_567 = vector.shape_cast %get3A_566 : vector<1x1x16xbf16> to vector<16xbf16>
        %convert_element_type3A_568 = arith.extf %get3A_567 : vector<16xbf16> to vector<16xf32>
        %add3A_569 = arith.addf %add3A_503, %convert_element_type3A_568 : vector<16xf32>
        %get3A_570 = arith.constant 0 : i32
        %get3A_571 = arith.index_cast %get3A_570 : i32 to index
        %get3A_572 = arith.index_cast %scan3A_553 : i32 to index
        %get3A_573 = arith.constant 32 : index
        %get3A_574 = tpu.vector_load %arg6[%get3A_571, %get3A_572, %get3A_573] {strides = array<i32>} : memref<2x200x128xbf16, #tpu.memory_space<vmem>>, vector<1x1x16xbf16>,
        %get3A_575 = vector.shape_cast %get3A_574 : vector<1x1x16xbf16> to vector<16xbf16>
        %convert_element_type3A_576 = arith.extf %get3A_575 : vector<16xbf16> to vector<16xf32>
        %add3A_577 = arith.addf %add3A_511, %convert_element_type3A_576 : vector<16xf32>
        %get3A_578 = arith.constant 0 : i32
        %get3A_579 = arith.index_cast %get3A_578 : i32 to index
        %get3A_580 = arith.index_cast %scan3A_553 : i32 to index
        %get3A_581 = arith.constant 48 : index
        %get3A_582 = tpu.vector_load %arg6[%get3A_579, %get3A_580, %get3A_581] {strides = array<i32>} : memref<2x200x128xbf16, #tpu.memory_space<vmem>>, vector<1x1x16xbf16>,
        %get3A_583 = vector.shape_cast %get3A_582 : vector<1x1x16xbf16> to vector<16xbf16>
        %convert_element_type3A_584 = arith.extf %get3A_583 : vector<16xbf16> to vector<16xf32>
        %add3A_585 = arith.addf %add3A_519, %convert_element_type3A_584 : vector<16xf32>
        %get3A_586 = arith.constant 0 : i32
        %get3A_587 = arith.index_cast %get3A_586 : i32 to index
        %get3A_588 = arith.index_cast %scan3A_553 : i32 to index
        %get3A_589 = arith.constant 64 : index
        %get3A_590 = tpu.vector_load %arg6[%get3A_587, %get3A_588, %get3A_589] {strides = array<i32>} : memref<2x200x128xbf16, #tpu.memory_space<vmem>>, vector<1x1x16xbf16>,
        %get3A_591 = vector.shape_cast %get3A_590 : vector<1x1x16xbf16> to vector<16xbf16>
        %convert_element_type3A_592 = arith.extf %get3A_591 : vector<16xbf16> to vector<16xf32>
        %add3A_593 = arith.addf %add3A_527, %convert_element_type3A_592 : vector<16xf32>
        %get3A_594 = arith.constant 0 : i32
        %get3A_595 = arith.index_cast %get3A_594 : i32 to index
        %get3A_596 = arith.index_cast %scan3A_553 : i32 to index
        %get3A_597 = arith.constant 80 : index
        %get3A_598 = tpu.vector_load %arg6[%get3A_595, %get3A_596, %get3A_597] {strides = array<i32>} : memref<2x200x128xbf16, #tpu.memory_space<vmem>>, vector<1x1x16xbf16>,
        %get3A_599 = vector.shape_cast %get3A_598 : vector<1x1x16xbf16> to vector<16xbf16>
        %convert_element_type3A_600 = arith.extf %get3A_599 : vector<16xbf16> to vector<16xf32>
        %add3A_601 = arith.addf %add3A_535, %convert_element_type3A_600 : vector<16xf32>
        %get3A_602 = arith.constant 0 : i32
        %get3A_603 = arith.index_cast %get3A_602 : i32 to index
        %get3A_604 = arith.index_cast %scan3A_553 : i32 to index
        %get3A_605 = arith.constant 96 : index
        %get3A_606 = tpu.vector_load %arg6[%get3A_603, %get3A_604, %get3A_605] {strides = array<i32>} : memref<2x200x128xbf16, #tpu.memory_space<vmem>>, vector<1x1x16xbf16>,
        %get3A_607 = vector.shape_cast %get3A_606 : vector<1x1x16xbf16> to vector<16xbf16>
        %convert_element_type3A_608 = arith.extf %get3A_607 : vector<16xbf16> to vector<16xf32>
        %add3A_609 = arith.addf %add3A_543, %convert_element_type3A_608 : vector<16xf32>
        %get3A_610 = arith.constant 0 : i32
        %get3A_611 = arith.index_cast %get3A_610 : i32 to index
        %get3A_612 = arith.index_cast %scan3A_553 : i32 to index
        %get3A_613 = arith.constant 112 : index
        %get3A_614 = tpu.vector_load %arg6[%get3A_611, %get3A_612, %get3A_613] {strides = array<i32>} : memref<2x200x128xbf16, #tpu.memory_space<vmem>>, vector<1x1x16xbf16>,
        %get3A_615 = vector.shape_cast %get3A_614 : vector<1x1x16xbf16> to vector<16xbf16>
        %convert_element_type3A_616 = arith.extf %get3A_615 : vector<16xbf16> to vector<16xf32>
        %add3A_617 = arith.addf %add3A_551, %convert_element_type3A_616 : vector<16xf32>
        %scan3A_618 = arith.constant 6 : i32
        %scan3A_619 = arith.addi %scan3A_216, %scan3A_618 : i32
        %get3A_620 = arith.constant 0 : i32
        %get3A_621 = arith.index_cast %get3A_620 : i32 to index
        %get3A_622 = arith.index_cast %scan3A_619 : i32 to index
        %get3A_623 = arith.constant 0 : index
        %get3A_624 = tpu.vector_load %arg6[%get3A_621, %get3A_622, %get3A_623] {strides = array<i32>} : memref<2x200x128xbf16, #tpu.memory_space<vmem>>, vector<1x1x16xbf16>,
        %get3A_625 = vector.shape_cast %get3A_624 : vector<1x1x16xbf16> to vector<16xbf16>
        %convert_element_type3A_626 = arith.extf %get3A_625 : vector<16xbf16> to vector<16xf32>
        %add3A_627 = arith.addf %add3A_561, %convert_element_type3A_626 : vector<16xf32>
        %get3A_628 = arith.constant 0 : i32
        %get3A_629 = arith.index_cast %get3A_628 : i32 to index
        %get3A_630 = arith.index_cast %scan3A_619 : i32 to index
        %get3A_631 = arith.constant 16 : index
        %get3A_632 = tpu.vector_load %arg6[%get3A_629, %get3A_630, %get3A_631] {strides = array<i32>} : memref<2x200x128xbf16, #tpu.memory_space<vmem>>, vector<1x1x16xbf16>,
        %get3A_633 = vector.shape_cast %get3A_632 : vector<1x1x16xbf16> to vector<16xbf16>
        %convert_element_type3A_634 = arith.extf %get3A_633 : vector<16xbf16> to vector<16xf32>
        %add3A_635 = arith.addf %add3A_569, %convert_element_type3A_634 : vector<16xf32>
        %get3A_636 = arith.constant 0 : i32
        %get3A_637 = arith.index_cast %get3A_636 : i32 to index
        %get3A_638 = arith.index_cast %scan3A_619 : i32 to index
        %get3A_639 = arith.constant 32 : index
        %get3A_640 = tpu.vector_load %arg6[%get3A_637, %get3A_638, %get3A_639] {strides = array<i32>} : memref<2x200x128xbf16, #tpu.memory_space<vmem>>, vector<1x1x16xbf16>,
        %get3A_641 = vector.shape_cast %get3A_640 : vector<1x1x16xbf16> to vector<16xbf16>
        %convert_element_type3A_642 = arith.extf %get3A_641 : vector<16xbf16> to vector<16xf32>
        %add3A_643 = arith.addf %add3A_577, %convert_element_type3A_642 : vector<16xf32>
        %get3A_644 = arith.constant 0 : i32
        %get3A_645 = arith.index_cast %get3A_644 : i32 to index
        %get3A_646 = arith.index_cast %scan3A_619 : i32 to index
        %get3A_647 = arith.constant 48 : index
        %get3A_648 = tpu.vector_load %arg6[%get3A_645, %get3A_646, %get3A_647] {strides = array<i32>} : memref<2x200x128xbf16, #tpu.memory_space<vmem>>, vector<1x1x16xbf16>,
        %get3A_649 = vector.shape_cast %get3A_648 : vector<1x1x16xbf16> to vector<16xbf16>
        %convert_element_type3A_650 = arith.extf %get3A_649 : vector<16xbf16> to vector<16xf32>
        %add3A_651 = arith.addf %add3A_585, %convert_element_type3A_650 : vector<16xf32>
        %get3A_652 = arith.constant 0 : i32
        %get3A_653 = arith.index_cast %get3A_652 : i32 to index
        %get3A_654 = arith.index_cast %scan3A_619 : i32 to index
        %get3A_655 = arith.constant 64 : index
        %get3A_656 = tpu.vector_load %arg6[%get3A_653, %get3A_654, %get3A_655] {strides = array<i32>} : memref<2x200x128xbf16, #tpu.memory_space<vmem>>, vector<1x1x16xbf16>,
        %get3A_657 = vector.shape_cast %get3A_656 : vector<1x1x16xbf16> to vector<16xbf16>
        %convert_element_type3A_658 = arith.extf %get3A_657 : vector<16xbf16> to vector<16xf32>
        %add3A_659 = arith.addf %add3A_593, %convert_element_type3A_658 : vector<16xf32>
        %get3A_660 = arith.constant 0 : i32
        %get3A_661 = arith.index_cast %get3A_660 : i32 to index
        %get3A_662 = arith.index_cast %scan3A_619 : i32 to index
        %get3A_663 = arith.constant 80 : index
        %get3A_664 = tpu.vector_load %arg6[%get3A_661, %get3A_662, %get3A_663] {strides = array<i32>} : memref<2x200x128xbf16, #tpu.memory_space<vmem>>, vector<1x1x16xbf16>,
        %get3A_665 = vector.shape_cast %get3A_664 : vector<1x1x16xbf16> to vector<16xbf16>
        %convert_element_type3A_666 = arith.extf %get3A_665 : vector<16xbf16> to vector<16xf32>
        %add3A_667 = arith.addf %add3A_601, %convert_element_type3A_666 : vector<16xf32>
        %get3A_668 = arith.constant 0 : i32
        %get3A_669 = arith.index_cast %get3A_668 : i32 to index
        %get3A_670 = arith.index_cast %scan3A_619 : i32 to index
        %get3A_671 = arith.constant 96 : index
        %get3A_672 = tpu.vector_load %arg6[%get3A_669, %get3A_670, %get3A_671] {strides = array<i32>} : memref<2x200x128xbf16, #tpu.memory_space<vmem>>, vector<1x1x16xbf16>,
        %get3A_673 = vector.shape_cast %get3A_672 : vector<1x1x16xbf16> to vector<16xbf16>
        %convert_element_type3A_674 = arith.extf %get3A_673 : vector<16xbf16> to vector<16xf32>
        %add3A_675 = arith.addf %add3A_609, %convert_element_type3A_674 : vector<16xf32>
        %get3A_676 = arith.constant 0 : i32
        %get3A_677 = arith.index_cast %get3A_676 : i32 to index
        %get3A_678 = arith.index_cast %scan3A_619 : i32 to index
        %get3A_679 = arith.constant 112 : index
        %get3A_680 = tpu.vector_load %arg6[%get3A_677, %get3A_678, %get3A_679] {strides = array<i32>} : memref<2x200x128xbf16, #tpu.memory_space<vmem>>, vector<1x1x16xbf16>,
        %get3A_681 = vector.shape_cast %get3A_680 : vector<1x1x16xbf16> to vector<16xbf16>
        %convert_element_type3A_682 = arith.extf %get3A_681 : vector<16xbf16> to vector<16xf32>
        %add3A_683 = arith.addf %add3A_617, %convert_element_type3A_682 : vector<16xf32>
        %scan3A_684 = arith.constant 7 : i32
        %scan3A_685 = arith.addi %scan3A_216, %scan3A_684 : i32
        %get3A_686 = arith.constant 0 : i32
        %get3A_687 = arith.index_cast %get3A_686 : i32 to index
        %get3A_688 = arith.index_cast %scan3A_685 : i32 to index
        %get3A_689 = arith.constant 0 : index
        %get3A_690 = tpu.vector_load %arg6[%get3A_687, %get3A_688, %get3A_689] {strides = array<i32>} : memref<2x200x128xbf16, #tpu.memory_space<vmem>>, vector<1x1x16xbf16>,
        %get3A_691 = vector.shape_cast %get3A_690 : vector<1x1x16xbf16> to vector<16xbf16>
        %convert_element_type3A_692 = arith.extf %get3A_691 : vector<16xbf16> to vector<16xf32>
        %add3A_693 = arith.addf %add3A_627, %convert_element_type3A_692 : vector<16xf32>
        %get3A_694 = arith.constant 0 : i32
        %get3A_695 = arith.index_cast %get3A_694 : i32 to index
        %get3A_696 = arith.index_cast %scan3A_685 : i32 to index
        %get3A_697 = arith.constant 16 : index
        %get3A_698 = tpu.vector_load %arg6[%get3A_695, %get3A_696, %get3A_697] {strides = array<i32>} : memref<2x200x128xbf16, #tpu.memory_space<vmem>>, vector<1x1x16xbf16>,
        %get3A_699 = vector.shape_cast %get3A_698 : vector<1x1x16xbf16> to vector<16xbf16>
        %convert_element_type3A_700 = arith.extf %get3A_699 : vector<16xbf16> to vector<16xf32>
        %add3A_701 = arith.addf %add3A_635, %convert_element_type3A_700 : vector<16xf32>
        %get3A_702 = arith.constant 0 : i32
        %get3A_703 = arith.index_cast %get3A_702 : i32 to index
        %get3A_704 = arith.index_cast %scan3A_685 : i32 to index
        %get3A_705 = arith.constant 32 : index
        %get3A_706 = tpu.vector_load %arg6[%get3A_703, %get3A_704, %get3A_705] {strides = array<i32>} : memref<2x200x128xbf16, #tpu.memory_space<vmem>>, vector<1x1x16xbf16>,
        %get3A_707 = vector.shape_cast %get3A_706 : vector<1x1x16xbf16> to vector<16xbf16>
        %convert_element_type3A_708 = arith.extf %get3A_707 : vector<16xbf16> to vector<16xf32>
        %add3A_709 = arith.addf %add3A_643, %convert_element_type3A_708 : vector<16xf32>
        %get3A_710 = arith.constant 0 : i32
        %get3A_711 = arith.index_cast %get3A_710 : i32 to index
        %get3A_712 = arith.index_cast %scan3A_685 : i32 to index
        %get3A_713 = arith.constant 48 : index
        %get3A_714 = tpu.vector_load %arg6[%get3A_711, %get3A_712, %get3A_713] {strides = array<i32>} : memref<2x200x128xbf16, #tpu.memory_space<vmem>>, vector<1x1x16xbf16>,
        %get3A_715 = vector.shape_cast %get3A_714 : vector<1x1x16xbf16> to vector<16xbf16>
        %convert_element_type3A_716 = arith.extf %get3A_715 : vector<16xbf16> to vector<16xf32>
        %add3A_717 = arith.addf %add3A_651, %convert_element_type3A_716 : vector<16xf32>
        %get3A_718 = arith.constant 0 : i32
        %get3A_719 = arith.index_cast %get3A_718 : i32 to index
        %get3A_720 = arith.index_cast %scan3A_685 : i32 to index
        %get3A_721 = arith.constant 64 : index
        %get3A_722 = tpu.vector_load %arg6[%get3A_719, %get3A_720, %get3A_721] {strides = array<i32>} : memref<2x200x128xbf16, #tpu.memory_space<vmem>>, vector<1x1x16xbf16>,
        %get3A_723 = vector.shape_cast %get3A_722 : vector<1x1x16xbf16> to vector<16xbf16>
        %convert_element_type3A_724 = arith.extf %get3A_723 : vector<16xbf16> to vector<16xf32>
        %add3A_725 = arith.addf %add3A_659, %convert_element_type3A_724 : vector<16xf32>
        %get3A_726 = arith.constant 0 : i32
        %get3A_727 = arith.index_cast %get3A_726 : i32 to index
        %get3A_728 = arith.index_cast %scan3A_685 : i32 to index
        %get3A_729 = arith.constant 80 : index
        %get3A_730 = tpu.vector_load %arg6[%get3A_727, %get3A_728, %get3A_729] {strides = array<i32>} : memref<2x200x128xbf16, #tpu.memory_space<vmem>>, vector<1x1x16xbf16>,
        %get3A_731 = vector.shape_cast %get3A_730 : vector<1x1x16xbf16> to vector<16xbf16>
        %convert_element_type3A_732 = arith.extf %get3A_731 : vector<16xbf16> to vector<16xf32>
        %add3A_733 = arith.addf %add3A_667, %convert_element_type3A_732 : vector<16xf32>
        %get3A_734 = arith.constant 0 : i32
        %get3A_735 = arith.index_cast %get3A_734 : i32 to index
        %get3A_736 = arith.index_cast %scan3A_685 : i32 to index
        %get3A_737 = arith.constant 96 : index
        %get3A_738 = tpu.vector_load %arg6[%get3A_735, %get3A_736, %get3A_737] {strides = array<i32>} : memref<2x200x128xbf16, #tpu.memory_space<vmem>>, vector<1x1x16xbf16>,
        %get3A_739 = vector.shape_cast %get3A_738 : vector<1x1x16xbf16> to vector<16xbf16>
        %convert_element_type3A_740 = arith.extf %get3A_739 : vector<16xbf16> to vector<16xf32>
        %add3A_741 = arith.addf %add3A_675, %convert_element_type3A_740 : vector<16xf32>
        %get3A_742 = arith.constant 0 : i32
        %get3A_743 = arith.index_cast %get3A_742 : i32 to index
        %get3A_744 = arith.index_cast %scan3A_685 : i32 to index
        %get3A_745 = arith.constant 112 : index
        %get3A_746 = tpu.vector_load %arg6[%get3A_743, %get3A_744, %get3A_745] {strides = array<i32>} : memref<2x200x128xbf16, #tpu.memory_space<vmem>>, vector<1x1x16xbf16>,
        %get3A_747 = vector.shape_cast %get3A_746 : vector<1x1x16xbf16> to vector<16xbf16>
        %convert_element_type3A_748 = arith.extf %get3A_747 : vector<16xbf16> to vector<16xf32>
        %add3A_749 = arith.addf %add3A_683, %convert_element_type3A_748 : vector<16xf32>
        scf.yield %add3A_693, %add3A_701, %add3A_709, %add3A_717, %add3A_725, %add3A_733, %add3A_741, %add3A_749 : vector<16xf32>, vector<16xf32>, vector<16xf32>, vector<16xf32>, vector<16xf32>, vector<16xf32>, vector<16xf32>, vector<16xf32>
      }
      %scan3A_93 = arith.constant 200 : i32
      %swap3A = arith.index_cast %add3A_34 : i32 to index
      %swap3A_94 = arith.constant 0 : index
      %swap3A_95 = tpu.vector_load %arg7[%swap3A, %swap3A_94] {strides = array<i32>} : memref<128x128xf32, #tpu.memory_space<vmem>>, vector<1x16xf32>,
      %swap3A_96 = vector.shape_cast %swap3A_95 : vector<1x16xf32> to vector<16xf32>
      %swap3A_97 = vector.shape_cast %scan3A_92#0 : vector<16xf32> to vector<1x16xf32>
      tpu.vector_store %arg7[%swap3A, %swap3A_94], %swap3A_97 {strides = array<i32>} : memref<128x128xf32, #tpu.memory_space<vmem>>, vector<1x16xf32>,
      %swap3A_98 = arith.index_cast %add3A_34 : i32 to index
      %swap3A_99 = arith.constant 16 : index
      %swap3A_100 = tpu.vector_load %arg7[%swap3A_98, %swap3A_99] {strides = array<i32>} : memref<128x128xf32, #tpu.memory_space<vmem>>, vector<1x16xf32>,
      %swap3A_101 = vector.shape_cast %swap3A_100 : vector<1x16xf32> to vector<16xf32>
      %swap3A_102 = vector.shape_cast %scan3A_92#1 : vector<16xf32> to vector<1x16xf32>
      tpu.vector_store %arg7[%swap3A_98, %swap3A_99], %swap3A_102 {strides = array<i32>} : memref<128x128xf32, #tpu.memory_space<vmem>>, vector<1x16xf32>,
      %swap3A_103 = arith.index_cast %add3A_34 : i32 to index
      %swap3A_104 = arith.constant 32 : index
      %swap3A_105 = tpu.vector_load %arg7[%swap3A_103, %swap3A_104] {strides = array<i32>} : memref<128x128xf32, #tpu.memory_space<vmem>>, vector<1x16xf32>,
      %swap3A_106 = vector.shape_cast %swap3A_105 : vector<1x16xf32> to vector<16xf32>
      %swap3A_107 = vector.shape_cast %scan3A_92#2 : vector<16xf32> to vector<1x16xf32>
      tpu.vector_store %arg7[%swap3A_103, %swap3A_104], %swap3A_107 {strides = array<i32>} : memref<128x128xf32, #tpu.memory_space<vmem>>, vector<1x16xf32>,
      %swap3A_108 = arith.index_cast %add3A_34 : i32 to index
      %swap3A_109 = arith.constant 48 : index
      %swap3A_110 = tpu.vector_load %arg7[%swap3A_108, %swap3A_109] {strides = array<i32>} : memref<128x128xf32, #tpu.memory_space<vmem>>, vector<1x16xf32>,
      %swap3A_111 = vector.shape_cast %swap3A_110 : vector<1x16xf32> to vector<16xf32>
      %swap3A_112 = vector.shape_cast %scan3A_92#3 : vector<16xf32> to vector<1x16xf32>
      tpu.vector_store %arg7[%swap3A_108, %swap3A_109], %swap3A_112 {strides = array<i32>} : memref<128x128xf32, #tpu.memory_space<vmem>>, vector<1x16xf32>,
      %swap3A_113 = arith.index_cast %add3A_34 : i32 to index
      %swap3A_114 = arith.constant 64 : index
      %swap3A_115 = tpu.vector_load %arg7[%swap3A_113, %swap3A_114] {strides = array<i32>} : memref<128x128xf32, #tpu.memory_space<vmem>>, vector<1x16xf32>,
      %swap3A_116 = vector.shape_cast %swap3A_115 : vector<1x16xf32> to vector<16xf32>
      %swap3A_117 = vector.shape_cast %scan3A_92#4 : vector<16xf32> to vector<1x16xf32>
      tpu.vector_store %arg7[%swap3A_113, %swap3A_114], %swap3A_117 {strides = array<i32>} : memref<128x128xf32, #tpu.memory_space<vmem>>, vector<1x16xf32>,
      %swap3A_118 = arith.index_cast %add3A_34 : i32 to index
      %swap3A_119 = arith.constant 80 : index
      %swap3A_120 = tpu.vector_load %arg7[%swap3A_118, %swap3A_119] {strides = array<i32>} : memref<128x128xf32, #tpu.memory_space<vmem>>, vector<1x16xf32>,
      %swap3A_121 = vector.shape_cast %swap3A_120 : vector<1x16xf32> to vector<16xf32>
      %swap3A_122 = vector.shape_cast %scan3A_92#5 : vector<16xf32> to vector<1x16xf32>
      tpu.vector_store %arg7[%swap3A_118, %swap3A_119], %swap3A_122 {strides = array<i32>} : memref<128x128xf32, #tpu.memory_space<vmem>>, vector<1x16xf32>,
      %swap3A_123 = arith.index_cast %add3A_34 : i32 to index
      %swap3A_124 = arith.constant 96 : index
      %swap3A_125 = tpu.vector_load %arg7[%swap3A_123, %swap3A_124] {strides = array<i32>} : memref<128x128xf32, #tpu.memory_space<vmem>>, vector<1x16xf32>,
      %swap3A_126 = vector.shape_cast %swap3A_125 : vector<1x16xf32> to vector<16xf32>
      %swap3A_127 = vector.shape_cast %scan3A_92#6 : vector<16xf32> to vector<1x16xf32>
      tpu.vector_store %arg7[%swap3A_123, %swap3A_124], %swap3A_127 {strides = array<i32>} : memref<128x128xf32, #tpu.memory_space<vmem>>, vector<1x16xf32>,
      %swap3A_128 = arith.index_cast %add3A_34 : i32 to index
      %swap3A_129 = arith.constant 112 : index
      %swap3A_130 = tpu.vector_load %arg7[%swap3A_128, %swap3A_129] {strides = array<i32>} : memref<128x128xf32, #tpu.memory_space<vmem>>, vector<1x16xf32>,
      %swap3A_131 = vector.shape_cast %swap3A_130 : vector<1x16xf32> to vector<16xf32>
      %swap3A_132 = vector.shape_cast %scan3A_92#7 : vector<16xf32> to vector<1x16xf32>
      tpu.vector_store %arg7[%swap3A_128, %swap3A_129], %swap3A_132 {strides = array<i32>} : memref<128x128xf32, #tpu.memory_space<vmem>>, vector<1x16xf32>,
      %add3A_133 = arith.constant 2 : i32
      %add3A_134 = arith.addi %add3A_34, %add3A_133 : i32
      %lt3A = arith.constant 128 : i32
      %lt3A_135 = arith.cmpi slt, %add3A_134, %lt3A : i32
      %convert_element_type3A = arith.extui %lt3A_135 : i1 to i32
      %cond3A = arith.constant 0 : i32
      %cond3A_136 = arith.cmpi ne, %convert_element_type3A, %cond3A : i32
      scf.if %cond3A_136 {
        %add3A_216 = arith.constant 2 : i32
        %add3A_217 = arith.addi %add3A_34, %add3A_216 : i32
        %dma_start3A_218 = arith.constant 0 : i32
        %dma_start3A_219 = arith.constant 0 : i32
        %dma_start3A_220 = arith.constant 0 : i32
        %dma_start3A_221 = tpu.memref_slice %arg6[%dma_start3A_218, %dma_start3A_219, %dma_start3A_220] : memref<2x200x128xbf16, #tpu.memory_space<vmem>> -> memref<1x128x128xbf16, #tpu.memory_space<vmem>>
        %dma_start3A_222 = tpu.memref_squeeze %dma_start3A_221 : memref<1x128x128xbf16, #tpu.memory_space<vmem>> -> memref<128x128xbf16, #tpu.memory_space<vmem>>
        %dma_start3A_223 = arith.constant 0 : i32
        %dma_start3A_224 = tpu.memref_slice %arg5[%add3A_217, %dma_start3A_223] : memref<128x200xi32, #tpu.memory_space<vmem>> -> memref<1x128xi32, #tpu.memory_space<vmem>>
        %dma_start3A_225 = tpu.memref_squeeze %dma_start3A_224 : memref<1x128xi32, #tpu.memory_space<vmem>> -> memref<128xi32, #tpu.memory_space<vmem>>
        %dma_start3A_226 = arith.constant 0 : i32
        %dma_start3A_227 = arith.constant 0 : i32
        %dma_start3A_228 = tpu.memref_slice %arg2[%dma_start3A_226, %dma_start3A_227] : memref<100000x128xbf16, #tpu.memory_space<hbm>> -> memref<100000x128xbf16, #tpu.memory_space<hbm>>
        tpu.enqueue_indirect_dma source(%dma_start3A_228 : memref<100000x128xbf16, #tpu.memory_space<hbm>>) target(%dma_start3A_222 : memref<128x128xbf16, #tpu.memory_space<vmem>>) offsets(%dma_start3A_225 : memref<128xi32, #tpu.memory_space<vmem>>) semaphore(%arg8 : memref<!tpu.dma_semaphore, #tpu.memory_space<semaphore_mem>>)
        %dma_start3A_229 = arith.constant 0 : i32
        %dma_start3A_230 = arith.constant 128 : i32
        %dma_start3A_231 = arith.constant 0 : i32
        %dma_start3A_232 = tpu.memref_slice %arg6[%dma_start3A_229, %dma_start3A_230, %dma_start3A_231] : memref<2x200x128xbf16, #tpu.memory_space<vmem>> -> memref<1x72x128xbf16, #tpu.memory_space<vmem>>
        %dma_start3A_233 = tpu.memref_squeeze %dma_start3A_232 : memref<1x72x128xbf16, #tpu.memory_space<vmem>> -> memref<72x128xbf16, #tpu.memory_space<vmem>>
        %dma_start3A_234 = arith.constant 128 : i32
        %dma_start3A_235 = tpu.memref_slice %arg5[%add3A_217, %dma_start3A_234] : memref<128x200xi32, #tpu.memory_space<vmem>> -> memref<1x72xi32, #tpu.memory_space<vmem>>
        %dma_start3A_236 = tpu.memref_squeeze %dma_start3A_235 : memref<1x72xi32, #tpu.memory_space<vmem>> -> memref<72xi32, #tpu.memory_space<vmem>>
        %dma_start3A_237 = arith.constant 0 : i32
        %dma_start3A_238 = arith.constant 0 : i32
        %dma_start3A_239 = tpu.memref_slice %arg2[%dma_start3A_237, %dma_start3A_238] : memref<100000x128xbf16, #tpu.memory_space<hbm>> -> memref<100000x128xbf16, #tpu.memory_space<hbm>>
        tpu.enqueue_indirect_dma source(%dma_start3A_239 : memref<100000x128xbf16, #tpu.memory_space<hbm>>) target(%dma_start3A_233 : memref<72x128xbf16, #tpu.memory_space<vmem>>) offsets(%dma_start3A_236 : memref<72xi32, #tpu.memory_space<vmem>>) semaphore(%arg8 : memref<!tpu.dma_semaphore, #tpu.memory_space<semaphore_mem>>)
      } else {
      }
      %dma_wait3A_137 = arith.constant 1 : i32
      %dma_wait3A_138 = arith.constant 0 : i32
      %dma_wait3A_139 = arith.constant 0 : i32
      %dma_wait3A_140 = tpu.memref_slice %arg6[%dma_wait3A_137, %dma_wait3A_138, %dma_wait3A_139] : memref<2x200x128xbf16, #tpu.memory_space<vmem>> -> memref<1x200x128xbf16, #tpu.memory_space<vmem>>
      %dma_wait3A_141 = tpu.memref_squeeze %dma_wait3A_140 : memref<1x200x128xbf16, #tpu.memory_space<vmem>> -> memref<200x128xbf16, #tpu.memory_space<vmem>>
      %dma_wait3A_142 = arith.constant 0 : i32
      %dma_wait3A_143 = arith.constant 0 : i32
      %dma_wait3A_144 = tpu.memref_slice %arg2[%dma_wait3A_142, %dma_wait3A_143] : memref<100000x128xbf16, #tpu.memory_space<hbm>> -> memref<200x128xbf16, #tpu.memory_space<hbm>>
      %dma_wait3A_145 = arith.constant 0 : i32
      %dma_wait3A_146 = arith.constant 0 : i32
      %dma_wait3A_147 = tpu.memref_slice %arg6[%dma_wait3A_137, %dma_wait3A_145, %dma_wait3A_146] : memref<2x200x128xbf16, #tpu.memory_space<vmem>> -> memref<1x200x128xbf16, #tpu.memory_space<vmem>>
      %dma_wait3A_148 = tpu.memref_squeeze %dma_wait3A_147 : memref<1x200x128xbf16, #tpu.memory_space<vmem>> -> memref<200x128xbf16, #tpu.memory_space<vmem>>
      %dma_wait3A_149 = arith.constant 0 : i32
      %dma_wait3A_150 = arith.constant 0 : i32
      %dma_wait3A_151 = tpu.memref_slice %arg2[%dma_wait3A_149, %dma_wait3A_150] : memref<100000x128xbf16, #tpu.memory_space<hbm>> -> memref<200x128xbf16, #tpu.memory_space<hbm>>
      tpu.wait_dma2 semaphore(%arg9 : memref<!tpu.dma_semaphore, #tpu.memory_space<semaphore_mem>>) src(%dma_wait3A_151 : memref<200x128xbf16, #tpu.memory_space<hbm>>) dst(%dma_wait3A_148 : memref<200x128xbf16, #tpu.memory_space<vmem>>)
      %add3A_152 = arith.constant 1 : i32
      %add3A_153 = arith.addi %add3A_34, %add3A_152 : i32
      %broadcast_in_dim3A_154 = arith.constant 0.000000e+00 : f32
      %broadcast_in_dim3A_155 = vector.broadcast %broadcast_in_dim3A_154 : f32 to vector<16xf32>
      %broadcast_in_dim3A_156 = arith.constant 0.000000e+00 : f32
      %broadcast_in_dim3A_157 = vector.broadcast %broadcast_in_dim3A_156 : f32 to vector<16xf32>
      %broadcast_in_dim3A_158 = arith.constant 0.000000e+00 : f32
      %broadcast_in_dim3A_159 = vector.broadcast %broadcast_in_dim3A_158 : f32 to vector<16xf32>
      %broadcast_in_dim3A_160 = arith.constant 0.000000e+00 : f32
      %broadcast_in_dim3A_161 = vector.broadcast %broadcast_in_dim3A_160 : f32 to vector<16xf32>
      %broadcast_in_dim3A_162 = arith.constant 0.000000e+00 : f32
      %broadcast_in_dim3A_163 = vector.broadcast %broadcast_in_dim3A_162 : f32 to vector<16xf32>
      %broadcast_in_dim3A_164 = arith.constant 0.000000e+00 : f32
      %broadcast_in_dim3A_165 = vector.broadcast %broadcast_in_dim3A_164 : f32 to vector<16xf32>
      %broadcast_in_dim3A_166 = arith.constant 0.000000e+00 : f32
      %broadcast_in_dim3A_167 = vector.broadcast %broadcast_in_dim3A_166 : f32 to vector<16xf32>
      %broadcast_in_dim3A_168 = arith.constant 0.000000e+00 : f32
      %broadcast_in_dim3A_169 = vector.broadcast %broadcast_in_dim3A_168 : f32 to vector<16xf32>
      %scan3A_170 = arith.constant 0 : i32
      %scan3A_171 = arith.constant 200 : i32
      %scan3A_172 = arith.addi %scan3A_170, %scan3A_171 : i32
      %scan3A_173 = arith.constant 8 : i32
      %scan3A_174:8 = scf.for %scan3A_216 = %scan3A_170 to %scan3A_172 step %scan3A_173 iter_args(%scan3A_217 = %broadcast_in_dim3A_155, %scan3A_218 = %broadcast_in_dim3A_157, %scan3A_219 = %broadcast_in_dim3A_159, %scan3A_220 = %broadcast_in_dim3A_161, %scan3A_221 = %broadcast_in_dim3A_163, %scan3A_222 = %broadcast_in_dim3A_165, %scan3A_223 = %broadcast_in_dim3A_167, %scan3A_224 = %broadcast_in_dim3A_169) -> (vector<16xf32>, vector<16xf32>, vector<16xf32>, vector<16xf32>, vector<16xf32>, vector<16xf32>, vector<16xf32>, vector<16xf32>)  : i32 {
        %get3A = arith.constant 1 : i32
        %get3A_225 = arith.index_cast %get3A : i32 to index
        %get3A_226 = arith.index_cast %scan3A_216 : i32 to index
        %get3A_227 = arith.constant 0 : index
        %get3A_228 = tpu.vector_load %arg6[%get3A_225, %get3A_226, %get3A_227] {strides = array<i32>} : memref<2x200x128xbf16, #tpu.memory_space<vmem>>, vector<1x1x16xbf16>,
        %get3A_229 = vector.shape_cast %get3A_228 : vector<1x1x16xbf16> to vector<16xbf16>
        %convert_element_type3A_230 = arith.extf %get3A_229 : vector<16xbf16> to vector<16xf32>
        %add3A_231 = arith.addf %scan3A_217, %convert_element_type3A_230 : vector<16xf32>
        %get3A_232 = arith.constant 1 : i32
        %get3A_233 = arith.index_cast %get3A_232 : i32 to index
        %get3A_234 = arith.index_cast %scan3A_216 : i32 to index
        %get3A_235 = arith.constant 16 : index
        %get3A_236 = tpu.vector_load %arg6[%get3A_233, %get3A_234, %get3A_235] {strides = array<i32>} : memref<2x200x128xbf16, #tpu.memory_space<vmem>>, vector<1x1x16xbf16>,
        %get3A_237 = vector.shape_cast %get3A_236 : vector<1x1x16xbf16> to vector<16xbf16>
        %convert_element_type3A_238 = arith.extf %get3A_237 : vector<16xbf16> to vector<16xf32>
        %add3A_239 = arith.addf %scan3A_218, %convert_element_type3A_238 : vector<16xf32>
        %get3A_240 = arith.constant 1 : i32
        %get3A_241 = arith.index_cast %get3A_240 : i32 to index
        %get3A_242 = arith.index_cast %scan3A_216 : i32 to index
        %get3A_243 = arith.constant 32 : index
        %get3A_244 = tpu.vector_load %arg6[%get3A_241, %get3A_242, %get3A_243] {strides = array<i32>} : memref<2x200x128xbf16, #tpu.memory_space<vmem>>, vector<1x1x16xbf16>,
        %get3A_245 = vector.shape_cast %get3A_244 : vector<1x1x16xbf16> to vector<16xbf16>
        %convert_element_type3A_246 = arith.extf %get3A_245 : vector<16xbf16> to vector<16xf32>
        %add3A_247 = arith.addf %scan3A_219, %convert_element_type3A_246 : vector<16xf32>
        %get3A_248 = arith.constant 1 : i32
        %get3A_249 = arith.index_cast %get3A_248 : i32 to index
        %get3A_250 = arith.index_cast %scan3A_216 : i32 to index
        %get3A_251 = arith.constant 48 : index
        %get3A_252 = tpu.vector_load %arg6[%get3A_249, %get3A_250, %get3A_251] {strides = array<i32>} : memref<2x200x128xbf16, #tpu.memory_space<vmem>>, vector<1x1x16xbf16>,
        %get3A_253 = vector.shape_cast %get3A_252 : vector<1x1x16xbf16> to vector<16xbf16>
        %convert_element_type3A_254 = arith.extf %get3A_253 : vector<16xbf16> to vector<16xf32>
        %add3A_255 = arith.addf %scan3A_220, %convert_element_type3A_254 : vector<16xf32>
        %get3A_256 = arith.constant 1 : i32
        %get3A_257 = arith.index_cast %get3A_256 : i32 to index
        %get3A_258 = arith.index_cast %scan3A_216 : i32 to index
        %get3A_259 = arith.constant 64 : index
        %get3A_260 = tpu.vector_load %arg6[%get3A_257, %get3A_258, %get3A_259] {strides = array<i32>} : memref<2x200x128xbf16, #tpu.memory_space<vmem>>, vector<1x1x16xbf16>,
        %get3A_261 = vector.shape_cast %get3A_260 : vector<1x1x16xbf16> to vector<16xbf16>
        %convert_element_type3A_262 = arith.extf %get3A_261 : vector<16xbf16> to vector<16xf32>
        %add3A_263 = arith.addf %scan3A_221, %convert_element_type3A_262 : vector<16xf32>
        %get3A_264 = arith.constant 1 : i32
        %get3A_265 = arith.index_cast %get3A_264 : i32 to index
        %get3A_266 = arith.index_cast %scan3A_216 : i32 to index
        %get3A_267 = arith.constant 80 : index
        %get3A_268 = tpu.vector_load %arg6[%get3A_265, %get3A_266, %get3A_267] {strides = array<i32>} : memref<2x200x128xbf16, #tpu.memory_space<vmem>>, vector<1x1x16xbf16>,
        %get3A_269 = vector.shape_cast %get3A_268 : vector<1x1x16xbf16> to vector<16xbf16>
        %convert_element_type3A_270 = arith.extf %get3A_269 : vector<16xbf16> to vector<16xf32>
        %add3A_271 = arith.addf %scan3A_222, %convert_element_type3A_270 : vector<16xf32>
        %get3A_272 = arith.constant 1 : i32
        %get3A_273 = arith.index_cast %get3A_272 : i32 to index
        %get3A_274 = arith.index_cast %scan3A_216 : i32 to index
        %get3A_275 = arith.constant 96 : index
        %get3A_276 = tpu.vector_load %arg6[%get3A_273, %get3A_274, %get3A_275] {strides = array<i32>} : memref<2x200x128xbf16, #tpu.memory_space<vmem>>, vector<1x1x16xbf16>,
        %get3A_277 = vector.shape_cast %get3A_276 : vector<1x1x16xbf16> to vector<16xbf16>
        %convert_element_type3A_278 = arith.extf %get3A_277 : vector<16xbf16> to vector<16xf32>
        %add3A_279 = arith.addf %scan3A_223, %convert_element_type3A_278 : vector<16xf32>
        %get3A_280 = arith.constant 1 : i32
        %get3A_281 = arith.index_cast %get3A_280 : i32 to index
        %get3A_282 = arith.index_cast %scan3A_216 : i32 to index
        %get3A_283 = arith.constant 112 : index
        %get3A_284 = tpu.vector_load %arg6[%get3A_281, %get3A_282, %get3A_283] {strides = array<i32>} : memref<2x200x128xbf16, #tpu.memory_space<vmem>>, vector<1x1x16xbf16>,
        %get3A_285 = vector.shape_cast %get3A_284 : vector<1x1x16xbf16> to vector<16xbf16>
        %convert_element_type3A_286 = arith.extf %get3A_285 : vector<16xbf16> to vector<16xf32>
        %add3A_287 = arith.addf %scan3A_224, %convert_element_type3A_286 : vector<16xf32>
        %scan3A_288 = arith.constant 1 : i32
        %scan3A_289 = arith.addi %scan3A_216, %scan3A_288 : i32
        %get3A_290 = arith.constant 1 : i32
        %get3A_291 = arith.index_cast %get3A_290 : i32 to index
        %get3A_292 = arith.index_cast %scan3A_289 : i32 to index
        %get3A_293 = arith.constant 0 : index
        %get3A_294 = tpu.vector_load %arg6[%get3A_291, %get3A_292, %get3A_293] {strides = array<i32>} : memref<2x200x128xbf16, #tpu.memory_space<vmem>>, vector<1x1x16xbf16>,
        %get3A_295 = vector.shape_cast %get3A_294 : vector<1x1x16xbf16> to vector<16xbf16>
        %convert_element_type3A_296 = arith.extf %get3A_295 : vector<16xbf16> to vector<16xf32>
        %add3A_297 = arith.addf %add3A_231, %convert_element_type3A_296 : vector<16xf32>
        %get3A_298 = arith.constant 1 : i32
        %get3A_299 = arith.index_cast %get3A_298 : i32 to index
        %get3A_300 = arith.index_cast %scan3A_289 : i32 to index
        %get3A_301 = arith.constant 16 : index
        %get3A_302 = tpu.vector_load %arg6[%get3A_299, %get3A_300, %get3A_301] {strides = array<i32>} : memref<2x200x128xbf16, #tpu.memory_space<vmem>>, vector<1x1x16xbf16>,
        %get3A_303 = vector.shape_cast %get3A_302 : vector<1x1x16xbf16> to vector<16xbf16>
        %convert_element_type3A_304 = arith.extf %get3A_303 : vector<16xbf16> to vector<16xf32>
        %add3A_305 = arith.addf %add3A_239, %convert_element_type3A_304 : vector<16xf32>
        %get3A_306 = arith.constant 1 : i32
        %get3A_307 = arith.index_cast %get3A_306 : i32 to index
        %get3A_308 = arith.index_cast %scan3A_289 : i32 to index
        %get3A_309 = arith.constant 32 : index
        %get3A_310 = tpu.vector_load %arg6[%get3A_307, %get3A_308, %get3A_309] {strides = array<i32>} : memref<2x200x128xbf16, #tpu.memory_space<vmem>>, vector<1x1x16xbf16>,
        %get3A_311 = vector.shape_cast %get3A_310 : vector<1x1x16xbf16> to vector<16xbf16>
        %convert_element_type3A_312 = arith.extf %get3A_311 : vector<16xbf16> to vector<16xf32>
        %add3A_313 = arith.addf %add3A_247, %convert_element_type3A_312 : vector<16xf32>
        %get3A_314 = arith.constant 1 : i32
        %get3A_315 = arith.index_cast %get3A_314 : i32 to index
        %get3A_316 = arith.index_cast %scan3A_289 : i32 to index
        %get3A_317 = arith.constant 48 : index
        %get3A_318 = tpu.vector_load %arg6[%get3A_315, %get3A_316, %get3A_317] {strides = array<i32>} : memref<2x200x128xbf16, #tpu.memory_space<vmem>>, vector<1x1x16xbf16>,
        %get3A_319 = vector.shape_cast %get3A_318 : vector<1x1x16xbf16> to vector<16xbf16>
        %convert_element_type3A_320 = arith.extf %get3A_319 : vector<16xbf16> to vector<16xf32>
        %add3A_321 = arith.addf %add3A_255, %convert_element_type3A_320 : vector<16xf32>
        %get3A_322 = arith.constant 1 : i32
        %get3A_323 = arith.index_cast %get3A_322 : i32 to index
        %get3A_324 = arith.index_cast %scan3A_289 : i32 to index
        %get3A_325 = arith.constant 64 : index
        %get3A_326 = tpu.vector_load %arg6[%get3A_323, %get3A_324, %get3A_325] {strides = array<i32>} : memref<2x200x128xbf16, #tpu.memory_space<vmem>>, vector<1x1x16xbf16>,
        %get3A_327 = vector.shape_cast %get3A_326 : vector<1x1x16xbf16> to vector<16xbf16>
        %convert_element_type3A_328 = arith.extf %get3A_327 : vector<16xbf16> to vector<16xf32>
        %add3A_329 = arith.addf %add3A_263, %convert_element_type3A_328 : vector<16xf32>
        %get3A_330 = arith.constant 1 : i32
        %get3A_331 = arith.index_cast %get3A_330 : i32 to index
        %get3A_332 = arith.index_cast %scan3A_289 : i32 to index
        %get3A_333 = arith.constant 80 : index
        %get3A_334 = tpu.vector_load %arg6[%get3A_331, %get3A_332, %get3A_333] {strides = array<i32>} : memref<2x200x128xbf16, #tpu.memory_space<vmem>>, vector<1x1x16xbf16>,
        %get3A_335 = vector.shape_cast %get3A_334 : vector<1x1x16xbf16> to vector<16xbf16>
        %convert_element_type3A_336 = arith.extf %get3A_335 : vector<16xbf16> to vector<16xf32>
        %add3A_337 = arith.addf %add3A_271, %convert_element_type3A_336 : vector<16xf32>
        %get3A_338 = arith.constant 1 : i32
        %get3A_339 = arith.index_cast %get3A_338 : i32 to index
        %get3A_340 = arith.index_cast %scan3A_289 : i32 to index
        %get3A_341 = arith.constant 96 : index
        %get3A_342 = tpu.vector_load %arg6[%get3A_339, %get3A_340, %get3A_341] {strides = array<i32>} : memref<2x200x128xbf16, #tpu.memory_space<vmem>>, vector<1x1x16xbf16>,
        %get3A_343 = vector.shape_cast %get3A_342 : vector<1x1x16xbf16> to vector<16xbf16>
        %convert_element_type3A_344 = arith.extf %get3A_343 : vector<16xbf16> to vector<16xf32>
        %add3A_345 = arith.addf %add3A_279, %convert_element_type3A_344 : vector<16xf32>
        %get3A_346 = arith.constant 1 : i32
        %get3A_347 = arith.index_cast %get3A_346 : i32 to index
        %get3A_348 = arith.index_cast %scan3A_289 : i32 to index
        %get3A_349 = arith.constant 112 : index
        %get3A_350 = tpu.vector_load %arg6[%get3A_347, %get3A_348, %get3A_349] {strides = array<i32>} : memref<2x200x128xbf16, #tpu.memory_space<vmem>>, vector<1x1x16xbf16>,
        %get3A_351 = vector.shape_cast %get3A_350 : vector<1x1x16xbf16> to vector<16xbf16>
        %convert_element_type3A_352 = arith.extf %get3A_351 : vector<16xbf16> to vector<16xf32>
        %add3A_353 = arith.addf %add3A_287, %convert_element_type3A_352 : vector<16xf32>
        %scan3A_354 = arith.constant 2 : i32
        %scan3A_355 = arith.addi %scan3A_216, %scan3A_354 : i32
        %get3A_356 = arith.constant 1 : i32
        %get3A_357 = arith.index_cast %get3A_356 : i32 to index
        %get3A_358 = arith.index_cast %scan3A_355 : i32 to index
        %get3A_359 = arith.constant 0 : index
        %get3A_360 = tpu.vector_load %arg6[%get3A_357, %get3A_358, %get3A_359] {strides = array<i32>} : memref<2x200x128xbf16, #tpu.memory_space<vmem>>, vector<1x1x16xbf16>,
        %get3A_361 = vector.shape_cast %get3A_360 : vector<1x1x16xbf16> to vector<16xbf16>
        %convert_element_type3A_362 = arith.extf %get3A_361 : vector<16xbf16> to vector<16xf32>
        %add3A_363 = arith.addf %add3A_297, %convert_element_type3A_362 : vector<16xf32>
        %get3A_364 = arith.constant 1 : i32
        %get3A_365 = arith.index_cast %get3A_364 : i32 to index
        %get3A_366 = arith.index_cast %scan3A_355 : i32 to index
        %get3A_367 = arith.constant 16 : index
        %get3A_368 = tpu.vector_load %arg6[%get3A_365, %get3A_366, %get3A_367] {strides = array<i32>} : memref<2x200x128xbf16, #tpu.memory_space<vmem>>, vector<1x1x16xbf16>,
        %get3A_369 = vector.shape_cast %get3A_368 : vector<1x1x16xbf16> to vector<16xbf16>
        %convert_element_type3A_370 = arith.extf %get3A_369 : vector<16xbf16> to vector<16xf32>
        %add3A_371 = arith.addf %add3A_305, %convert_element_type3A_370 : vector<16xf32>
        %get3A_372 = arith.constant 1 : i32
        %get3A_373 = arith.index_cast %get3A_372 : i32 to index
        %get3A_374 = arith.index_cast %scan3A_355 : i32 to index
        %get3A_375 = arith.constant 32 : index
        %get3A_376 = tpu.vector_load %arg6[%get3A_373, %get3A_374, %get3A_375] {strides = array<i32>} : memref<2x200x128xbf16, #tpu.memory_space<vmem>>, vector<1x1x16xbf16>,
        %get3A_377 = vector.shape_cast %get3A_376 : vector<1x1x16xbf16> to vector<16xbf16>
        %convert_element_type3A_378 = arith.extf %get3A_377 : vector<16xbf16> to vector<16xf32>
        %add3A_379 = arith.addf %add3A_313, %convert_element_type3A_378 : vector<16xf32>
        %get3A_380 = arith.constant 1 : i32
        %get3A_381 = arith.index_cast %get3A_380 : i32 to index
        %get3A_382 = arith.index_cast %scan3A_355 : i32 to index
        %get3A_383 = arith.constant 48 : index
        %get3A_384 = tpu.vector_load %arg6[%get3A_381, %get3A_382, %get3A_383] {strides = array<i32>} : memref<2x200x128xbf16, #tpu.memory_space<vmem>>, vector<1x1x16xbf16>,
        %get3A_385 = vector.shape_cast %get3A_384 : vector<1x1x16xbf16> to vector<16xbf16>
        %convert_element_type3A_386 = arith.extf %get3A_385 : vector<16xbf16> to vector<16xf32>
        %add3A_387 = arith.addf %add3A_321, %convert_element_type3A_386 : vector<16xf32>
        %get3A_388 = arith.constant 1 : i32
        %get3A_389 = arith.index_cast %get3A_388 : i32 to index
        %get3A_390 = arith.index_cast %scan3A_355 : i32 to index
        %get3A_391 = arith.constant 64 : index
        %get3A_392 = tpu.vector_load %arg6[%get3A_389, %get3A_390, %get3A_391] {strides = array<i32>} : memref<2x200x128xbf16, #tpu.memory_space<vmem>>, vector<1x1x16xbf16>,
        %get3A_393 = vector.shape_cast %get3A_392 : vector<1x1x16xbf16> to vector<16xbf16>
        %convert_element_type3A_394 = arith.extf %get3A_393 : vector<16xbf16> to vector<16xf32>
        %add3A_395 = arith.addf %add3A_329, %convert_element_type3A_394 : vector<16xf32>
        %get3A_396 = arith.constant 1 : i32
        %get3A_397 = arith.index_cast %get3A_396 : i32 to index
        %get3A_398 = arith.index_cast %scan3A_355 : i32 to index
        %get3A_399 = arith.constant 80 : index
        %get3A_400 = tpu.vector_load %arg6[%get3A_397, %get3A_398, %get3A_399] {strides = array<i32>} : memref<2x200x128xbf16, #tpu.memory_space<vmem>>, vector<1x1x16xbf16>,
        %get3A_401 = vector.shape_cast %get3A_400 : vector<1x1x16xbf16> to vector<16xbf16>
        %convert_element_type3A_402 = arith.extf %get3A_401 : vector<16xbf16> to vector<16xf32>
        %add3A_403 = arith.addf %add3A_337, %convert_element_type3A_402 : vector<16xf32>
        %get3A_404 = arith.constant 1 : i32
        %get3A_405 = arith.index_cast %get3A_404 : i32 to index
        %get3A_406 = arith.index_cast %scan3A_355 : i32 to index
        %get3A_407 = arith.constant 96 : index
        %get3A_408 = tpu.vector_load %arg6[%get3A_405, %get3A_406, %get3A_407] {strides = array<i32>} : memref<2x200x128xbf16, #tpu.memory_space<vmem>>, vector<1x1x16xbf16>,
        %get3A_409 = vector.shape_cast %get3A_408 : vector<1x1x16xbf16> to vector<16xbf16>
        %convert_element_type3A_410 = arith.extf %get3A_409 : vector<16xbf16> to vector<16xf32>
        %add3A_411 = arith.addf %add3A_345, %convert_element_type3A_410 : vector<16xf32>
        %get3A_412 = arith.constant 1 : i32
        %get3A_413 = arith.index_cast %get3A_412 : i32 to index
        %get3A_414 = arith.index_cast %scan3A_355 : i32 to index
        %get3A_415 = arith.constant 112 : index
        %get3A_416 = tpu.vector_load %arg6[%get3A_413, %get3A_414, %get3A_415] {strides = array<i32>} : memref<2x200x128xbf16, #tpu.memory_space<vmem>>, vector<1x1x16xbf16>,
        %get3A_417 = vector.shape_cast %get3A_416 : vector<1x1x16xbf16> to vector<16xbf16>
        %convert_element_type3A_418 = arith.extf %get3A_417 : vector<16xbf16> to vector<16xf32>
        %add3A_419 = arith.addf %add3A_353, %convert_element_type3A_418 : vector<16xf32>
        %scan3A_420 = arith.constant 3 : i32
        %scan3A_421 = arith.addi %scan3A_216, %scan3A_420 : i32
        %get3A_422 = arith.constant 1 : i32
        %get3A_423 = arith.index_cast %get3A_422 : i32 to index
        %get3A_424 = arith.index_cast %scan3A_421 : i32 to index
        %get3A_425 = arith.constant 0 : index
        %get3A_426 = tpu.vector_load %arg6[%get3A_423, %get3A_424, %get3A_425] {strides = array<i32>} : memref<2x200x128xbf16, #tpu.memory_space<vmem>>, vector<1x1x16xbf16>,
        %get3A_427 = vector.shape_cast %get3A_426 : vector<1x1x16xbf16> to vector<16xbf16>
        %convert_element_type3A_428 = arith.extf %get3A_427 : vector<16xbf16> to vector<16xf32>
        %add3A_429 = arith.addf %add3A_363, %convert_element_type3A_428 : vector<16xf32>
        %get3A_430 = arith.constant 1 : i32
        %get3A_431 = arith.index_cast %get3A_430 : i32 to index
        %get3A_432 = arith.index_cast %scan3A_421 : i32 to index
        %get3A_433 = arith.constant 16 : index
        %get3A_434 = tpu.vector_load %arg6[%get3A_431, %get3A_432, %get3A_433] {strides = array<i32>} : memref<2x200x128xbf16, #tpu.memory_space<vmem>>, vector<1x1x16xbf16>,
        %get3A_435 = vector.shape_cast %get3A_434 : vector<1x1x16xbf16> to vector<16xbf16>
        %convert_element_type3A_436 = arith.extf %get3A_435 : vector<16xbf16> to vector<16xf32>
        %add3A_437 = arith.addf %add3A_371, %convert_element_type3A_436 : vector<16xf32>
        %get3A_438 = arith.constant 1 : i32
        %get3A_439 = arith.index_cast %get3A_438 : i32 to index
        %get3A_440 = arith.index_cast %scan3A_421 : i32 to index
        %get3A_441 = arith.constant 32 : index
        %get3A_442 = tpu.vector_load %arg6[%get3A_439, %get3A_440, %get3A_441] {strides = array<i32>} : memref<2x200x128xbf16, #tpu.memory_space<vmem>>, vector<1x1x16xbf16>,
        %get3A_443 = vector.shape_cast %get3A_442 : vector<1x1x16xbf16> to vector<16xbf16>
        %convert_element_type3A_444 = arith.extf %get3A_443 : vector<16xbf16> to vector<16xf32>
        %add3A_445 = arith.addf %add3A_379, %convert_element_type3A_444 : vector<16xf32>
        %get3A_446 = arith.constant 1 : i32
        %get3A_447 = arith.index_cast %get3A_446 : i32 to index
        %get3A_448 = arith.index_cast %scan3A_421 : i32 to index
        %get3A_449 = arith.constant 48 : index
        %get3A_450 = tpu.vector_load %arg6[%get3A_447, %get3A_448, %get3A_449] {strides = array<i32>} : memref<2x200x128xbf16, #tpu.memory_space<vmem>>, vector<1x1x16xbf16>,
        %get3A_451 = vector.shape_cast %get3A_450 : vector<1x1x16xbf16> to vector<16xbf16>
        %convert_element_type3A_452 = arith.extf %get3A_451 : vector<16xbf16> to vector<16xf32>
        %add3A_453 = arith.addf %add3A_387, %convert_element_type3A_452 : vector<16xf32>
        %get3A_454 = arith.constant 1 : i32
        %get3A_455 = arith.index_cast %get3A_454 : i32 to index
        %get3A_456 = arith.index_cast %scan3A_421 : i32 to index
        %get3A_457 = arith.constant 64 : index
        %get3A_458 = tpu.vector_load %arg6[%get3A_455, %get3A_456, %get3A_457] {strides = array<i32>} : memref<2x200x128xbf16, #tpu.memory_space<vmem>>, vector<1x1x16xbf16>,
        %get3A_459 = vector.shape_cast %get3A_458 : vector<1x1x16xbf16> to vector<16xbf16>
        %convert_element_type3A_460 = arith.extf %get3A_459 : vector<16xbf16> to vector<16xf32>
        %add3A_461 = arith.addf %add3A_395, %convert_element_type3A_460 : vector<16xf32>
        %get3A_462 = arith.constant 1 : i32
        %get3A_463 = arith.index_cast %get3A_462 : i32 to index
        %get3A_464 = arith.index_cast %scan3A_421 : i32 to index
        %get3A_465 = arith.constant 80 : index
        %get3A_466 = tpu.vector_load %arg6[%get3A_463, %get3A_464, %get3A_465] {strides = array<i32>} : memref<2x200x128xbf16, #tpu.memory_space<vmem>>, vector<1x1x16xbf16>,
        %get3A_467 = vector.shape_cast %get3A_466 : vector<1x1x16xbf16> to vector<16xbf16>
        %convert_element_type3A_468 = arith.extf %get3A_467 : vector<16xbf16> to vector<16xf32>
        %add3A_469 = arith.addf %add3A_403, %convert_element_type3A_468 : vector<16xf32>
        %get3A_470 = arith.constant 1 : i32
        %get3A_471 = arith.index_cast %get3A_470 : i32 to index
        %get3A_472 = arith.index_cast %scan3A_421 : i32 to index
        %get3A_473 = arith.constant 96 : index
        %get3A_474 = tpu.vector_load %arg6[%get3A_471, %get3A_472, %get3A_473] {strides = array<i32>} : memref<2x200x128xbf16, #tpu.memory_space<vmem>>, vector<1x1x16xbf16>,
        %get3A_475 = vector.shape_cast %get3A_474 : vector<1x1x16xbf16> to vector<16xbf16>
        %convert_element_type3A_476 = arith.extf %get3A_475 : vector<16xbf16> to vector<16xf32>
        %add3A_477 = arith.addf %add3A_411, %convert_element_type3A_476 : vector<16xf32>
        %get3A_478 = arith.constant 1 : i32
        %get3A_479 = arith.index_cast %get3A_478 : i32 to index
        %get3A_480 = arith.index_cast %scan3A_421 : i32 to index
        %get3A_481 = arith.constant 112 : index
        %get3A_482 = tpu.vector_load %arg6[%get3A_479, %get3A_480, %get3A_481] {strides = array<i32>} : memref<2x200x128xbf16, #tpu.memory_space<vmem>>, vector<1x1x16xbf16>,
        %get3A_483 = vector.shape_cast %get3A_482 : vector<1x1x16xbf16> to vector<16xbf16>
        %convert_element_type3A_484 = arith.extf %get3A_483 : vector<16xbf16> to vector<16xf32>
        %add3A_485 = arith.addf %add3A_419, %convert_element_type3A_484 : vector<16xf32>
        %scan3A_486 = arith.constant 4 : i32
        %scan3A_487 = arith.addi %scan3A_216, %scan3A_486 : i32
        %get3A_488 = arith.constant 1 : i32
        %get3A_489 = arith.index_cast %get3A_488 : i32 to index
        %get3A_490 = arith.index_cast %scan3A_487 : i32 to index
        %get3A_491 = arith.constant 0 : index
        %get3A_492 = tpu.vector_load %arg6[%get3A_489, %get3A_490, %get3A_491] {strides = array<i32>} : memref<2x200x128xbf16, #tpu.memory_space<vmem>>, vector<1x1x16xbf16>,
        %get3A_493 = vector.shape_cast %get3A_492 : vector<1x1x16xbf16> to vector<16xbf16>
        %convert_element_type3A_494 = arith.extf %get3A_493 : vector<16xbf16> to vector<16xf32>
        %add3A_495 = arith.addf %add3A_429, %convert_element_type3A_494 : vector<16xf32>
        %get3A_496 = arith.constant 1 : i32
        %get3A_497 = arith.index_cast %get3A_496 : i32 to index
        %get3A_498 = arith.index_cast %scan3A_487 : i32 to index
        %get3A_499 = arith.constant 16 : index
        %get3A_500 = tpu.vector_load %arg6[%get3A_497, %get3A_498, %get3A_499] {strides = array<i32>} : memref<2x200x128xbf16, #tpu.memory_space<vmem>>, vector<1x1x16xbf16>,
        %get3A_501 = vector.shape_cast %get3A_500 : vector<1x1x16xbf16> to vector<16xbf16>
        %convert_element_type3A_502 = arith.extf %get3A_501 : vector<16xbf16> to vector<16xf32>
        %add3A_503 = arith.addf %add3A_437, %convert_element_type3A_502 : vector<16xf32>
        %get3A_504 = arith.constant 1 : i32
        %get3A_505 = arith.index_cast %get3A_504 : i32 to index
        %get3A_506 = arith.index_cast %scan3A_487 : i32 to index
        %get3A_507 = arith.constant 32 : index
        %get3A_508 = tpu.vector_load %arg6[%get3A_505, %get3A_506, %get3A_507] {strides = array<i32>} : memref<2x200x128xbf16, #tpu.memory_space<vmem>>, vector<1x1x16xbf16>,
        %get3A_509 = vector.shape_cast %get3A_508 : vector<1x1x16xbf16> to vector<16xbf16>
        %convert_element_type3A_510 = arith.extf %get3A_509 : vector<16xbf16> to vector<16xf32>
        %add3A_511 = arith.addf %add3A_445, %convert_element_type3A_510 : vector<16xf32>
        %get3A_512 = arith.constant 1 : i32
        %get3A_513 = arith.index_cast %get3A_512 : i32 to index
        %get3A_514 = arith.index_cast %scan3A_487 : i32 to index
        %get3A_515 = arith.constant 48 : index
        %get3A_516 = tpu.vector_load %arg6[%get3A_513, %get3A_514, %get3A_515] {strides = array<i32>} : memref<2x200x128xbf16, #tpu.memory_space<vmem>>, vector<1x1x16xbf16>,
        %get3A_517 = vector.shape_cast %get3A_516 : vector<1x1x16xbf16> to vector<16xbf16>
        %convert_element_type3A_518 = arith.extf %get3A_517 : vector<16xbf16> to vector<16xf32>
        %add3A_519 = arith.addf %add3A_453, %convert_element_type3A_518 : vector<16xf32>
        %get3A_520 = arith.constant 1 : i32
        %get3A_521 = arith.index_cast %get3A_520 : i32 to index
        %get3A_522 = arith.index_cast %scan3A_487 : i32 to index
        %get3A_523 = arith.constant 64 : index
        %get3A_524 = tpu.vector_load %arg6[%get3A_521, %get3A_522, %get3A_523] {strides = array<i32>} : memref<2x200x128xbf16, #tpu.memory_space<vmem>>, vector<1x1x16xbf16>,
        %get3A_525 = vector.shape_cast %get3A_524 : vector<1x1x16xbf16> to vector<16xbf16>
        %convert_element_type3A_526 = arith.extf %get3A_525 : vector<16xbf16> to vector<16xf32>
        %add3A_527 = arith.addf %add3A_461, %convert_element_type3A_526 : vector<16xf32>
        %get3A_528 = arith.constant 1 : i32
        %get3A_529 = arith.index_cast %get3A_528 : i32 to index
        %get3A_530 = arith.index_cast %scan3A_487 : i32 to index
        %get3A_531 = arith.constant 80 : index
        %get3A_532 = tpu.vector_load %arg6[%get3A_529, %get3A_530, %get3A_531] {strides = array<i32>} : memref<2x200x128xbf16, #tpu.memory_space<vmem>>, vector<1x1x16xbf16>,
        %get3A_533 = vector.shape_cast %get3A_532 : vector<1x1x16xbf16> to vector<16xbf16>
        %convert_element_type3A_534 = arith.extf %get3A_533 : vector<16xbf16> to vector<16xf32>
        %add3A_535 = arith.addf %add3A_469, %convert_element_type3A_534 : vector<16xf32>
        %get3A_536 = arith.constant 1 : i32
        %get3A_537 = arith.index_cast %get3A_536 : i32 to index
        %get3A_538 = arith.index_cast %scan3A_487 : i32 to index
        %get3A_539 = arith.constant 96 : index
        %get3A_540 = tpu.vector_load %arg6[%get3A_537, %get3A_538, %get3A_539] {strides = array<i32>} : memref<2x200x128xbf16, #tpu.memory_space<vmem>>, vector<1x1x16xbf16>,
        %get3A_541 = vector.shape_cast %get3A_540 : vector<1x1x16xbf16> to vector<16xbf16>
        %convert_element_type3A_542 = arith.extf %get3A_541 : vector<16xbf16> to vector<16xf32>
        %add3A_543 = arith.addf %add3A_477, %convert_element_type3A_542 : vector<16xf32>
        %get3A_544 = arith.constant 1 : i32
        %get3A_545 = arith.index_cast %get3A_544 : i32 to index
        %get3A_546 = arith.index_cast %scan3A_487 : i32 to index
        %get3A_547 = arith.constant 112 : index
        %get3A_548 = tpu.vector_load %arg6[%get3A_545, %get3A_546, %get3A_547] {strides = array<i32>} : memref<2x200x128xbf16, #tpu.memory_space<vmem>>, vector<1x1x16xbf16>,
        %get3A_549 = vector.shape_cast %get3A_548 : vector<1x1x16xbf16> to vector<16xbf16>
        %convert_element_type3A_550 = arith.extf %get3A_549 : vector<16xbf16> to vector<16xf32>
        %add3A_551 = arith.addf %add3A_485, %convert_element_type3A_550 : vector<16xf32>
        %scan3A_552 = arith.constant 5 : i32
        %scan3A_553 = arith.addi %scan3A_216, %scan3A_552 : i32
        %get3A_554 = arith.constant 1 : i32
        %get3A_555 = arith.index_cast %get3A_554 : i32 to index
        %get3A_556 = arith.index_cast %scan3A_553 : i32 to index
        %get3A_557 = arith.constant 0 : index
        %get3A_558 = tpu.vector_load %arg6[%get3A_555, %get3A_556, %get3A_557] {strides = array<i32>} : memref<2x200x128xbf16, #tpu.memory_space<vmem>>, vector<1x1x16xbf16>,
        %get3A_559 = vector.shape_cast %get3A_558 : vector<1x1x16xbf16> to vector<16xbf16>
        %convert_element_type3A_560 = arith.extf %get3A_559 : vector<16xbf16> to vector<16xf32>
        %add3A_561 = arith.addf %add3A_495, %convert_element_type3A_560 : vector<16xf32>
        %get3A_562 = arith.constant 1 : i32
        %get3A_563 = arith.index_cast %get3A_562 : i32 to index
        %get3A_564 = arith.index_cast %scan3A_553 : i32 to index
        %get3A_565 = arith.constant 16 : index
        %get3A_566 = tpu.vector_load %arg6[%get3A_563, %get3A_564, %get3A_565] {strides = array<i32>} : memref<2x200x128xbf16, #tpu.memory_space<vmem>>, vector<1x1x16xbf16>,
        %get3A_567 = vector.shape_cast %get3A_566 : vector<1x1x16xbf16> to vector<16xbf16>
        %convert_element_type3A_568 = arith.extf %get3A_567 : vector<16xbf16> to vector<16xf32>
        %add3A_569 = arith.addf %add3A_503, %convert_element_type3A_568 : vector<16xf32>
        %get3A_570 = arith.constant 1 : i32
        %get3A_571 = arith.index_cast %get3A_570 : i32 to index
        %get3A_572 = arith.index_cast %scan3A_553 : i32 to index
        %get3A_573 = arith.constant 32 : index
        %get3A_574 = tpu.vector_load %arg6[%get3A_571, %get3A_572, %get3A_573] {strides = array<i32>} : memref<2x200x128xbf16, #tpu.memory_space<vmem>>, vector<1x1x16xbf16>,
        %get3A_575 = vector.shape_cast %get3A_574 : vector<1x1x16xbf16> to vector<16xbf16>
        %convert_element_type3A_576 = arith.extf %get3A_575 : vector<16xbf16> to vector<16xf32>
        %add3A_577 = arith.addf %add3A_511, %convert_element_type3A_576 : vector<16xf32>
        %get3A_578 = arith.constant 1 : i32
        %get3A_579 = arith.index_cast %get3A_578 : i32 to index
        %get3A_580 = arith.index_cast %scan3A_553 : i32 to index
        %get3A_581 = arith.constant 48 : index
        %get3A_582 = tpu.vector_load %arg6[%get3A_579, %get3A_580, %get3A_581] {strides = array<i32>} : memref<2x200x128xbf16, #tpu.memory_space<vmem>>, vector<1x1x16xbf16>,
        %get3A_583 = vector.shape_cast %get3A_582 : vector<1x1x16xbf16> to vector<16xbf16>
        %convert_element_type3A_584 = arith.extf %get3A_583 : vector<16xbf16> to vector<16xf32>
        %add3A_585 = arith.addf %add3A_519, %convert_element_type3A_584 : vector<16xf32>
        %get3A_586 = arith.constant 1 : i32
        %get3A_587 = arith.index_cast %get3A_586 : i32 to index
        %get3A_588 = arith.index_cast %scan3A_553 : i32 to index
        %get3A_589 = arith.constant 64 : index
        %get3A_590 = tpu.vector_load %arg6[%get3A_587, %get3A_588, %get3A_589] {strides = array<i32>} : memref<2x200x128xbf16, #tpu.memory_space<vmem>>, vector<1x1x16xbf16>,
        %get3A_591 = vector.shape_cast %get3A_590 : vector<1x1x16xbf16> to vector<16xbf16>
        %convert_element_type3A_592 = arith.extf %get3A_591 : vector<16xbf16> to vector<16xf32>
        %add3A_593 = arith.addf %add3A_527, %convert_element_type3A_592 : vector<16xf32>
        %get3A_594 = arith.constant 1 : i32
        %get3A_595 = arith.index_cast %get3A_594 : i32 to index
        %get3A_596 = arith.index_cast %scan3A_553 : i32 to index
        %get3A_597 = arith.constant 80 : index
        %get3A_598 = tpu.vector_load %arg6[%get3A_595, %get3A_596, %get3A_597] {strides = array<i32>} : memref<2x200x128xbf16, #tpu.memory_space<vmem>>, vector<1x1x16xbf16>,
        %get3A_599 = vector.shape_cast %get3A_598 : vector<1x1x16xbf16> to vector<16xbf16>
        %convert_element_type3A_600 = arith.extf %get3A_599 : vector<16xbf16> to vector<16xf32>
        %add3A_601 = arith.addf %add3A_535, %convert_element_type3A_600 : vector<16xf32>
        %get3A_602 = arith.constant 1 : i32
        %get3A_603 = arith.index_cast %get3A_602 : i32 to index
        %get3A_604 = arith.index_cast %scan3A_553 : i32 to index
        %get3A_605 = arith.constant 96 : index
        %get3A_606 = tpu.vector_load %arg6[%get3A_603, %get3A_604, %get3A_605] {strides = array<i32>} : memref<2x200x128xbf16, #tpu.memory_space<vmem>>, vector<1x1x16xbf16>,
        %get3A_607 = vector.shape_cast %get3A_606 : vector<1x1x16xbf16> to vector<16xbf16>
        %convert_element_type3A_608 = arith.extf %get3A_607 : vector<16xbf16> to vector<16xf32>
        %add3A_609 = arith.addf %add3A_543, %convert_element_type3A_608 : vector<16xf32>
        %get3A_610 = arith.constant 1 : i32
        %get3A_611 = arith.index_cast %get3A_610 : i32 to index
        %get3A_612 = arith.index_cast %scan3A_553 : i32 to index
        %get3A_613 = arith.constant 112 : index
        %get3A_614 = tpu.vector_load %arg6[%get3A_611, %get3A_612, %get3A_613] {strides = array<i32>} : memref<2x200x128xbf16, #tpu.memory_space<vmem>>, vector<1x1x16xbf16>,
        %get3A_615 = vector.shape_cast %get3A_614 : vector<1x1x16xbf16> to vector<16xbf16>
        %convert_element_type3A_616 = arith.extf %get3A_615 : vector<16xbf16> to vector<16xf32>
        %add3A_617 = arith.addf %add3A_551, %convert_element_type3A_616 : vector<16xf32>
        %scan3A_618 = arith.constant 6 : i32
        %scan3A_619 = arith.addi %scan3A_216, %scan3A_618 : i32
        %get3A_620 = arith.constant 1 : i32
        %get3A_621 = arith.index_cast %get3A_620 : i32 to index
        %get3A_622 = arith.index_cast %scan3A_619 : i32 to index
        %get3A_623 = arith.constant 0 : index
        %get3A_624 = tpu.vector_load %arg6[%get3A_621, %get3A_622, %get3A_623] {strides = array<i32>} : memref<2x200x128xbf16, #tpu.memory_space<vmem>>, vector<1x1x16xbf16>,
        %get3A_625 = vector.shape_cast %get3A_624 : vector<1x1x16xbf16> to vector<16xbf16>
        %convert_element_type3A_626 = arith.extf %get3A_625 : vector<16xbf16> to vector<16xf32>
        %add3A_627 = arith.addf %add3A_561, %convert_element_type3A_626 : vector<16xf32>
        %get3A_628 = arith.constant 1 : i32
        %get3A_629 = arith.index_cast %get3A_628 : i32 to index
        %get3A_630 = arith.index_cast %scan3A_619 : i32 to index
        %get3A_631 = arith.constant 16 : index
        %get3A_632 = tpu.vector_load %arg6[%get3A_629, %get3A_630, %get3A_631] {strides = array<i32>} : memref<2x200x128xbf16, #tpu.memory_space<vmem>>, vector<1x1x16xbf16>,
        %get3A_633 = vector.shape_cast %get3A_632 : vector<1x1x16xbf16> to vector<16xbf16>
        %convert_element_type3A_634 = arith.extf %get3A_633 : vector<16xbf16> to vector<16xf32>
        %add3A_635 = arith.addf %add3A_569, %convert_element_type3A_634 : vector<16xf32>
        %get3A_636 = arith.constant 1 : i32
        %get3A_637 = arith.index_cast %get3A_636 : i32 to index
        %get3A_638 = arith.index_cast %scan3A_619 : i32 to index
        %get3A_639 = arith.constant 32 : index
        %get3A_640 = tpu.vector_load %arg6[%get3A_637, %get3A_638, %get3A_639] {strides = array<i32>} : memref<2x200x128xbf16, #tpu.memory_space<vmem>>, vector<1x1x16xbf16>,
        %get3A_641 = vector.shape_cast %get3A_640 : vector<1x1x16xbf16> to vector<16xbf16>
        %convert_element_type3A_642 = arith.extf %get3A_641 : vector<16xbf16> to vector<16xf32>
        %add3A_643 = arith.addf %add3A_577, %convert_element_type3A_642 : vector<16xf32>
        %get3A_644 = arith.constant 1 : i32
        %get3A_645 = arith.index_cast %get3A_644 : i32 to index
        %get3A_646 = arith.index_cast %scan3A_619 : i32 to index
        %get3A_647 = arith.constant 48 : index
        %get3A_648 = tpu.vector_load %arg6[%get3A_645, %get3A_646, %get3A_647] {strides = array<i32>} : memref<2x200x128xbf16, #tpu.memory_space<vmem>>, vector<1x1x16xbf16>,
        %get3A_649 = vector.shape_cast %get3A_648 : vector<1x1x16xbf16> to vector<16xbf16>
        %convert_element_type3A_650 = arith.extf %get3A_649 : vector<16xbf16> to vector<16xf32>
        %add3A_651 = arith.addf %add3A_585, %convert_element_type3A_650 : vector<16xf32>
        %get3A_652 = arith.constant 1 : i32
        %get3A_653 = arith.index_cast %get3A_652 : i32 to index
        %get3A_654 = arith.index_cast %scan3A_619 : i32 to index
        %get3A_655 = arith.constant 64 : index
        %get3A_656 = tpu.vector_load %arg6[%get3A_653, %get3A_654, %get3A_655] {strides = array<i32>} : memref<2x200x128xbf16, #tpu.memory_space<vmem>>, vector<1x1x16xbf16>,
        %get3A_657 = vector.shape_cast %get3A_656 : vector<1x1x16xbf16> to vector<16xbf16>
        %convert_element_type3A_658 = arith.extf %get3A_657 : vector<16xbf16> to vector<16xf32>
        %add3A_659 = arith.addf %add3A_593, %convert_element_type3A_658 : vector<16xf32>
        %get3A_660 = arith.constant 1 : i32
        %get3A_661 = arith.index_cast %get3A_660 : i32 to index
        %get3A_662 = arith.index_cast %scan3A_619 : i32 to index
        %get3A_663 = arith.constant 80 : index
        %get3A_664 = tpu.vector_load %arg6[%get3A_661, %get3A_662, %get3A_663] {strides = array<i32>} : memref<2x200x128xbf16, #tpu.memory_space<vmem>>, vector<1x1x16xbf16>,
        %get3A_665 = vector.shape_cast %get3A_664 : vector<1x1x16xbf16> to vector<16xbf16>
        %convert_element_type3A_666 = arith.extf %get3A_665 : vector<16xbf16> to vector<16xf32>
        %add3A_667 = arith.addf %add3A_601, %convert_element_type3A_666 : vector<16xf32>
        %get3A_668 = arith.constant 1 : i32
        %get3A_669 = arith.index_cast %get3A_668 : i32 to index
        %get3A_670 = arith.index_cast %scan3A_619 : i32 to index
        %get3A_671 = arith.constant 96 : index
        %get3A_672 = tpu.vector_load %arg6[%get3A_669, %get3A_670, %get3A_671] {strides = array<i32>} : memref<2x200x128xbf16, #tpu.memory_space<vmem>>, vector<1x1x16xbf16>,
        %get3A_673 = vector.shape_cast %get3A_672 : vector<1x1x16xbf16> to vector<16xbf16>
        %convert_element_type3A_674 = arith.extf %get3A_673 : vector<16xbf16> to vector<16xf32>
        %add3A_675 = arith.addf %add3A_609, %convert_element_type3A_674 : vector<16xf32>
        %get3A_676 = arith.constant 1 : i32
        %get3A_677 = arith.index_cast %get3A_676 : i32 to index
        %get3A_678 = arith.index_cast %scan3A_619 : i32 to index
        %get3A_679 = arith.constant 112 : index
        %get3A_680 = tpu.vector_load %arg6[%get3A_677, %get3A_678, %get3A_679] {strides = array<i32>} : memref<2x200x128xbf16, #tpu.memory_space<vmem>>, vector<1x1x16xbf16>,
        %get3A_681 = vector.shape_cast %get3A_680 : vector<1x1x16xbf16> to vector<16xbf16>
        %convert_element_type3A_682 = arith.extf %get3A_681 : vector<16xbf16> to vector<16xf32>
        %add3A_683 = arith.addf %add3A_617, %convert_element_type3A_682 : vector<16xf32>
        %scan3A_684 = arith.constant 7 : i32
        %scan3A_685 = arith.addi %scan3A_216, %scan3A_684 : i32
        %get3A_686 = arith.constant 1 : i32
        %get3A_687 = arith.index_cast %get3A_686 : i32 to index
        %get3A_688 = arith.index_cast %scan3A_685 : i32 to index
        %get3A_689 = arith.constant 0 : index
        %get3A_690 = tpu.vector_load %arg6[%get3A_687, %get3A_688, %get3A_689] {strides = array<i32>} : memref<2x200x128xbf16, #tpu.memory_space<vmem>>, vector<1x1x16xbf16>,
        %get3A_691 = vector.shape_cast %get3A_690 : vector<1x1x16xbf16> to vector<16xbf16>
        %convert_element_type3A_692 = arith.extf %get3A_691 : vector<16xbf16> to vector<16xf32>
        %add3A_693 = arith.addf %add3A_627, %convert_element_type3A_692 : vector<16xf32>
        %get3A_694 = arith.constant 1 : i32
        %get3A_695 = arith.index_cast %get3A_694 : i32 to index
        %get3A_696 = arith.index_cast %scan3A_685 : i32 to index
        %get3A_697 = arith.constant 16 : index
        %get3A_698 = tpu.vector_load %arg6[%get3A_695, %get3A_696, %get3A_697] {strides = array<i32>} : memref<2x200x128xbf16, #tpu.memory_space<vmem>>, vector<1x1x16xbf16>,
        %get3A_699 = vector.shape_cast %get3A_698 : vector<1x1x16xbf16> to vector<16xbf16>
        %convert_element_type3A_700 = arith.extf %get3A_699 : vector<16xbf16> to vector<16xf32>
        %add3A_701 = arith.addf %add3A_635, %convert_element_type3A_700 : vector<16xf32>
        %get3A_702 = arith.constant 1 : i32
        %get3A_703 = arith.index_cast %get3A_702 : i32 to index
        %get3A_704 = arith.index_cast %scan3A_685 : i32 to index
        %get3A_705 = arith.constant 32 : index
        %get3A_706 = tpu.vector_load %arg6[%get3A_703, %get3A_704, %get3A_705] {strides = array<i32>} : memref<2x200x128xbf16, #tpu.memory_space<vmem>>, vector<1x1x16xbf16>,
        %get3A_707 = vector.shape_cast %get3A_706 : vector<1x1x16xbf16> to vector<16xbf16>
        %convert_element_type3A_708 = arith.extf %get3A_707 : vector<16xbf16> to vector<16xf32>
        %add3A_709 = arith.addf %add3A_643, %convert_element_type3A_708 : vector<16xf32>
        %get3A_710 = arith.constant 1 : i32
        %get3A_711 = arith.index_cast %get3A_710 : i32 to index
        %get3A_712 = arith.index_cast %scan3A_685 : i32 to index
        %get3A_713 = arith.constant 48 : index
        %get3A_714 = tpu.vector_load %arg6[%get3A_711, %get3A_712, %get3A_713] {strides = array<i32>} : memref<2x200x128xbf16, #tpu.memory_space<vmem>>, vector<1x1x16xbf16>,
        %get3A_715 = vector.shape_cast %get3A_714 : vector<1x1x16xbf16> to vector<16xbf16>
        %convert_element_type3A_716 = arith.extf %get3A_715 : vector<16xbf16> to vector<16xf32>
        %add3A_717 = arith.addf %add3A_651, %convert_element_type3A_716 : vector<16xf32>
        %get3A_718 = arith.constant 1 : i32
        %get3A_719 = arith.index_cast %get3A_718 : i32 to index
        %get3A_720 = arith.index_cast %scan3A_685 : i32 to index
        %get3A_721 = arith.constant 64 : index
        %get3A_722 = tpu.vector_load %arg6[%get3A_719, %get3A_720, %get3A_721] {strides = array<i32>} : memref<2x200x128xbf16, #tpu.memory_space<vmem>>, vector<1x1x16xbf16>,
        %get3A_723 = vector.shape_cast %get3A_722 : vector<1x1x16xbf16> to vector<16xbf16>
        %convert_element_type3A_724 = arith.extf %get3A_723 : vector<16xbf16> to vector<16xf32>
        %add3A_725 = arith.addf %add3A_659, %convert_element_type3A_724 : vector<16xf32>
        %get3A_726 = arith.constant 1 : i32
        %get3A_727 = arith.index_cast %get3A_726 : i32 to index
        %get3A_728 = arith.index_cast %scan3A_685 : i32 to index
        %get3A_729 = arith.constant 80 : index
        %get3A_730 = tpu.vector_load %arg6[%get3A_727, %get3A_728, %get3A_729] {strides = array<i32>} : memref<2x200x128xbf16, #tpu.memory_space<vmem>>, vector<1x1x16xbf16>,
        %get3A_731 = vector.shape_cast %get3A_730 : vector<1x1x16xbf16> to vector<16xbf16>
        %convert_element_type3A_732 = arith.extf %get3A_731 : vector<16xbf16> to vector<16xf32>
        %add3A_733 = arith.addf %add3A_667, %convert_element_type3A_732 : vector<16xf32>
        %get3A_734 = arith.constant 1 : i32
        %get3A_735 = arith.index_cast %get3A_734 : i32 to index
        %get3A_736 = arith.index_cast %scan3A_685 : i32 to index
        %get3A_737 = arith.constant 96 : index
        %get3A_738 = tpu.vector_load %arg6[%get3A_735, %get3A_736, %get3A_737] {strides = array<i32>} : memref<2x200x128xbf16, #tpu.memory_space<vmem>>, vector<1x1x16xbf16>,
        %get3A_739 = vector.shape_cast %get3A_738 : vector<1x1x16xbf16> to vector<16xbf16>
        %convert_element_type3A_740 = arith.extf %get3A_739 : vector<16xbf16> to vector<16xf32>
        %add3A_741 = arith.addf %add3A_675, %convert_element_type3A_740 : vector<16xf32>
        %get3A_742 = arith.constant 1 : i32
        %get3A_743 = arith.index_cast %get3A_742 : i32 to index
        %get3A_744 = arith.index_cast %scan3A_685 : i32 to index
        %get3A_745 = arith.constant 112 : index
        %get3A_746 = tpu.vector_load %arg6[%get3A_743, %get3A_744, %get3A_745] {strides = array<i32>} : memref<2x200x128xbf16, #tpu.memory_space<vmem>>, vector<1x1x16xbf16>,
        %get3A_747 = vector.shape_cast %get3A_746 : vector<1x1x16xbf16> to vector<16xbf16>
        %convert_element_type3A_748 = arith.extf %get3A_747 : vector<16xbf16> to vector<16xf32>
        %add3A_749 = arith.addf %add3A_683, %convert_element_type3A_748 : vector<16xf32>
        scf.yield %add3A_693, %add3A_701, %add3A_709, %add3A_717, %add3A_725, %add3A_733, %add3A_741, %add3A_749 : vector<16xf32>, vector<16xf32>, vector<16xf32>, vector<16xf32>, vector<16xf32>, vector<16xf32>, vector<16xf32>, vector<16xf32>
      }
      %scan3A_175 = arith.constant 200 : i32
      %swap3A_176 = arith.index_cast %add3A_153 : i32 to index
      %swap3A_177 = arith.constant 0 : index
      %swap3A_178 = tpu.vector_load %arg7[%swap3A_176, %swap3A_177] {strides = array<i32>} : memref<128x128xf32, #tpu.memory_space<vmem>>, vector<1x16xf32>,
      %swap3A_179 = vector.shape_cast %swap3A_178 : vector<1x16xf32> to vector<16xf32>
      %swap3A_180 = vector.shape_cast %scan3A_174#0 : vector<16xf32> to vector<1x16xf32>
      tpu.vector_store %arg7[%swap3A_176, %swap3A_177], %swap3A_180 {strides = array<i32>} : memref<128x128xf32, #tpu.memory_space<vmem>>, vector<1x16xf32>,
      %swap3A_181 = arith.index_cast %add3A_153 : i32 to index
      %swap3A_182 = arith.constant 16 : index
      %swap3A_183 = tpu.vector_load %arg7[%swap3A_181, %swap3A_182] {strides = array<i32>} : memref<128x128xf32, #tpu.memory_space<vmem>>, vector<1x16xf32>,
      %swap3A_184 = vector.shape_cast %swap3A_183 : vector<1x16xf32> to vector<16xf32>
      %swap3A_185 = vector.shape_cast %scan3A_174#1 : vector<16xf32> to vector<1x16xf32>
      tpu.vector_store %arg7[%swap3A_181, %swap3A_182], %swap3A_185 {strides = array<i32>} : memref<128x128xf32, #tpu.memory_space<vmem>>, vector<1x16xf32>,
      %swap3A_186 = arith.index_cast %add3A_153 : i32 to index
      %swap3A_187 = arith.constant 32 : index
      %swap3A_188 = tpu.vector_load %arg7[%swap3A_186, %swap3A_187] {strides = array<i32>} : memref<128x128xf32, #tpu.memory_space<vmem>>, vector<1x16xf32>,
      %swap3A_189 = vector.shape_cast %swap3A_188 : vector<1x16xf32> to vector<16xf32>
      %swap3A_190 = vector.shape_cast %scan3A_174#2 : vector<16xf32> to vector<1x16xf32>
      tpu.vector_store %arg7[%swap3A_186, %swap3A_187], %swap3A_190 {strides = array<i32>} : memref<128x128xf32, #tpu.memory_space<vmem>>, vector<1x16xf32>,
      %swap3A_191 = arith.index_cast %add3A_153 : i32 to index
      %swap3A_192 = arith.constant 48 : index
      %swap3A_193 = tpu.vector_load %arg7[%swap3A_191, %swap3A_192] {strides = array<i32>} : memref<128x128xf32, #tpu.memory_space<vmem>>, vector<1x16xf32>,
      %swap3A_194 = vector.shape_cast %swap3A_193 : vector<1x16xf32> to vector<16xf32>
      %swap3A_195 = vector.shape_cast %scan3A_174#3 : vector<16xf32> to vector<1x16xf32>
      tpu.vector_store %arg7[%swap3A_191, %swap3A_192], %swap3A_195 {strides = array<i32>} : memref<128x128xf32, #tpu.memory_space<vmem>>, vector<1x16xf32>,
      %swap3A_196 = arith.index_cast %add3A_153 : i32 to index
      %swap3A_197 = arith.constant 64 : index
      %swap3A_198 = tpu.vector_load %arg7[%swap3A_196, %swap3A_197] {strides = array<i32>} : memref<128x128xf32, #tpu.memory_space<vmem>>, vector<1x16xf32>,
      %swap3A_199 = vector.shape_cast %swap3A_198 : vector<1x16xf32> to vector<16xf32>
      %swap3A_200 = vector.shape_cast %scan3A_174#4 : vector<16xf32> to vector<1x16xf32>
      tpu.vector_store %arg7[%swap3A_196, %swap3A_197], %swap3A_200 {strides = array<i32>} : memref<128x128xf32, #tpu.memory_space<vmem>>, vector<1x16xf32>,
      %swap3A_201 = arith.index_cast %add3A_153 : i32 to index
      %swap3A_202 = arith.constant 80 : index
      %swap3A_203 = tpu.vector_load %arg7[%swap3A_201, %swap3A_202] {strides = array<i32>} : memref<128x128xf32, #tpu.memory_space<vmem>>, vector<1x16xf32>,
      %swap3A_204 = vector.shape_cast %swap3A_203 : vector<1x16xf32> to vector<16xf32>
      %swap3A_205 = vector.shape_cast %scan3A_174#5 : vector<16xf32> to vector<1x16xf32>
      tpu.vector_store %arg7[%swap3A_201, %swap3A_202], %swap3A_205 {strides = array<i32>} : memref<128x128xf32, #tpu.memory_space<vmem>>, vector<1x16xf32>,
      %swap3A_206 = arith.index_cast %add3A_153 : i32 to index
      %swap3A_207 = arith.constant 96 : index
      %swap3A_208 = tpu.vector_load %arg7[%swap3A_206, %swap3A_207] {strides = array<i32>} : memref<128x128xf32, #tpu.memory_space<vmem>>, vector<1x16xf32>,
      %swap3A_209 = vector.shape_cast %swap3A_208 : vector<1x16xf32> to vector<16xf32>
      %swap3A_210 = vector.shape_cast %scan3A_174#6 : vector<16xf32> to vector<1x16xf32>
      tpu.vector_store %arg7[%swap3A_206, %swap3A_207], %swap3A_210 {strides = array<i32>} : memref<128x128xf32, #tpu.memory_space<vmem>>, vector<1x16xf32>,
      %swap3A_211 = arith.index_cast %add3A_153 : i32 to index
      %swap3A_212 = arith.constant 112 : index
      %swap3A_213 = tpu.vector_load %arg7[%swap3A_211, %swap3A_212] {strides = array<i32>} : memref<128x128xf32, #tpu.memory_space<vmem>>, vector<1x16xf32>,
      %swap3A_214 = vector.shape_cast %swap3A_213 : vector<1x16xf32> to vector<16xf32>
      %swap3A_215 = vector.shape_cast %scan3A_174#7 : vector<16xf32> to vector<1x16xf32>
      tpu.vector_store %arg7[%swap3A_211, %swap3A_212], %swap3A_215 {strides = array<i32>} : memref<128x128xf32, #tpu.memory_space<vmem>>, vector<1x16xf32>,
    }
    %scan3A_29 = arith.constant 64 : i32
    "tpu.region"() ({
      %run_scoped3A = tpu.sem_alloc : memref<!tpu.dma_semaphore, #tpu.memory_space<semaphore_mem>>
      %dma_start3A_30 = arith.constant 0 : i32
      %dma_start3A_31 = tpu.memref_slice %arg4[%mul3A_2, %dma_start3A_30] : memref<4096x128xf32, #tpu.memory_space<hbm>> -> memref<128x128xf32, #tpu.memory_space<hbm>>
      %dma_start3A_32 = arith.constant 0 : i32
      %dma_start3A_33 = tpu.memref_slice %arg4[%mul3A_2, %dma_start3A_32] : memref<4096x128xf32, #tpu.memory_space<hbm>> -> memref<128x128xf32, #tpu.memory_space<hbm>>
      tpu.enqueue_dma source(%arg7 : memref<128x128xf32, #tpu.memory_space<vmem>>) target(%dma_start3A_33 : memref<128x128xf32, #tpu.memory_space<hbm>>) target_semaphore(%run_scoped3A : memref<!tpu.dma_semaphore, #tpu.memory_space<semaphore_mem>>)
      %dma_wait3A = arith.constant 0 : i32
      %dma_wait3A_34 = tpu.memref_slice %arg4[%mul3A_2, %dma_wait3A] : memref<4096x128xf32, #tpu.memory_space<hbm>> -> memref<128x128xf32, #tpu.memory_space<hbm>>
      %dma_wait3A_35 = arith.constant 0 : i32
      %dma_wait3A_36 = tpu.memref_slice %arg4[%mul3A_2, %dma_wait3A_35] : memref<4096x128xf32, #tpu.memory_space<hbm>> -> memref<128x128xf32, #tpu.memory_space<hbm>>
      tpu.wait_dma2 semaphore(%run_scoped3A : memref<!tpu.dma_semaphore, #tpu.memory_space<semaphore_mem>>) src(%arg7 : memref<128x128xf32, #tpu.memory_space<vmem>>) dst(%dma_wait3A_36 : memref<128x128xf32, #tpu.memory_space<hbm>>)
      tpu.yield
    }) : () -> ()
    return
  }
}

#map = affine_map<(d0, d1) -> (0, 0)>
module attributes {stable_mosaic.version = 14 : i64} {
  func.func @_cvt_body(%arg0: i32, %arg1: i32, %arg2: memref<100000x128xf32, #tpu.memory_space<hbm>>, %arg3: memref<100000x128xbf16, #tpu.memory_space<hbm>>, %arg4: memref<2x125x128xf32, #tpu.memory_space<vmem>>, %arg5: memref<2x125x128xbf16, #tpu.memory_space<vmem>>, %arg6: memref<!tpu.dma_semaphore, #tpu.memory_space<semaphore_mem>>, %arg7: memref<!tpu.dma_semaphore, #tpu.memory_space<semaphore_mem>>, %arg8: memref<!tpu.dma_semaphore, #tpu.memory_space<semaphore_mem>>, %arg9: memref<!tpu.dma_semaphore, #tpu.memory_space<semaphore_mem>>) attributes {dimension_semantics = [#tpu.dimension_semantics<core_parallel>, #tpu.dimension_semantics<subcore_parallel>], iteration_bounds = array<i64: 2, 16>, scalar_prefetch = 0 : i64, scratch_operands = 6 : i64, tpu.core_type = #tpu.core_type<sc_vector_subcore>, window_params = [{transform_indices = #map}, {transform_indices = #map}]} {
    %mul3A = arith.constant 2 : i32
    %mul3A_0 = arith.muli %arg1, %mul3A : i32
    %add3A = arith.addi %mul3A_0, %arg0 : i32
    %mul3A_1 = arith.constant 3125 : i32
    %mul3A_2 = arith.muli %add3A, %mul3A_1 : i32
    %add3A_3 = arith.constant 0 : i32
    %add3A_4 = arith.addi %mul3A_2, %add3A_3 : i32
    %dma_start3A = arith.constant 0 : i32
    %dma_start3A_5 = arith.constant 0 : i32
    %dma_start3A_6 = arith.constant 0 : i32
    %dma_start3A_7 = tpu.memref_slice %arg4[%dma_start3A, %dma_start3A_5, %dma_start3A_6] : memref<2x125x128xf32, #tpu.memory_space<vmem>> -> memref<1x125x128xf32, #tpu.memory_space<vmem>>
    %dma_start3A_8 = tpu.memref_squeeze %dma_start3A_7 : memref<1x125x128xf32, #tpu.memory_space<vmem>> -> memref<125x128xf32, #tpu.memory_space<vmem>>
    %dma_start3A_9 = arith.constant 0 : i32
    %dma_start3A_10 = tpu.memref_slice %arg2[%add3A_4, %dma_start3A_9] : memref<100000x128xf32, #tpu.memory_space<hbm>> -> memref<125x128xf32, #tpu.memory_space<hbm>>
    %dma_start3A_11 = arith.constant 0 : i32
    %dma_start3A_12 = arith.constant 0 : i32
    %dma_start3A_13 = tpu.memref_slice %arg4[%dma_start3A, %dma_start3A_11, %dma_start3A_12] : memref<2x125x128xf32, #tpu.memory_space<vmem>> -> memref<1x125x128xf32, #tpu.memory_space<vmem>>
    %dma_start3A_14 = tpu.memref_squeeze %dma_start3A_13 : memref<1x125x128xf32, #tpu.memory_space<vmem>> -> memref<125x128xf32, #tpu.memory_space<vmem>>
    %dma_start3A_15 = arith.constant 0 : i32
    %dma_start3A_16 = tpu.memref_slice %arg2[%add3A_4, %dma_start3A_15] : memref<100000x128xf32, #tpu.memory_space<hbm>> -> memref<125x128xf32, #tpu.memory_space<hbm>>
    tpu.enqueue_dma source(%dma_start3A_16 : memref<125x128xf32, #tpu.memory_space<hbm>>) target(%dma_start3A_14 : memref<125x128xf32, #tpu.memory_space<vmem>>) target_semaphore(%arg6 : memref<!tpu.dma_semaphore, #tpu.memory_space<semaphore_mem>>)
    %scan3A = arith.constant 0 : i32
    %scan3A_17 = arith.constant 13 : i32
    %scan3A_18 = arith.addi %scan3A, %scan3A_17 : i32
    %scan3A_19 = arith.constant 1 : i32
    scf.for %scan3A_50 = %scan3A to %scan3A_18 step %scan3A_19  : i32 {
      %mul3A_51 = arith.constant 2 : i32
      %mul3A_52 = arith.muli %scan3A_50, %mul3A_51 : i32
      %add3A_53 = arith.constant 0 : i32
      %add3A_54 = arith.addi %add3A_53, %mul3A_52 : i32
      %dma_wait3A_55 = arith.constant 0 : i32
      %dma_wait3A_56 = arith.constant 0 : i32
      %dma_wait3A_57 = arith.constant 0 : i32
      %dma_wait3A_58 = tpu.memref_slice %arg4[%dma_wait3A_55, %dma_wait3A_56, %dma_wait3A_57] : memref<2x125x128xf32, #tpu.memory_space<vmem>> -> memref<1x125x128xf32, #tpu.memory_space<vmem>>
      %dma_wait3A_59 = tpu.memref_squeeze %dma_wait3A_58 : memref<1x125x128xf32, #tpu.memory_space<vmem>> -> memref<125x128xf32, #tpu.memory_space<vmem>>
      %dma_wait3A_60 = arith.constant 0 : i32
      %dma_wait3A_61 = arith.constant 0 : i32
      %dma_wait3A_62 = tpu.memref_slice %arg2[%dma_wait3A_60, %dma_wait3A_61] : memref<100000x128xf32, #tpu.memory_space<hbm>> -> memref<125x128xf32, #tpu.memory_space<hbm>>
      %dma_wait3A_63 = arith.constant 0 : i32
      %dma_wait3A_64 = arith.constant 0 : i32
      %dma_wait3A_65 = tpu.memref_slice %arg4[%dma_wait3A_55, %dma_wait3A_63, %dma_wait3A_64] : memref<2x125x128xf32, #tpu.memory_space<vmem>> -> memref<1x125x128xf32, #tpu.memory_space<vmem>>
      %dma_wait3A_66 = tpu.memref_squeeze %dma_wait3A_65 : memref<1x125x128xf32, #tpu.memory_space<vmem>> -> memref<125x128xf32, #tpu.memory_space<vmem>>
      %dma_wait3A_67 = arith.constant 0 : i32
      %dma_wait3A_68 = arith.constant 0 : i32
      %dma_wait3A_69 = tpu.memref_slice %arg2[%dma_wait3A_67, %dma_wait3A_68] : memref<100000x128xf32, #tpu.memory_space<hbm>> -> memref<125x128xf32, #tpu.memory_space<hbm>>
      tpu.wait_dma2 semaphore(%arg6 : memref<!tpu.dma_semaphore, #tpu.memory_space<semaphore_mem>>) src(%dma_wait3A_69 : memref<125x128xf32, #tpu.memory_space<hbm>>) dst(%dma_wait3A_66 : memref<125x128xf32, #tpu.memory_space<vmem>>)
      %add3A_70 = arith.constant 1 : i32
      %add3A_71 = arith.addi %add3A_54, %add3A_70 : i32
      %lt3A = arith.constant 25 : i32
      %lt3A_72 = arith.cmpi slt, %add3A_71, %lt3A : i32
      %convert_element_type3A = arith.extui %lt3A_72 : i1 to i32
      %cond3A = arith.constant 0 : i32
      %cond3A_73 = arith.cmpi ne, %convert_element_type3A, %cond3A : i32
      scf.if %cond3A_73 {
        %add3A_107 = arith.constant 1 : i32
        %add3A_108 = arith.addi %add3A_54, %add3A_107 : i32
        %mul3A_109 = arith.constant 125 : i32
        %mul3A_110 = arith.muli %add3A_108, %mul3A_109 : i32
        %add3A_111 = arith.addi %mul3A_2, %mul3A_110 : i32
        %dma_start3A_112 = arith.constant 1 : i32
        %dma_start3A_113 = arith.constant 0 : i32
        %dma_start3A_114 = arith.constant 0 : i32
        %dma_start3A_115 = tpu.memref_slice %arg4[%dma_start3A_112, %dma_start3A_113, %dma_start3A_114] : memref<2x125x128xf32, #tpu.memory_space<vmem>> -> memref<1x125x128xf32, #tpu.memory_space<vmem>>
        %dma_start3A_116 = tpu.memref_squeeze %dma_start3A_115 : memref<1x125x128xf32, #tpu.memory_space<vmem>> -> memref<125x128xf32, #tpu.memory_space<vmem>>
        %dma_start3A_117 = arith.constant 0 : i32
        %dma_start3A_118 = tpu.memref_slice %arg2[%add3A_111, %dma_start3A_117] : memref<100000x128xf32, #tpu.memory_space<hbm>> -> memref<125x128xf32, #tpu.memory_space<hbm>>
        %dma_start3A_119 = arith.constant 0 : i32
        %dma_start3A_120 = arith.constant 0 : i32
        %dma_start3A_121 = tpu.memref_slice %arg4[%dma_start3A_112, %dma_start3A_119, %dma_start3A_120] : memref<2x125x128xf32, #tpu.memory_space<vmem>> -> memref<1x125x128xf32, #tpu.memory_space<vmem>>
        %dma_start3A_122 = tpu.memref_squeeze %dma_start3A_121 : memref<1x125x128xf32, #tpu.memory_space<vmem>> -> memref<125x128xf32, #tpu.memory_space<vmem>>
        %dma_start3A_123 = arith.constant 0 : i32
        %dma_start3A_124 = tpu.memref_slice %arg2[%add3A_111, %dma_start3A_123] : memref<100000x128xf32, #tpu.memory_space<hbm>> -> memref<125x128xf32, #tpu.memory_space<hbm>>
        tpu.enqueue_dma source(%dma_start3A_124 : memref<125x128xf32, #tpu.memory_space<hbm>>) target(%dma_start3A_122 : memref<125x128xf32, #tpu.memory_space<vmem>>) target_semaphore(%arg7 : memref<!tpu.dma_semaphore, #tpu.memory_space<semaphore_mem>>)
      } else {
      }
      %ge3A = arith.constant 2 : i32
      %ge3A_74 = arith.cmpi sge, %add3A_54, %ge3A : i32
      %convert_element_type3A_75 = arith.extui %ge3A_74 : i1 to i32
      %cond3A_76 = arith.constant 0 : i32
      %cond3A_77 = arith.cmpi ne, %convert_element_type3A_75, %cond3A_76 : i32
      scf.if %cond3A_77 {
        %dma_wait3A_107 = arith.constant 0 : i32
        %dma_wait3A_108 = arith.constant 0 : i32
        %dma_wait3A_109 = arith.constant 0 : i32
        %dma_wait3A_110 = tpu.memref_slice %arg5[%dma_wait3A_107, %dma_wait3A_108, %dma_wait3A_109] : memref<2x125x128xbf16, #tpu.memory_space<vmem>> -> memref<1x125x128xbf16, #tpu.memory_space<vmem>>
        %dma_wait3A_111 = tpu.memref_squeeze %dma_wait3A_110 : memref<1x125x128xbf16, #tpu.memory_space<vmem>> -> memref<125x128xbf16, #tpu.memory_space<vmem>>
        %dma_wait3A_112 = arith.constant 0 : i32
        %dma_wait3A_113 = arith.constant 0 : i32
        %dma_wait3A_114 = tpu.memref_slice %arg3[%dma_wait3A_112, %dma_wait3A_113] : memref<100000x128xbf16, #tpu.memory_space<hbm>> -> memref<125x128xbf16, #tpu.memory_space<hbm>>
        %dma_wait3A_115 = arith.constant 0 : i32
        %dma_wait3A_116 = arith.constant 0 : i32
        %dma_wait3A_117 = tpu.memref_slice %arg3[%dma_wait3A_115, %dma_wait3A_116] : memref<100000x128xbf16, #tpu.memory_space<hbm>> -> memref<125x128xbf16, #tpu.memory_space<hbm>>
        %dma_wait3A_118 = arith.constant 0 : i32
        %dma_wait3A_119 = arith.constant 0 : i32
        %dma_wait3A_120 = tpu.memref_slice %arg5[%dma_wait3A_107, %dma_wait3A_118, %dma_wait3A_119] : memref<2x125x128xbf16, #tpu.memory_space<vmem>> -> memref<1x125x128xbf16, #tpu.memory_space<vmem>>
        %dma_wait3A_121 = tpu.memref_squeeze %dma_wait3A_120 : memref<1x125x128xbf16, #tpu.memory_space<vmem>> -> memref<125x128xbf16, #tpu.memory_space<vmem>>
        tpu.wait_dma2 semaphore(%arg8 : memref<!tpu.dma_semaphore, #tpu.memory_space<semaphore_mem>>) src(%dma_wait3A_121 : memref<125x128xbf16, #tpu.memory_space<vmem>>) dst(%dma_wait3A_117 : memref<125x128xbf16, #tpu.memory_space<hbm>>)
      } else {
      }
      %scan3A_78 = arith.constant 0 : i32
      %scan3A_79 = arith.constant 0 : i32
      %scan3A_80 = arith.constant 125 : i32
      %scan3A_81 = arith.addi %scan3A_79, %scan3A_80 : i32
      %scan3A_82 = arith.constant 5 : i32
      scf.for %scan3A_107 = %scan3A_79 to %scan3A_81 step %scan3A_82  : i32 {
        %get3A = arith.constant 0 : i32
        %get3A_108 = arith.index_cast %get3A : i32 to index
        %get3A_109 = arith.index_cast %scan3A_107 : i32 to index
        %get3A_110 = arith.constant 0 : index
        %get3A_111 = tpu.vector_load %arg4[%get3A_108, %get3A_109, %get3A_110] {strides = array<i32>} : memref<2x125x128xf32, #tpu.memory_space<vmem>>, vector<1x1x16xf32>,
        %get3A_112 = vector.shape_cast %get3A_111 : vector<1x1x16xf32> to vector<16xf32>
        %convert_element_type3A_113 = arith.truncf %get3A_112 : vector<16xf32> to vector<16xbf16>
        %swap3A = arith.constant 0 : i32
        %swap3A_114 = arith.index_cast %swap3A : i32 to index
        %swap3A_115 = arith.index_cast %scan3A_107 : i32 to index
        %swap3A_116 = arith.constant 0 : index
        %swap3A_117 = tpu.vector_load %arg5[%swap3A_114, %swap3A_115, %swap3A_116] {strides = array<i32>} : memref<2x125x128xbf16, #tpu.memory_space<vmem>>, vector<1x1x16xbf16>,
        %swap3A_118 = vector.shape_cast %swap3A_117 : vector<1x1x16xbf16> to vector<16xbf16>
        %swap3A_119 = vector.shape_cast %convert_element_type3A_113 : vector<16xbf16> to vector<1x1x16xbf16>
        tpu.vector_store %arg5[%swap3A_114, %swap3A_115, %swap3A_116], %swap3A_119 {strides = array<i32>} : memref<2x125x128xbf16, #tpu.memory_space<vmem>>, vector<1x1x16xbf16>,
        %get3A_120 = arith.constant 0 : i32
        %get3A_121 = arith.index_cast %get3A_120 : i32 to index
        %get3A_122 = arith.index_cast %scan3A_107 : i32 to index
        %get3A_123 = arith.constant 16 : index
        %get3A_124 = tpu.vector_load %arg4[%get3A_121, %get3A_122, %get3A_123] {strides = array<i32>} : memref<2x125x128xf32, #tpu.memory_space<vmem>>, vector<1x1x16xf32>,
        %get3A_125 = vector.shape_cast %get3A_124 : vector<1x1x16xf32> to vector<16xf32>
        %convert_element_type3A_126 = arith.truncf %get3A_125 : vector<16xf32> to vector<16xbf16>
        %swap3A_127 = arith.constant 0 : i32
        %swap3A_128 = arith.index_cast %swap3A_127 : i32 to index
        %swap3A_129 = arith.index_cast %scan3A_107 : i32 to index
        %swap3A_130 = arith.constant 16 : index
        %swap3A_131 = tpu.vector_load %arg5[%swap3A_128, %swap3A_129, %swap3A_130] {strides = array<i32>} : memref<2x125x128xbf16, #tpu.memory_space<vmem>>, vector<1x1x16xbf16>,
        %swap3A_132 = vector.shape_cast %swap3A_131 : vector<1x1x16xbf16> to vector<16xbf16>
        %swap3A_133 = vector.shape_cast %convert_element_type3A_126 : vector<16xbf16> to vector<1x1x16xbf16>
        tpu.vector_store %arg5[%swap3A_128, %swap3A_129, %swap3A_130], %swap3A_133 {strides = array<i32>} : memref<2x125x128xbf16, #tpu.memory_space<vmem>>, vector<1x1x16xbf16>,
        %get3A_134 = arith.constant 0 : i32
        %get3A_135 = arith.index_cast %get3A_134 : i32 to index
        %get3A_136 = arith.index_cast %scan3A_107 : i32 to index
        %get3A_137 = arith.constant 32 : index
        %get3A_138 = tpu.vector_load %arg4[%get3A_135, %get3A_136, %get3A_137] {strides = array<i32>} : memref<2x125x128xf32, #tpu.memory_space<vmem>>, vector<1x1x16xf32>,
        %get3A_139 = vector.shape_cast %get3A_138 : vector<1x1x16xf32> to vector<16xf32>
        %convert_element_type3A_140 = arith.truncf %get3A_139 : vector<16xf32> to vector<16xbf16>
        %swap3A_141 = arith.constant 0 : i32
        %swap3A_142 = arith.index_cast %swap3A_141 : i32 to index
        %swap3A_143 = arith.index_cast %scan3A_107 : i32 to index
        %swap3A_144 = arith.constant 32 : index
        %swap3A_145 = tpu.vector_load %arg5[%swap3A_142, %swap3A_143, %swap3A_144] {strides = array<i32>} : memref<2x125x128xbf16, #tpu.memory_space<vmem>>, vector<1x1x16xbf16>,
        %swap3A_146 = vector.shape_cast %swap3A_145 : vector<1x1x16xbf16> to vector<16xbf16>
        %swap3A_147 = vector.shape_cast %convert_element_type3A_140 : vector<16xbf16> to vector<1x1x16xbf16>
        tpu.vector_store %arg5[%swap3A_142, %swap3A_143, %swap3A_144], %swap3A_147 {strides = array<i32>} : memref<2x125x128xbf16, #tpu.memory_space<vmem>>, vector<1x1x16xbf16>,
        %get3A_148 = arith.constant 0 : i32
        %get3A_149 = arith.index_cast %get3A_148 : i32 to index
        %get3A_150 = arith.index_cast %scan3A_107 : i32 to index
        %get3A_151 = arith.constant 48 : index
        %get3A_152 = tpu.vector_load %arg4[%get3A_149, %get3A_150, %get3A_151] {strides = array<i32>} : memref<2x125x128xf32, #tpu.memory_space<vmem>>, vector<1x1x16xf32>,
        %get3A_153 = vector.shape_cast %get3A_152 : vector<1x1x16xf32> to vector<16xf32>
        %convert_element_type3A_154 = arith.truncf %get3A_153 : vector<16xf32> to vector<16xbf16>
        %swap3A_155 = arith.constant 0 : i32
        %swap3A_156 = arith.index_cast %swap3A_155 : i32 to index
        %swap3A_157 = arith.index_cast %scan3A_107 : i32 to index
        %swap3A_158 = arith.constant 48 : index
        %swap3A_159 = tpu.vector_load %arg5[%swap3A_156, %swap3A_157, %swap3A_158] {strides = array<i32>} : memref<2x125x128xbf16, #tpu.memory_space<vmem>>, vector<1x1x16xbf16>,
        %swap3A_160 = vector.shape_cast %swap3A_159 : vector<1x1x16xbf16> to vector<16xbf16>
        %swap3A_161 = vector.shape_cast %convert_element_type3A_154 : vector<16xbf16> to vector<1x1x16xbf16>
        tpu.vector_store %arg5[%swap3A_156, %swap3A_157, %swap3A_158], %swap3A_161 {strides = array<i32>} : memref<2x125x128xbf16, #tpu.memory_space<vmem>>, vector<1x1x16xbf16>,
        %get3A_162 = arith.constant 0 : i32
        %get3A_163 = arith.index_cast %get3A_162 : i32 to index
        %get3A_164 = arith.index_cast %scan3A_107 : i32 to index
        %get3A_165 = arith.constant 64 : index
        %get3A_166 = tpu.vector_load %arg4[%get3A_163, %get3A_164, %get3A_165] {strides = array<i32>} : memref<2x125x128xf32, #tpu.memory_space<vmem>>, vector<1x1x16xf32>,
        %get3A_167 = vector.shape_cast %get3A_166 : vector<1x1x16xf32> to vector<16xf32>
        %convert_element_type3A_168 = arith.truncf %get3A_167 : vector<16xf32> to vector<16xbf16>
        %swap3A_169 = arith.constant 0 : i32
        %swap3A_170 = arith.index_cast %swap3A_169 : i32 to index
        %swap3A_171 = arith.index_cast %scan3A_107 : i32 to index
        %swap3A_172 = arith.constant 64 : index
        %swap3A_173 = tpu.vector_load %arg5[%swap3A_170, %swap3A_171, %swap3A_172] {strides = array<i32>} : memref<2x125x128xbf16, #tpu.memory_space<vmem>>, vector<1x1x16xbf16>,
        %swap3A_174 = vector.shape_cast %swap3A_173 : vector<1x1x16xbf16> to vector<16xbf16>
        %swap3A_175 = vector.shape_cast %convert_element_type3A_168 : vector<16xbf16> to vector<1x1x16xbf16>
        tpu.vector_store %arg5[%swap3A_170, %swap3A_171, %swap3A_172], %swap3A_175 {strides = array<i32>} : memref<2x125x128xbf16, #tpu.memory_space<vmem>>, vector<1x1x16xbf16>,
        %get3A_176 = arith.constant 0 : i32
        %get3A_177 = arith.index_cast %get3A_176 : i32 to index
        %get3A_178 = arith.index_cast %scan3A_107 : i32 to index
        %get3A_179 = arith.constant 80 : index
        %get3A_180 = tpu.vector_load %arg4[%get3A_177, %get3A_178, %get3A_179] {strides = array<i32>} : memref<2x125x128xf32, #tpu.memory_space<vmem>>, vector<1x1x16xf32>,
        %get3A_181 = vector.shape_cast %get3A_180 : vector<1x1x16xf32> to vector<16xf32>
        %convert_element_type3A_182 = arith.truncf %get3A_181 : vector<16xf32> to vector<16xbf16>
        %swap3A_183 = arith.constant 0 : i32
        %swap3A_184 = arith.index_cast %swap3A_183 : i32 to index
        %swap3A_185 = arith.index_cast %scan3A_107 : i32 to index
        %swap3A_186 = arith.constant 80 : index
        %swap3A_187 = tpu.vector_load %arg5[%swap3A_184, %swap3A_185, %swap3A_186] {strides = array<i32>} : memref<2x125x128xbf16, #tpu.memory_space<vmem>>, vector<1x1x16xbf16>,
        %swap3A_188 = vector.shape_cast %swap3A_187 : vector<1x1x16xbf16> to vector<16xbf16>
        %swap3A_189 = vector.shape_cast %convert_element_type3A_182 : vector<16xbf16> to vector<1x1x16xbf16>
        tpu.vector_store %arg5[%swap3A_184, %swap3A_185, %swap3A_186], %swap3A_189 {strides = array<i32>} : memref<2x125x128xbf16, #tpu.memory_space<vmem>>, vector<1x1x16xbf16>,
        %get3A_190 = arith.constant 0 : i32
        %get3A_191 = arith.index_cast %get3A_190 : i32 to index
        %get3A_192 = arith.index_cast %scan3A_107 : i32 to index
        %get3A_193 = arith.constant 96 : index
        %get3A_194 = tpu.vector_load %arg4[%get3A_191, %get3A_192, %get3A_193] {strides = array<i32>} : memref<2x125x128xf32, #tpu.memory_space<vmem>>, vector<1x1x16xf32>,
        %get3A_195 = vector.shape_cast %get3A_194 : vector<1x1x16xf32> to vector<16xf32>
        %convert_element_type3A_196 = arith.truncf %get3A_195 : vector<16xf32> to vector<16xbf16>
        %swap3A_197 = arith.constant 0 : i32
        %swap3A_198 = arith.index_cast %swap3A_197 : i32 to index
        %swap3A_199 = arith.index_cast %scan3A_107 : i32 to index
        %swap3A_200 = arith.constant 96 : index
        %swap3A_201 = tpu.vector_load %arg5[%swap3A_198, %swap3A_199, %swap3A_200] {strides = array<i32>} : memref<2x125x128xbf16, #tpu.memory_space<vmem>>, vector<1x1x16xbf16>,
        %swap3A_202 = vector.shape_cast %swap3A_201 : vector<1x1x16xbf16> to vector<16xbf16>
        %swap3A_203 = vector.shape_cast %convert_element_type3A_196 : vector<16xbf16> to vector<1x1x16xbf16>
        tpu.vector_store %arg5[%swap3A_198, %swap3A_199, %swap3A_200], %swap3A_203 {strides = array<i32>} : memref<2x125x128xbf16, #tpu.memory_space<vmem>>, vector<1x1x16xbf16>,
        %get3A_204 = arith.constant 0 : i32
        %get3A_205 = arith.index_cast %get3A_204 : i32 to index
        %get3A_206 = arith.index_cast %scan3A_107 : i32 to index
        %get3A_207 = arith.constant 112 : index
        %get3A_208 = tpu.vector_load %arg4[%get3A_205, %get3A_206, %get3A_207] {strides = array<i32>} : memref<2x125x128xf32, #tpu.memory_space<vmem>>, vector<1x1x16xf32>,
        %get3A_209 = vector.shape_cast %get3A_208 : vector<1x1x16xf32> to vector<16xf32>
        %convert_element_type3A_210 = arith.truncf %get3A_209 : vector<16xf32> to vector<16xbf16>
        %swap3A_211 = arith.constant 0 : i32
        %swap3A_212 = arith.index_cast %swap3A_211 : i32 to index
        %swap3A_213 = arith.index_cast %scan3A_107 : i32 to index
        %swap3A_214 = arith.constant 112 : index
        %swap3A_215 = tpu.vector_load %arg5[%swap3A_212, %swap3A_213, %swap3A_214] {strides = array<i32>} : memref<2x125x128xbf16, #tpu.memory_space<vmem>>, vector<1x1x16xbf16>,
        %swap3A_216 = vector.shape_cast %swap3A_215 : vector<1x1x16xbf16> to vector<16xbf16>
        %swap3A_217 = vector.shape_cast %convert_element_type3A_210 : vector<16xbf16> to vector<1x1x16xbf16>
        tpu.vector_store %arg5[%swap3A_212, %swap3A_213, %swap3A_214], %swap3A_217 {strides = array<i32>} : memref<2x125x128xbf16, #tpu.memory_space<vmem>>, vector<1x1x16xbf16>,
        %scan3A_218 = arith.constant 1 : i32
        %scan3A_219 = arith.addi %scan3A_107, %scan3A_218 : i32
        %get3A_220 = arith.constant 0 : i32
        %get3A_221 = arith.index_cast %get3A_220 : i32 to index
        %get3A_222 = arith.index_cast %scan3A_219 : i32 to index
        %get3A_223 = arith.constant 0 : index
        %get3A_224 = tpu.vector_load %arg4[%get3A_221, %get3A_222, %get3A_223] {strides = array<i32>} : memref<2x125x128xf32, #tpu.memory_space<vmem>>, vector<1x1x16xf32>,
        %get3A_225 = vector.shape_cast %get3A_224 : vector<1x1x16xf32> to vector<16xf32>
        %convert_element_type3A_226 = arith.truncf %get3A_225 : vector<16xf32> to vector<16xbf16>
        %swap3A_227 = arith.constant 0 : i32
        %swap3A_228 = arith.index_cast %swap3A_227 : i32 to index
        %swap3A_229 = arith.index_cast %scan3A_219 : i32 to index
        %swap3A_230 = arith.constant 0 : index
        %swap3A_231 = tpu.vector_load %arg5[%swap3A_228, %swap3A_229, %swap3A_230] {strides = array<i32>} : memref<2x125x128xbf16, #tpu.memory_space<vmem>>, vector<1x1x16xbf16>,
        %swap3A_232 = vector.shape_cast %swap3A_231 : vector<1x1x16xbf16> to vector<16xbf16>
        %swap3A_233 = vector.shape_cast %convert_element_type3A_226 : vector<16xbf16> to vector<1x1x16xbf16>
        tpu.vector_store %arg5[%swap3A_228, %swap3A_229, %swap3A_230], %swap3A_233 {strides = array<i32>} : memref<2x125x128xbf16, #tpu.memory_space<vmem>>, vector<1x1x16xbf16>,
        %get3A_234 = arith.constant 0 : i32
        %get3A_235 = arith.index_cast %get3A_234 : i32 to index
        %get3A_236 = arith.index_cast %scan3A_219 : i32 to index
        %get3A_237 = arith.constant 16 : index
        %get3A_238 = tpu.vector_load %arg4[%get3A_235, %get3A_236, %get3A_237] {strides = array<i32>} : memref<2x125x128xf32, #tpu.memory_space<vmem>>, vector<1x1x16xf32>,
        %get3A_239 = vector.shape_cast %get3A_238 : vector<1x1x16xf32> to vector<16xf32>
        %convert_element_type3A_240 = arith.truncf %get3A_239 : vector<16xf32> to vector<16xbf16>
        %swap3A_241 = arith.constant 0 : i32
        %swap3A_242 = arith.index_cast %swap3A_241 : i32 to index
        %swap3A_243 = arith.index_cast %scan3A_219 : i32 to index
        %swap3A_244 = arith.constant 16 : index
        %swap3A_245 = tpu.vector_load %arg5[%swap3A_242, %swap3A_243, %swap3A_244] {strides = array<i32>} : memref<2x125x128xbf16, #tpu.memory_space<vmem>>, vector<1x1x16xbf16>,
        %swap3A_246 = vector.shape_cast %swap3A_245 : vector<1x1x16xbf16> to vector<16xbf16>
        %swap3A_247 = vector.shape_cast %convert_element_type3A_240 : vector<16xbf16> to vector<1x1x16xbf16>
        tpu.vector_store %arg5[%swap3A_242, %swap3A_243, %swap3A_244], %swap3A_247 {strides = array<i32>} : memref<2x125x128xbf16, #tpu.memory_space<vmem>>, vector<1x1x16xbf16>,
        %get3A_248 = arith.constant 0 : i32
        %get3A_249 = arith.index_cast %get3A_248 : i32 to index
        %get3A_250 = arith.index_cast %scan3A_219 : i32 to index
        %get3A_251 = arith.constant 32 : index
        %get3A_252 = tpu.vector_load %arg4[%get3A_249, %get3A_250, %get3A_251] {strides = array<i32>} : memref<2x125x128xf32, #tpu.memory_space<vmem>>, vector<1x1x16xf32>,
        %get3A_253 = vector.shape_cast %get3A_252 : vector<1x1x16xf32> to vector<16xf32>
        %convert_element_type3A_254 = arith.truncf %get3A_253 : vector<16xf32> to vector<16xbf16>
        %swap3A_255 = arith.constant 0 : i32
        %swap3A_256 = arith.index_cast %swap3A_255 : i32 to index
        %swap3A_257 = arith.index_cast %scan3A_219 : i32 to index
        %swap3A_258 = arith.constant 32 : index
        %swap3A_259 = tpu.vector_load %arg5[%swap3A_256, %swap3A_257, %swap3A_258] {strides = array<i32>} : memref<2x125x128xbf16, #tpu.memory_space<vmem>>, vector<1x1x16xbf16>,
        %swap3A_260 = vector.shape_cast %swap3A_259 : vector<1x1x16xbf16> to vector<16xbf16>
        %swap3A_261 = vector.shape_cast %convert_element_type3A_254 : vector<16xbf16> to vector<1x1x16xbf16>
        tpu.vector_store %arg5[%swap3A_256, %swap3A_257, %swap3A_258], %swap3A_261 {strides = array<i32>} : memref<2x125x128xbf16, #tpu.memory_space<vmem>>, vector<1x1x16xbf16>,
        %get3A_262 = arith.constant 0 : i32
        %get3A_263 = arith.index_cast %get3A_262 : i32 to index
        %get3A_264 = arith.index_cast %scan3A_219 : i32 to index
        %get3A_265 = arith.constant 48 : index
        %get3A_266 = tpu.vector_load %arg4[%get3A_263, %get3A_264, %get3A_265] {strides = array<i32>} : memref<2x125x128xf32, #tpu.memory_space<vmem>>, vector<1x1x16xf32>,
        %get3A_267 = vector.shape_cast %get3A_266 : vector<1x1x16xf32> to vector<16xf32>
        %convert_element_type3A_268 = arith.truncf %get3A_267 : vector<16xf32> to vector<16xbf16>
        %swap3A_269 = arith.constant 0 : i32
        %swap3A_270 = arith.index_cast %swap3A_269 : i32 to index
        %swap3A_271 = arith.index_cast %scan3A_219 : i32 to index
        %swap3A_272 = arith.constant 48 : index
        %swap3A_273 = tpu.vector_load %arg5[%swap3A_270, %swap3A_271, %swap3A_272] {strides = array<i32>} : memref<2x125x128xbf16, #tpu.memory_space<vmem>>, vector<1x1x16xbf16>,
        %swap3A_274 = vector.shape_cast %swap3A_273 : vector<1x1x16xbf16> to vector<16xbf16>
        %swap3A_275 = vector.shape_cast %convert_element_type3A_268 : vector<16xbf16> to vector<1x1x16xbf16>
        tpu.vector_store %arg5[%swap3A_270, %swap3A_271, %swap3A_272], %swap3A_275 {strides = array<i32>} : memref<2x125x128xbf16, #tpu.memory_space<vmem>>, vector<1x1x16xbf16>,
        %get3A_276 = arith.constant 0 : i32
        %get3A_277 = arith.index_cast %get3A_276 : i32 to index
        %get3A_278 = arith.index_cast %scan3A_219 : i32 to index
        %get3A_279 = arith.constant 64 : index
        %get3A_280 = tpu.vector_load %arg4[%get3A_277, %get3A_278, %get3A_279] {strides = array<i32>} : memref<2x125x128xf32, #tpu.memory_space<vmem>>, vector<1x1x16xf32>,
        %get3A_281 = vector.shape_cast %get3A_280 : vector<1x1x16xf32> to vector<16xf32>
        %convert_element_type3A_282 = arith.truncf %get3A_281 : vector<16xf32> to vector<16xbf16>
        %swap3A_283 = arith.constant 0 : i32
        %swap3A_284 = arith.index_cast %swap3A_283 : i32 to index
        %swap3A_285 = arith.index_cast %scan3A_219 : i32 to index
        %swap3A_286 = arith.constant 64 : index
        %swap3A_287 = tpu.vector_load %arg5[%swap3A_284, %swap3A_285, %swap3A_286] {strides = array<i32>} : memref<2x125x128xbf16, #tpu.memory_space<vmem>>, vector<1x1x16xbf16>,
        %swap3A_288 = vector.shape_cast %swap3A_287 : vector<1x1x16xbf16> to vector<16xbf16>
        %swap3A_289 = vector.shape_cast %convert_element_type3A_282 : vector<16xbf16> to vector<1x1x16xbf16>
        tpu.vector_store %arg5[%swap3A_284, %swap3A_285, %swap3A_286], %swap3A_289 {strides = array<i32>} : memref<2x125x128xbf16, #tpu.memory_space<vmem>>, vector<1x1x16xbf16>,
        %get3A_290 = arith.constant 0 : i32
        %get3A_291 = arith.index_cast %get3A_290 : i32 to index
        %get3A_292 = arith.index_cast %scan3A_219 : i32 to index
        %get3A_293 = arith.constant 80 : index
        %get3A_294 = tpu.vector_load %arg4[%get3A_291, %get3A_292, %get3A_293] {strides = array<i32>} : memref<2x125x128xf32, #tpu.memory_space<vmem>>, vector<1x1x16xf32>,
        %get3A_295 = vector.shape_cast %get3A_294 : vector<1x1x16xf32> to vector<16xf32>
        %convert_element_type3A_296 = arith.truncf %get3A_295 : vector<16xf32> to vector<16xbf16>
        %swap3A_297 = arith.constant 0 : i32
        %swap3A_298 = arith.index_cast %swap3A_297 : i32 to index
        %swap3A_299 = arith.index_cast %scan3A_219 : i32 to index
        %swap3A_300 = arith.constant 80 : index
        %swap3A_301 = tpu.vector_load %arg5[%swap3A_298, %swap3A_299, %swap3A_300] {strides = array<i32>} : memref<2x125x128xbf16, #tpu.memory_space<vmem>>, vector<1x1x16xbf16>,
        %swap3A_302 = vector.shape_cast %swap3A_301 : vector<1x1x16xbf16> to vector<16xbf16>
        %swap3A_303 = vector.shape_cast %convert_element_type3A_296 : vector<16xbf16> to vector<1x1x16xbf16>
        tpu.vector_store %arg5[%swap3A_298, %swap3A_299, %swap3A_300], %swap3A_303 {strides = array<i32>} : memref<2x125x128xbf16, #tpu.memory_space<vmem>>, vector<1x1x16xbf16>,
        %get3A_304 = arith.constant 0 : i32
        %get3A_305 = arith.index_cast %get3A_304 : i32 to index
        %get3A_306 = arith.index_cast %scan3A_219 : i32 to index
        %get3A_307 = arith.constant 96 : index
        %get3A_308 = tpu.vector_load %arg4[%get3A_305, %get3A_306, %get3A_307] {strides = array<i32>} : memref<2x125x128xf32, #tpu.memory_space<vmem>>, vector<1x1x16xf32>,
        %get3A_309 = vector.shape_cast %get3A_308 : vector<1x1x16xf32> to vector<16xf32>
        %convert_element_type3A_310 = arith.truncf %get3A_309 : vector<16xf32> to vector<16xbf16>
        %swap3A_311 = arith.constant 0 : i32
        %swap3A_312 = arith.index_cast %swap3A_311 : i32 to index
        %swap3A_313 = arith.index_cast %scan3A_219 : i32 to index
        %swap3A_314 = arith.constant 96 : index
        %swap3A_315 = tpu.vector_load %arg5[%swap3A_312, %swap3A_313, %swap3A_314] {strides = array<i32>} : memref<2x125x128xbf16, #tpu.memory_space<vmem>>, vector<1x1x16xbf16>,
        %swap3A_316 = vector.shape_cast %swap3A_315 : vector<1x1x16xbf16> to vector<16xbf16>
        %swap3A_317 = vector.shape_cast %convert_element_type3A_310 : vector<16xbf16> to vector<1x1x16xbf16>
        tpu.vector_store %arg5[%swap3A_312, %swap3A_313, %swap3A_314], %swap3A_317 {strides = array<i32>} : memref<2x125x128xbf16, #tpu.memory_space<vmem>>, vector<1x1x16xbf16>,
        %get3A_318 = arith.constant 0 : i32
        %get3A_319 = arith.index_cast %get3A_318 : i32 to index
        %get3A_320 = arith.index_cast %scan3A_219 : i32 to index
        %get3A_321 = arith.constant 112 : index
        %get3A_322 = tpu.vector_load %arg4[%get3A_319, %get3A_320, %get3A_321] {strides = array<i32>} : memref<2x125x128xf32, #tpu.memory_space<vmem>>, vector<1x1x16xf32>,
        %get3A_323 = vector.shape_cast %get3A_322 : vector<1x1x16xf32> to vector<16xf32>
        %convert_element_type3A_324 = arith.truncf %get3A_323 : vector<16xf32> to vector<16xbf16>
        %swap3A_325 = arith.constant 0 : i32
        %swap3A_326 = arith.index_cast %swap3A_325 : i32 to index
        %swap3A_327 = arith.index_cast %scan3A_219 : i32 to index
        %swap3A_328 = arith.constant 112 : index
        %swap3A_329 = tpu.vector_load %arg5[%swap3A_326, %swap3A_327, %swap3A_328] {strides = array<i32>} : memref<2x125x128xbf16, #tpu.memory_space<vmem>>, vector<1x1x16xbf16>,
        %swap3A_330 = vector.shape_cast %swap3A_329 : vector<1x1x16xbf16> to vector<16xbf16>
        %swap3A_331 = vector.shape_cast %convert_element_type3A_324 : vector<16xbf16> to vector<1x1x16xbf16>
        tpu.vector_store %arg5[%swap3A_326, %swap3A_327, %swap3A_328], %swap3A_331 {strides = array<i32>} : memref<2x125x128xbf16, #tpu.memory_space<vmem>>, vector<1x1x16xbf16>,
        %scan3A_332 = arith.constant 2 : i32
        %scan3A_333 = arith.addi %scan3A_107, %scan3A_332 : i32
        %get3A_334 = arith.constant 0 : i32
        %get3A_335 = arith.index_cast %get3A_334 : i32 to index
        %get3A_336 = arith.index_cast %scan3A_333 : i32 to index
        %get3A_337 = arith.constant 0 : index
        %get3A_338 = tpu.vector_load %arg4[%get3A_335, %get3A_336, %get3A_337] {strides = array<i32>} : memref<2x125x128xf32, #tpu.memory_space<vmem>>, vector<1x1x16xf32>,
        %get3A_339 = vector.shape_cast %get3A_338 : vector<1x1x16xf32> to vector<16xf32>
        %convert_element_type3A_340 = arith.truncf %get3A_339 : vector<16xf32> to vector<16xbf16>
        %swap3A_341 = arith.constant 0 : i32
        %swap3A_342 = arith.index_cast %swap3A_341 : i32 to index
        %swap3A_343 = arith.index_cast %scan3A_333 : i32 to index
        %swap3A_344 = arith.constant 0 : index
        %swap3A_345 = tpu.vector_load %arg5[%swap3A_342, %swap3A_343, %swap3A_344] {strides = array<i32>} : memref<2x125x128xbf16, #tpu.memory_space<vmem>>, vector<1x1x16xbf16>,
        %swap3A_346 = vector.shape_cast %swap3A_345 : vector<1x1x16xbf16> to vector<16xbf16>
        %swap3A_347 = vector.shape_cast %convert_element_type3A_340 : vector<16xbf16> to vector<1x1x16xbf16>
        tpu.vector_store %arg5[%swap3A_342, %swap3A_343, %swap3A_344], %swap3A_347 {strides = array<i32>} : memref<2x125x128xbf16, #tpu.memory_space<vmem>>, vector<1x1x16xbf16>,
        %get3A_348 = arith.constant 0 : i32
        %get3A_349 = arith.index_cast %get3A_348 : i32 to index
        %get3A_350 = arith.index_cast %scan3A_333 : i32 to index
        %get3A_351 = arith.constant 16 : index
        %get3A_352 = tpu.vector_load %arg4[%get3A_349, %get3A_350, %get3A_351] {strides = array<i32>} : memref<2x125x128xf32, #tpu.memory_space<vmem>>, vector<1x1x16xf32>,
        %get3A_353 = vector.shape_cast %get3A_352 : vector<1x1x16xf32> to vector<16xf32>
        %convert_element_type3A_354 = arith.truncf %get3A_353 : vector<16xf32> to vector<16xbf16>
        %swap3A_355 = arith.constant 0 : i32
        %swap3A_356 = arith.index_cast %swap3A_355 : i32 to index
        %swap3A_357 = arith.index_cast %scan3A_333 : i32 to index
        %swap3A_358 = arith.constant 16 : index
        %swap3A_359 = tpu.vector_load %arg5[%swap3A_356, %swap3A_357, %swap3A_358] {strides = array<i32>} : memref<2x125x128xbf16, #tpu.memory_space<vmem>>, vector<1x1x16xbf16>,
        %swap3A_360 = vector.shape_cast %swap3A_359 : vector<1x1x16xbf16> to vector<16xbf16>
        %swap3A_361 = vector.shape_cast %convert_element_type3A_354 : vector<16xbf16> to vector<1x1x16xbf16>
        tpu.vector_store %arg5[%swap3A_356, %swap3A_357, %swap3A_358], %swap3A_361 {strides = array<i32>} : memref<2x125x128xbf16, #tpu.memory_space<vmem>>, vector<1x1x16xbf16>,
        %get3A_362 = arith.constant 0 : i32
        %get3A_363 = arith.index_cast %get3A_362 : i32 to index
        %get3A_364 = arith.index_cast %scan3A_333 : i32 to index
        %get3A_365 = arith.constant 32 : index
        %get3A_366 = tpu.vector_load %arg4[%get3A_363, %get3A_364, %get3A_365] {strides = array<i32>} : memref<2x125x128xf32, #tpu.memory_space<vmem>>, vector<1x1x16xf32>,
        %get3A_367 = vector.shape_cast %get3A_366 : vector<1x1x16xf32> to vector<16xf32>
        %convert_element_type3A_368 = arith.truncf %get3A_367 : vector<16xf32> to vector<16xbf16>
        %swap3A_369 = arith.constant 0 : i32
        %swap3A_370 = arith.index_cast %swap3A_369 : i32 to index
        %swap3A_371 = arith.index_cast %scan3A_333 : i32 to index
        %swap3A_372 = arith.constant 32 : index
        %swap3A_373 = tpu.vector_load %arg5[%swap3A_370, %swap3A_371, %swap3A_372] {strides = array<i32>} : memref<2x125x128xbf16, #tpu.memory_space<vmem>>, vector<1x1x16xbf16>,
        %swap3A_374 = vector.shape_cast %swap3A_373 : vector<1x1x16xbf16> to vector<16xbf16>
        %swap3A_375 = vector.shape_cast %convert_element_type3A_368 : vector<16xbf16> to vector<1x1x16xbf16>
        tpu.vector_store %arg5[%swap3A_370, %swap3A_371, %swap3A_372], %swap3A_375 {strides = array<i32>} : memref<2x125x128xbf16, #tpu.memory_space<vmem>>, vector<1x1x16xbf16>,
        %get3A_376 = arith.constant 0 : i32
        %get3A_377 = arith.index_cast %get3A_376 : i32 to index
        %get3A_378 = arith.index_cast %scan3A_333 : i32 to index
        %get3A_379 = arith.constant 48 : index
        %get3A_380 = tpu.vector_load %arg4[%get3A_377, %get3A_378, %get3A_379] {strides = array<i32>} : memref<2x125x128xf32, #tpu.memory_space<vmem>>, vector<1x1x16xf32>,
        %get3A_381 = vector.shape_cast %get3A_380 : vector<1x1x16xf32> to vector<16xf32>
        %convert_element_type3A_382 = arith.truncf %get3A_381 : vector<16xf32> to vector<16xbf16>
        %swap3A_383 = arith.constant 0 : i32
        %swap3A_384 = arith.index_cast %swap3A_383 : i32 to index
        %swap3A_385 = arith.index_cast %scan3A_333 : i32 to index
        %swap3A_386 = arith.constant 48 : index
        %swap3A_387 = tpu.vector_load %arg5[%swap3A_384, %swap3A_385, %swap3A_386] {strides = array<i32>} : memref<2x125x128xbf16, #tpu.memory_space<vmem>>, vector<1x1x16xbf16>,
        %swap3A_388 = vector.shape_cast %swap3A_387 : vector<1x1x16xbf16> to vector<16xbf16>
        %swap3A_389 = vector.shape_cast %convert_element_type3A_382 : vector<16xbf16> to vector<1x1x16xbf16>
        tpu.vector_store %arg5[%swap3A_384, %swap3A_385, %swap3A_386], %swap3A_389 {strides = array<i32>} : memref<2x125x128xbf16, #tpu.memory_space<vmem>>, vector<1x1x16xbf16>,
        %get3A_390 = arith.constant 0 : i32
        %get3A_391 = arith.index_cast %get3A_390 : i32 to index
        %get3A_392 = arith.index_cast %scan3A_333 : i32 to index
        %get3A_393 = arith.constant 64 : index
        %get3A_394 = tpu.vector_load %arg4[%get3A_391, %get3A_392, %get3A_393] {strides = array<i32>} : memref<2x125x128xf32, #tpu.memory_space<vmem>>, vector<1x1x16xf32>,
        %get3A_395 = vector.shape_cast %get3A_394 : vector<1x1x16xf32> to vector<16xf32>
        %convert_element_type3A_396 = arith.truncf %get3A_395 : vector<16xf32> to vector<16xbf16>
        %swap3A_397 = arith.constant 0 : i32
        %swap3A_398 = arith.index_cast %swap3A_397 : i32 to index
        %swap3A_399 = arith.index_cast %scan3A_333 : i32 to index
        %swap3A_400 = arith.constant 64 : index
        %swap3A_401 = tpu.vector_load %arg5[%swap3A_398, %swap3A_399, %swap3A_400] {strides = array<i32>} : memref<2x125x128xbf16, #tpu.memory_space<vmem>>, vector<1x1x16xbf16>,
        %swap3A_402 = vector.shape_cast %swap3A_401 : vector<1x1x16xbf16> to vector<16xbf16>
        %swap3A_403 = vector.shape_cast %convert_element_type3A_396 : vector<16xbf16> to vector<1x1x16xbf16>
        tpu.vector_store %arg5[%swap3A_398, %swap3A_399, %swap3A_400], %swap3A_403 {strides = array<i32>} : memref<2x125x128xbf16, #tpu.memory_space<vmem>>, vector<1x1x16xbf16>,
        %get3A_404 = arith.constant 0 : i32
        %get3A_405 = arith.index_cast %get3A_404 : i32 to index
        %get3A_406 = arith.index_cast %scan3A_333 : i32 to index
        %get3A_407 = arith.constant 80 : index
        %get3A_408 = tpu.vector_load %arg4[%get3A_405, %get3A_406, %get3A_407] {strides = array<i32>} : memref<2x125x128xf32, #tpu.memory_space<vmem>>, vector<1x1x16xf32>,
        %get3A_409 = vector.shape_cast %get3A_408 : vector<1x1x16xf32> to vector<16xf32>
        %convert_element_type3A_410 = arith.truncf %get3A_409 : vector<16xf32> to vector<16xbf16>
        %swap3A_411 = arith.constant 0 : i32
        %swap3A_412 = arith.index_cast %swap3A_411 : i32 to index
        %swap3A_413 = arith.index_cast %scan3A_333 : i32 to index
        %swap3A_414 = arith.constant 80 : index
        %swap3A_415 = tpu.vector_load %arg5[%swap3A_412, %swap3A_413, %swap3A_414] {strides = array<i32>} : memref<2x125x128xbf16, #tpu.memory_space<vmem>>, vector<1x1x16xbf16>,
        %swap3A_416 = vector.shape_cast %swap3A_415 : vector<1x1x16xbf16> to vector<16xbf16>
        %swap3A_417 = vector.shape_cast %convert_element_type3A_410 : vector<16xbf16> to vector<1x1x16xbf16>
        tpu.vector_store %arg5[%swap3A_412, %swap3A_413, %swap3A_414], %swap3A_417 {strides = array<i32>} : memref<2x125x128xbf16, #tpu.memory_space<vmem>>, vector<1x1x16xbf16>,
        %get3A_418 = arith.constant 0 : i32
        %get3A_419 = arith.index_cast %get3A_418 : i32 to index
        %get3A_420 = arith.index_cast %scan3A_333 : i32 to index
        %get3A_421 = arith.constant 96 : index
        %get3A_422 = tpu.vector_load %arg4[%get3A_419, %get3A_420, %get3A_421] {strides = array<i32>} : memref<2x125x128xf32, #tpu.memory_space<vmem>>, vector<1x1x16xf32>,
        %get3A_423 = vector.shape_cast %get3A_422 : vector<1x1x16xf32> to vector<16xf32>
        %convert_element_type3A_424 = arith.truncf %get3A_423 : vector<16xf32> to vector<16xbf16>
        %swap3A_425 = arith.constant 0 : i32
        %swap3A_426 = arith.index_cast %swap3A_425 : i32 to index
        %swap3A_427 = arith.index_cast %scan3A_333 : i32 to index
        %swap3A_428 = arith.constant 96 : index
        %swap3A_429 = tpu.vector_load %arg5[%swap3A_426, %swap3A_427, %swap3A_428] {strides = array<i32>} : memref<2x125x128xbf16, #tpu.memory_space<vmem>>, vector<1x1x16xbf16>,
        %swap3A_430 = vector.shape_cast %swap3A_429 : vector<1x1x16xbf16> to vector<16xbf16>
        %swap3A_431 = vector.shape_cast %convert_element_type3A_424 : vector<16xbf16> to vector<1x1x16xbf16>
        tpu.vector_store %arg5[%swap3A_426, %swap3A_427, %swap3A_428], %swap3A_431 {strides = array<i32>} : memref<2x125x128xbf16, #tpu.memory_space<vmem>>, vector<1x1x16xbf16>,
        %get3A_432 = arith.constant 0 : i32
        %get3A_433 = arith.index_cast %get3A_432 : i32 to index
        %get3A_434 = arith.index_cast %scan3A_333 : i32 to index
        %get3A_435 = arith.constant 112 : index
        %get3A_436 = tpu.vector_load %arg4[%get3A_433, %get3A_434, %get3A_435] {strides = array<i32>} : memref<2x125x128xf32, #tpu.memory_space<vmem>>, vector<1x1x16xf32>,
        %get3A_437 = vector.shape_cast %get3A_436 : vector<1x1x16xf32> to vector<16xf32>
        %convert_element_type3A_438 = arith.truncf %get3A_437 : vector<16xf32> to vector<16xbf16>
        %swap3A_439 = arith.constant 0 : i32
        %swap3A_440 = arith.index_cast %swap3A_439 : i32 to index
        %swap3A_441 = arith.index_cast %scan3A_333 : i32 to index
        %swap3A_442 = arith.constant 112 : index
        %swap3A_443 = tpu.vector_load %arg5[%swap3A_440, %swap3A_441, %swap3A_442] {strides = array<i32>} : memref<2x125x128xbf16, #tpu.memory_space<vmem>>, vector<1x1x16xbf16>,
        %swap3A_444 = vector.shape_cast %swap3A_443 : vector<1x1x16xbf16> to vector<16xbf16>
        %swap3A_445 = vector.shape_cast %convert_element_type3A_438 : vector<16xbf16> to vector<1x1x16xbf16>
        tpu.vector_store %arg5[%swap3A_440, %swap3A_441, %swap3A_442], %swap3A_445 {strides = array<i32>} : memref<2x125x128xbf16, #tpu.memory_space<vmem>>, vector<1x1x16xbf16>,
        %scan3A_446 = arith.constant 3 : i32
        %scan3A_447 = arith.addi %scan3A_107, %scan3A_446 : i32
        %get3A_448 = arith.constant 0 : i32
        %get3A_449 = arith.index_cast %get3A_448 : i32 to index
        %get3A_450 = arith.index_cast %scan3A_447 : i32 to index
        %get3A_451 = arith.constant 0 : index
        %get3A_452 = tpu.vector_load %arg4[%get3A_449, %get3A_450, %get3A_451] {strides = array<i32>} : memref<2x125x128xf32, #tpu.memory_space<vmem>>, vector<1x1x16xf32>,
        %get3A_453 = vector.shape_cast %get3A_452 : vector<1x1x16xf32> to vector<16xf32>
        %convert_element_type3A_454 = arith.truncf %get3A_453 : vector<16xf32> to vector<16xbf16>
        %swap3A_455 = arith.constant 0 : i32
        %swap3A_456 = arith.index_cast %swap3A_455 : i32 to index
        %swap3A_457 = arith.index_cast %scan3A_447 : i32 to index
        %swap3A_458 = arith.constant 0 : index
        %swap3A_459 = tpu.vector_load %arg5[%swap3A_456, %swap3A_457, %swap3A_458] {strides = array<i32>} : memref<2x125x128xbf16, #tpu.memory_space<vmem>>, vector<1x1x16xbf16>,
        %swap3A_460 = vector.shape_cast %swap3A_459 : vector<1x1x16xbf16> to vector<16xbf16>
        %swap3A_461 = vector.shape_cast %convert_element_type3A_454 : vector<16xbf16> to vector<1x1x16xbf16>
        tpu.vector_store %arg5[%swap3A_456, %swap3A_457, %swap3A_458], %swap3A_461 {strides = array<i32>} : memref<2x125x128xbf16, #tpu.memory_space<vmem>>, vector<1x1x16xbf16>,
        %get3A_462 = arith.constant 0 : i32
        %get3A_463 = arith.index_cast %get3A_462 : i32 to index
        %get3A_464 = arith.index_cast %scan3A_447 : i32 to index
        %get3A_465 = arith.constant 16 : index
        %get3A_466 = tpu.vector_load %arg4[%get3A_463, %get3A_464, %get3A_465] {strides = array<i32>} : memref<2x125x128xf32, #tpu.memory_space<vmem>>, vector<1x1x16xf32>,
        %get3A_467 = vector.shape_cast %get3A_466 : vector<1x1x16xf32> to vector<16xf32>
        %convert_element_type3A_468 = arith.truncf %get3A_467 : vector<16xf32> to vector<16xbf16>
        %swap3A_469 = arith.constant 0 : i32
        %swap3A_470 = arith.index_cast %swap3A_469 : i32 to index
        %swap3A_471 = arith.index_cast %scan3A_447 : i32 to index
        %swap3A_472 = arith.constant 16 : index
        %swap3A_473 = tpu.vector_load %arg5[%swap3A_470, %swap3A_471, %swap3A_472] {strides = array<i32>} : memref<2x125x128xbf16, #tpu.memory_space<vmem>>, vector<1x1x16xbf16>,
        %swap3A_474 = vector.shape_cast %swap3A_473 : vector<1x1x16xbf16> to vector<16xbf16>
        %swap3A_475 = vector.shape_cast %convert_element_type3A_468 : vector<16xbf16> to vector<1x1x16xbf16>
        tpu.vector_store %arg5[%swap3A_470, %swap3A_471, %swap3A_472], %swap3A_475 {strides = array<i32>} : memref<2x125x128xbf16, #tpu.memory_space<vmem>>, vector<1x1x16xbf16>,
        %get3A_476 = arith.constant 0 : i32
        %get3A_477 = arith.index_cast %get3A_476 : i32 to index
        %get3A_478 = arith.index_cast %scan3A_447 : i32 to index
        %get3A_479 = arith.constant 32 : index
        %get3A_480 = tpu.vector_load %arg4[%get3A_477, %get3A_478, %get3A_479] {strides = array<i32>} : memref<2x125x128xf32, #tpu.memory_space<vmem>>, vector<1x1x16xf32>,
        %get3A_481 = vector.shape_cast %get3A_480 : vector<1x1x16xf32> to vector<16xf32>
        %convert_element_type3A_482 = arith.truncf %get3A_481 : vector<16xf32> to vector<16xbf16>
        %swap3A_483 = arith.constant 0 : i32
        %swap3A_484 = arith.index_cast %swap3A_483 : i32 to index
        %swap3A_485 = arith.index_cast %scan3A_447 : i32 to index
        %swap3A_486 = arith.constant 32 : index
        %swap3A_487 = tpu.vector_load %arg5[%swap3A_484, %swap3A_485, %swap3A_486] {strides = array<i32>} : memref<2x125x128xbf16, #tpu.memory_space<vmem>>, vector<1x1x16xbf16>,
        %swap3A_488 = vector.shape_cast %swap3A_487 : vector<1x1x16xbf16> to vector<16xbf16>
        %swap3A_489 = vector.shape_cast %convert_element_type3A_482 : vector<16xbf16> to vector<1x1x16xbf16>
        tpu.vector_store %arg5[%swap3A_484, %swap3A_485, %swap3A_486], %swap3A_489 {strides = array<i32>} : memref<2x125x128xbf16, #tpu.memory_space<vmem>>, vector<1x1x16xbf16>,
        %get3A_490 = arith.constant 0 : i32
        %get3A_491 = arith.index_cast %get3A_490 : i32 to index
        %get3A_492 = arith.index_cast %scan3A_447 : i32 to index
        %get3A_493 = arith.constant 48 : index
        %get3A_494 = tpu.vector_load %arg4[%get3A_491, %get3A_492, %get3A_493] {strides = array<i32>} : memref<2x125x128xf32, #tpu.memory_space<vmem>>, vector<1x1x16xf32>,
        %get3A_495 = vector.shape_cast %get3A_494 : vector<1x1x16xf32> to vector<16xf32>
        %convert_element_type3A_496 = arith.truncf %get3A_495 : vector<16xf32> to vector<16xbf16>
        %swap3A_497 = arith.constant 0 : i32
        %swap3A_498 = arith.index_cast %swap3A_497 : i32 to index
        %swap3A_499 = arith.index_cast %scan3A_447 : i32 to index
        %swap3A_500 = arith.constant 48 : index
        %swap3A_501 = tpu.vector_load %arg5[%swap3A_498, %swap3A_499, %swap3A_500] {strides = array<i32>} : memref<2x125x128xbf16, #tpu.memory_space<vmem>>, vector<1x1x16xbf16>,
        %swap3A_502 = vector.shape_cast %swap3A_501 : vector<1x1x16xbf16> to vector<16xbf16>
        %swap3A_503 = vector.shape_cast %convert_element_type3A_496 : vector<16xbf16> to vector<1x1x16xbf16>
        tpu.vector_store %arg5[%swap3A_498, %swap3A_499, %swap3A_500], %swap3A_503 {strides = array<i32>} : memref<2x125x128xbf16, #tpu.memory_space<vmem>>, vector<1x1x16xbf16>,
        %get3A_504 = arith.constant 0 : i32
        %get3A_505 = arith.index_cast %get3A_504 : i32 to index
        %get3A_506 = arith.index_cast %scan3A_447 : i32 to index
        %get3A_507 = arith.constant 64 : index
        %get3A_508 = tpu.vector_load %arg4[%get3A_505, %get3A_506, %get3A_507] {strides = array<i32>} : memref<2x125x128xf32, #tpu.memory_space<vmem>>, vector<1x1x16xf32>,
        %get3A_509 = vector.shape_cast %get3A_508 : vector<1x1x16xf32> to vector<16xf32>
        %convert_element_type3A_510 = arith.truncf %get3A_509 : vector<16xf32> to vector<16xbf16>
        %swap3A_511 = arith.constant 0 : i32
        %swap3A_512 = arith.index_cast %swap3A_511 : i32 to index
        %swap3A_513 = arith.index_cast %scan3A_447 : i32 to index
        %swap3A_514 = arith.constant 64 : index
        %swap3A_515 = tpu.vector_load %arg5[%swap3A_512, %swap3A_513, %swap3A_514] {strides = array<i32>} : memref<2x125x128xbf16, #tpu.memory_space<vmem>>, vector<1x1x16xbf16>,
        %swap3A_516 = vector.shape_cast %swap3A_515 : vector<1x1x16xbf16> to vector<16xbf16>
        %swap3A_517 = vector.shape_cast %convert_element_type3A_510 : vector<16xbf16> to vector<1x1x16xbf16>
        tpu.vector_store %arg5[%swap3A_512, %swap3A_513, %swap3A_514], %swap3A_517 {strides = array<i32>} : memref<2x125x128xbf16, #tpu.memory_space<vmem>>, vector<1x1x16xbf16>,
        %get3A_518 = arith.constant 0 : i32
        %get3A_519 = arith.index_cast %get3A_518 : i32 to index
        %get3A_520 = arith.index_cast %scan3A_447 : i32 to index
        %get3A_521 = arith.constant 80 : index
        %get3A_522 = tpu.vector_load %arg4[%get3A_519, %get3A_520, %get3A_521] {strides = array<i32>} : memref<2x125x128xf32, #tpu.memory_space<vmem>>, vector<1x1x16xf32>,
        %get3A_523 = vector.shape_cast %get3A_522 : vector<1x1x16xf32> to vector<16xf32>
        %convert_element_type3A_524 = arith.truncf %get3A_523 : vector<16xf32> to vector<16xbf16>
        %swap3A_525 = arith.constant 0 : i32
        %swap3A_526 = arith.index_cast %swap3A_525 : i32 to index
        %swap3A_527 = arith.index_cast %scan3A_447 : i32 to index
        %swap3A_528 = arith.constant 80 : index
        %swap3A_529 = tpu.vector_load %arg5[%swap3A_526, %swap3A_527, %swap3A_528] {strides = array<i32>} : memref<2x125x128xbf16, #tpu.memory_space<vmem>>, vector<1x1x16xbf16>,
        %swap3A_530 = vector.shape_cast %swap3A_529 : vector<1x1x16xbf16> to vector<16xbf16>
        %swap3A_531 = vector.shape_cast %convert_element_type3A_524 : vector<16xbf16> to vector<1x1x16xbf16>
        tpu.vector_store %arg5[%swap3A_526, %swap3A_527, %swap3A_528], %swap3A_531 {strides = array<i32>} : memref<2x125x128xbf16, #tpu.memory_space<vmem>>, vector<1x1x16xbf16>,
        %get3A_532 = arith.constant 0 : i32
        %get3A_533 = arith.index_cast %get3A_532 : i32 to index
        %get3A_534 = arith.index_cast %scan3A_447 : i32 to index
        %get3A_535 = arith.constant 96 : index
        %get3A_536 = tpu.vector_load %arg4[%get3A_533, %get3A_534, %get3A_535] {strides = array<i32>} : memref<2x125x128xf32, #tpu.memory_space<vmem>>, vector<1x1x16xf32>,
        %get3A_537 = vector.shape_cast %get3A_536 : vector<1x1x16xf32> to vector<16xf32>
        %convert_element_type3A_538 = arith.truncf %get3A_537 : vector<16xf32> to vector<16xbf16>
        %swap3A_539 = arith.constant 0 : i32
        %swap3A_540 = arith.index_cast %swap3A_539 : i32 to index
        %swap3A_541 = arith.index_cast %scan3A_447 : i32 to index
        %swap3A_542 = arith.constant 96 : index
        %swap3A_543 = tpu.vector_load %arg5[%swap3A_540, %swap3A_541, %swap3A_542] {strides = array<i32>} : memref<2x125x128xbf16, #tpu.memory_space<vmem>>, vector<1x1x16xbf16>,
        %swap3A_544 = vector.shape_cast %swap3A_543 : vector<1x1x16xbf16> to vector<16xbf16>
        %swap3A_545 = vector.shape_cast %convert_element_type3A_538 : vector<16xbf16> to vector<1x1x16xbf16>
        tpu.vector_store %arg5[%swap3A_540, %swap3A_541, %swap3A_542], %swap3A_545 {strides = array<i32>} : memref<2x125x128xbf16, #tpu.memory_space<vmem>>, vector<1x1x16xbf16>,
        %get3A_546 = arith.constant 0 : i32
        %get3A_547 = arith.index_cast %get3A_546 : i32 to index
        %get3A_548 = arith.index_cast %scan3A_447 : i32 to index
        %get3A_549 = arith.constant 112 : index
        %get3A_550 = tpu.vector_load %arg4[%get3A_547, %get3A_548, %get3A_549] {strides = array<i32>} : memref<2x125x128xf32, #tpu.memory_space<vmem>>, vector<1x1x16xf32>,
        %get3A_551 = vector.shape_cast %get3A_550 : vector<1x1x16xf32> to vector<16xf32>
        %convert_element_type3A_552 = arith.truncf %get3A_551 : vector<16xf32> to vector<16xbf16>
        %swap3A_553 = arith.constant 0 : i32
        %swap3A_554 = arith.index_cast %swap3A_553 : i32 to index
        %swap3A_555 = arith.index_cast %scan3A_447 : i32 to index
        %swap3A_556 = arith.constant 112 : index
        %swap3A_557 = tpu.vector_load %arg5[%swap3A_554, %swap3A_555, %swap3A_556] {strides = array<i32>} : memref<2x125x128xbf16, #tpu.memory_space<vmem>>, vector<1x1x16xbf16>,
        %swap3A_558 = vector.shape_cast %swap3A_557 : vector<1x1x16xbf16> to vector<16xbf16>
        %swap3A_559 = vector.shape_cast %convert_element_type3A_552 : vector<16xbf16> to vector<1x1x16xbf16>
        tpu.vector_store %arg5[%swap3A_554, %swap3A_555, %swap3A_556], %swap3A_559 {strides = array<i32>} : memref<2x125x128xbf16, #tpu.memory_space<vmem>>, vector<1x1x16xbf16>,
        %scan3A_560 = arith.constant 4 : i32
        %scan3A_561 = arith.addi %scan3A_107, %scan3A_560 : i32
        %get3A_562 = arith.constant 0 : i32
        %get3A_563 = arith.index_cast %get3A_562 : i32 to index
        %get3A_564 = arith.index_cast %scan3A_561 : i32 to index
        %get3A_565 = arith.constant 0 : index
        %get3A_566 = tpu.vector_load %arg4[%get3A_563, %get3A_564, %get3A_565] {strides = array<i32>} : memref<2x125x128xf32, #tpu.memory_space<vmem>>, vector<1x1x16xf32>,
        %get3A_567 = vector.shape_cast %get3A_566 : vector<1x1x16xf32> to vector<16xf32>
        %convert_element_type3A_568 = arith.truncf %get3A_567 : vector<16xf32> to vector<16xbf16>
        %swap3A_569 = arith.constant 0 : i32
        %swap3A_570 = arith.index_cast %swap3A_569 : i32 to index
        %swap3A_571 = arith.index_cast %scan3A_561 : i32 to index
        %swap3A_572 = arith.constant 0 : index
        %swap3A_573 = tpu.vector_load %arg5[%swap3A_570, %swap3A_571, %swap3A_572] {strides = array<i32>} : memref<2x125x128xbf16, #tpu.memory_space<vmem>>, vector<1x1x16xbf16>,
        %swap3A_574 = vector.shape_cast %swap3A_573 : vector<1x1x16xbf16> to vector<16xbf16>
        %swap3A_575 = vector.shape_cast %convert_element_type3A_568 : vector<16xbf16> to vector<1x1x16xbf16>
        tpu.vector_store %arg5[%swap3A_570, %swap3A_571, %swap3A_572], %swap3A_575 {strides = array<i32>} : memref<2x125x128xbf16, #tpu.memory_space<vmem>>, vector<1x1x16xbf16>,
        %get3A_576 = arith.constant 0 : i32
        %get3A_577 = arith.index_cast %get3A_576 : i32 to index
        %get3A_578 = arith.index_cast %scan3A_561 : i32 to index
        %get3A_579 = arith.constant 16 : index
        %get3A_580 = tpu.vector_load %arg4[%get3A_577, %get3A_578, %get3A_579] {strides = array<i32>} : memref<2x125x128xf32, #tpu.memory_space<vmem>>, vector<1x1x16xf32>,
        %get3A_581 = vector.shape_cast %get3A_580 : vector<1x1x16xf32> to vector<16xf32>
        %convert_element_type3A_582 = arith.truncf %get3A_581 : vector<16xf32> to vector<16xbf16>
        %swap3A_583 = arith.constant 0 : i32
        %swap3A_584 = arith.index_cast %swap3A_583 : i32 to index
        %swap3A_585 = arith.index_cast %scan3A_561 : i32 to index
        %swap3A_586 = arith.constant 16 : index
        %swap3A_587 = tpu.vector_load %arg5[%swap3A_584, %swap3A_585, %swap3A_586] {strides = array<i32>} : memref<2x125x128xbf16, #tpu.memory_space<vmem>>, vector<1x1x16xbf16>,
        %swap3A_588 = vector.shape_cast %swap3A_587 : vector<1x1x16xbf16> to vector<16xbf16>
        %swap3A_589 = vector.shape_cast %convert_element_type3A_582 : vector<16xbf16> to vector<1x1x16xbf16>
        tpu.vector_store %arg5[%swap3A_584, %swap3A_585, %swap3A_586], %swap3A_589 {strides = array<i32>} : memref<2x125x128xbf16, #tpu.memory_space<vmem>>, vector<1x1x16xbf16>,
        %get3A_590 = arith.constant 0 : i32
        %get3A_591 = arith.index_cast %get3A_590 : i32 to index
        %get3A_592 = arith.index_cast %scan3A_561 : i32 to index
        %get3A_593 = arith.constant 32 : index
        %get3A_594 = tpu.vector_load %arg4[%get3A_591, %get3A_592, %get3A_593] {strides = array<i32>} : memref<2x125x128xf32, #tpu.memory_space<vmem>>, vector<1x1x16xf32>,
        %get3A_595 = vector.shape_cast %get3A_594 : vector<1x1x16xf32> to vector<16xf32>
        %convert_element_type3A_596 = arith.truncf %get3A_595 : vector<16xf32> to vector<16xbf16>
        %swap3A_597 = arith.constant 0 : i32
        %swap3A_598 = arith.index_cast %swap3A_597 : i32 to index
        %swap3A_599 = arith.index_cast %scan3A_561 : i32 to index
        %swap3A_600 = arith.constant 32 : index
        %swap3A_601 = tpu.vector_load %arg5[%swap3A_598, %swap3A_599, %swap3A_600] {strides = array<i32>} : memref<2x125x128xbf16, #tpu.memory_space<vmem>>, vector<1x1x16xbf16>,
        %swap3A_602 = vector.shape_cast %swap3A_601 : vector<1x1x16xbf16> to vector<16xbf16>
        %swap3A_603 = vector.shape_cast %convert_element_type3A_596 : vector<16xbf16> to vector<1x1x16xbf16>
        tpu.vector_store %arg5[%swap3A_598, %swap3A_599, %swap3A_600], %swap3A_603 {strides = array<i32>} : memref<2x125x128xbf16, #tpu.memory_space<vmem>>, vector<1x1x16xbf16>,
        %get3A_604 = arith.constant 0 : i32
        %get3A_605 = arith.index_cast %get3A_604 : i32 to index
        %get3A_606 = arith.index_cast %scan3A_561 : i32 to index
        %get3A_607 = arith.constant 48 : index
        %get3A_608 = tpu.vector_load %arg4[%get3A_605, %get3A_606, %get3A_607] {strides = array<i32>} : memref<2x125x128xf32, #tpu.memory_space<vmem>>, vector<1x1x16xf32>,
        %get3A_609 = vector.shape_cast %get3A_608 : vector<1x1x16xf32> to vector<16xf32>
        %convert_element_type3A_610 = arith.truncf %get3A_609 : vector<16xf32> to vector<16xbf16>
        %swap3A_611 = arith.constant 0 : i32
        %swap3A_612 = arith.index_cast %swap3A_611 : i32 to index
        %swap3A_613 = arith.index_cast %scan3A_561 : i32 to index
        %swap3A_614 = arith.constant 48 : index
        %swap3A_615 = tpu.vector_load %arg5[%swap3A_612, %swap3A_613, %swap3A_614] {strides = array<i32>} : memref<2x125x128xbf16, #tpu.memory_space<vmem>>, vector<1x1x16xbf16>,
        %swap3A_616 = vector.shape_cast %swap3A_615 : vector<1x1x16xbf16> to vector<16xbf16>
        %swap3A_617 = vector.shape_cast %convert_element_type3A_610 : vector<16xbf16> to vector<1x1x16xbf16>
        tpu.vector_store %arg5[%swap3A_612, %swap3A_613, %swap3A_614], %swap3A_617 {strides = array<i32>} : memref<2x125x128xbf16, #tpu.memory_space<vmem>>, vector<1x1x16xbf16>,
        %get3A_618 = arith.constant 0 : i32
        %get3A_619 = arith.index_cast %get3A_618 : i32 to index
        %get3A_620 = arith.index_cast %scan3A_561 : i32 to index
        %get3A_621 = arith.constant 64 : index
        %get3A_622 = tpu.vector_load %arg4[%get3A_619, %get3A_620, %get3A_621] {strides = array<i32>} : memref<2x125x128xf32, #tpu.memory_space<vmem>>, vector<1x1x16xf32>,
        %get3A_623 = vector.shape_cast %get3A_622 : vector<1x1x16xf32> to vector<16xf32>
        %convert_element_type3A_624 = arith.truncf %get3A_623 : vector<16xf32> to vector<16xbf16>
        %swap3A_625 = arith.constant 0 : i32
        %swap3A_626 = arith.index_cast %swap3A_625 : i32 to index
        %swap3A_627 = arith.index_cast %scan3A_561 : i32 to index
        %swap3A_628 = arith.constant 64 : index
        %swap3A_629 = tpu.vector_load %arg5[%swap3A_626, %swap3A_627, %swap3A_628] {strides = array<i32>} : memref<2x125x128xbf16, #tpu.memory_space<vmem>>, vector<1x1x16xbf16>,
        %swap3A_630 = vector.shape_cast %swap3A_629 : vector<1x1x16xbf16> to vector<16xbf16>
        %swap3A_631 = vector.shape_cast %convert_element_type3A_624 : vector<16xbf16> to vector<1x1x16xbf16>
        tpu.vector_store %arg5[%swap3A_626, %swap3A_627, %swap3A_628], %swap3A_631 {strides = array<i32>} : memref<2x125x128xbf16, #tpu.memory_space<vmem>>, vector<1x1x16xbf16>,
        %get3A_632 = arith.constant 0 : i32
        %get3A_633 = arith.index_cast %get3A_632 : i32 to index
        %get3A_634 = arith.index_cast %scan3A_561 : i32 to index
        %get3A_635 = arith.constant 80 : index
        %get3A_636 = tpu.vector_load %arg4[%get3A_633, %get3A_634, %get3A_635] {strides = array<i32>} : memref<2x125x128xf32, #tpu.memory_space<vmem>>, vector<1x1x16xf32>,
        %get3A_637 = vector.shape_cast %get3A_636 : vector<1x1x16xf32> to vector<16xf32>
        %convert_element_type3A_638 = arith.truncf %get3A_637 : vector<16xf32> to vector<16xbf16>
        %swap3A_639 = arith.constant 0 : i32
        %swap3A_640 = arith.index_cast %swap3A_639 : i32 to index
        %swap3A_641 = arith.index_cast %scan3A_561 : i32 to index
        %swap3A_642 = arith.constant 80 : index
        %swap3A_643 = tpu.vector_load %arg5[%swap3A_640, %swap3A_641, %swap3A_642] {strides = array<i32>} : memref<2x125x128xbf16, #tpu.memory_space<vmem>>, vector<1x1x16xbf16>,
        %swap3A_644 = vector.shape_cast %swap3A_643 : vector<1x1x16xbf16> to vector<16xbf16>
        %swap3A_645 = vector.shape_cast %convert_element_type3A_638 : vector<16xbf16> to vector<1x1x16xbf16>
        tpu.vector_store %arg5[%swap3A_640, %swap3A_641, %swap3A_642], %swap3A_645 {strides = array<i32>} : memref<2x125x128xbf16, #tpu.memory_space<vmem>>, vector<1x1x16xbf16>,
        %get3A_646 = arith.constant 0 : i32
        %get3A_647 = arith.index_cast %get3A_646 : i32 to index
        %get3A_648 = arith.index_cast %scan3A_561 : i32 to index
        %get3A_649 = arith.constant 96 : index
        %get3A_650 = tpu.vector_load %arg4[%get3A_647, %get3A_648, %get3A_649] {strides = array<i32>} : memref<2x125x128xf32, #tpu.memory_space<vmem>>, vector<1x1x16xf32>,
        %get3A_651 = vector.shape_cast %get3A_650 : vector<1x1x16xf32> to vector<16xf32>
        %convert_element_type3A_652 = arith.truncf %get3A_651 : vector<16xf32> to vector<16xbf16>
        %swap3A_653 = arith.constant 0 : i32
        %swap3A_654 = arith.index_cast %swap3A_653 : i32 to index
        %swap3A_655 = arith.index_cast %scan3A_561 : i32 to index
        %swap3A_656 = arith.constant 96 : index
        %swap3A_657 = tpu.vector_load %arg5[%swap3A_654, %swap3A_655, %swap3A_656] {strides = array<i32>} : memref<2x125x128xbf16, #tpu.memory_space<vmem>>, vector<1x1x16xbf16>,
        %swap3A_658 = vector.shape_cast %swap3A_657 : vector<1x1x16xbf16> to vector<16xbf16>
        %swap3A_659 = vector.shape_cast %convert_element_type3A_652 : vector<16xbf16> to vector<1x1x16xbf16>
        tpu.vector_store %arg5[%swap3A_654, %swap3A_655, %swap3A_656], %swap3A_659 {strides = array<i32>} : memref<2x125x128xbf16, #tpu.memory_space<vmem>>, vector<1x1x16xbf16>,
        %get3A_660 = arith.constant 0 : i32
        %get3A_661 = arith.index_cast %get3A_660 : i32 to index
        %get3A_662 = arith.index_cast %scan3A_561 : i32 to index
        %get3A_663 = arith.constant 112 : index
        %get3A_664 = tpu.vector_load %arg4[%get3A_661, %get3A_662, %get3A_663] {strides = array<i32>} : memref<2x125x128xf32, #tpu.memory_space<vmem>>, vector<1x1x16xf32>,
        %get3A_665 = vector.shape_cast %get3A_664 : vector<1x1x16xf32> to vector<16xf32>
        %convert_element_type3A_666 = arith.truncf %get3A_665 : vector<16xf32> to vector<16xbf16>
        %swap3A_667 = arith.constant 0 : i32
        %swap3A_668 = arith.index_cast %swap3A_667 : i32 to index
        %swap3A_669 = arith.index_cast %scan3A_561 : i32 to index
        %swap3A_670 = arith.constant 112 : index
        %swap3A_671 = tpu.vector_load %arg5[%swap3A_668, %swap3A_669, %swap3A_670] {strides = array<i32>} : memref<2x125x128xbf16, #tpu.memory_space<vmem>>, vector<1x1x16xbf16>,
        %swap3A_672 = vector.shape_cast %swap3A_671 : vector<1x1x16xbf16> to vector<16xbf16>
        %swap3A_673 = vector.shape_cast %convert_element_type3A_666 : vector<16xbf16> to vector<1x1x16xbf16>
        tpu.vector_store %arg5[%swap3A_668, %swap3A_669, %swap3A_670], %swap3A_673 {strides = array<i32>} : memref<2x125x128xbf16, #tpu.memory_space<vmem>>, vector<1x1x16xbf16>,
      }
      %scan3A_83 = arith.constant 125 : i32
      %mul3A_84 = arith.constant 125 : i32
      %mul3A_85 = arith.muli %add3A_54, %mul3A_84 : i32
      %add3A_86 = arith.addi %mul3A_2, %mul3A_85 : i32
      %dma_start3A_87 = arith.constant 0 : i32
      %dma_start3A_88 = arith.constant 0 : i32
      %dma_start3A_89 = arith.constant 0 : i32
      %dma_start3A_90 = tpu.memref_slice %arg5[%dma_start3A_87, %dma_start3A_88, %dma_start3A_89] : memref<2x125x128xbf16, #tpu.memory_space<vmem>> -> memref<1x125x128xbf16, #tpu.memory_space<vmem>>
      %dma_start3A_91 = tpu.memref_squeeze %dma_start3A_90 : memref<1x125x128xbf16, #tpu.memory_space<vmem>> -> memref<125x128xbf16, #tpu.memory_space<vmem>>
      %dma_start3A_92 = arith.constant 0 : i32
      %dma_start3A_93 = tpu.memref_slice %arg3[%add3A_86, %dma_start3A_92] : memref<100000x128xbf16, #tpu.memory_space<hbm>> -> memref<125x128xbf16, #tpu.memory_space<hbm>>
      %dma_start3A_94 = arith.constant 0 : i32
      %dma_start3A_95 = tpu.memref_slice %arg3[%add3A_86, %dma_start3A_94] : memref<100000x128xbf16, #tpu.memory_space<hbm>> -> memref<125x128xbf16, #tpu.memory_space<hbm>>
      %dma_start3A_96 = arith.constant 0 : i32
      %dma_start3A_97 = arith.constant 0 : i32
      %dma_start3A_98 = tpu.memref_slice %arg5[%dma_start3A_87, %dma_start3A_96, %dma_start3A_97] : memref<2x125x128xbf16, #tpu.memory_space<vmem>> -> memref<1x125x128xbf16, #tpu.memory_space<vmem>>
      %dma_start3A_99 = tpu.memref_squeeze %dma_start3A_98 : memref<1x125x128xbf16, #tpu.memory_space<vmem>> -> memref<125x128xbf16, #tpu.memory_space<vmem>>
      tpu.enqueue_dma source(%dma_start3A_99 : memref<125x128xbf16, #tpu.memory_space<vmem>>) target(%dma_start3A_95 : memref<125x128xbf16, #tpu.memory_space<hbm>>) target_semaphore(%arg8 : memref<!tpu.dma_semaphore, #tpu.memory_space<semaphore_mem>>)
      %add3A_100 = arith.constant 1 : i32
      %add3A_101 = arith.addi %add3A_54, %add3A_100 : i32
      %lt3A_102 = arith.constant 25 : i32
      %lt3A_103 = arith.cmpi slt, %add3A_101, %lt3A_102 : i32
      %convert_element_type3A_104 = arith.extui %lt3A_103 : i1 to i32
      %cond3A_105 = arith.constant 0 : i32
      %cond3A_106 = arith.cmpi ne, %convert_element_type3A_104, %cond3A_105 : i32
      scf.if %cond3A_106 {
        %dma_wait3A_107 = arith.constant 1 : i32
        %dma_wait3A_108 = arith.constant 0 : i32
        %dma_wait3A_109 = arith.constant 0 : i32
        %dma_wait3A_110 = tpu.memref_slice %arg4[%dma_wait3A_107, %dma_wait3A_108, %dma_wait3A_109] : memref<2x125x128xf32, #tpu.memory_space<vmem>> -> memref<1x125x128xf32, #tpu.memory_space<vmem>>
        %dma_wait3A_111 = tpu.memref_squeeze %dma_wait3A_110 : memref<1x125x128xf32, #tpu.memory_space<vmem>> -> memref<125x128xf32, #tpu.memory_space<vmem>>
        %dma_wait3A_112 = arith.constant 0 : i32
        %dma_wait3A_113 = arith.constant 0 : i32
        %dma_wait3A_114 = tpu.memref_slice %arg2[%dma_wait3A_112, %dma_wait3A_113] : memref<100000x128xf32, #tpu.memory_space<hbm>> -> memref<125x128xf32, #tpu.memory_space<hbm>>
        %dma_wait3A_115 = arith.constant 0 : i32
        %dma_wait3A_116 = arith.constant 0 : i32
        %dma_wait3A_117 = tpu.memref_slice %arg4[%dma_wait3A_107, %dma_wait3A_115, %dma_wait3A_116] : memref<2x125x128xf32, #tpu.memory_space<vmem>> -> memref<1x125x128xf32, #tpu.memory_space<vmem>>
        %dma_wait3A_118 = tpu.memref_squeeze %dma_wait3A_117 : memref<1x125x128xf32, #tpu.memory_space<vmem>> -> memref<125x128xf32, #tpu.memory_space<vmem>>
        %dma_wait3A_119 = arith.constant 0 : i32
        %dma_wait3A_120 = arith.constant 0 : i32
        %dma_wait3A_121 = tpu.memref_slice %arg2[%dma_wait3A_119, %dma_wait3A_120] : memref<100000x128xf32, #tpu.memory_space<hbm>> -> memref<125x128xf32, #tpu.memory_space<hbm>>
        tpu.wait_dma2 semaphore(%arg7 : memref<!tpu.dma_semaphore, #tpu.memory_space<semaphore_mem>>) src(%dma_wait3A_121 : memref<125x128xf32, #tpu.memory_space<hbm>>) dst(%dma_wait3A_118 : memref<125x128xf32, #tpu.memory_space<vmem>>)
        %add3A_122 = arith.constant 2 : i32
        %add3A_123 = arith.addi %add3A_54, %add3A_122 : i32
        %lt3A_124 = arith.constant 25 : i32
        %lt3A_125 = arith.cmpi slt, %add3A_123, %lt3A_124 : i32
        %convert_element_type3A_126 = arith.extui %lt3A_125 : i1 to i32
        %cond3A_127 = arith.constant 0 : i32
        %cond3A_128 = arith.cmpi ne, %convert_element_type3A_126, %cond3A_127 : i32
        scf.if %cond3A_128 {
          %add3A_158 = arith.constant 2 : i32
          %add3A_159 = arith.addi %add3A_54, %add3A_158 : i32
          %mul3A_160 = arith.constant 125 : i32
          %mul3A_161 = arith.muli %add3A_159, %mul3A_160 : i32
          %add3A_162 = arith.addi %mul3A_2, %mul3A_161 : i32
          %dma_start3A_163 = arith.constant 0 : i32
          %dma_start3A_164 = arith.constant 0 : i32
          %dma_start3A_165 = arith.constant 0 : i32
          %dma_start3A_166 = tpu.memref_slice %arg4[%dma_start3A_163, %dma_start3A_164, %dma_start3A_165] : memref<2x125x128xf32, #tpu.memory_space<vmem>> -> memref<1x125x128xf32, #tpu.memory_space<vmem>>
          %dma_start3A_167 = tpu.memref_squeeze %dma_start3A_166 : memref<1x125x128xf32, #tpu.memory_space<vmem>> -> memref<125x128xf32, #tpu.memory_space<vmem>>
          %dma_start3A_168 = arith.constant 0 : i32
          %dma_start3A_169 = tpu.memref_slice %arg2[%add3A_162, %dma_start3A_168] : memref<100000x128xf32, #tpu.memory_space<hbm>> -> memref<125x128xf32, #tpu.memory_space<hbm>>
          %dma_start3A_170 = arith.constant 0 : i32
          %dma_start3A_171 = arith.constant 0 : i32
          %dma_start3A_172 = tpu.memref_slice %arg4[%dma_start3A_163, %dma_start3A_170, %dma_start3A_171] : memref<2x125x128xf32, #tpu.memory_space<vmem>> -> memref<1x125x128xf32, #tpu.memory_space<vmem>>
          %dma_start3A_173 = tpu.memref_squeeze %dma_start3A_172 : memref<1x125x128xf32, #tpu.memory_space<vmem>> -> memref<125x128xf32, #tpu.memory_space<vmem>>
          %dma_start3A_174 = arith.constant 0 : i32
          %dma_start3A_175 = tpu.memref_slice %arg2[%add3A_162, %dma_start3A_174] : memref<100000x128xf32, #tpu.memory_space<hbm>> -> memref<125x128xf32, #tpu.memory_space<hbm>>
          tpu.enqueue_dma source(%dma_start3A_175 : memref<125x128xf32, #tpu.memory_space<hbm>>) target(%dma_start3A_173 : memref<125x128xf32, #tpu.memory_space<vmem>>) target_semaphore(%arg6 : memref<!tpu.dma_semaphore, #tpu.memory_space<semaphore_mem>>)
        } else {
        }
        %ge3A_129 = arith.constant 1 : i32
        %ge3A_130 = arith.cmpi sge, %add3A_54, %ge3A_129 : i32
        %convert_element_type3A_131 = arith.extui %ge3A_130 : i1 to i32
        %cond3A_132 = arith.constant 0 : i32
        %cond3A_133 = arith.cmpi ne, %convert_element_type3A_131, %cond3A_132 : i32
        scf.if %cond3A_133 {
          %dma_wait3A_158 = arith.constant 1 : i32
          %dma_wait3A_159 = arith.constant 0 : i32
          %dma_wait3A_160 = arith.constant 0 : i32
          %dma_wait3A_161 = tpu.memref_slice %arg5[%dma_wait3A_158, %dma_wait3A_159, %dma_wait3A_160] : memref<2x125x128xbf16, #tpu.memory_space<vmem>> -> memref<1x125x128xbf16, #tpu.memory_space<vmem>>
          %dma_wait3A_162 = tpu.memref_squeeze %dma_wait3A_161 : memref<1x125x128xbf16, #tpu.memory_space<vmem>> -> memref<125x128xbf16, #tpu.memory_space<vmem>>
          %dma_wait3A_163 = arith.constant 0 : i32
          %dma_wait3A_164 = arith.constant 0 : i32
          %dma_wait3A_165 = tpu.memref_slice %arg3[%dma_wait3A_163, %dma_wait3A_164] : memref<100000x128xbf16, #tpu.memory_space<hbm>> -> memref<125x128xbf16, #tpu.memory_space<hbm>>
          %dma_wait3A_166 = arith.constant 0 : i32
          %dma_wait3A_167 = arith.constant 0 : i32
          %dma_wait3A_168 = tpu.memref_slice %arg3[%dma_wait3A_166, %dma_wait3A_167] : memref<100000x128xbf16, #tpu.memory_space<hbm>> -> memref<125x128xbf16, #tpu.memory_space<hbm>>
          %dma_wait3A_169 = arith.constant 0 : i32
          %dma_wait3A_170 = arith.constant 0 : i32
          %dma_wait3A_171 = tpu.memref_slice %arg5[%dma_wait3A_158, %dma_wait3A_169, %dma_wait3A_170] : memref<2x125x128xbf16, #tpu.memory_space<vmem>> -> memref<1x125x128xbf16, #tpu.memory_space<vmem>>
          %dma_wait3A_172 = tpu.memref_squeeze %dma_wait3A_171 : memref<1x125x128xbf16, #tpu.memory_space<vmem>> -> memref<125x128xbf16, #tpu.memory_space<vmem>>
          tpu.wait_dma2 semaphore(%arg9 : memref<!tpu.dma_semaphore, #tpu.memory_space<semaphore_mem>>) src(%dma_wait3A_172 : memref<125x128xbf16, #tpu.memory_space<vmem>>) dst(%dma_wait3A_168 : memref<125x128xbf16, #tpu.memory_space<hbm>>)
        } else {
        }
        %scan3A_134 = arith.constant 0 : i32
        %scan3A_135 = arith.constant 0 : i32
        %scan3A_136 = arith.constant 125 : i32
        %scan3A_137 = arith.addi %scan3A_135, %scan3A_136 : i32
        %scan3A_138 = arith.constant 5 : i32
        scf.for %scan3A_158 = %scan3A_135 to %scan3A_137 step %scan3A_138  : i32 {
          %get3A = arith.constant 1 : i32
          %get3A_159 = arith.index_cast %get3A : i32 to index
          %get3A_160 = arith.index_cast %scan3A_158 : i32 to index
          %get3A_161 = arith.constant 0 : index
          %get3A_162 = tpu.vector_load %arg4[%get3A_159, %get3A_160, %get3A_161] {strides = array<i32>} : memref<2x125x128xf32, #tpu.memory_space<vmem>>, vector<1x1x16xf32>,
          %get3A_163 = vector.shape_cast %get3A_162 : vector<1x1x16xf32> to vector<16xf32>
          %convert_element_type3A_164 = arith.truncf %get3A_163 : vector<16xf32> to vector<16xbf16>
          %swap3A = arith.constant 1 : i32
          %swap3A_165 = arith.index_cast %swap3A : i32 to index
          %swap3A_166 = arith.index_cast %scan3A_158 : i32 to index
          %swap3A_167 = arith.constant 0 : index
          %swap3A_168 = tpu.vector_load %arg5[%swap3A_165, %swap3A_166, %swap3A_167] {strides = array<i32>} : memref<2x125x128xbf16, #tpu.memory_space<vmem>>, vector<1x1x16xbf16>,
          %swap3A_169 = vector.shape_cast %swap3A_168 : vector<1x1x16xbf16> to vector<16xbf16>
          %swap3A_170 = vector.shape_cast %convert_element_type3A_164 : vector<16xbf16> to vector<1x1x16xbf16>
          tpu.vector_store %arg5[%swap3A_165, %swap3A_166, %swap3A_167], %swap3A_170 {strides = array<i32>} : memref<2x125x128xbf16, #tpu.memory_space<vmem>>, vector<1x1x16xbf16>,
          %get3A_171 = arith.constant 1 : i32
          %get3A_172 = arith.index_cast %get3A_171 : i32 to index
          %get3A_173 = arith.index_cast %scan3A_158 : i32 to index
          %get3A_174 = arith.constant 16 : index
          %get3A_175 = tpu.vector_load %arg4[%get3A_172, %get3A_173, %get3A_174] {strides = array<i32>} : memref<2x125x128xf32, #tpu.memory_space<vmem>>, vector<1x1x16xf32>,
          %get3A_176 = vector.shape_cast %get3A_175 : vector<1x1x16xf32> to vector<16xf32>
          %convert_element_type3A_177 = arith.truncf %get3A_176 : vector<16xf32> to vector<16xbf16>
          %swap3A_178 = arith.constant 1 : i32
          %swap3A_179 = arith.index_cast %swap3A_178 : i32 to index
          %swap3A_180 = arith.index_cast %scan3A_158 : i32 to index
          %swap3A_181 = arith.constant 16 : index
          %swap3A_182 = tpu.vector_load %arg5[%swap3A_179, %swap3A_180, %swap3A_181] {strides = array<i32>} : memref<2x125x128xbf16, #tpu.memory_space<vmem>>, vector<1x1x16xbf16>,
          %swap3A_183 = vector.shape_cast %swap3A_182 : vector<1x1x16xbf16> to vector<16xbf16>
          %swap3A_184 = vector.shape_cast %convert_element_type3A_177 : vector<16xbf16> to vector<1x1x16xbf16>
          tpu.vector_store %arg5[%swap3A_179, %swap3A_180, %swap3A_181], %swap3A_184 {strides = array<i32>} : memref<2x125x128xbf16, #tpu.memory_space<vmem>>, vector<1x1x16xbf16>,
          %get3A_185 = arith.constant 1 : i32
          %get3A_186 = arith.index_cast %get3A_185 : i32 to index
          %get3A_187 = arith.index_cast %scan3A_158 : i32 to index
          %get3A_188 = arith.constant 32 : index
          %get3A_189 = tpu.vector_load %arg4[%get3A_186, %get3A_187, %get3A_188] {strides = array<i32>} : memref<2x125x128xf32, #tpu.memory_space<vmem>>, vector<1x1x16xf32>,
          %get3A_190 = vector.shape_cast %get3A_189 : vector<1x1x16xf32> to vector<16xf32>
          %convert_element_type3A_191 = arith.truncf %get3A_190 : vector<16xf32> to vector<16xbf16>
          %swap3A_192 = arith.constant 1 : i32
          %swap3A_193 = arith.index_cast %swap3A_192 : i32 to index
          %swap3A_194 = arith.index_cast %scan3A_158 : i32 to index
          %swap3A_195 = arith.constant 32 : index
          %swap3A_196 = tpu.vector_load %arg5[%swap3A_193, %swap3A_194, %swap3A_195] {strides = array<i32>} : memref<2x125x128xbf16, #tpu.memory_space<vmem>>, vector<1x1x16xbf16>,
          %swap3A_197 = vector.shape_cast %swap3A_196 : vector<1x1x16xbf16> to vector<16xbf16>
          %swap3A_198 = vector.shape_cast %convert_element_type3A_191 : vector<16xbf16> to vector<1x1x16xbf16>
          tpu.vector_store %arg5[%swap3A_193, %swap3A_194, %swap3A_195], %swap3A_198 {strides = array<i32>} : memref<2x125x128xbf16, #tpu.memory_space<vmem>>, vector<1x1x16xbf16>,
          %get3A_199 = arith.constant 1 : i32
          %get3A_200 = arith.index_cast %get3A_199 : i32 to index
          %get3A_201 = arith.index_cast %scan3A_158 : i32 to index
          %get3A_202 = arith.constant 48 : index
          %get3A_203 = tpu.vector_load %arg4[%get3A_200, %get3A_201, %get3A_202] {strides = array<i32>} : memref<2x125x128xf32, #tpu.memory_space<vmem>>, vector<1x1x16xf32>,
          %get3A_204 = vector.shape_cast %get3A_203 : vector<1x1x16xf32> to vector<16xf32>
          %convert_element_type3A_205 = arith.truncf %get3A_204 : vector<16xf32> to vector<16xbf16>
          %swap3A_206 = arith.constant 1 : i32
          %swap3A_207 = arith.index_cast %swap3A_206 : i32 to index
          %swap3A_208 = arith.index_cast %scan3A_158 : i32 to index
          %swap3A_209 = arith.constant 48 : index
          %swap3A_210 = tpu.vector_load %arg5[%swap3A_207, %swap3A_208, %swap3A_209] {strides = array<i32>} : memref<2x125x128xbf16, #tpu.memory_space<vmem>>, vector<1x1x16xbf16>,
          %swap3A_211 = vector.shape_cast %swap3A_210 : vector<1x1x16xbf16> to vector<16xbf16>
          %swap3A_212 = vector.shape_cast %convert_element_type3A_205 : vector<16xbf16> to vector<1x1x16xbf16>
          tpu.vector_store %arg5[%swap3A_207, %swap3A_208, %swap3A_209], %swap3A_212 {strides = array<i32>} : memref<2x125x128xbf16, #tpu.memory_space<vmem>>, vector<1x1x16xbf16>,
          %get3A_213 = arith.constant 1 : i32
          %get3A_214 = arith.index_cast %get3A_213 : i32 to index
          %get3A_215 = arith.index_cast %scan3A_158 : i32 to index
          %get3A_216 = arith.constant 64 : index
          %get3A_217 = tpu.vector_load %arg4[%get3A_214, %get3A_215, %get3A_216] {strides = array<i32>} : memref<2x125x128xf32, #tpu.memory_space<vmem>>, vector<1x1x16xf32>,
          %get3A_218 = vector.shape_cast %get3A_217 : vector<1x1x16xf32> to vector<16xf32>
          %convert_element_type3A_219 = arith.truncf %get3A_218 : vector<16xf32> to vector<16xbf16>
          %swap3A_220 = arith.constant 1 : i32
          %swap3A_221 = arith.index_cast %swap3A_220 : i32 to index
          %swap3A_222 = arith.index_cast %scan3A_158 : i32 to index
          %swap3A_223 = arith.constant 64 : index
          %swap3A_224 = tpu.vector_load %arg5[%swap3A_221, %swap3A_222, %swap3A_223] {strides = array<i32>} : memref<2x125x128xbf16, #tpu.memory_space<vmem>>, vector<1x1x16xbf16>,
          %swap3A_225 = vector.shape_cast %swap3A_224 : vector<1x1x16xbf16> to vector<16xbf16>
          %swap3A_226 = vector.shape_cast %convert_element_type3A_219 : vector<16xbf16> to vector<1x1x16xbf16>
          tpu.vector_store %arg5[%swap3A_221, %swap3A_222, %swap3A_223], %swap3A_226 {strides = array<i32>} : memref<2x125x128xbf16, #tpu.memory_space<vmem>>, vector<1x1x16xbf16>,
          %get3A_227 = arith.constant 1 : i32
          %get3A_228 = arith.index_cast %get3A_227 : i32 to index
          %get3A_229 = arith.index_cast %scan3A_158 : i32 to index
          %get3A_230 = arith.constant 80 : index
          %get3A_231 = tpu.vector_load %arg4[%get3A_228, %get3A_229, %get3A_230] {strides = array<i32>} : memref<2x125x128xf32, #tpu.memory_space<vmem>>, vector<1x1x16xf32>,
          %get3A_232 = vector.shape_cast %get3A_231 : vector<1x1x16xf32> to vector<16xf32>
          %convert_element_type3A_233 = arith.truncf %get3A_232 : vector<16xf32> to vector<16xbf16>
          %swap3A_234 = arith.constant 1 : i32
          %swap3A_235 = arith.index_cast %swap3A_234 : i32 to index
          %swap3A_236 = arith.index_cast %scan3A_158 : i32 to index
          %swap3A_237 = arith.constant 80 : index
          %swap3A_238 = tpu.vector_load %arg5[%swap3A_235, %swap3A_236, %swap3A_237] {strides = array<i32>} : memref<2x125x128xbf16, #tpu.memory_space<vmem>>, vector<1x1x16xbf16>,
          %swap3A_239 = vector.shape_cast %swap3A_238 : vector<1x1x16xbf16> to vector<16xbf16>
          %swap3A_240 = vector.shape_cast %convert_element_type3A_233 : vector<16xbf16> to vector<1x1x16xbf16>
          tpu.vector_store %arg5[%swap3A_235, %swap3A_236, %swap3A_237], %swap3A_240 {strides = array<i32>} : memref<2x125x128xbf16, #tpu.memory_space<vmem>>, vector<1x1x16xbf16>,
          %get3A_241 = arith.constant 1 : i32
          %get3A_242 = arith.index_cast %get3A_241 : i32 to index
          %get3A_243 = arith.index_cast %scan3A_158 : i32 to index
          %get3A_244 = arith.constant 96 : index
          %get3A_245 = tpu.vector_load %arg4[%get3A_242, %get3A_243, %get3A_244] {strides = array<i32>} : memref<2x125x128xf32, #tpu.memory_space<vmem>>, vector<1x1x16xf32>,
          %get3A_246 = vector.shape_cast %get3A_245 : vector<1x1x16xf32> to vector<16xf32>
          %convert_element_type3A_247 = arith.truncf %get3A_246 : vector<16xf32> to vector<16xbf16>
          %swap3A_248 = arith.constant 1 : i32
          %swap3A_249 = arith.index_cast %swap3A_248 : i32 to index
          %swap3A_250 = arith.index_cast %scan3A_158 : i32 to index
          %swap3A_251 = arith.constant 96 : index
          %swap3A_252 = tpu.vector_load %arg5[%swap3A_249, %swap3A_250, %swap3A_251] {strides = array<i32>} : memref<2x125x128xbf16, #tpu.memory_space<vmem>>, vector<1x1x16xbf16>,
          %swap3A_253 = vector.shape_cast %swap3A_252 : vector<1x1x16xbf16> to vector<16xbf16>
          %swap3A_254 = vector.shape_cast %convert_element_type3A_247 : vector<16xbf16> to vector<1x1x16xbf16>
          tpu.vector_store %arg5[%swap3A_249, %swap3A_250, %swap3A_251], %swap3A_254 {strides = array<i32>} : memref<2x125x128xbf16, #tpu.memory_space<vmem>>, vector<1x1x16xbf16>,
          %get3A_255 = arith.constant 1 : i32
          %get3A_256 = arith.index_cast %get3A_255 : i32 to index
          %get3A_257 = arith.index_cast %scan3A_158 : i32 to index
          %get3A_258 = arith.constant 112 : index
          %get3A_259 = tpu.vector_load %arg4[%get3A_256, %get3A_257, %get3A_258] {strides = array<i32>} : memref<2x125x128xf32, #tpu.memory_space<vmem>>, vector<1x1x16xf32>,
          %get3A_260 = vector.shape_cast %get3A_259 : vector<1x1x16xf32> to vector<16xf32>
          %convert_element_type3A_261 = arith.truncf %get3A_260 : vector<16xf32> to vector<16xbf16>
          %swap3A_262 = arith.constant 1 : i32
          %swap3A_263 = arith.index_cast %swap3A_262 : i32 to index
          %swap3A_264 = arith.index_cast %scan3A_158 : i32 to index
          %swap3A_265 = arith.constant 112 : index
          %swap3A_266 = tpu.vector_load %arg5[%swap3A_263, %swap3A_264, %swap3A_265] {strides = array<i32>} : memref<2x125x128xbf16, #tpu.memory_space<vmem>>, vector<1x1x16xbf16>,
          %swap3A_267 = vector.shape_cast %swap3A_266 : vector<1x1x16xbf16> to vector<16xbf16>
          %swap3A_268 = vector.shape_cast %convert_element_type3A_261 : vector<16xbf16> to vector<1x1x16xbf16>
          tpu.vector_store %arg5[%swap3A_263, %swap3A_264, %swap3A_265], %swap3A_268 {strides = array<i32>} : memref<2x125x128xbf16, #tpu.memory_space<vmem>>, vector<1x1x16xbf16>,
          %scan3A_269 = arith.constant 1 : i32
          %scan3A_270 = arith.addi %scan3A_158, %scan3A_269 : i32
          %get3A_271 = arith.constant 1 : i32
          %get3A_272 = arith.index_cast %get3A_271 : i32 to index
          %get3A_273 = arith.index_cast %scan3A_270 : i32 to index
          %get3A_274 = arith.constant 0 : index
          %get3A_275 = tpu.vector_load %arg4[%get3A_272, %get3A_273, %get3A_274] {strides = array<i32>} : memref<2x125x128xf32, #tpu.memory_space<vmem>>, vector<1x1x16xf32>,
          %get3A_276 = vector.shape_cast %get3A_275 : vector<1x1x16xf32> to vector<16xf32>
          %convert_element_type3A_277 = arith.truncf %get3A_276 : vector<16xf32> to vector<16xbf16>
          %swap3A_278 = arith.constant 1 : i32
          %swap3A_279 = arith.index_cast %swap3A_278 : i32 to index
          %swap3A_280 = arith.index_cast %scan3A_270 : i32 to index
          %swap3A_281 = arith.constant 0 : index
          %swap3A_282 = tpu.vector_load %arg5[%swap3A_279, %swap3A_280, %swap3A_281] {strides = array<i32>} : memref<2x125x128xbf16, #tpu.memory_space<vmem>>, vector<1x1x16xbf16>,
          %swap3A_283 = vector.shape_cast %swap3A_282 : vector<1x1x16xbf16> to vector<16xbf16>
          %swap3A_284 = vector.shape_cast %convert_element_type3A_277 : vector<16xbf16> to vector<1x1x16xbf16>
          tpu.vector_store %arg5[%swap3A_279, %swap3A_280, %swap3A_281], %swap3A_284 {strides = array<i32>} : memref<2x125x128xbf16, #tpu.memory_space<vmem>>, vector<1x1x16xbf16>,
          %get3A_285 = arith.constant 1 : i32
          %get3A_286 = arith.index_cast %get3A_285 : i32 to index
          %get3A_287 = arith.index_cast %scan3A_270 : i32 to index
          %get3A_288 = arith.constant 16 : index
          %get3A_289 = tpu.vector_load %arg4[%get3A_286, %get3A_287, %get3A_288] {strides = array<i32>} : memref<2x125x128xf32, #tpu.memory_space<vmem>>, vector<1x1x16xf32>,
          %get3A_290 = vector.shape_cast %get3A_289 : vector<1x1x16xf32> to vector<16xf32>
          %convert_element_type3A_291 = arith.truncf %get3A_290 : vector<16xf32> to vector<16xbf16>
          %swap3A_292 = arith.constant 1 : i32
          %swap3A_293 = arith.index_cast %swap3A_292 : i32 to index
          %swap3A_294 = arith.index_cast %scan3A_270 : i32 to index
          %swap3A_295 = arith.constant 16 : index
          %swap3A_296 = tpu.vector_load %arg5[%swap3A_293, %swap3A_294, %swap3A_295] {strides = array<i32>} : memref<2x125x128xbf16, #tpu.memory_space<vmem>>, vector<1x1x16xbf16>,
          %swap3A_297 = vector.shape_cast %swap3A_296 : vector<1x1x16xbf16> to vector<16xbf16>
          %swap3A_298 = vector.shape_cast %convert_element_type3A_291 : vector<16xbf16> to vector<1x1x16xbf16>
          tpu.vector_store %arg5[%swap3A_293, %swap3A_294, %swap3A_295], %swap3A_298 {strides = array<i32>} : memref<2x125x128xbf16, #tpu.memory_space<vmem>>, vector<1x1x16xbf16>,
          %get3A_299 = arith.constant 1 : i32
          %get3A_300 = arith.index_cast %get3A_299 : i32 to index
          %get3A_301 = arith.index_cast %scan3A_270 : i32 to index
          %get3A_302 = arith.constant 32 : index
          %get3A_303 = tpu.vector_load %arg4[%get3A_300, %get3A_301, %get3A_302] {strides = array<i32>} : memref<2x125x128xf32, #tpu.memory_space<vmem>>, vector<1x1x16xf32>,
          %get3A_304 = vector.shape_cast %get3A_303 : vector<1x1x16xf32> to vector<16xf32>
          %convert_element_type3A_305 = arith.truncf %get3A_304 : vector<16xf32> to vector<16xbf16>
          %swap3A_306 = arith.constant 1 : i32
          %swap3A_307 = arith.index_cast %swap3A_306 : i32 to index
          %swap3A_308 = arith.index_cast %scan3A_270 : i32 to index
          %swap3A_309 = arith.constant 32 : index
          %swap3A_310 = tpu.vector_load %arg5[%swap3A_307, %swap3A_308, %swap3A_309] {strides = array<i32>} : memref<2x125x128xbf16, #tpu.memory_space<vmem>>, vector<1x1x16xbf16>,
          %swap3A_311 = vector.shape_cast %swap3A_310 : vector<1x1x16xbf16> to vector<16xbf16>
          %swap3A_312 = vector.shape_cast %convert_element_type3A_305 : vector<16xbf16> to vector<1x1x16xbf16>
          tpu.vector_store %arg5[%swap3A_307, %swap3A_308, %swap3A_309], %swap3A_312 {strides = array<i32>} : memref<2x125x128xbf16, #tpu.memory_space<vmem>>, vector<1x1x16xbf16>,
          %get3A_313 = arith.constant 1 : i32
          %get3A_314 = arith.index_cast %get3A_313 : i32 to index
          %get3A_315 = arith.index_cast %scan3A_270 : i32 to index
          %get3A_316 = arith.constant 48 : index
          %get3A_317 = tpu.vector_load %arg4[%get3A_314, %get3A_315, %get3A_316] {strides = array<i32>} : memref<2x125x128xf32, #tpu.memory_space<vmem>>, vector<1x1x16xf32>,
          %get3A_318 = vector.shape_cast %get3A_317 : vector<1x1x16xf32> to vector<16xf32>
          %convert_element_type3A_319 = arith.truncf %get3A_318 : vector<16xf32> to vector<16xbf16>
          %swap3A_320 = arith.constant 1 : i32
          %swap3A_321 = arith.index_cast %swap3A_320 : i32 to index
          %swap3A_322 = arith.index_cast %scan3A_270 : i32 to index
          %swap3A_323 = arith.constant 48 : index
          %swap3A_324 = tpu.vector_load %arg5[%swap3A_321, %swap3A_322, %swap3A_323] {strides = array<i32>} : memref<2x125x128xbf16, #tpu.memory_space<vmem>>, vector<1x1x16xbf16>,
          %swap3A_325 = vector.shape_cast %swap3A_324 : vector<1x1x16xbf16> to vector<16xbf16>
          %swap3A_326 = vector.shape_cast %convert_element_type3A_319 : vector<16xbf16> to vector<1x1x16xbf16>
          tpu.vector_store %arg5[%swap3A_321, %swap3A_322, %swap3A_323], %swap3A_326 {strides = array<i32>} : memref<2x125x128xbf16, #tpu.memory_space<vmem>>, vector<1x1x16xbf16>,
          %get3A_327 = arith.constant 1 : i32
          %get3A_328 = arith.index_cast %get3A_327 : i32 to index
          %get3A_329 = arith.index_cast %scan3A_270 : i32 to index
          %get3A_330 = arith.constant 64 : index
          %get3A_331 = tpu.vector_load %arg4[%get3A_328, %get3A_329, %get3A_330] {strides = array<i32>} : memref<2x125x128xf32, #tpu.memory_space<vmem>>, vector<1x1x16xf32>,
          %get3A_332 = vector.shape_cast %get3A_331 : vector<1x1x16xf32> to vector<16xf32>
          %convert_element_type3A_333 = arith.truncf %get3A_332 : vector<16xf32> to vector<16xbf16>
          %swap3A_334 = arith.constant 1 : i32
          %swap3A_335 = arith.index_cast %swap3A_334 : i32 to index
          %swap3A_336 = arith.index_cast %scan3A_270 : i32 to index
          %swap3A_337 = arith.constant 64 : index
          %swap3A_338 = tpu.vector_load %arg5[%swap3A_335, %swap3A_336, %swap3A_337] {strides = array<i32>} : memref<2x125x128xbf16, #tpu.memory_space<vmem>>, vector<1x1x16xbf16>,
          %swap3A_339 = vector.shape_cast %swap3A_338 : vector<1x1x16xbf16> to vector<16xbf16>
          %swap3A_340 = vector.shape_cast %convert_element_type3A_333 : vector<16xbf16> to vector<1x1x16xbf16>
          tpu.vector_store %arg5[%swap3A_335, %swap3A_336, %swap3A_337], %swap3A_340 {strides = array<i32>} : memref<2x125x128xbf16, #tpu.memory_space<vmem>>, vector<1x1x16xbf16>,
          %get3A_341 = arith.constant 1 : i32
          %get3A_342 = arith.index_cast %get3A_341 : i32 to index
          %get3A_343 = arith.index_cast %scan3A_270 : i32 to index
          %get3A_344 = arith.constant 80 : index
          %get3A_345 = tpu.vector_load %arg4[%get3A_342, %get3A_343, %get3A_344] {strides = array<i32>} : memref<2x125x128xf32, #tpu.memory_space<vmem>>, vector<1x1x16xf32>,
          %get3A_346 = vector.shape_cast %get3A_345 : vector<1x1x16xf32> to vector<16xf32>
          %convert_element_type3A_347 = arith.truncf %get3A_346 : vector<16xf32> to vector<16xbf16>
          %swap3A_348 = arith.constant 1 : i32
          %swap3A_349 = arith.index_cast %swap3A_348 : i32 to index
          %swap3A_350 = arith.index_cast %scan3A_270 : i32 to index
          %swap3A_351 = arith.constant 80 : index
          %swap3A_352 = tpu.vector_load %arg5[%swap3A_349, %swap3A_350, %swap3A_351] {strides = array<i32>} : memref<2x125x128xbf16, #tpu.memory_space<vmem>>, vector<1x1x16xbf16>,
          %swap3A_353 = vector.shape_cast %swap3A_352 : vector<1x1x16xbf16> to vector<16xbf16>
          %swap3A_354 = vector.shape_cast %convert_element_type3A_347 : vector<16xbf16> to vector<1x1x16xbf16>
          tpu.vector_store %arg5[%swap3A_349, %swap3A_350, %swap3A_351], %swap3A_354 {strides = array<i32>} : memref<2x125x128xbf16, #tpu.memory_space<vmem>>, vector<1x1x16xbf16>,
          %get3A_355 = arith.constant 1 : i32
          %get3A_356 = arith.index_cast %get3A_355 : i32 to index
          %get3A_357 = arith.index_cast %scan3A_270 : i32 to index
          %get3A_358 = arith.constant 96 : index
          %get3A_359 = tpu.vector_load %arg4[%get3A_356, %get3A_357, %get3A_358] {strides = array<i32>} : memref<2x125x128xf32, #tpu.memory_space<vmem>>, vector<1x1x16xf32>,
          %get3A_360 = vector.shape_cast %get3A_359 : vector<1x1x16xf32> to vector<16xf32>
          %convert_element_type3A_361 = arith.truncf %get3A_360 : vector<16xf32> to vector<16xbf16>
          %swap3A_362 = arith.constant 1 : i32
          %swap3A_363 = arith.index_cast %swap3A_362 : i32 to index
          %swap3A_364 = arith.index_cast %scan3A_270 : i32 to index
          %swap3A_365 = arith.constant 96 : index
          %swap3A_366 = tpu.vector_load %arg5[%swap3A_363, %swap3A_364, %swap3A_365] {strides = array<i32>} : memref<2x125x128xbf16, #tpu.memory_space<vmem>>, vector<1x1x16xbf16>,
          %swap3A_367 = vector.shape_cast %swap3A_366 : vector<1x1x16xbf16> to vector<16xbf16>
          %swap3A_368 = vector.shape_cast %convert_element_type3A_361 : vector<16xbf16> to vector<1x1x16xbf16>
          tpu.vector_store %arg5[%swap3A_363, %swap3A_364, %swap3A_365], %swap3A_368 {strides = array<i32>} : memref<2x125x128xbf16, #tpu.memory_space<vmem>>, vector<1x1x16xbf16>,
          %get3A_369 = arith.constant 1 : i32
          %get3A_370 = arith.index_cast %get3A_369 : i32 to index
          %get3A_371 = arith.index_cast %scan3A_270 : i32 to index
          %get3A_372 = arith.constant 112 : index
          %get3A_373 = tpu.vector_load %arg4[%get3A_370, %get3A_371, %get3A_372] {strides = array<i32>} : memref<2x125x128xf32, #tpu.memory_space<vmem>>, vector<1x1x16xf32>,
          %get3A_374 = vector.shape_cast %get3A_373 : vector<1x1x16xf32> to vector<16xf32>
          %convert_element_type3A_375 = arith.truncf %get3A_374 : vector<16xf32> to vector<16xbf16>
          %swap3A_376 = arith.constant 1 : i32
          %swap3A_377 = arith.index_cast %swap3A_376 : i32 to index
          %swap3A_378 = arith.index_cast %scan3A_270 : i32 to index
          %swap3A_379 = arith.constant 112 : index
          %swap3A_380 = tpu.vector_load %arg5[%swap3A_377, %swap3A_378, %swap3A_379] {strides = array<i32>} : memref<2x125x128xbf16, #tpu.memory_space<vmem>>, vector<1x1x16xbf16>,
          %swap3A_381 = vector.shape_cast %swap3A_380 : vector<1x1x16xbf16> to vector<16xbf16>
          %swap3A_382 = vector.shape_cast %convert_element_type3A_375 : vector<16xbf16> to vector<1x1x16xbf16>
          tpu.vector_store %arg5[%swap3A_377, %swap3A_378, %swap3A_379], %swap3A_382 {strides = array<i32>} : memref<2x125x128xbf16, #tpu.memory_space<vmem>>, vector<1x1x16xbf16>,
          %scan3A_383 = arith.constant 2 : i32
          %scan3A_384 = arith.addi %scan3A_158, %scan3A_383 : i32
          %get3A_385 = arith.constant 1 : i32
          %get3A_386 = arith.index_cast %get3A_385 : i32 to index
          %get3A_387 = arith.index_cast %scan3A_384 : i32 to index
          %get3A_388 = arith.constant 0 : index
          %get3A_389 = tpu.vector_load %arg4[%get3A_386, %get3A_387, %get3A_388] {strides = array<i32>} : memref<2x125x128xf32, #tpu.memory_space<vmem>>, vector<1x1x16xf32>,
          %get3A_390 = vector.shape_cast %get3A_389 : vector<1x1x16xf32> to vector<16xf32>
          %convert_element_type3A_391 = arith.truncf %get3A_390 : vector<16xf32> to vector<16xbf16>
          %swap3A_392 = arith.constant 1 : i32
          %swap3A_393 = arith.index_cast %swap3A_392 : i32 to index
          %swap3A_394 = arith.index_cast %scan3A_384 : i32 to index
          %swap3A_395 = arith.constant 0 : index
          %swap3A_396 = tpu.vector_load %arg5[%swap3A_393, %swap3A_394, %swap3A_395] {strides = array<i32>} : memref<2x125x128xbf16, #tpu.memory_space<vmem>>, vector<1x1x16xbf16>,
          %swap3A_397 = vector.shape_cast %swap3A_396 : vector<1x1x16xbf16> to vector<16xbf16>
          %swap3A_398 = vector.shape_cast %convert_element_type3A_391 : vector<16xbf16> to vector<1x1x16xbf16>
          tpu.vector_store %arg5[%swap3A_393, %swap3A_394, %swap3A_395], %swap3A_398 {strides = array<i32>} : memref<2x125x128xbf16, #tpu.memory_space<vmem>>, vector<1x1x16xbf16>,
          %get3A_399 = arith.constant 1 : i32
          %get3A_400 = arith.index_cast %get3A_399 : i32 to index
          %get3A_401 = arith.index_cast %scan3A_384 : i32 to index
          %get3A_402 = arith.constant 16 : index
          %get3A_403 = tpu.vector_load %arg4[%get3A_400, %get3A_401, %get3A_402] {strides = array<i32>} : memref<2x125x128xf32, #tpu.memory_space<vmem>>, vector<1x1x16xf32>,
          %get3A_404 = vector.shape_cast %get3A_403 : vector<1x1x16xf32> to vector<16xf32>
          %convert_element_type3A_405 = arith.truncf %get3A_404 : vector<16xf32> to vector<16xbf16>
          %swap3A_406 = arith.constant 1 : i32
          %swap3A_407 = arith.index_cast %swap3A_406 : i32 to index
          %swap3A_408 = arith.index_cast %scan3A_384 : i32 to index
          %swap3A_409 = arith.constant 16 : index
          %swap3A_410 = tpu.vector_load %arg5[%swap3A_407, %swap3A_408, %swap3A_409] {strides = array<i32>} : memref<2x125x128xbf16, #tpu.memory_space<vmem>>, vector<1x1x16xbf16>,
          %swap3A_411 = vector.shape_cast %swap3A_410 : vector<1x1x16xbf16> to vector<16xbf16>
          %swap3A_412 = vector.shape_cast %convert_element_type3A_405 : vector<16xbf16> to vector<1x1x16xbf16>
          tpu.vector_store %arg5[%swap3A_407, %swap3A_408, %swap3A_409], %swap3A_412 {strides = array<i32>} : memref<2x125x128xbf16, #tpu.memory_space<vmem>>, vector<1x1x16xbf16>,
          %get3A_413 = arith.constant 1 : i32
          %get3A_414 = arith.index_cast %get3A_413 : i32 to index
          %get3A_415 = arith.index_cast %scan3A_384 : i32 to index
          %get3A_416 = arith.constant 32 : index
          %get3A_417 = tpu.vector_load %arg4[%get3A_414, %get3A_415, %get3A_416] {strides = array<i32>} : memref<2x125x128xf32, #tpu.memory_space<vmem>>, vector<1x1x16xf32>,
          %get3A_418 = vector.shape_cast %get3A_417 : vector<1x1x16xf32> to vector<16xf32>
          %convert_element_type3A_419 = arith.truncf %get3A_418 : vector<16xf32> to vector<16xbf16>
          %swap3A_420 = arith.constant 1 : i32
          %swap3A_421 = arith.index_cast %swap3A_420 : i32 to index
          %swap3A_422 = arith.index_cast %scan3A_384 : i32 to index
          %swap3A_423 = arith.constant 32 : index
          %swap3A_424 = tpu.vector_load %arg5[%swap3A_421, %swap3A_422, %swap3A_423] {strides = array<i32>} : memref<2x125x128xbf16, #tpu.memory_space<vmem>>, vector<1x1x16xbf16>,
          %swap3A_425 = vector.shape_cast %swap3A_424 : vector<1x1x16xbf16> to vector<16xbf16>
          %swap3A_426 = vector.shape_cast %convert_element_type3A_419 : vector<16xbf16> to vector<1x1x16xbf16>
          tpu.vector_store %arg5[%swap3A_421, %swap3A_422, %swap3A_423], %swap3A_426 {strides = array<i32>} : memref<2x125x128xbf16, #tpu.memory_space<vmem>>, vector<1x1x16xbf16>,
          %get3A_427 = arith.constant 1 : i32
          %get3A_428 = arith.index_cast %get3A_427 : i32 to index
          %get3A_429 = arith.index_cast %scan3A_384 : i32 to index
          %get3A_430 = arith.constant 48 : index
          %get3A_431 = tpu.vector_load %arg4[%get3A_428, %get3A_429, %get3A_430] {strides = array<i32>} : memref<2x125x128xf32, #tpu.memory_space<vmem>>, vector<1x1x16xf32>,
          %get3A_432 = vector.shape_cast %get3A_431 : vector<1x1x16xf32> to vector<16xf32>
          %convert_element_type3A_433 = arith.truncf %get3A_432 : vector<16xf32> to vector<16xbf16>
          %swap3A_434 = arith.constant 1 : i32
          %swap3A_435 = arith.index_cast %swap3A_434 : i32 to index
          %swap3A_436 = arith.index_cast %scan3A_384 : i32 to index
          %swap3A_437 = arith.constant 48 : index
          %swap3A_438 = tpu.vector_load %arg5[%swap3A_435, %swap3A_436, %swap3A_437] {strides = array<i32>} : memref<2x125x128xbf16, #tpu.memory_space<vmem>>, vector<1x1x16xbf16>,
          %swap3A_439 = vector.shape_cast %swap3A_438 : vector<1x1x16xbf16> to vector<16xbf16>
          %swap3A_440 = vector.shape_cast %convert_element_type3A_433 : vector<16xbf16> to vector<1x1x16xbf16>
          tpu.vector_store %arg5[%swap3A_435, %swap3A_436, %swap3A_437], %swap3A_440 {strides = array<i32>} : memref<2x125x128xbf16, #tpu.memory_space<vmem>>, vector<1x1x16xbf16>,
          %get3A_441 = arith.constant 1 : i32
          %get3A_442 = arith.index_cast %get3A_441 : i32 to index
          %get3A_443 = arith.index_cast %scan3A_384 : i32 to index
          %get3A_444 = arith.constant 64 : index
          %get3A_445 = tpu.vector_load %arg4[%get3A_442, %get3A_443, %get3A_444] {strides = array<i32>} : memref<2x125x128xf32, #tpu.memory_space<vmem>>, vector<1x1x16xf32>,
          %get3A_446 = vector.shape_cast %get3A_445 : vector<1x1x16xf32> to vector<16xf32>
          %convert_element_type3A_447 = arith.truncf %get3A_446 : vector<16xf32> to vector<16xbf16>
          %swap3A_448 = arith.constant 1 : i32
          %swap3A_449 = arith.index_cast %swap3A_448 : i32 to index
          %swap3A_450 = arith.index_cast %scan3A_384 : i32 to index
          %swap3A_451 = arith.constant 64 : index
          %swap3A_452 = tpu.vector_load %arg5[%swap3A_449, %swap3A_450, %swap3A_451] {strides = array<i32>} : memref<2x125x128xbf16, #tpu.memory_space<vmem>>, vector<1x1x16xbf16>,
          %swap3A_453 = vector.shape_cast %swap3A_452 : vector<1x1x16xbf16> to vector<16xbf16>
          %swap3A_454 = vector.shape_cast %convert_element_type3A_447 : vector<16xbf16> to vector<1x1x16xbf16>
          tpu.vector_store %arg5[%swap3A_449, %swap3A_450, %swap3A_451], %swap3A_454 {strides = array<i32>} : memref<2x125x128xbf16, #tpu.memory_space<vmem>>, vector<1x1x16xbf16>,
          %get3A_455 = arith.constant 1 : i32
          %get3A_456 = arith.index_cast %get3A_455 : i32 to index
          %get3A_457 = arith.index_cast %scan3A_384 : i32 to index
          %get3A_458 = arith.constant 80 : index
          %get3A_459 = tpu.vector_load %arg4[%get3A_456, %get3A_457, %get3A_458] {strides = array<i32>} : memref<2x125x128xf32, #tpu.memory_space<vmem>>, vector<1x1x16xf32>,
          %get3A_460 = vector.shape_cast %get3A_459 : vector<1x1x16xf32> to vector<16xf32>
          %convert_element_type3A_461 = arith.truncf %get3A_460 : vector<16xf32> to vector<16xbf16>
          %swap3A_462 = arith.constant 1 : i32
          %swap3A_463 = arith.index_cast %swap3A_462 : i32 to index
          %swap3A_464 = arith.index_cast %scan3A_384 : i32 to index
          %swap3A_465 = arith.constant 80 : index
          %swap3A_466 = tpu.vector_load %arg5[%swap3A_463, %swap3A_464, %swap3A_465] {strides = array<i32>} : memref<2x125x128xbf16, #tpu.memory_space<vmem>>, vector<1x1x16xbf16>,
          %swap3A_467 = vector.shape_cast %swap3A_466 : vector<1x1x16xbf16> to vector<16xbf16>
          %swap3A_468 = vector.shape_cast %convert_element_type3A_461 : vector<16xbf16> to vector<1x1x16xbf16>
          tpu.vector_store %arg5[%swap3A_463, %swap3A_464, %swap3A_465], %swap3A_468 {strides = array<i32>} : memref<2x125x128xbf16, #tpu.memory_space<vmem>>, vector<1x1x16xbf16>,
          %get3A_469 = arith.constant 1 : i32
          %get3A_470 = arith.index_cast %get3A_469 : i32 to index
          %get3A_471 = arith.index_cast %scan3A_384 : i32 to index
          %get3A_472 = arith.constant 96 : index
          %get3A_473 = tpu.vector_load %arg4[%get3A_470, %get3A_471, %get3A_472] {strides = array<i32>} : memref<2x125x128xf32, #tpu.memory_space<vmem>>, vector<1x1x16xf32>,
          %get3A_474 = vector.shape_cast %get3A_473 : vector<1x1x16xf32> to vector<16xf32>
          %convert_element_type3A_475 = arith.truncf %get3A_474 : vector<16xf32> to vector<16xbf16>
          %swap3A_476 = arith.constant 1 : i32
          %swap3A_477 = arith.index_cast %swap3A_476 : i32 to index
          %swap3A_478 = arith.index_cast %scan3A_384 : i32 to index
          %swap3A_479 = arith.constant 96 : index
          %swap3A_480 = tpu.vector_load %arg5[%swap3A_477, %swap3A_478, %swap3A_479] {strides = array<i32>} : memref<2x125x128xbf16, #tpu.memory_space<vmem>>, vector<1x1x16xbf16>,
          %swap3A_481 = vector.shape_cast %swap3A_480 : vector<1x1x16xbf16> to vector<16xbf16>
          %swap3A_482 = vector.shape_cast %convert_element_type3A_475 : vector<16xbf16> to vector<1x1x16xbf16>
          tpu.vector_store %arg5[%swap3A_477, %swap3A_478, %swap3A_479], %swap3A_482 {strides = array<i32>} : memref<2x125x128xbf16, #tpu.memory_space<vmem>>, vector<1x1x16xbf16>,
          %get3A_483 = arith.constant 1 : i32
          %get3A_484 = arith.index_cast %get3A_483 : i32 to index
          %get3A_485 = arith.index_cast %scan3A_384 : i32 to index
          %get3A_486 = arith.constant 112 : index
          %get3A_487 = tpu.vector_load %arg4[%get3A_484, %get3A_485, %get3A_486] {strides = array<i32>} : memref<2x125x128xf32, #tpu.memory_space<vmem>>, vector<1x1x16xf32>,
          %get3A_488 = vector.shape_cast %get3A_487 : vector<1x1x16xf32> to vector<16xf32>
          %convert_element_type3A_489 = arith.truncf %get3A_488 : vector<16xf32> to vector<16xbf16>
          %swap3A_490 = arith.constant 1 : i32
          %swap3A_491 = arith.index_cast %swap3A_490 : i32 to index
          %swap3A_492 = arith.index_cast %scan3A_384 : i32 to index
          %swap3A_493 = arith.constant 112 : index
          %swap3A_494 = tpu.vector_load %arg5[%swap3A_491, %swap3A_492, %swap3A_493] {strides = array<i32>} : memref<2x125x128xbf16, #tpu.memory_space<vmem>>, vector<1x1x16xbf16>,
          %swap3A_495 = vector.shape_cast %swap3A_494 : vector<1x1x16xbf16> to vector<16xbf16>
          %swap3A_496 = vector.shape_cast %convert_element_type3A_489 : vector<16xbf16> to vector<1x1x16xbf16>
          tpu.vector_store %arg5[%swap3A_491, %swap3A_492, %swap3A_493], %swap3A_496 {strides = array<i32>} : memref<2x125x128xbf16, #tpu.memory_space<vmem>>, vector<1x1x16xbf16>,
          %scan3A_497 = arith.constant 3 : i32
          %scan3A_498 = arith.addi %scan3A_158, %scan3A_497 : i32
          %get3A_499 = arith.constant 1 : i32
          %get3A_500 = arith.index_cast %get3A_499 : i32 to index
          %get3A_501 = arith.index_cast %scan3A_498 : i32 to index
          %get3A_502 = arith.constant 0 : index
          %get3A_503 = tpu.vector_load %arg4[%get3A_500, %get3A_501, %get3A_502] {strides = array<i32>} : memref<2x125x128xf32, #tpu.memory_space<vmem>>, vector<1x1x16xf32>,
          %get3A_504 = vector.shape_cast %get3A_503 : vector<1x1x16xf32> to vector<16xf32>
          %convert_element_type3A_505 = arith.truncf %get3A_504 : vector<16xf32> to vector<16xbf16>
          %swap3A_506 = arith.constant 1 : i32
          %swap3A_507 = arith.index_cast %swap3A_506 : i32 to index
          %swap3A_508 = arith.index_cast %scan3A_498 : i32 to index
          %swap3A_509 = arith.constant 0 : index
          %swap3A_510 = tpu.vector_load %arg5[%swap3A_507, %swap3A_508, %swap3A_509] {strides = array<i32>} : memref<2x125x128xbf16, #tpu.memory_space<vmem>>, vector<1x1x16xbf16>,
          %swap3A_511 = vector.shape_cast %swap3A_510 : vector<1x1x16xbf16> to vector<16xbf16>
          %swap3A_512 = vector.shape_cast %convert_element_type3A_505 : vector<16xbf16> to vector<1x1x16xbf16>
          tpu.vector_store %arg5[%swap3A_507, %swap3A_508, %swap3A_509], %swap3A_512 {strides = array<i32>} : memref<2x125x128xbf16, #tpu.memory_space<vmem>>, vector<1x1x16xbf16>,
          %get3A_513 = arith.constant 1 : i32
          %get3A_514 = arith.index_cast %get3A_513 : i32 to index
          %get3A_515 = arith.index_cast %scan3A_498 : i32 to index
          %get3A_516 = arith.constant 16 : index
          %get3A_517 = tpu.vector_load %arg4[%get3A_514, %get3A_515, %get3A_516] {strides = array<i32>} : memref<2x125x128xf32, #tpu.memory_space<vmem>>, vector<1x1x16xf32>,
          %get3A_518 = vector.shape_cast %get3A_517 : vector<1x1x16xf32> to vector<16xf32>
          %convert_element_type3A_519 = arith.truncf %get3A_518 : vector<16xf32> to vector<16xbf16>
          %swap3A_520 = arith.constant 1 : i32
          %swap3A_521 = arith.index_cast %swap3A_520 : i32 to index
          %swap3A_522 = arith.index_cast %scan3A_498 : i32 to index
          %swap3A_523 = arith.constant 16 : index
          %swap3A_524 = tpu.vector_load %arg5[%swap3A_521, %swap3A_522, %swap3A_523] {strides = array<i32>} : memref<2x125x128xbf16, #tpu.memory_space<vmem>>, vector<1x1x16xbf16>,
          %swap3A_525 = vector.shape_cast %swap3A_524 : vector<1x1x16xbf16> to vector<16xbf16>
          %swap3A_526 = vector.shape_cast %convert_element_type3A_519 : vector<16xbf16> to vector<1x1x16xbf16>
          tpu.vector_store %arg5[%swap3A_521, %swap3A_522, %swap3A_523], %swap3A_526 {strides = array<i32>} : memref<2x125x128xbf16, #tpu.memory_space<vmem>>, vector<1x1x16xbf16>,
          %get3A_527 = arith.constant 1 : i32
          %get3A_528 = arith.index_cast %get3A_527 : i32 to index
          %get3A_529 = arith.index_cast %scan3A_498 : i32 to index
          %get3A_530 = arith.constant 32 : index
          %get3A_531 = tpu.vector_load %arg4[%get3A_528, %get3A_529, %get3A_530] {strides = array<i32>} : memref<2x125x128xf32, #tpu.memory_space<vmem>>, vector<1x1x16xf32>,
          %get3A_532 = vector.shape_cast %get3A_531 : vector<1x1x16xf32> to vector<16xf32>
          %convert_element_type3A_533 = arith.truncf %get3A_532 : vector<16xf32> to vector<16xbf16>
          %swap3A_534 = arith.constant 1 : i32
          %swap3A_535 = arith.index_cast %swap3A_534 : i32 to index
          %swap3A_536 = arith.index_cast %scan3A_498 : i32 to index
          %swap3A_537 = arith.constant 32 : index
          %swap3A_538 = tpu.vector_load %arg5[%swap3A_535, %swap3A_536, %swap3A_537] {strides = array<i32>} : memref<2x125x128xbf16, #tpu.memory_space<vmem>>, vector<1x1x16xbf16>,
          %swap3A_539 = vector.shape_cast %swap3A_538 : vector<1x1x16xbf16> to vector<16xbf16>
          %swap3A_540 = vector.shape_cast %convert_element_type3A_533 : vector<16xbf16> to vector<1x1x16xbf16>
          tpu.vector_store %arg5[%swap3A_535, %swap3A_536, %swap3A_537], %swap3A_540 {strides = array<i32>} : memref<2x125x128xbf16, #tpu.memory_space<vmem>>, vector<1x1x16xbf16>,
          %get3A_541 = arith.constant 1 : i32
          %get3A_542 = arith.index_cast %get3A_541 : i32 to index
          %get3A_543 = arith.index_cast %scan3A_498 : i32 to index
          %get3A_544 = arith.constant 48 : index
          %get3A_545 = tpu.vector_load %arg4[%get3A_542, %get3A_543, %get3A_544] {strides = array<i32>} : memref<2x125x128xf32, #tpu.memory_space<vmem>>, vector<1x1x16xf32>,
          %get3A_546 = vector.shape_cast %get3A_545 : vector<1x1x16xf32> to vector<16xf32>
          %convert_element_type3A_547 = arith.truncf %get3A_546 : vector<16xf32> to vector<16xbf16>
          %swap3A_548 = arith.constant 1 : i32
          %swap3A_549 = arith.index_cast %swap3A_548 : i32 to index
          %swap3A_550 = arith.index_cast %scan3A_498 : i32 to index
          %swap3A_551 = arith.constant 48 : index
          %swap3A_552 = tpu.vector_load %arg5[%swap3A_549, %swap3A_550, %swap3A_551] {strides = array<i32>} : memref<2x125x128xbf16, #tpu.memory_space<vmem>>, vector<1x1x16xbf16>,
          %swap3A_553 = vector.shape_cast %swap3A_552 : vector<1x1x16xbf16> to vector<16xbf16>
          %swap3A_554 = vector.shape_cast %convert_element_type3A_547 : vector<16xbf16> to vector<1x1x16xbf16>
          tpu.vector_store %arg5[%swap3A_549, %swap3A_550, %swap3A_551], %swap3A_554 {strides = array<i32>} : memref<2x125x128xbf16, #tpu.memory_space<vmem>>, vector<1x1x16xbf16>,
          %get3A_555 = arith.constant 1 : i32
          %get3A_556 = arith.index_cast %get3A_555 : i32 to index
          %get3A_557 = arith.index_cast %scan3A_498 : i32 to index
          %get3A_558 = arith.constant 64 : index
          %get3A_559 = tpu.vector_load %arg4[%get3A_556, %get3A_557, %get3A_558] {strides = array<i32>} : memref<2x125x128xf32, #tpu.memory_space<vmem>>, vector<1x1x16xf32>,
          %get3A_560 = vector.shape_cast %get3A_559 : vector<1x1x16xf32> to vector<16xf32>
          %convert_element_type3A_561 = arith.truncf %get3A_560 : vector<16xf32> to vector<16xbf16>
          %swap3A_562 = arith.constant 1 : i32
          %swap3A_563 = arith.index_cast %swap3A_562 : i32 to index
          %swap3A_564 = arith.index_cast %scan3A_498 : i32 to index
          %swap3A_565 = arith.constant 64 : index
          %swap3A_566 = tpu.vector_load %arg5[%swap3A_563, %swap3A_564, %swap3A_565] {strides = array<i32>} : memref<2x125x128xbf16, #tpu.memory_space<vmem>>, vector<1x1x16xbf16>,
          %swap3A_567 = vector.shape_cast %swap3A_566 : vector<1x1x16xbf16> to vector<16xbf16>
          %swap3A_568 = vector.shape_cast %convert_element_type3A_561 : vector<16xbf16> to vector<1x1x16xbf16>
          tpu.vector_store %arg5[%swap3A_563, %swap3A_564, %swap3A_565], %swap3A_568 {strides = array<i32>} : memref<2x125x128xbf16, #tpu.memory_space<vmem>>, vector<1x1x16xbf16>,
          %get3A_569 = arith.constant 1 : i32
          %get3A_570 = arith.index_cast %get3A_569 : i32 to index
          %get3A_571 = arith.index_cast %scan3A_498 : i32 to index
          %get3A_572 = arith.constant 80 : index
          %get3A_573 = tpu.vector_load %arg4[%get3A_570, %get3A_571, %get3A_572] {strides = array<i32>} : memref<2x125x128xf32, #tpu.memory_space<vmem>>, vector<1x1x16xf32>,
          %get3A_574 = vector.shape_cast %get3A_573 : vector<1x1x16xf32> to vector<16xf32>
          %convert_element_type3A_575 = arith.truncf %get3A_574 : vector<16xf32> to vector<16xbf16>
          %swap3A_576 = arith.constant 1 : i32
          %swap3A_577 = arith.index_cast %swap3A_576 : i32 to index
          %swap3A_578 = arith.index_cast %scan3A_498 : i32 to index
          %swap3A_579 = arith.constant 80 : index
          %swap3A_580 = tpu.vector_load %arg5[%swap3A_577, %swap3A_578, %swap3A_579] {strides = array<i32>} : memref<2x125x128xbf16, #tpu.memory_space<vmem>>, vector<1x1x16xbf16>,
          %swap3A_581 = vector.shape_cast %swap3A_580 : vector<1x1x16xbf16> to vector<16xbf16>
          %swap3A_582 = vector.shape_cast %convert_element_type3A_575 : vector<16xbf16> to vector<1x1x16xbf16>
          tpu.vector_store %arg5[%swap3A_577, %swap3A_578, %swap3A_579], %swap3A_582 {strides = array<i32>} : memref<2x125x128xbf16, #tpu.memory_space<vmem>>, vector<1x1x16xbf16>,
          %get3A_583 = arith.constant 1 : i32
          %get3A_584 = arith.index_cast %get3A_583 : i32 to index
          %get3A_585 = arith.index_cast %scan3A_498 : i32 to index
          %get3A_586 = arith.constant 96 : index
          %get3A_587 = tpu.vector_load %arg4[%get3A_584, %get3A_585, %get3A_586] {strides = array<i32>} : memref<2x125x128xf32, #tpu.memory_space<vmem>>, vector<1x1x16xf32>,
          %get3A_588 = vector.shape_cast %get3A_587 : vector<1x1x16xf32> to vector<16xf32>
          %convert_element_type3A_589 = arith.truncf %get3A_588 : vector<16xf32> to vector<16xbf16>
          %swap3A_590 = arith.constant 1 : i32
          %swap3A_591 = arith.index_cast %swap3A_590 : i32 to index
          %swap3A_592 = arith.index_cast %scan3A_498 : i32 to index
          %swap3A_593 = arith.constant 96 : index
          %swap3A_594 = tpu.vector_load %arg5[%swap3A_591, %swap3A_592, %swap3A_593] {strides = array<i32>} : memref<2x125x128xbf16, #tpu.memory_space<vmem>>, vector<1x1x16xbf16>,
          %swap3A_595 = vector.shape_cast %swap3A_594 : vector<1x1x16xbf16> to vector<16xbf16>
          %swap3A_596 = vector.shape_cast %convert_element_type3A_589 : vector<16xbf16> to vector<1x1x16xbf16>
          tpu.vector_store %arg5[%swap3A_591, %swap3A_592, %swap3A_593], %swap3A_596 {strides = array<i32>} : memref<2x125x128xbf16, #tpu.memory_space<vmem>>, vector<1x1x16xbf16>,
          %get3A_597 = arith.constant 1 : i32
          %get3A_598 = arith.index_cast %get3A_597 : i32 to index
          %get3A_599 = arith.index_cast %scan3A_498 : i32 to index
          %get3A_600 = arith.constant 112 : index
          %get3A_601 = tpu.vector_load %arg4[%get3A_598, %get3A_599, %get3A_600] {strides = array<i32>} : memref<2x125x128xf32, #tpu.memory_space<vmem>>, vector<1x1x16xf32>,
          %get3A_602 = vector.shape_cast %get3A_601 : vector<1x1x16xf32> to vector<16xf32>
          %convert_element_type3A_603 = arith.truncf %get3A_602 : vector<16xf32> to vector<16xbf16>
          %swap3A_604 = arith.constant 1 : i32
          %swap3A_605 = arith.index_cast %swap3A_604 : i32 to index
          %swap3A_606 = arith.index_cast %scan3A_498 : i32 to index
          %swap3A_607 = arith.constant 112 : index
          %swap3A_608 = tpu.vector_load %arg5[%swap3A_605, %swap3A_606, %swap3A_607] {strides = array<i32>} : memref<2x125x128xbf16, #tpu.memory_space<vmem>>, vector<1x1x16xbf16>,
          %swap3A_609 = vector.shape_cast %swap3A_608 : vector<1x1x16xbf16> to vector<16xbf16>
          %swap3A_610 = vector.shape_cast %convert_element_type3A_603 : vector<16xbf16> to vector<1x1x16xbf16>
          tpu.vector_store %arg5[%swap3A_605, %swap3A_606, %swap3A_607], %swap3A_610 {strides = array<i32>} : memref<2x125x128xbf16, #tpu.memory_space<vmem>>, vector<1x1x16xbf16>,
          %scan3A_611 = arith.constant 4 : i32
          %scan3A_612 = arith.addi %scan3A_158, %scan3A_611 : i32
          %get3A_613 = arith.constant 1 : i32
          %get3A_614 = arith.index_cast %get3A_613 : i32 to index
          %get3A_615 = arith.index_cast %scan3A_612 : i32 to index
          %get3A_616 = arith.constant 0 : index
          %get3A_617 = tpu.vector_load %arg4[%get3A_614, %get3A_615, %get3A_616] {strides = array<i32>} : memref<2x125x128xf32, #tpu.memory_space<vmem>>, vector<1x1x16xf32>,
          %get3A_618 = vector.shape_cast %get3A_617 : vector<1x1x16xf32> to vector<16xf32>
          %convert_element_type3A_619 = arith.truncf %get3A_618 : vector<16xf32> to vector<16xbf16>
          %swap3A_620 = arith.constant 1 : i32
          %swap3A_621 = arith.index_cast %swap3A_620 : i32 to index
          %swap3A_622 = arith.index_cast %scan3A_612 : i32 to index
          %swap3A_623 = arith.constant 0 : index
          %swap3A_624 = tpu.vector_load %arg5[%swap3A_621, %swap3A_622, %swap3A_623] {strides = array<i32>} : memref<2x125x128xbf16, #tpu.memory_space<vmem>>, vector<1x1x16xbf16>,
          %swap3A_625 = vector.shape_cast %swap3A_624 : vector<1x1x16xbf16> to vector<16xbf16>
          %swap3A_626 = vector.shape_cast %convert_element_type3A_619 : vector<16xbf16> to vector<1x1x16xbf16>
          tpu.vector_store %arg5[%swap3A_621, %swap3A_622, %swap3A_623], %swap3A_626 {strides = array<i32>} : memref<2x125x128xbf16, #tpu.memory_space<vmem>>, vector<1x1x16xbf16>,
          %get3A_627 = arith.constant 1 : i32
          %get3A_628 = arith.index_cast %get3A_627 : i32 to index
          %get3A_629 = arith.index_cast %scan3A_612 : i32 to index
          %get3A_630 = arith.constant 16 : index
          %get3A_631 = tpu.vector_load %arg4[%get3A_628, %get3A_629, %get3A_630] {strides = array<i32>} : memref<2x125x128xf32, #tpu.memory_space<vmem>>, vector<1x1x16xf32>,
          %get3A_632 = vector.shape_cast %get3A_631 : vector<1x1x16xf32> to vector<16xf32>
          %convert_element_type3A_633 = arith.truncf %get3A_632 : vector<16xf32> to vector<16xbf16>
          %swap3A_634 = arith.constant 1 : i32
          %swap3A_635 = arith.index_cast %swap3A_634 : i32 to index
          %swap3A_636 = arith.index_cast %scan3A_612 : i32 to index
          %swap3A_637 = arith.constant 16 : index
          %swap3A_638 = tpu.vector_load %arg5[%swap3A_635, %swap3A_636, %swap3A_637] {strides = array<i32>} : memref<2x125x128xbf16, #tpu.memory_space<vmem>>, vector<1x1x16xbf16>,
          %swap3A_639 = vector.shape_cast %swap3A_638 : vector<1x1x16xbf16> to vector<16xbf16>
          %swap3A_640 = vector.shape_cast %convert_element_type3A_633 : vector<16xbf16> to vector<1x1x16xbf16>
          tpu.vector_store %arg5[%swap3A_635, %swap3A_636, %swap3A_637], %swap3A_640 {strides = array<i32>} : memref<2x125x128xbf16, #tpu.memory_space<vmem>>, vector<1x1x16xbf16>,
          %get3A_641 = arith.constant 1 : i32
          %get3A_642 = arith.index_cast %get3A_641 : i32 to index
          %get3A_643 = arith.index_cast %scan3A_612 : i32 to index
          %get3A_644 = arith.constant 32 : index
          %get3A_645 = tpu.vector_load %arg4[%get3A_642, %get3A_643, %get3A_644] {strides = array<i32>} : memref<2x125x128xf32, #tpu.memory_space<vmem>>, vector<1x1x16xf32>,
          %get3A_646 = vector.shape_cast %get3A_645 : vector<1x1x16xf32> to vector<16xf32>
          %convert_element_type3A_647 = arith.truncf %get3A_646 : vector<16xf32> to vector<16xbf16>
          %swap3A_648 = arith.constant 1 : i32
          %swap3A_649 = arith.index_cast %swap3A_648 : i32 to index
          %swap3A_650 = arith.index_cast %scan3A_612 : i32 to index
          %swap3A_651 = arith.constant 32 : index
          %swap3A_652 = tpu.vector_load %arg5[%swap3A_649, %swap3A_650, %swap3A_651] {strides = array<i32>} : memref<2x125x128xbf16, #tpu.memory_space<vmem>>, vector<1x1x16xbf16>,
          %swap3A_653 = vector.shape_cast %swap3A_652 : vector<1x1x16xbf16> to vector<16xbf16>
          %swap3A_654 = vector.shape_cast %convert_element_type3A_647 : vector<16xbf16> to vector<1x1x16xbf16>
          tpu.vector_store %arg5[%swap3A_649, %swap3A_650, %swap3A_651], %swap3A_654 {strides = array<i32>} : memref<2x125x128xbf16, #tpu.memory_space<vmem>>, vector<1x1x16xbf16>,
          %get3A_655 = arith.constant 1 : i32
          %get3A_656 = arith.index_cast %get3A_655 : i32 to index
          %get3A_657 = arith.index_cast %scan3A_612 : i32 to index
          %get3A_658 = arith.constant 48 : index
          %get3A_659 = tpu.vector_load %arg4[%get3A_656, %get3A_657, %get3A_658] {strides = array<i32>} : memref<2x125x128xf32, #tpu.memory_space<vmem>>, vector<1x1x16xf32>,
          %get3A_660 = vector.shape_cast %get3A_659 : vector<1x1x16xf32> to vector<16xf32>
          %convert_element_type3A_661 = arith.truncf %get3A_660 : vector<16xf32> to vector<16xbf16>
          %swap3A_662 = arith.constant 1 : i32
          %swap3A_663 = arith.index_cast %swap3A_662 : i32 to index
          %swap3A_664 = arith.index_cast %scan3A_612 : i32 to index
          %swap3A_665 = arith.constant 48 : index
          %swap3A_666 = tpu.vector_load %arg5[%swap3A_663, %swap3A_664, %swap3A_665] {strides = array<i32>} : memref<2x125x128xbf16, #tpu.memory_space<vmem>>, vector<1x1x16xbf16>,
          %swap3A_667 = vector.shape_cast %swap3A_666 : vector<1x1x16xbf16> to vector<16xbf16>
          %swap3A_668 = vector.shape_cast %convert_element_type3A_661 : vector<16xbf16> to vector<1x1x16xbf16>
          tpu.vector_store %arg5[%swap3A_663, %swap3A_664, %swap3A_665], %swap3A_668 {strides = array<i32>} : memref<2x125x128xbf16, #tpu.memory_space<vmem>>, vector<1x1x16xbf16>,
          %get3A_669 = arith.constant 1 : i32
          %get3A_670 = arith.index_cast %get3A_669 : i32 to index
          %get3A_671 = arith.index_cast %scan3A_612 : i32 to index
          %get3A_672 = arith.constant 64 : index
          %get3A_673 = tpu.vector_load %arg4[%get3A_670, %get3A_671, %get3A_672] {strides = array<i32>} : memref<2x125x128xf32, #tpu.memory_space<vmem>>, vector<1x1x16xf32>,
          %get3A_674 = vector.shape_cast %get3A_673 : vector<1x1x16xf32> to vector<16xf32>
          %convert_element_type3A_675 = arith.truncf %get3A_674 : vector<16xf32> to vector<16xbf16>
          %swap3A_676 = arith.constant 1 : i32
          %swap3A_677 = arith.index_cast %swap3A_676 : i32 to index
          %swap3A_678 = arith.index_cast %scan3A_612 : i32 to index
          %swap3A_679 = arith.constant 64 : index
          %swap3A_680 = tpu.vector_load %arg5[%swap3A_677, %swap3A_678, %swap3A_679] {strides = array<i32>} : memref<2x125x128xbf16, #tpu.memory_space<vmem>>, vector<1x1x16xbf16>,
          %swap3A_681 = vector.shape_cast %swap3A_680 : vector<1x1x16xbf16> to vector<16xbf16>
          %swap3A_682 = vector.shape_cast %convert_element_type3A_675 : vector<16xbf16> to vector<1x1x16xbf16>
          tpu.vector_store %arg5[%swap3A_677, %swap3A_678, %swap3A_679], %swap3A_682 {strides = array<i32>} : memref<2x125x128xbf16, #tpu.memory_space<vmem>>, vector<1x1x16xbf16>,
          %get3A_683 = arith.constant 1 : i32
          %get3A_684 = arith.index_cast %get3A_683 : i32 to index
          %get3A_685 = arith.index_cast %scan3A_612 : i32 to index
          %get3A_686 = arith.constant 80 : index
          %get3A_687 = tpu.vector_load %arg4[%get3A_684, %get3A_685, %get3A_686] {strides = array<i32>} : memref<2x125x128xf32, #tpu.memory_space<vmem>>, vector<1x1x16xf32>,
          %get3A_688 = vector.shape_cast %get3A_687 : vector<1x1x16xf32> to vector<16xf32>
          %convert_element_type3A_689 = arith.truncf %get3A_688 : vector<16xf32> to vector<16xbf16>
          %swap3A_690 = arith.constant 1 : i32
          %swap3A_691 = arith.index_cast %swap3A_690 : i32 to index
          %swap3A_692 = arith.index_cast %scan3A_612 : i32 to index
          %swap3A_693 = arith.constant 80 : index
          %swap3A_694 = tpu.vector_load %arg5[%swap3A_691, %swap3A_692, %swap3A_693] {strides = array<i32>} : memref<2x125x128xbf16, #tpu.memory_space<vmem>>, vector<1x1x16xbf16>,
          %swap3A_695 = vector.shape_cast %swap3A_694 : vector<1x1x16xbf16> to vector<16xbf16>
          %swap3A_696 = vector.shape_cast %convert_element_type3A_689 : vector<16xbf16> to vector<1x1x16xbf16>
          tpu.vector_store %arg5[%swap3A_691, %swap3A_692, %swap3A_693], %swap3A_696 {strides = array<i32>} : memref<2x125x128xbf16, #tpu.memory_space<vmem>>, vector<1x1x16xbf16>,
          %get3A_697 = arith.constant 1 : i32
          %get3A_698 = arith.index_cast %get3A_697 : i32 to index
          %get3A_699 = arith.index_cast %scan3A_612 : i32 to index
          %get3A_700 = arith.constant 96 : index
          %get3A_701 = tpu.vector_load %arg4[%get3A_698, %get3A_699, %get3A_700] {strides = array<i32>} : memref<2x125x128xf32, #tpu.memory_space<vmem>>, vector<1x1x16xf32>,
          %get3A_702 = vector.shape_cast %get3A_701 : vector<1x1x16xf32> to vector<16xf32>
          %convert_element_type3A_703 = arith.truncf %get3A_702 : vector<16xf32> to vector<16xbf16>
          %swap3A_704 = arith.constant 1 : i32
          %swap3A_705 = arith.index_cast %swap3A_704 : i32 to index
          %swap3A_706 = arith.index_cast %scan3A_612 : i32 to index
          %swap3A_707 = arith.constant 96 : index
          %swap3A_708 = tpu.vector_load %arg5[%swap3A_705, %swap3A_706, %swap3A_707] {strides = array<i32>} : memref<2x125x128xbf16, #tpu.memory_space<vmem>>, vector<1x1x16xbf16>,
          %swap3A_709 = vector.shape_cast %swap3A_708 : vector<1x1x16xbf16> to vector<16xbf16>
          %swap3A_710 = vector.shape_cast %convert_element_type3A_703 : vector<16xbf16> to vector<1x1x16xbf16>
          tpu.vector_store %arg5[%swap3A_705, %swap3A_706, %swap3A_707], %swap3A_710 {strides = array<i32>} : memref<2x125x128xbf16, #tpu.memory_space<vmem>>, vector<1x1x16xbf16>,
          %get3A_711 = arith.constant 1 : i32
          %get3A_712 = arith.index_cast %get3A_711 : i32 to index
          %get3A_713 = arith.index_cast %scan3A_612 : i32 to index
          %get3A_714 = arith.constant 112 : index
          %get3A_715 = tpu.vector_load %arg4[%get3A_712, %get3A_713, %get3A_714] {strides = array<i32>} : memref<2x125x128xf32, #tpu.memory_space<vmem>>, vector<1x1x16xf32>,
          %get3A_716 = vector.shape_cast %get3A_715 : vector<1x1x16xf32> to vector<16xf32>
          %convert_element_type3A_717 = arith.truncf %get3A_716 : vector<16xf32> to vector<16xbf16>
          %swap3A_718 = arith.constant 1 : i32
          %swap3A_719 = arith.index_cast %swap3A_718 : i32 to index
          %swap3A_720 = arith.index_cast %scan3A_612 : i32 to index
          %swap3A_721 = arith.constant 112 : index
          %swap3A_722 = tpu.vector_load %arg5[%swap3A_719, %swap3A_720, %swap3A_721] {strides = array<i32>} : memref<2x125x128xbf16, #tpu.memory_space<vmem>>, vector<1x1x16xbf16>,
          %swap3A_723 = vector.shape_cast %swap3A_722 : vector<1x1x16xbf16> to vector<16xbf16>
          %swap3A_724 = vector.shape_cast %convert_element_type3A_717 : vector<16xbf16> to vector<1x1x16xbf16>
          tpu.vector_store %arg5[%swap3A_719, %swap3A_720, %swap3A_721], %swap3A_724 {strides = array<i32>} : memref<2x125x128xbf16, #tpu.memory_space<vmem>>, vector<1x1x16xbf16>,
        }
        %scan3A_139 = arith.constant 125 : i32
        %add3A_140 = arith.constant 1 : i32
        %add3A_141 = arith.addi %add3A_54, %add3A_140 : i32
        %mul3A_142 = arith.constant 125 : i32
        %mul3A_143 = arith.muli %add3A_141, %mul3A_142 : i32
        %add3A_144 = arith.addi %mul3A_2, %mul3A_143 : i32
        %dma_start3A_145 = arith.constant 1 : i32
        %dma_start3A_146 = arith.constant 0 : i32
        %dma_start3A_147 = arith.constant 0 : i32
        %dma_start3A_148 = tpu.memref_slice %arg5[%dma_start3A_145, %dma_start3A_146, %dma_start3A_147] : memref<2x125x128xbf16, #tpu.memory_space<vmem>> -> memref<1x125x128xbf16, #tpu.memory_space<vmem>>
        %dma_start3A_149 = tpu.memref_squeeze %dma_start3A_148 : memref<1x125x128xbf16, #tpu.memory_space<vmem>> -> memref<125x128xbf16, #tpu.memory_space<vmem>>
        %dma_start3A_150 = arith.constant 0 : i32
        %dma_start3A_151 = tpu.memref_slice %arg3[%add3A_144, %dma_start3A_150] : memref<100000x128xbf16, #tpu.memory_space<hbm>> -> memref<125x128xbf16, #tpu.memory_space<hbm>>
        %dma_start3A_152 = arith.constant 0 : i32
        %dma_start3A_153 = tpu.memref_slice %arg3[%add3A_144, %dma_start3A_152] : memref<100000x128xbf16, #tpu.memory_space<hbm>> -> memref<125x128xbf16, #tpu.memory_space<hbm>>
        %dma_start3A_154 = arith.constant 0 : i32
        %dma_start3A_155 = arith.constant 0 : i32
        %dma_start3A_156 = tpu.memref_slice %arg5[%dma_start3A_145, %dma_start3A_154, %dma_start3A_155] : memref<2x125x128xbf16, #tpu.memory_space<vmem>> -> memref<1x125x128xbf16, #tpu.memory_space<vmem>>
        %dma_start3A_157 = tpu.memref_squeeze %dma_start3A_156 : memref<1x125x128xbf16, #tpu.memory_space<vmem>> -> memref<125x128xbf16, #tpu.memory_space<vmem>>
        tpu.enqueue_dma source(%dma_start3A_157 : memref<125x128xbf16, #tpu.memory_space<vmem>>) target(%dma_start3A_153 : memref<125x128xbf16, #tpu.memory_space<hbm>>) target_semaphore(%arg9 : memref<!tpu.dma_semaphore, #tpu.memory_space<semaphore_mem>>)
      } else {
      }
    }
    %scan3A_20 = arith.constant 13 : i32
    %dma_wait3A = arith.constant 0 : i32
    %dma_wait3A_21 = arith.constant 0 : i32
    %dma_wait3A_22 = arith.constant 0 : i32
    %dma_wait3A_23 = tpu.memref_slice %arg5[%dma_wait3A, %dma_wait3A_21, %dma_wait3A_22] : memref<2x125x128xbf16, #tpu.memory_space<vmem>> -> memref<1x125x128xbf16, #tpu.memory_space<vmem>>
    %dma_wait3A_24 = tpu.memref_squeeze %dma_wait3A_23 : memref<1x125x128xbf16, #tpu.memory_space<vmem>> -> memref<125x128xbf16, #tpu.memory_space<vmem>>
    %dma_wait3A_25 = arith.constant 0 : i32
    %dma_wait3A_26 = arith.constant 0 : i32
    %dma_wait3A_27 = tpu.memref_slice %arg3[%dma_wait3A_25, %dma_wait3A_26] : memref<100000x128xbf16, #tpu.memory_space<hbm>> -> memref<125x128xbf16, #tpu.memory_space<hbm>>
    %dma_wait3A_28 = arith.constant 0 : i32
    %dma_wait3A_29 = arith.constant 0 : i32
    %dma_wait3A_30 = tpu.memref_slice %arg3[%dma_wait3A_28, %dma_wait3A_29] : memref<100000x128xbf16, #tpu.memory_space<hbm>> -> memref<125x128xbf16, #tpu.memory_space<hbm>>
    %dma_wait3A_31 = arith.constant 0 : i32
    %dma_wait3A_32 = arith.constant 0 : i32
    %dma_wait3A_33 = tpu.memref_slice %arg5[%dma_wait3A, %dma_wait3A_31, %dma_wait3A_32] : memref<2x125x128xbf16, #tpu.memory_space<vmem>> -> memref<1x125x128xbf16, #tpu.memory_space<vmem>>
    %dma_wait3A_34 = tpu.memref_squeeze %dma_wait3A_33 : memref<1x125x128xbf16, #tpu.memory_space<vmem>> -> memref<125x128xbf16, #tpu.memory_space<vmem>>
    tpu.wait_dma2 semaphore(%arg8 : memref<!tpu.dma_semaphore, #tpu.memory_space<semaphore_mem>>) src(%dma_wait3A_34 : memref<125x128xbf16, #tpu.memory_space<vmem>>) dst(%dma_wait3A_30 : memref<125x128xbf16, #tpu.memory_space<hbm>>)
    %dma_wait3A_35 = arith.constant 1 : i32
    %dma_wait3A_36 = arith.constant 0 : i32
    %dma_wait3A_37 = arith.constant 0 : i32
    %dma_wait3A_38 = tpu.memref_slice %arg5[%dma_wait3A_35, %dma_wait3A_36, %dma_wait3A_37] : memref<2x125x128xbf16, #tpu.memory_space<vmem>> -> memref<1x125x128xbf16, #tpu.memory_space<vmem>>
    %dma_wait3A_39 = tpu.memref_squeeze %dma_wait3A_38 : memref<1x125x128xbf16, #tpu.memory_space<vmem>> -> memref<125x128xbf16, #tpu.memory_space<vmem>>
    %dma_wait3A_40 = arith.constant 0 : i32
    %dma_wait3A_41 = arith.constant 0 : i32
    %dma_wait3A_42 = tpu.memref_slice %arg3[%dma_wait3A_40, %dma_wait3A_41] : memref<100000x128xbf16, #tpu.memory_space<hbm>> -> memref<125x128xbf16, #tpu.memory_space<hbm>>
    %dma_wait3A_43 = arith.constant 0 : i32
    %dma_wait3A_44 = arith.constant 0 : i32
    %dma_wait3A_45 = tpu.memref_slice %arg3[%dma_wait3A_43, %dma_wait3A_44] : memref<100000x128xbf16, #tpu.memory_space<hbm>> -> memref<125x128xbf16, #tpu.memory_space<hbm>>
    %dma_wait3A_46 = arith.constant 0 : i32
    %dma_wait3A_47 = arith.constant 0 : i32
    %dma_wait3A_48 = tpu.memref_slice %arg5[%dma_wait3A_35, %dma_wait3A_46, %dma_wait3A_47] : memref<2x125x128xbf16, #tpu.memory_space<vmem>> -> memref<1x125x128xbf16, #tpu.memory_space<vmem>>
    %dma_wait3A_49 = tpu.memref_squeeze %dma_wait3A_48 : memref<1x125x128xbf16, #tpu.memory_space<vmem>> -> memref<125x128xbf16, #tpu.memory_space<vmem>>
    tpu.wait_dma2 semaphore(%arg9 : memref<!tpu.dma_semaphore, #tpu.memory_space<semaphore_mem>>) src(%dma_wait3A_49 : memref<125x128xbf16, #tpu.memory_space<vmem>>) dst(%dma_wait3A_45 : memref<125x128xbf16, #tpu.memory_space<hbm>>)
    return
  }
}

module attributes {stable_mosaic.version = 14 : i64} {
  func.func @_mlp_body(%arg0: memref<4096x128xf32, #tpu.memory_space<vmem>>, %arg1: memref<128x128xf32, #tpu.memory_space<vmem>>, %arg2: memref<128xf32, #tpu.memory_space<vmem>>, %arg3: memref<128x1xf32, #tpu.memory_space<vmem>>, %arg4: memref<1xf32, #tpu.memory_space<smem>>, %arg5: memref<4096x1xf32, #tpu.memory_space<vmem>>) attributes {dimension_semantics = [], scalar_prefetch = 0 : i64, scratch_operands = 0 : i64, tpu.core_type = #tpu.core_type<tc>} {
    %get3A = arith.constant 0 : index
    %get3A_0 = arith.constant 0 : index
    %get3A_1 = vector.load %arg0[%get3A, %get3A_0] : memref<4096x128xf32, #tpu.memory_space<vmem>>, vector<4096x128xf32>
    %mul3A = arith.constant 5.000000e-03 : f32
    %mul3A_2 = vector.broadcast %mul3A : f32 to vector<4096x128xf32>
    %mul3A_3 = arith.mulf %get3A_1, %mul3A_2 : vector<4096x128xf32>
    %get3A_4 = arith.constant 0 : index
    %get3A_5 = arith.constant 0 : index
    %get3A_6 = vector.load %arg1[%get3A_4, %get3A_5] : memref<128x128xf32, #tpu.memory_space<vmem>>, vector<128x128xf32>
    %dot_general3A = arith.constant dense<0.000000e+00> : vector<4096x128xf32>
    %dot_general3A_7 = tpu.matmul %mul3A_3, %get3A_6, %dot_general3A {dimension_numbers = #tpu.dot_dimension_numbers<[1], [0], [0], [1], [0, 0, 1, 1], [], []>, transpose_lhs_hint = false} : vector<4096x128xf32>, vector<128x128xf32>, vector<4096x128xf32> -> vector<4096x128xf32>
    %get3A_8 = arith.constant 0 : index
    %get3A_9 = vector.load %arg2[%get3A_8] : memref<128xf32, #tpu.memory_space<vmem>>, vector<128xf32>
    %broadcast_in_dim3A = vector.shape_cast %get3A_9 : vector<128xf32> to vector<1x128xf32>
    %add3A = vector.broadcast %broadcast_in_dim3A : vector<1x128xf32> to vector<4096x128xf32>
    %add3A_10 = arith.addf %dot_general3A_7, %add3A : vector<4096x128xf32>
    %max3A = arith.constant 0.000000e+00 : f32
    %max3A_11 = vector.broadcast %max3A : f32 to vector<4096x128xf32>
    %max3A_12 = arith.maximumf %add3A_10, %max3A_11 : vector<4096x128xf32>
    %get3A_13 = arith.constant 0 : index
    %get3A_14 = arith.constant 0 : index
    %get3A_15 = vector.load %arg3[%get3A_13, %get3A_14] : memref<128x1xf32, #tpu.memory_space<vmem>>, vector<128x1xf32>
    %dot_general3A_16 = arith.constant dense<0.000000e+00> : vector<4096x1xf32>
    %dot_general3A_17 = tpu.matmul %max3A_12, %get3A_15, %dot_general3A_16 {dimension_numbers = #tpu.dot_dimension_numbers<[1], [0], [0], [1], [0, 0, 1, 1], [], []>, transpose_lhs_hint = false} : vector<4096x128xf32>, vector<128x1xf32>, vector<4096x1xf32> -> vector<4096x1xf32>
    %get3A_18 = arith.constant 0 : index
    %get3A_19 = memref.load %arg4[%get3A_18] : memref<1xf32, #tpu.memory_space<smem>>
    %add3A_20 = vector.broadcast %get3A_19 : f32 to vector<4096x1xf32>
    %add3A_21 = arith.addf %dot_general3A_17, %add3A_20 : vector<4096x1xf32>
    %swap3A = arith.constant 0 : index
    %swap3A_22 = arith.constant 0 : index
    %swap3A_23 = vector.load %arg5[%swap3A, %swap3A_22] : memref<4096x1xf32, #tpu.memory_space<vmem>>, vector<4096x1xf32>
    tpu.vector_store %arg5[%swap3A, %swap3A_22], %add3A_21 {strides = array<i32>} : memref<4096x1xf32, #tpu.memory_space<vmem>>, vector<4096x1xf32>,
    return
  }
}

</mosaic_0001>

<sc_bundles>
// kernel: kernel.5.cloned.1.call-start
scs
__scs_entry_jumppad:
0x0: {  	(pc) =	sbr.rel $0x88, $3  }
0x1: {  	(tag) =	ssettag $0x0;
	lr =	simm.s32 $0x1  }
0x2: {  	[smem:$0x3F9B] =	sst lr;
	_ =	strace $0xD0000000  }
0x3: {  	_ = 	snop  }
0x4: {  	_ = 	snop  }
0x5: {  	_ = 	snop  }
0x6: {  	_ = 	snop  }
0x7: {  	_ = 	snop  }
__scs_overlays_trampoline_lowered:
0x8: {  	[smem:$0x3FAA] =	sst s0  }
0x9: {  	[smem:$0x3FAB] =	sst s1  }
0xa: {  	[smem:$0x3FAC] =	sst s2  }
0xb: {  	[smem:$0x3FAD] =	sst s3  }
0xc: {  	[smem:$0x3FAE] =	sst s4  }
0xd: {  	[smem:$0x3FAF] =	sst s5  }
0xe: {  	[smem:$0x3FB0] =	sst s6  }
0xf: {  	[smem:$0x3FB1] =	sst s7  }
0x10: {  	[smem:$0x3FB2] =	sst s8  }
0x11: {  	[smem:$0x3FB3] =	sst s9;
	s0 =	simm.s32 @!p0 $0x0  }
0x12: {  	s1 =	sld [smem:$0x3F99];
	s0 =	simm.s32 @p0 $0x1  }
0x13: {  	[smem:$0x3FB4] =	sst s0;
	s0 =	simm.s32 @!p1 $0x0  }
0x14: {  	s2 =	sld [smem:$0x3F98];
	s0 =	simm.s32 @p1 $0x1  }
0x15: {  	[smem:$0x3FB5] =	sst s0;
	s0 =	simm.s32 @!p2 $0x0  }
0x16: {  	s3 =	sld [smem:$0x3FDB];
	s0 =	simm.s32 @p2 $0x1  }
0x17: {  	s4 =	simm.s32 $0x1BF5;
	[smem:$0x3FB7] =	sst s0  }
0x18: {  	s0 =	sld [smem:$0x3F9A];
	_ =	swait.ge [sflag:s4], $0x0  }
0x19: {  	s7 =	sld [smem:$0x3F9B]  }
0x1a: {  	s8 =	sadd.s32 $0xFFFFE003, lr  }
0x1b: {  	s9 =	sadd.s32 $0xFFFFFEF7, lr;
	s5 =	simm.s32 $0xFFFFFFFF;
	p2 =	slt.u32 s8, $0xFFFFF086  }
0x1c: {  	p1 =	slt.u32 s9, $0xF7A;
	s5 =	simm.s32 @!p2 $0x0  }
0x1d: {  	s5 =	simm.s32 @p1 $0x1;
	p0 =	seq.s32 s7, s2  }
0x1e: {  	s7 =	smul.u32 @!p0 $0xF7A, s2;
	p2 =	seq.s32 @!p0 s5, $0x0  }
0x1f: {  	s9 =	smul.u32 $0xF7A, s1;
	s8 =	simm.s32 @!p0 $0x1BF5;
	p2 =	por !p2, p0  }
0x20: {  	[sflag:s8] =	ssyncset.s32 @!p0 $0xFFFFF086;
	s6 =	sadd.s32 @!p0 s3, s7;
	s7 =	simm.s32 @!p0 $0x108  }
0x21: {  	s3 =	sadd.s32 s3, s9;
	s6 =	sadd.s32 @!p0 $0x88, s6;
	s7 =	simm.s32 @p2 $0x1082  }
0x22: {  	[simem:s7], [sflag:s8] =	dma.local @!p0 [hbm:s6], $0xF7A  }
0x23: {  	s9 =	sor.u32 $0xD0000000, s2;
	s6 =	simm.s32 $0x108;
	_ =	swait.ge @!p0 [sflag:s8], $0x0  }
0x24: {  	s3 =	sadd.s32 $0x88, s3;
	s6 =	simm.s32 @!p1 $0x1082;
	[sflag:s4] =	ssyncset.s32 $0xFFFFF086  }
0x25: {  	[simem:s6], [sflag:s4] =	dma.local [hbm:s3], $0xF7A  }
0x26: {  	[smem:$0x3F9B] =	sst s1;
	(tag) =	ssettag s2;
	_ =	strace s9  }
0x27: {  	s1 =	sld [smem:$0x3FAB]  }
0x28: {  	s2 =	sld [smem:$0x3FAC]  }
0x29: {  	s4 =	sld [smem:$0x3FAE]  }
0x2a: {  	p0 =	seq.s32 s5, $0x0;
	s5 =	sld [smem:$0x3FAF]  }
0x2b: {  	s6 =	sld [smem:$0x3FB0]  }
0x2c: {  	s7 =	sld [smem:$0x3FB1]  }
0x2d: {  	s3 =	simm.s32 $0x108;
	s8 =	sld [smem:$0x3FB2]  }
0x2e: {  	s3 =	simm.s32 @!p0 $0x1082;
	s9 =	sld [smem:$0x3FB3]  }
0x2f: {  	lr =	sadd.s32 s0, s3;
	s0 =	sld [smem:$0x3FAA]  }
0x30: {  	s3 =	sld [smem:$0x3FAD]  }
0x31: {  	[smem:$0x3FB6] =	sst s10  }
0x32: {  	s10 =	sld [smem:$0x3FB4];
	_ =	sdelay $0x3  }
0x33: {  	p0 =	seq.s32 s10, $0x1;
	s10 =	sld [smem:$0x3FB6];
	_ =	sdelay $0x3  }
0x34: {  	[smem:$0x3FB6] =	sst s10  }
0x35: {  	s10 =	sld [smem:$0x3FB5];
	_ =	sdelay $0x3  }
0x36: {  	p1 =	seq.s32 s10, $0x1;
	s10 =	sld [smem:$0x3FB6];
	_ =	sdelay $0x3  }
0x37: {  	[smem:$0x3FB6] =	sst s10  }
0x38: {  	s10 =	sld [smem:$0x3FB7]  }
0x39: {  	_ = 	snop;
	(pc) =	sbr.ind lr, $3  }
0x3a: {  	_ = 	snop  }
0x3b: {  	_ = 	snop  }
0x3c: {  	p2 =	seq.s32 s10, $0x1;
	s10 =	sld [smem:$0x3FB6]  }
0x3d: {  	_ =	shalt  }
0x3e: {  	_ =	shalt  }
0x3f: {  	_ =	shalt  }
0x40: {  	_ =	shalt  }
0x41: {  	_ =	shalt  }
0x42: {  	_ =	shalt  }
0x43: {  	_ =	shalt  }
0x44: {  	_ =	shalt  }
0x45: {  	_ =	shalt  }
0x46: {  	_ =	shalt  }
0x47: {  	_ =	shalt  }
0x48: {  	_ =	shalt  }
0x49: {  	_ =	shalt  }
0x4a: {  	_ =	shalt  }
0x4b: {  	_ =	shalt  }
0x4c: {  	_ =	shalt  }
0x4d: {  	_ =	shalt  }
0x4e: {  	_ =	shalt  }
0x4f: {  	_ =	shalt  }
0x50: {  	_ =	shalt  }
0x51: {  	_ =	shalt  }
0x52: {  	_ =	shalt  }
0x53: {  	_ =	shalt  }
0x54: {  	_ =	shalt  }
0x55: {  	_ =	shalt  }
0x56: {  	_ =	shalt  }
0x57: {  	_ =	shalt  }
0x58: {  	_ =	shalt  }
0x59: {  	_ =	shalt  }
0x5a: {  	_ =	shalt  }
0x5b: {  	_ =	shalt  }
0x5c: {  	_ =	shalt  }
0x5d: {  	_ =	shalt  }
0x5e: {  	_ =	shalt  }
0x5f: {  	_ =	shalt  }
0x60: {  	_ =	shalt  }
0x61: {  	_ =	shalt  }
0x62: {  	_ =	shalt  }
0x63: {  	_ =	shalt  }
0x64: {  	_ =	shalt  }
0x65: {  	_ =	shalt  }
0x66: {  	_ =	shalt  }
0x67: {  	_ =	shalt  }
0x68: {  	_ =	shalt  }
0x69: {  	_ =	shalt  }
0x6a: {  	_ =	shalt  }
0x6b: {  	_ =	shalt  }
0x6c: {  	_ =	shalt  }
0x6d: {  	_ =	shalt  }
0x6e: {  	_ =	shalt  }
0x6f: {  	_ =	shalt  }
0x70: {  	_ =	shalt  }
0x71: {  	_ =	shalt  }
0x72: {  	_ =	shalt  }
0x73: {  	_ =	shalt  }
0x74: {  	_ =	shalt  }
0x75: {  	_ =	shalt  }
0x76: {  	_ =	shalt  }
0x77: {  	_ =	shalt  }
0x78: {  	_ =	shalt  }
0x79: {  	_ =	shalt  }
0x7a: {  	_ =	shalt  }
0x7b: {  	_ =	shalt  }
0x7c: {  	_ =	shalt  }
0x7d: {  	_ =	shalt  }
0x7e: {  	_ =	shalt  }
0x7f: {  	_ =	shalt  }
0x80: {  	_ =	shalt  }
0x81: {  	_ =	shalt  }
0x82: {  	_ =	shalt  }
0x83: {  	_ =	shalt  }
0x84: {  	_ =	shalt  }
0x85: {  	_ =	shalt  }
0x86: {  	_ =	shalt  }
0x87: {  	_ =	shalt  }
.Lfunc_end0:
.L_simem_size_0:
called_computation_lowered:
.L_overlay_start_0:
0x88: {  	s2 =	sld [smem:$0x3FD9]  }
0x89: {  	s3 =	sld [smem:$0x3FFE];
	_ =	sdelay $0x1  }
0x8a: {  	s1 =	srdreg.scid  }
0x8b: {  	s0 =	sand.u32 $0x1, s1  }
0x8c: {  	s17 =	sshll.u32 s0, $0xA;
	s2 =	sadd.s32 s3, s2  }
0x8d: {  	s2 =	sadd.s32 s2, s17  }
0x8e: {  	[smem:$0x3FC2] =	sst s2  }
0x8f: {  	_ = 	snop  }
0x90: {  	s2 =	sld [smem:$0x3FC9];
	(tm) =	ssettm $0x1  }
0x91: {  	s18 =	sld [smem:$0x3FFB];
	_ =	sdelay $0x3  }
0x92: {  	_ =	strace s18  }
0x93: {  	s3 =	sld [smem:$0x3FFC];
	_ =	sdelay $0x3  }
0x94: {  	_ =	strace s3  }
0x95: {  	s3 =	sld [smem:$0x3FFD];
	_ =	sdelay $0x3  }
0x96: {  	_ =	strace s3  }
0x97: {  	_ =	strace $0x8FFFFFFF  }
0x98: {  	s19 =	sld [smem:$0x3FDB];
	_ =	sdelay $0x1  }
0x99: {  	s4 =	simm.s32 $_scs_section_size  }
0x9a: {  	s5 =	simm.s32 $_size__tile_overlayer_lowered;
	s6 =	simm.s32 $_tile_overlayer_lowered  }
0x9b: {  	s22 =	simm.s32 $0x1BFF;
	s21 =	sshll.u32 s6, $0x1;
	s3 =	sadd.s32 s4, s19  }
0x9c: {  	s7 =	simm.s32 $0x0;
	s20 =	sshll.u32 s5, $0x1;
	s5 =	sadd.s32 s21, s3  }
0x9d: {  	[timem:s7], [sflag:s22] =	dma.local [hbm:s5], s20  }
0x9e: {  	_ =	swait.ge [sflag:s22], s20  }
0x9f: {  	s4 =	ssub.s32 $0x0, s20;
	[sflag:s22] =	ssyncset.done $0x0  }
0xa0: {  	[sflag:s22] =	ssyncadd.s32 s4;
	_ =	sdelay $0x1  }
0xa1: {  	s23 =	simm.s32 $0x1B8B  }
0xa2: {  	_ =	swait.ge [sflag:s23], $0x1  }
0xa3: {  	[sflag:s23] =	ssyncset.done $0x0  }
0xa4: {  	s25 =	simm.s32 $0x1B8E;
	s24 =	sld [smem:$0x3FFE];
	[sflag:s23] =	ssyncadd.s32 $0xFFFFFFFF  }
0xa5: {  	s26 =	simm.s32 $execute0_lowered;
	[smem:$0x3FD2] =	sst s25  }
0xa6: {  	s5 =	sshll.u32 s26, $0x1;
	_ =	strace $0x80000046;
	[dreg:$0x1] =	wrdreg $0xFFFFFFFF  }
0xa7: {  	s28 =	simm.s32 $_size_execute0_lowered;
	s3 =	sadd.s32 s3, s5;
	[dreg:$0x0] =	wrdreg $0x0  }
0xa8: {  	s5 =	sshll.u32 s28, $0x1;
	[dreg:$0x2] =	wrdreg s3  }
0xa9: {  	[dreg:$0x3] =	wrdreg s5  }
0xaa: {  	[dreg:$0x4] =	wrdreg $0xC0  }
0xab: {  	_ =	task [dreg:s7], $0x5FFFF  }
0xac: {  	[dreg:$0x1] =	wrdreg $0xFFFFFFFF  }
0xad: {  	[dreg:$0x0] =	wrdreg $0x60  }
0xae: {  	[dreg:$0x2] =	wrdreg s2  }
0xaf: {  	[dreg:$0x3] =	wrdreg s24  }
0xb0: {  	[dreg:$0x4] =	wrdreg $0x9  }
0xb1: {  	_ =	task.clear_ibuf [dreg:s7], $0x5FFFF;
	_ =	strace $0x90000046  }
0xb2: {  	s29 =	simm.s32 $0x9;
	_ =	strace $0x80000048  }
0xb3: {  	_ =	swait.ge [sflag:s29], $0x1  }
0xb4: {  	[sflag:s29] =	ssyncadd.s32 $0xFFFFFFFF  }
0xb5: {  	_ =	strace $0x90000048  }
0xb6: {  	_ =	sfence  }
0xb7: {  	s30 =	sld [smem:$0x0];
	_ =	sdelay $0x2  }
0xb8: {  	s31 =	sshll.u32 s1, $0xD;
	s1 =	sshrl.u32 s1, $0x2  }
0xb9: {  	s3 =	sand.u32 $0x4000, s31;
	s1 =	sadd.s32 s1, s30  }
0xba: {  	s0 =	sor.u32 s3, s0;
	s1 =	sshll.u32 s1, $0x11  }
0xbb: {  	s0 =	sor.u32 s1, s0  }
0xbc: {  	s0 =	sadd.s32 $0x8F2B, s0  }
0xbd: {  	[sflag:s0] =	ssyncadd.remote.s32 $0x1  }
0xbe: {  	_ =	sfence.sel $0xFFFF  }
0xbf: {  	[dreg:$0x0] =	wrdreg $0xFFFFFFFF;
	(pc) =	sbr.abs _section_cstart, $3  }
0xc0: {  	[dreg:$0x1] =	wrdreg $0xFFFFFFFF  }
0xc1: {  	_ =	task.clear_ibuf [dreg:s7], $0x2FFFF;
	_ =	strace $0x9FFFFFFF  }
0xc2: {  	(tm) =	ssettm $0x7FFFFFFF  }
0xc3: {  	_ =	shalt  }
tec
execute0_lowered:
.L_overlay_start_1:
0x0: {  	(tag) =	ssettag $0x1  }
0x1: {  	s2 =	rddreg [dreg:$0x0];
	s1 =	srdreg.scid  }
0x2: {  	s0 =	stileid.u32;
	s5 =	rddreg [dreg:$0x1]  }
0x3: {  	s3 =	simm.s32 $0x0;
	s10 =	simm.s32 $0x7D00;
	s11 =	simm.s32 $0x2  }
0x4: {  	s12 =	simm.s32 $0x9C40;
	s13 =	simm.s32 $0x3;
	s14 =	simm.s32 $0x4  }
0x5: {  	s15 =	simm.s32 $0x0;
	s4 =	sand.u32 $0x1, s1;
	s6 =	sshll.u32 s0, $0x1  }
.Ltmp0:
0x6: {  	s1 =	rddreg [dreg:$0x2];
	s6 =	sor.u32 s4, s6;
	(pc) =	sbr.rel .LBB2_1-.Ltmp0, $4  }
0x7: {  	[smem:$0x7FF] =	sst s3;
	s7 =	ssub.s32 $0x2, s4;
	s8 =	smul.u32 $0xC350, s6  }
0x8: {  	s5 =	sadd.s32 $0xE00, s5;
	s9 =	sshrl.u32 s7, $0x1;
	s4 =	smul.u32 $0xC35, s6  }
0x9: {  	_ =	strace $0x80000047;
	s9 =	ssub.s32 s7, s9;
	s6 =	sadd.s32 s2, s8  }
0xa: {  	s7 =	sadd.s32 $0xFA, s4;
	s8 =	smax.u32 s9, $0x1;
	s9 =	simm.s32 $0x1  }
.LBB2_9:
0xb: {  	s15 =	sadd.s32 $0x1, s15  }
0xc: {  	_ =	swait.ge [sflag:s13], $0x1F40;
	p0 =	sne.s32 s15, s8  }
.Ltmp1:
0xd: {  	[sflag:s13] =	ssyncset.done $0x0;
	(pc) =	sbr.rel @!p0 .LBB2_10-.Ltmp1, $4  }
0xe: {  	[sflag:s13] =	ssyncadd.s32 $0xFFFFE0C0  }
0xf: {  	_ =	swait.ge [sflag:s14], $0x1F40  }
0x10: {  	[sflag:s14] =	ssyncset.done $0x0  }
0x11: {  	[sflag:s14] =	ssyncadd.s32 $0xFFFFE0C0  }
.LBB2_1:
.Ltmp2:
0x12: {  	(pc) =	sbr.rel .LBB2_2-.Ltmp2, $3  }
0x13: {  	_ =	sdelay $0x1  }
0x14: {  	[tilespmem:s3], [sflag:$0x1] =	stream.linear.gather [hbm4b:s6+s3], $0x3E80, $0x38;
	[tilespmem:$0xBB80] =	vst v63  }
0x15: {  	s16 =	simm.s32 $0x0  }
.LBB2_8:
0x16: {  	s16 =	sadd.s32 $0x1, s16  }
0x17: {  	p0 =	sne.s32 s16, $0xD  }
.Ltmp3:
0x18: {  	_ = 	snop;
	(pc) =	sbr.rel @!p0 .LBB2_9-.Ltmp3, $1  }
0x19: {  	_ =	sdelay $0x3  }
.LBB2_2:
0x1a: {  	s17 =	sshllo.u32 s16, $0x1  }
0x1b: {  	p1 =	sgt.u32 s17, $0x18  }
0x1c: {  	s18 =	smul.u32 @!p1 $0x7D, s17;
	_ =	sdelay $0x1  }
0x1d: {  	_ =	swait.ge [sflag:s9], $0x3E80;
	s18 =	sadd.s32 @!p1 s4, s18  }
0x1e: {  	[sflag:s9] =	ssyncset.done $0x0;
	s18 =	sshll.u32 @!p1 s18, $0x4  }
0x1f: {  	p0 =	seq.s32 s16, $0x0;
	[sflag:s9] =	ssyncadd.s32 $0xFFFFC180;
	s18 =	sand.u32 @!p1 $0x1FFFFFF0, s18  }
0x20: {  	s19 =	simm.s32 @!p1 $0x0;
	s20 =	simm.s32 @!p1 $0x3E80;
	s18 =	sadd.s32 @!p1 s2, s18  }
0x21: {  	[tilespmem:s20], [sflag:$0x2] =	stream.linear.gather @!p1 [hbm4b:s18+s19], $0x3E80, $0x38;
	[tilespmem:$0xBB80] =	vst v63  }
0x22: {  	s18 =	simm.s32 @!p0 $0x3  }
0x23: {  	_ =	swait.ge @!p0 [sflag:s18], $0x1F40  }
0x24: {  	[sflag:s18] =	ssyncset.done @!p0 $0x0  }
0x25: {  	s31 =	simm.s32 $0x140;
	[sflag:s18] =	ssyncadd.s32 @!p0 $0xFFFFE0C0  }
0x26: {  	v0 =	vld [tilespmem:s31+$0xFFFFFEC0];
	_ =	sdelay $0x4  }
0x27: {  	v0 =	vpack.c.f32.bf16 v0, v0  }
0x28: {  	s18 =	simm.s32 $0x7E38  }
0x29: {  	[tilespmem:s18+$0xFFFFFEC8] =	vst.msk $0xff, v0  }
0x2a: {  	v0 =	vld [tilespmem:s31+$0xFFFFFED0];
	_ =	sdelay $0x4  }
0x2b: {  	v0 =	vpack.c.f32.bf16 v0, v0;
	_ =	sdelay $0x1  }
0x2c: {  	[tilespmem:s18+$0xFFFFFED0] =	vst.msk $0xff, v0  }
0x2d: {  	v0 =	vld [tilespmem:s31+$0xFFFFFEE0];
	_ =	sdelay $0x4  }
0x2e: {  	v0 =	vpack.c.f32.bf16 v0, v0;
	_ =	sdelay $0x1  }
0x2f: {  	[tilespmem:s18+$0xFFFFFED8] =	vst.msk $0xff, v0  }
0x30: {  	v0 =	vld [tilespmem:s31+$0xFFFFFEF0];
	_ =	sdelay $0x4  }
0x31: {  	v0 =	vpack.c.f32.bf16 v0, v0;
	_ =	sdelay $0x1  }
0x32: {  	[tilespmem:s18+$0xFFFFFEE0] =	vst.msk $0xff, v0  }
0x33: {  	v0 =	vld [tilespmem:s31+$0xFFFFFF00];
	_ =	sdelay $0x4  }
0x34: {  	v0 =	vpack.c.f32.bf16 v0, v0;
	_ =	sdelay $0x1  }
0x35: {  	[tilespmem:s18+$0xFFFFFEE8] =	vst.msk $0xff, v0  }
0x36: {  	v0 =	vld [tilespmem:s31+$0xFFFFFF10];
	_ =	sdelay $0x4  }
0x37: {  	v0 =	vpack.c.f32.bf16 v0, v0;
	_ =	sdelay $0x1  }
0x38: {  	[tilespmem:s18+$0xFFFFFEF0] =	vst.msk $0xff, v0  }
0x39: {  	v0 =	vld [tilespmem:s31+$0xFFFFFF20];
	_ =	sdelay $0x4  }
0x3a: {  	v0 =	vpack.c.f32.bf16 v0, v0;
	_ =	sdelay $0x1  }
0x3b: {  	[tilespmem:s18+$0xFFFFFEF8] =	vst.msk $0xff, v0  }
0x3c: {  	v0 =	vld [tilespmem:s31+$0xFFFFFF30];
	_ =	sdelay $0x4  }
0x3d: {  	v0 =	vpack.c.f32.bf16 v0, v0;
	_ =	sdelay $0x1  }
0x3e: {  	[tilespmem:s18+$0xFFFFFF00] =	vst.msk $0xff, v0  }
0x3f: {  	v0 =	vld [tilespmem:s31+$0xFFFFFF40];
	_ =	sdelay $0x4  }
0x40: {  	v0 =	vpack.c.f32.bf16 v0, v0;
	_ =	sdelay $0x1  }
0x41: {  	[tilespmem:s18+$0xFFFFFF08] =	vst.msk $0xff, v0  }
0x42: {  	v0 =	vld [tilespmem:s31+$0xFFFFFF50];
	_ =	sdelay $0x4  }
0x43: {  	v0 =	vpack.c.f32.bf16 v0, v0;
	_ =	sdelay $0x1  }
0x44: {  	[tilespmem:s18+$0xFFFFFF10] =	vst.msk $0xff, v0  }
0x45: {  	v0 =	vld [tilespmem:s31+$0xFFFFFF60];
	_ =	sdelay $0x4  }
0x46: {  	v0 =	vpack.c.f32.bf16 v0, v0;
	_ =	sdelay $0x1  }
0x47: {  	[tilespmem:s18+$0xFFFFFF18] =	vst.msk $0xff, v0  }
0x48: {  	v0 =	vld [tilespmem:s31+$0xFFFFFF70];
	_ =	sdelay $0x4  }
0x49: {  	v0 =	vpack.c.f32.bf16 v0, v0;
	_ =	sdelay $0x1  }
0x4a: {  	[tilespmem:s18+$0xFFFFFF20] =	vst.msk $0xff, v0  }
0x4b: {  	v0 =	vld [tilespmem:s31+$0xFFFFFF80];
	_ =	sdelay $0x4  }
0x4c: {  	v0 =	vpack.c.f32.bf16 v0, v0;
	_ =	sdelay $0x1  }
0x4d: {  	[tilespmem:s18+$0xFFFFFF28] =	vst.msk $0xff, v0  }
0x4e: {  	v0 =	vld [tilespmem:s31+$0xFFFFFF90];
	_ =	sdelay $0x4  }
0x4f: {  	v0 =	vpack.c.f32.bf16 v0, v0;
	_ =	sdelay $0x1  }
0x50: {  	[tilespmem:s18+$0xFFFFFF30] =	vst.msk $0xff, v0  }
0x51: {  	v0 =	vld [tilespmem:s31+$0xFFFFFFA0];
	_ =	sdelay $0x4  }
0x52: {  	v0 =	vpack.c.f32.bf16 v0, v0;
	_ =	sdelay $0x1  }
0x53: {  	[tilespmem:s18+$0xFFFFFF38] =	vst.msk $0xff, v0  }
0x54: {  	v0 =	vld [tilespmem:s31+$0xFFFFFFB0];
	_ =	sdelay $0x4  }
0x55: {  	v0 =	vpack.c.f32.bf16 v0, v0;
	_ =	sdelay $0x1  }
0x56: {  	[tilespmem:s18+$0xFFFFFF40] =	vst.msk $0xff, v0  }
0x57: {  	v0 =	vld [tilespmem:s31+$0xFFFFFFC0];
	_ =	sdelay $0x4  }
0x58: {  	v0 =	vpack.c.f32.bf16 v0, v0;
	_ =	sdelay $0x1  }
0x59: {  	[tilespmem:s18+$0xFFFFFF48] =	vst.msk $0xff, v0  }
0x5a: {  	v0 =	vld [tilespmem:s31+$0xFFFFFFD0];
	_ =	sdelay $0x4  }
0x5b: {  	v0 =	vpack.c.f32.bf16 v0, v0;
	_ =	sdelay $0x1  }
0x5c: {  	[tilespmem:s18+$0xFFFFFF50] =	vst.msk $0xff, v0  }
0x5d: {  	v0 =	vld [tilespmem:s31+$0xFFFFFFE0];
	_ =	sdelay $0x4  }
0x5e: {  	v0 =	vpack.c.f32.bf16 v0, v0;
	_ =	sdelay $0x1  }
0x5f: {  	[tilespmem:s18+$0xFFFFFF58] =	vst.msk $0xff, v0  }
0x60: {  	v0 =	vld [tilespmem:s31+$0xFFFFFFF0];
	_ =	sdelay $0x4  }
0x61: {  	v0 =	vpack.c.f32.bf16 v0, v0;
	_ =	sdelay $0x1  }
0x62: {  	[tilespmem:s18+$0xFFFFFF60] =	vst.msk $0xff, v0  }
0x63: {  	v0 =	vld [tilespmem:s31+$0x0];
	_ =	sdelay $0x4  }
0x64: {  	v0 =	vpack.c.f32.bf16 v0, v0;
	_ =	sdelay $0x1  }
0x65: {  	[tilespmem:s18+$0xFFFFFF68] =	vst.msk $0xff, v0  }
0x66: {  	v0 =	vld [tilespmem:s31+$0x10];
	_ =	sdelay $0x4  }
0x67: {  	v0 =	vpack.c.f32.bf16 v0, v0;
	_ =	sdelay $0x1  }
0x68: {  	[tilespmem:s18+$0xFFFFFF70] =	vst.msk $0xff, v0  }
0x69: {  	v0 =	vld [tilespmem:s31+$0x20];
	_ =	sdelay $0x4  }
0x6a: {  	v0 =	vpack.c.f32.bf16 v0, v0;
	_ =	sdelay $0x1  }
0x6b: {  	[tilespmem:s18+$0xFFFFFF78] =	vst.msk $0xff, v0  }
0x6c: {  	v0 =	vld [tilespmem:s31+$0x30];
	_ =	sdelay $0x4  }
0x6d: {  	v0 =	vpack.c.f32.bf16 v0, v0;
	_ =	sdelay $0x1  }
0x6e: {  	[tilespmem:s18+$0xFFFFFF80] =	vst.msk $0xff, v0  }
0x6f: {  	v0 =	vld [tilespmem:s31+$0x40];
	_ =	sdelay $0x4  }
0x70: {  	v0 =	vpack.c.f32.bf16 v0, v0;
	_ =	sdelay $0x1  }
0x71: {  	[tilespmem:s18+$0xFFFFFF88] =	vst.msk $0xff, v0  }
0x72: {  	v0 =	vld [tilespmem:s31+$0x50];
	_ =	sdelay $0x4  }
0x73: {  	v0 =	vpack.c.f32.bf16 v0, v0;
	_ =	sdelay $0x1  }
0x74: {  	[tilespmem:s18+$0xFFFFFF90] =	vst.msk $0xff, v0  }
0x75: {  	v0 =	vld [tilespmem:s31+$0x60];
	_ =	sdelay $0x4  }
0x76: {  	v0 =	vpack.c.f32.bf16 v0, v0;
	_ =	sdelay $0x1  }
0x77: {  	[tilespmem:s18+$0xFFFFFF98] =	vst.msk $0xff, v0  }
0x78: {  	v0 =	vld [tilespmem:s31+$0x70];
	_ =	sdelay $0x4  }
0x79: {  	v0 =	vpack.c.f32.bf16 v0, v0;
	_ =	sdelay $0x1  }
0x7a: {  	[tilespmem:s18+$0xFFFFFFA0] =	vst.msk $0xff, v0  }
0x7b: {  	v0 =	vld [tilespmem:s31+$0x80];
	_ =	sdelay $0x4  }
0x7c: {  	v0 =	vpack.c.f32.bf16 v0, v0;
	_ =	sdelay $0x1  }
0x7d: {  	[tilespmem:s18+$0xFFFFFFA8] =	vst.msk $0xff, v0  }
0x7e: {  	v0 =	vld [tilespmem:s31+$0x90];
	_ =	sdelay $0x4  }
0x7f: {  	v0 =	vpack.c.f32.bf16 v0, v0;
	_ =	sdelay $0x1  }
0x80: {  	[tilespmem:s18+$0xFFFFFFB0] =	vst.msk $0xff, v0  }
0x81: {  	v0 =	vld [tilespmem:s31+$0xA0];
	_ =	sdelay $0x4  }
0x82: {  	v0 =	vpack.c.f32.bf16 v0, v0;
	_ =	sdelay $0x1  }
0x83: {  	[tilespmem:s18+$0xFFFFFFB8] =	vst.msk $0xff, v0  }
0x84: {  	v0 =	vld [tilespmem:s31+$0xB0];
	_ =	sdelay $0x4  }
0x85: {  	v0 =	vpack.c.f32.bf16 v0, v0;
	_ =	sdelay $0x1  }
0x86: {  	[tilespmem:s18+$0xFFFFFFC0] =	vst.msk $0xff, v0  }
0x87: {  	v0 =	vld [tilespmem:s31+$0xC0];
	_ =	sdelay $0x4  }
0x88: {  	v0 =	vpack.c.f32.bf16 v0, v0;
	_ =	sdelay $0x1  }
0x89: {  	[tilespmem:s18+$0xFFFFFFC8] =	vst.msk $0xff, v0  }
0x8a: {  	v0 =	vld [tilespmem:s31+$0xD0];
	_ =	sdelay $0x4  }
0x8b: {  	v0 =	vpack.c.f32.bf16 v0, v0;
	_ =	sdelay $0x1  }
0x8c: {  	[tilespmem:s18+$0xFFFFFFD0] =	vst.msk $0xff, v0  }
0x8d: {  	v0 =	vld [tilespmem:s31+$0xE0];
	_ =	sdelay $0x4  }
0x8e: {  	v0 =	vpack.c.f32.bf16 v0, v0;
	_ =	sdelay $0x1  }
0x8f: {  	[tilespmem:s18+$0xFFFFFFD8] =	vst.msk $0xff, v0  }
0x90: {  	v0 =	vld [tilespmem:s31+$0xF0];
	_ =	sdelay $0x4  }
0x91: {  	v0 =	vpack.c.f32.bf16 v0, v0;
	_ =	sdelay $0x1  }
0x92: {  	[tilespmem:s18+$0xFFFFFFE0] =	vst.msk $0xff, v0  }
0x93: {  	v0 =	vld [tilespmem:s31+$0x100];
	_ =	sdelay $0x4  }
0x94: {  	v0 =	vpack.c.f32.bf16 v0, v0;
	_ =	sdelay $0x1  }
0x95: {  	[tilespmem:s18+$0xFFFFFFE8] =	vst.msk $0xff, v0  }
0x96: {  	v0 =	vld [tilespmem:s31+$0x110];
	_ =	sdelay $0x4  }
0x97: {  	v0 =	vpack.c.f32.bf16 v0, v0;
	_ =	sdelay $0x1  }
0x98: {  	[tilespmem:s18+$0xFFFFFFF0] =	vst.msk $0xff, v0  }
0x99: {  	v0 =	vld [tilespmem:s31+$0x120];
	_ =	sdelay $0x4  }
0x9a: {  	v0 =	vpack.c.f32.bf16 v0, v0;
	_ =	sdelay $0x1  }
0x9b: {  	[tilespmem:s18+$0xFFFFFFF8] =	vst.msk $0xff, v0  }
0x9c: {  	v0 =	vld [tilespmem:s31+$0x130];
	_ =	sdelay $0x4  }
0x9d: {  	v0 =	vpack.c.f32.bf16 v0, v0;
	_ =	sdelay $0x1  }
0x9e: {  	s19 =	simm.s32 $0x0;
	s20 =	simm.s32 $0x3C0;
	[tilespmem:s18+$0x0] =	vst.msk $0xff, v0  }
.LBB2_3:
0x9f: {  	v0 =	vld [tilespmem:s20+$0xFFFFFEC0];
	s19 =	sadd.s32 $0x5, s19  }
0xa0: {  	p2 =	slt.u32 s19, $0x78;
	_ =	sdelay $0x3  }
0xa1: {  	v0 =	vpack.c.f32.bf16 v0, v0  }
0xa2: {  	s18 =	sadd.s32 $0x140, s18  }
0xa3: {  	[tilespmem:s18+$0xFFFFFEC8] =	vst.msk $0xff, v0  }
0xa4: {  	v0 =	vld [tilespmem:s20+$0xFFFFFED0];
	_ =	sdelay $0x4  }
0xa5: {  	v0 =	vpack.c.f32.bf16 v0, v0;
	_ =	sdelay $0x1  }
0xa6: {  	[tilespmem:s18+$0xFFFFFED0] =	vst.msk $0xff, v0  }
0xa7: {  	v0 =	vld [tilespmem:s20+$0xFFFFFEE0];
	_ =	sdelay $0x4  }
0xa8: {  	v0 =	vpack.c.f32.bf16 v0, v0;
	_ =	sdelay $0x1  }
0xa9: {  	[tilespmem:s18+$0xFFFFFED8] =	vst.msk $0xff, v0  }
0xaa: {  	v0 =	vld [tilespmem:s20+$0xFFFFFEF0];
	_ =	sdelay $0x4  }
0xab: {  	v0 =	vpack.c.f32.bf16 v0, v0;
	_ =	sdelay $0x1  }
0xac: {  	[tilespmem:s18+$0xFFFFFEE0] =	vst.msk $0xff, v0  }
0xad: {  	v0 =	vld [tilespmem:s20+$0xFFFFFF00];
	_ =	sdelay $0x4  }
0xae: {  	v0 =	vpack.c.f32.bf16 v0, v0;
	_ =	sdelay $0x1  }
0xaf: {  	[tilespmem:s18+$0xFFFFFEE8] =	vst.msk $0xff, v0  }
0xb0: {  	v0 =	vld [tilespmem:s20+$0xFFFFFF10];
	_ =	sdelay $0x4  }
0xb1: {  	v0 =	vpack.c.f32.bf16 v0, v0;
	_ =	sdelay $0x1  }
0xb2: {  	[tilespmem:s18+$0xFFFFFEF0] =	vst.msk $0xff, v0  }
0xb3: {  	v0 =	vld [tilespmem:s20+$0xFFFFFF20];
	_ =	sdelay $0x4  }
0xb4: {  	v0 =	vpack.c.f32.bf16 v0, v0;
	_ =	sdelay $0x1  }
0xb5: {  	[tilespmem:s18+$0xFFFFFEF8] =	vst.msk $0xff, v0  }
0xb6: {  	v0 =	vld [tilespmem:s20+$0xFFFFFF30];
	_ =	sdelay $0x4  }
0xb7: {  	v0 =	vpack.c.f32.bf16 v0, v0;
	_ =	sdelay $0x1  }
0xb8: {  	[tilespmem:s18+$0xFFFFFF00] =	vst.msk $0xff, v0  }
0xb9: {  	v0 =	vld [tilespmem:s20+$0xFFFFFF40];
	_ =	sdelay $0x4  }
0xba: {  	v0 =	vpack.c.f32.bf16 v0, v0;
	_ =	sdelay $0x1  }
0xbb: {  	[tilespmem:s18+$0xFFFFFF08] =	vst.msk $0xff, v0  }
0xbc: {  	v0 =	vld [tilespmem:s20+$0xFFFFFF50];
	_ =	sdelay $0x4  }
0xbd: {  	v0 =	vpack.c.f32.bf16 v0, v0;
	_ =	sdelay $0x1  }
0xbe: {  	[tilespmem:s18+$0xFFFFFF10] =	vst.msk $0xff, v0  }
0xbf: {  	v0 =	vld [tilespmem:s20+$0xFFFFFF60];
	_ =	sdelay $0x4  }
0xc0: {  	v0 =	vpack.c.f32.bf16 v0, v0;
	_ =	sdelay $0x1  }
0xc1: {  	[tilespmem:s18+$0xFFFFFF18] =	vst.msk $0xff, v0  }
0xc2: {  	v0 =	vld [tilespmem:s20+$0xFFFFFF70];
	_ =	sdelay $0x4  }
0xc3: {  	v0 =	vpack.c.f32.bf16 v0, v0;
	_ =	sdelay $0x1  }
0xc4: {  	[tilespmem:s18+$0xFFFFFF20] =	vst.msk $0xff, v0  }
0xc5: {  	v0 =	vld [tilespmem:s20+$0xFFFFFF80];
	_ =	sdelay $0x4  }
0xc6: {  	v0 =	vpack.c.f32.bf16 v0, v0;
	_ =	sdelay $0x1  }
0xc7: {  	[tilespmem:s18+$0xFFFFFF28] =	vst.msk $0xff, v0  }
0xc8: {  	v0 =	vld [tilespmem:s20+$0xFFFFFF90];
	_ =	sdelay $0x4  }
0xc9: {  	v0 =	vpack.c.f32.bf16 v0, v0;
	_ =	sdelay $0x1  }
0xca: {  	[tilespmem:s18+$0xFFFFFF30] =	vst.msk $0xff, v0  }
0xcb: {  	v0 =	vld [tilespmem:s20+$0xFFFFFFA0];
	_ =	sdelay $0x4  }
0xcc: {  	v0 =	vpack.c.f32.bf16 v0, v0;
	_ =	sdelay $0x1  }
0xcd: {  	[tilespmem:s18+$0xFFFFFF38] =	vst.msk $0xff, v0  }
0xce: {  	v0 =	vld [tilespmem:s20+$0xFFFFFFB0];
	_ =	sdelay $0x4  }
0xcf: {  	v0 =	vpack.c.f32.bf16 v0, v0;
	_ =	sdelay $0x1  }
0xd0: {  	[tilespmem:s18+$0xFFFFFF40] =	vst.msk $0xff, v0  }
0xd1: {  	v0 =	vld [tilespmem:s20+$0xFFFFFFC0];
	_ =	sdelay $0x4  }
0xd2: {  	v0 =	vpack.c.f32.bf16 v0, v0;
	_ =	sdelay $0x1  }
0xd3: {  	[tilespmem:s18+$0xFFFFFF48] =	vst.msk $0xff, v0  }
0xd4: {  	v0 =	vld [tilespmem:s20+$0xFFFFFFD0];
	_ =	sdelay $0x4  }
0xd5: {  	v0 =	vpack.c.f32.bf16 v0, v0;
	_ =	sdelay $0x1  }
0xd6: {  	[tilespmem:s18+$0xFFFFFF50] =	vst.msk $0xff, v0  }
0xd7: {  	v0 =	vld [tilespmem:s20+$0xFFFFFFE0];
	_ =	sdelay $0x4  }
0xd8: {  	v0 =	vpack.c.f32.bf16 v0, v0;
	_ =	sdelay $0x1  }
0xd9: {  	[tilespmem:s18+$0xFFFFFF58] =	vst.msk $0xff, v0  }
0xda: {  	v0 =	vld [tilespmem:s20+$0xFFFFFFF0];
	_ =	sdelay $0x4  }
0xdb: {  	v0 =	vpack.c.f32.bf16 v0, v0;
	_ =	sdelay $0x1  }
0xdc: {  	[tilespmem:s18+$0xFFFFFF60] =	vst.msk $0xff, v0  }
0xdd: {  	v0 =	vld [tilespmem:s20+$0x0];
	_ =	sdelay $0x4  }
0xde: {  	v0 =	vpack.c.f32.bf16 v0, v0;
	_ =	sdelay $0x1  }
0xdf: {  	[tilespmem:s18+$0xFFFFFF68] =	vst.msk $0xff, v0  }
0xe0: {  	v0 =	vld [tilespmem:s20+$0x10];
	_ =	sdelay $0x4  }
0xe1: {  	v0 =	vpack.c.f32.bf16 v0, v0;
	_ =	sdelay $0x1  }
0xe2: {  	[tilespmem:s18+$0xFFFFFF70] =	vst.msk $0xff, v0  }
0xe3: {  	v0 =	vld [tilespmem:s20+$0x20];
	_ =	sdelay $0x4  }
0xe4: {  	v0 =	vpack.c.f32.bf16 v0, v0;
	_ =	sdelay $0x1  }
0xe5: {  	[tilespmem:s18+$0xFFFFFF78] =	vst.msk $0xff, v0  }
0xe6: {  	v0 =	vld [tilespmem:s20+$0x30];
	_ =	sdelay $0x4  }
0xe7: {  	v0 =	vpack.c.f32.bf16 v0, v0;
	_ =	sdelay $0x1  }
0xe8: {  	[tilespmem:s18+$0xFFFFFF80] =	vst.msk $0xff, v0  }
0xe9: {  	v0 =	vld [tilespmem:s20+$0x40];
	_ =	sdelay $0x4  }
0xea: {  	v0 =	vpack.c.f32.bf16 v0, v0;
	_ =	sdelay $0x1  }
0xeb: {  	[tilespmem:s18+$0xFFFFFF88] =	vst.msk $0xff, v0  }
0xec: {  	v0 =	vld [tilespmem:s20+$0x50];
	_ =	sdelay $0x4  }
0xed: {  	v0 =	vpack.c.f32.bf16 v0, v0;
	_ =	sdelay $0x1  }
0xee: {  	[tilespmem:s18+$0xFFFFFF90] =	vst.msk $0xff, v0  }
0xef: {  	v0 =	vld [tilespmem:s20+$0x60];
	_ =	sdelay $0x4  }
0xf0: {  	v0 =	vpack.c.f32.bf16 v0, v0;
	_ =	sdelay $0x1  }
0xf1: {  	[tilespmem:s18+$0xFFFFFF98] =	vst.msk $0xff, v0  }
0xf2: {  	v0 =	vld [tilespmem:s20+$0x70];
	_ =	sdelay $0x4  }
0xf3: {  	v0 =	vpack.c.f32.bf16 v0, v0;
	_ =	sdelay $0x1  }
0xf4: {  	[tilespmem:s18+$0xFFFFFFA0] =	vst.msk $0xff, v0  }
0xf5: {  	v0 =	vld [tilespmem:s20+$0x80];
	_ =	sdelay $0x4  }
0xf6: {  	v0 =	vpack.c.f32.bf16 v0, v0;
	_ =	sdelay $0x1  }
0xf7: {  	[tilespmem:s18+$0xFFFFFFA8] =	vst.msk $0xff, v0  }
0xf8: {  	v0 =	vld [tilespmem:s20+$0x90];
	_ =	sdelay $0x4  }
0xf9: {  	v0 =	vpack.c.f32.bf16 v0, v0;
	_ =	sdelay $0x1  }
0xfa: {  	[tilespmem:s18+$0xFFFFFFB0] =	vst.msk $0xff, v0  }
0xfb: {  	v0 =	vld [tilespmem:s20+$0xA0];
	_ =	sdelay $0x4  }
0xfc: {  	v0 =	vpack.c.f32.bf16 v0, v0;
	_ =	sdelay $0x1  }
0xfd: {  	[tilespmem:s18+$0xFFFFFFB8] =	vst.msk $0xff, v0  }
0xfe: {  	v0 =	vld [tilespmem:s20+$0xB0];
	_ =	sdelay $0x4  }
0xff: {  	v0 =	vpack.c.f32.bf16 v0, v0;
	_ =	sdelay $0x1  }
0x100: {  	[tilespmem:s18+$0xFFFFFFC0] =	vst.msk $0xff, v0  }
0x101: {  	v0 =	vld [tilespmem:s20+$0xC0];
	_ =	sdelay $0x4  }
0x102: {  	v0 =	vpack.c.f32.bf16 v0, v0;
	_ =	sdelay $0x1  }
0x103: {  	[tilespmem:s18+$0xFFFFFFC8] =	vst.msk $0xff, v0  }
0x104: {  	v0 =	vld [tilespmem:s20+$0xD0];
	_ =	sdelay $0x4  }
0x105: {  	v0 =	vpack.c.f32.bf16 v0, v0;
	_ =	sdelay $0x1  }
0x106: {  	[tilespmem:s18+$0xFFFFFFD0] =	vst.msk $0xff, v0  }
0x107: {  	v0 =	vld [tilespmem:s20+$0xE0];
	_ =	sdelay $0x4  }
0x108: {  	v0 =	vpack.c.f32.bf16 v0, v0;
	_ =	sdelay $0x1  }
0x109: {  	[tilespmem:s18+$0xFFFFFFD8] =	vst.msk $0xff, v0  }
0x10a: {  	v0 =	vld [tilespmem:s20+$0xF0];
	_ =	sdelay $0x4  }
0x10b: {  	v0 =	vpack.c.f32.bf16 v0, v0;
	_ =	sdelay $0x1  }
0x10c: {  	[tilespmem:s18+$0xFFFFFFE0] =	vst.msk $0xff, v0  }
0x10d: {  	v0 =	vld [tilespmem:s20+$0x100];
	_ =	sdelay $0x4  }
0x10e: {  	v0 =	vpack.c.f32.bf16 v0, v0;
	_ =	sdelay $0x1  }
0x10f: {  	[tilespmem:s18+$0xFFFFFFE8] =	vst.msk $0xff, v0  }
0x110: {  	v0 =	vld [tilespmem:s20+$0x110];
	_ =	sdelay $0x4  }
0x111: {  	v0 =	vpack.c.f32.bf16 v0, v0;
	_ =	sdelay $0x1  }
0x112: {  	[tilespmem:s18+$0xFFFFFFF0] =	vst.msk $0xff, v0  }
0x113: {  	v0 =	vld [tilespmem:s20+$0x120];
	_ =	sdelay $0x4  }
0x114: {  	v0 =	vpack.c.f32.bf16 v0, v0;
	_ =	sdelay $0x1  }
0x115: {  	[tilespmem:s18+$0xFFFFFFF8] =	vst.msk $0xff, v0  }
0x116: {  	v0 =	vld [tilespmem:s20+$0x130];
	_ =	sdelay $0x2  }
.Ltmp4:
0x117: {  	(pc) =	sbr.rel @p2 .LBB2_3-.Ltmp4, $3  }
0x118: {  	_ = 	snop  }
0x119: {  	v0 =	vpack.c.f32.bf16 v0, v0;
	_ =	sdelay $0x1  }
0x11a: {  	s20 =	sadd.s32 $0x280, s20;
	[tilespmem:s18+$0x0] =	vst.msk $0xff, v0  }
0x11b: {  	s18 =	smul.u32 $0xFA, s16  }
.Ltmp5:
0x11c: {  	_ = 	snop;
	(pc) =	sbr.rel @p1 .LBB2_8-.Ltmp5, $4  }
0x11d: {  	s19 =	sadd.s32 s4, s18  }
0x11e: {  	s19 =	sshll.u32 s19, $0x3  }
0x11f: {  	s19 =	sadd.s32 s5, s19  }
0x120: {  	[hbm4b:s19+s3] =	stream.linear.scatter [tilespmem:s10], [sflag:$0x3], $0x1F40, $0x38;
	[tilespmem:$0xBB80] =	vst v63  }
0x121: {  	s18 =	sadd.s32 s18, s7  }
0x122: {  	_ =	swait.ge [sflag:s11], $0x3E80;
	s18 =	sshll.u32 s18, $0x4  }
0x123: {  	[sflag:s11] =	ssyncset.done $0x0;
	s18 =	sand.u32 $0x1FFFFFF0, s18  }
0x124: {  	[sflag:s11] =	ssyncadd.s32 $0xFFFFC180;
	s18 =	sadd.s32 s2, s18  }
0x125: {  	[tilespmem:s3], [sflag:$0x1] =	stream.linear.gather [hbm4b:s18+s3], $0x3E80, $0x38;
	[tilespmem:$0xBB80] =	vst v63  }
0x126: {  	s18 =	simm.s32 @!p0 $0x4  }
0x127: {  	_ =	swait.ge @!p0 [sflag:s18], $0x1F40  }
0x128: {  	[sflag:s18] =	ssyncset.done @!p0 $0x0  }
0x129: {  	s19 =	simm.s32 $0x40F0;
	[sflag:s18] =	ssyncadd.s32 @!p0 $0xFFFFE0C0  }
0x12a: {  	v0 =	vld [tilespmem:s19+$0xFFFFFD90];
	_ =	sdelay $0x4  }
0x12b: {  	v0 =	vpack.c.f32.bf16 v0, v0  }
0x12c: {  	s18 =	simm.s32 $0x9D78  }
0x12d: {  	[tilespmem:s18+$0xFFFFFEC8] =	vst.msk $0xff, v0  }
0x12e: {  	v0 =	vld [tilespmem:s19+$0xFFFFFDA0];
	_ =	sdelay $0x4  }
0x12f: {  	v0 =	vpack.c.f32.bf16 v0, v0;
	_ =	sdelay $0x1  }
0x130: {  	[tilespmem:s18+$0xFFFFFED0] =	vst.msk $0xff, v0  }
0x131: {  	v0 =	vld [tilespmem:s19+$0xFFFFFDB0];
	_ =	sdelay $0x4  }
0x132: {  	v0 =	vpack.c.f32.bf16 v0, v0;
	_ =	sdelay $0x1  }
0x133: {  	[tilespmem:s18+$0xFFFFFED8] =	vst.msk $0xff, v0  }
0x134: {  	v0 =	vld [tilespmem:s19+$0xFFFFFDC0];
	_ =	sdelay $0x4  }
0x135: {  	v0 =	vpack.c.f32.bf16 v0, v0;
	_ =	sdelay $0x1  }
0x136: {  	[tilespmem:s18+$0xFFFFFEE0] =	vst.msk $0xff, v0  }
0x137: {  	v0 =	vld [tilespmem:s19+$0xFFFFFDD0];
	_ =	sdelay $0x4  }
0x138: {  	v0 =	vpack.c.f32.bf16 v0, v0;
	_ =	sdelay $0x1  }
0x139: {  	[tilespmem:s18+$0xFFFFFEE8] =	vst.msk $0xff, v0  }
0x13a: {  	v0 =	vld [tilespmem:s19+$0xFFFFFDE0];
	_ =	sdelay $0x4  }
0x13b: {  	v0 =	vpack.c.f32.bf16 v0, v0;
	_ =	sdelay $0x1  }
0x13c: {  	[tilespmem:s18+$0xFFFFFEF0] =	vst.msk $0xff, v0  }
0x13d: {  	v0 =	vld [tilespmem:s19+$0xFFFFFDF0];
	_ =	sdelay $0x4  }
0x13e: {  	v0 =	vpack.c.f32.bf16 v0, v0;
	_ =	sdelay $0x1  }
0x13f: {  	[tilespmem:s18+$0xFFFFFEF8] =	vst.msk $0xff, v0  }
0x140: {  	v0 =	vld [tilespmem:s19+$0xFFFFFE00];
	_ =	sdelay $0x4  }
0x141: {  	v0 =	vpack.c.f32.bf16 v0, v0;
	_ =	sdelay $0x1  }
0x142: {  	[tilespmem:s18+$0xFFFFFF00] =	vst.msk $0xff, v0  }
0x143: {  	v0 =	vld [tilespmem:s19+$0xFFFFFE10];
	_ =	sdelay $0x4  }
0x144: {  	v0 =	vpack.c.f32.bf16 v0, v0;
	_ =	sdelay $0x1  }
0x145: {  	[tilespmem:s18+$0xFFFFFF08] =	vst.msk $0xff, v0  }
0x146: {  	v0 =	vld [tilespmem:s19+$0xFFFFFE20];
	_ =	sdelay $0x4  }
0x147: {  	v0 =	vpack.c.f32.bf16 v0, v0;
	_ =	sdelay $0x1  }
0x148: {  	[tilespmem:s18+$0xFFFFFF10] =	vst.msk $0xff, v0  }
0x149: {  	v0 =	vld [tilespmem:s19+$0xFFFFFE30];
	_ =	sdelay $0x4  }
0x14a: {  	v0 =	vpack.c.f32.bf16 v0, v0;
	_ =	sdelay $0x1  }
0x14b: {  	[tilespmem:s18+$0xFFFFFF18] =	vst.msk $0xff, v0  }
0x14c: {  	v0 =	vld [tilespmem:s19+$0xFFFFFE40];
	_ =	sdelay $0x4  }
0x14d: {  	v0 =	vpack.c.f32.bf16 v0, v0;
	_ =	sdelay $0x1  }
0x14e: {  	[tilespmem:s18+$0xFFFFFF20] =	vst.msk $0xff, v0  }
0x14f: {  	v0 =	vld [tilespmem:s19+$0xFFFFFE50];
	_ =	sdelay $0x4  }
0x150: {  	v0 =	vpack.c.f32.bf16 v0, v0;
	_ =	sdelay $0x1  }
0x151: {  	[tilespmem:s18+$0xFFFFFF28] =	vst.msk $0xff, v0  }
0x152: {  	v0 =	vld [tilespmem:s19+$0xFFFFFE60];
	_ =	sdelay $0x4  }
0x153: {  	v0 =	vpack.c.f32.bf16 v0, v0;
	_ =	sdelay $0x1  }
0x154: {  	[tilespmem:s18+$0xFFFFFF30] =	vst.msk $0xff, v0  }
0x155: {  	v0 =	vld [tilespmem:s19+$0xFFFFFE70];
	_ =	sdelay $0x4  }
0x156: {  	v0 =	vpack.c.f32.bf16 v0, v0;
	_ =	sdelay $0x1  }
0x157: {  	[tilespmem:s18+$0xFFFFFF38] =	vst.msk $0xff, v0  }
0x158: {  	v0 =	vld [tilespmem:s19+$0xFFFFFE80];
	_ =	sdelay $0x4  }
0x159: {  	v0 =	vpack.c.f32.bf16 v0, v0;
	_ =	sdelay $0x1  }
0x15a: {  	[tilespmem:s18+$0xFFFFFF40] =	vst.msk $0xff, v0  }
0x15b: {  	v0 =	vld [tilespmem:s19+$0xFFFFFE90];
	_ =	sdelay $0x4  }
0x15c: {  	v0 =	vpack.c.f32.bf16 v0, v0;
	_ =	sdelay $0x1  }
0x15d: {  	[tilespmem:s18+$0xFFFFFF48] =	vst.msk $0xff, v0  }
0x15e: {  	v0 =	vld [tilespmem:s19+$0xFFFFFEA0];
	_ =	sdelay $0x4  }
0x15f: {  	v0 =	vpack.c.f32.bf16 v0, v0;
	_ =	sdelay $0x1  }
0x160: {  	[tilespmem:s18+$0xFFFFFF50] =	vst.msk $0xff, v0  }
0x161: {  	v0 =	vld [tilespmem:s19+$0xFFFFFEB0];
	_ =	sdelay $0x4  }
0x162: {  	v0 =	vpack.c.f32.bf16 v0, v0;
	_ =	sdelay $0x1  }
0x163: {  	[tilespmem:s18+$0xFFFFFF58] =	vst.msk $0xff, v0  }
0x164: {  	v0 =	vld [tilespmem:s19+$0xFFFFFEC0];
	_ =	sdelay $0x4  }
0x165: {  	v0 =	vpack.c.f32.bf16 v0, v0;
	_ =	sdelay $0x1  }
0x166: {  	[tilespmem:s18+$0xFFFFFF60] =	vst.msk $0xff, v0  }
0x167: {  	v0 =	vld [tilespmem:s19+$0xFFFFFED0];
	_ =	sdelay $0x4  }
0x168: {  	v0 =	vpack.c.f32.bf16 v0, v0;
	_ =	sdelay $0x1  }
0x169: {  	[tilespmem:s18+$0xFFFFFF68] =	vst.msk $0xff, v0  }
0x16a: {  	v0 =	vld [tilespmem:s19+$0xFFFFFEE0];
	_ =	sdelay $0x4  }
0x16b: {  	v0 =	vpack.c.f32.bf16 v0, v0;
	_ =	sdelay $0x1  }
0x16c: {  	[tilespmem:s18+$0xFFFFFF70] =	vst.msk $0xff, v0  }
0x16d: {  	v0 =	vld [tilespmem:s19+$0xFFFFFEF0];
	_ =	sdelay $0x4  }
0x16e: {  	v0 =	vpack.c.f32.bf16 v0, v0;
	_ =	sdelay $0x1  }
0x16f: {  	[tilespmem:s18+$0xFFFFFF78] =	vst.msk $0xff, v0  }
0x170: {  	v0 =	vld [tilespmem:s19+$0xFFFFFF00];
	_ =	sdelay $0x4  }
0x171: {  	v0 =	vpack.c.f32.bf16 v0, v0;
	_ =	sdelay $0x1  }
0x172: {  	[tilespmem:s18+$0xFFFFFF80] =	vst.msk $0xff, v0  }
0x173: {  	v0 =	vld [tilespmem:s19+$0xFFFFFF10];
	_ =	sdelay $0x4  }
0x174: {  	v0 =	vpack.c.f32.bf16 v0, v0;
	_ =	sdelay $0x1  }
0x175: {  	[tilespmem:s18+$0xFFFFFF88] =	vst.msk $0xff, v0  }
0x176: {  	v0 =	vld [tilespmem:s19+$0xFFFFFF20];
	_ =	sdelay $0x4  }
0x177: {  	v0 =	vpack.c.f32.bf16 v0, v0;
	_ =	sdelay $0x1  }
0x178: {  	[tilespmem:s18+$0xFFFFFF90] =	vst.msk $0xff, v0  }
0x179: {  	v0 =	vld [tilespmem:s19+$0xFFFFFF30];
	_ =	sdelay $0x4  }
0x17a: {  	v0 =	vpack.c.f32.bf16 v0, v0;
	_ =	sdelay $0x1  }
0x17b: {  	[tilespmem:s18+$0xFFFFFF98] =	vst.msk $0xff, v0  }
0x17c: {  	v0 =	vld [tilespmem:s19+$0xFFFFFF40];
	_ =	sdelay $0x4  }
0x17d: {  	v0 =	vpack.c.f32.bf16 v0, v0;
	_ =	sdelay $0x1  }
0x17e: {  	[tilespmem:s18+$0xFFFFFFA0] =	vst.msk $0xff, v0  }
0x17f: {  	v0 =	vld [tilespmem:s19+$0xFFFFFF50];
	_ =	sdelay $0x4  }
0x180: {  	v0 =	vpack.c.f32.bf16 v0, v0;
	_ =	sdelay $0x1  }
0x181: {  	[tilespmem:s18+$0xFFFFFFA8] =	vst.msk $0xff, v0  }
0x182: {  	v0 =	vld [tilespmem:s19+$0xFFFFFF60];
	_ =	sdelay $0x4  }
0x183: {  	v0 =	vpack.c.f32.bf16 v0, v0;
	_ =	sdelay $0x1  }
0x184: {  	[tilespmem:s18+$0xFFFFFFB0] =	vst.msk $0xff, v0  }
0x185: {  	v0 =	vld [tilespmem:s19+$0xFFFFFF70];
	_ =	sdelay $0x4  }
0x186: {  	v0 =	vpack.c.f32.bf16 v0, v0;
	_ =	sdelay $0x1  }
0x187: {  	[tilespmem:s18+$0xFFFFFFB8] =	vst.msk $0xff, v0  }
0x188: {  	v0 =	vld [tilespmem:s19+$0xFFFFFF80];
	_ =	sdelay $0x4  }
0x189: {  	v0 =	vpack.c.f32.bf16 v0, v0;
	_ =	sdelay $0x1  }
0x18a: {  	[tilespmem:s18+$0xFFFFFFC0] =	vst.msk $0xff, v0  }
0x18b: {  	v0 =	vld [tilespmem:s19+$0xFFFFFF90];
	_ =	sdelay $0x4  }
0x18c: {  	v0 =	vpack.c.f32.bf16 v0, v0;
	_ =	sdelay $0x1  }
0x18d: {  	[tilespmem:s18+$0xFFFFFFC8] =	vst.msk $0xff, v0  }
0x18e: {  	v0 =	vld [tilespmem:s19+$0xFFFFFFA0];
	_ =	sdelay $0x4  }
0x18f: {  	v0 =	vpack.c.f32.bf16 v0, v0;
	_ =	sdelay $0x1  }
0x190: {  	[tilespmem:s18+$0xFFFFFFD0] =	vst.msk $0xff, v0  }
0x191: {  	v0 =	vld [tilespmem:s19+$0xFFFFFFB0];
	_ =	sdelay $0x4  }
0x192: {  	v0 =	vpack.c.f32.bf16 v0, v0;
	_ =	sdelay $0x1  }
0x193: {  	[tilespmem:s18+$0xFFFFFFD8] =	vst.msk $0xff, v0  }
0x194: {  	v0 =	vld [tilespmem:s19+$0xFFFFFFC0];
	_ =	sdelay $0x4  }
0x195: {  	v0 =	vpack.c.f32.bf16 v0, v0;
	_ =	sdelay $0x1  }
0x196: {  	[tilespmem:s18+$0xFFFFFFE0] =	vst.msk $0xff, v0  }
0x197: {  	v0 =	vld [tilespmem:s19+$0xFFFFFFD0];
	_ =	sdelay $0x4  }
0x198: {  	v0 =	vpack.c.f32.bf16 v0, v0;
	_ =	sdelay $0x1  }
0x199: {  	[tilespmem:s18+$0xFFFFFFE8] =	vst.msk $0xff, v0  }
0x19a: {  	v0 =	vld [tilespmem:s19+$0xFFFFFFE0];
	_ =	sdelay $0x4  }
0x19b: {  	v0 =	vpack.c.f32.bf16 v0, v0;
	_ =	sdelay $0x1  }
0x19c: {  	[tilespmem:s18+$0xFFFFFFF0] =	vst.msk $0xff, v0  }
0x19d: {  	v0 =	vld [tilespmem:s19+$0xFFFFFFF0];
	_ =	sdelay $0x4  }
0x19e: {  	v0 =	vpack.c.f32.bf16 v0, v0;
	_ =	sdelay $0x1  }
0x19f: {  	[tilespmem:s18+$0xFFFFFFF8] =	vst.msk $0xff, v0  }
0x1a0: {  	v0 =	vld [tilespmem:s19+$0x0];
	_ =	sdelay $0x4  }
0x1a1: {  	v0 =	vpack.c.f32.bf16 v0, v0;
	_ =	sdelay $0x1  }
0x1a2: {  	s20 =	simm.s32 $0x4370;
	s19 =	simm.s32 $0x0;
	[tilespmem:s18+$0x0] =	vst.msk $0xff, v0  }
.LBB2_6:
0x1a3: {  	v0 =	vld [tilespmem:s20+$0xFFFFFD90];
	s19 =	sadd.s32 $0x5, s19  }
0x1a4: {  	p0 =	slt.u32 s19, $0x78;
	_ =	sdelay $0x3  }
0x1a5: {  	v0 =	vpack.c.f32.bf16 v0, v0  }
0x1a6: {  	s18 =	sadd.s32 $0x140, s18  }
0x1a7: {  	[tilespmem:s18+$0xFFFFFEC8] =	vst.msk $0xff, v0  }
0x1a8: {  	v0 =	vld [tilespmem:s20+$0xFFFFFDA0];
	_ =	sdelay $0x4  }
0x1a9: {  	v0 =	vpack.c.f32.bf16 v0, v0;
	_ =	sdelay $0x1  }
0x1aa: {  	[tilespmem:s18+$0xFFFFFED0] =	vst.msk $0xff, v0  }
0x1ab: {  	v0 =	vld [tilespmem:s20+$0xFFFFFDB0];
	_ =	sdelay $0x4  }
0x1ac: {  	v0 =	vpack.c.f32.bf16 v0, v0;
	_ =	sdelay $0x1  }
0x1ad: {  	[tilespmem:s18+$0xFFFFFED8] =	vst.msk $0xff, v0  }
0x1ae: {  	v0 =	vld [tilespmem:s20+$0xFFFFFDC0];
	_ =	sdelay $0x4  }
0x1af: {  	v0 =	vpack.c.f32.bf16 v0, v0;
	_ =	sdelay $0x1  }
0x1b0: {  	[tilespmem:s18+$0xFFFFFEE0] =	vst.msk $0xff, v0  }
0x1b1: {  	v0 =	vld [tilespmem:s20+$0xFFFFFDD0];
	_ =	sdelay $0x4  }
0x1b2: {  	v0 =	vpack.c.f32.bf16 v0, v0;
	_ =	sdelay $0x1  }
0x1b3: {  	[tilespmem:s18+$0xFFFFFEE8] =	vst.msk $0xff, v0  }
0x1b4: {  	v0 =	vld [tilespmem:s20+$0xFFFFFDE0];
	_ =	sdelay $0x4  }
0x1b5: {  	v0 =	vpack.c.f32.bf16 v0, v0;
	_ =	sdelay $0x1  }
0x1b6: {  	[tilespmem:s18+$0xFFFFFEF0] =	vst.msk $0xff, v0  }
0x1b7: {  	v0 =	vld [tilespmem:s20+$0xFFFFFDF0];
	_ =	sdelay $0x4  }
0x1b8: {  	v0 =	vpack.c.f32.bf16 v0, v0;
	_ =	sdelay $0x1  }
0x1b9: {  	[tilespmem:s18+$0xFFFFFEF8] =	vst.msk $0xff, v0  }
0x1ba: {  	v0 =	vld [tilespmem:s20+$0xFFFFFE00];
	_ =	sdelay $0x4  }
0x1bb: {  	v0 =	vpack.c.f32.bf16 v0, v0;
	_ =	sdelay $0x1  }
0x1bc: {  	[tilespmem:s18+$0xFFFFFF00] =	vst.msk $0xff, v0  }
0x1bd: {  	v0 =	vld [tilespmem:s20+$0xFFFFFE10];
	_ =	sdelay $0x4  }
0x1be: {  	v0 =	vpack.c.f32.bf16 v0, v0;
	_ =	sdelay $0x1  }
0x1bf: {  	[tilespmem:s18+$0xFFFFFF08] =	vst.msk $0xff, v0  }
0x1c0: {  	v0 =	vld [tilespmem:s20+$0xFFFFFE20];
	_ =	sdelay $0x4  }
0x1c1: {  	v0 =	vpack.c.f32.bf16 v0, v0;
	_ =	sdelay $0x1  }
0x1c2: {  	[tilespmem:s18+$0xFFFFFF10] =	vst.msk $0xff, v0  }
0x1c3: {  	v0 =	vld [tilespmem:s20+$0xFFFFFE30];
	_ =	sdelay $0x4  }
0x1c4: {  	v0 =	vpack.c.f32.bf16 v0, v0;
	_ =	sdelay $0x1  }
0x1c5: {  	[tilespmem:s18+$0xFFFFFF18] =	vst.msk $0xff, v0  }
0x1c6: {  	v0 =	vld [tilespmem:s20+$0xFFFFFE40];
	_ =	sdelay $0x4  }
0x1c7: {  	v0 =	vpack.c.f32.bf16 v0, v0;
	_ =	sdelay $0x1  }
0x1c8: {  	[tilespmem:s18+$0xFFFFFF20] =	vst.msk $0xff, v0  }
0x1c9: {  	v0 =	vld [tilespmem:s20+$0xFFFFFE50];
	_ =	sdelay $0x4  }
0x1ca: {  	v0 =	vpack.c.f32.bf16 v0, v0;
	_ =	sdelay $0x1  }
0x1cb: {  	[tilespmem:s18+$0xFFFFFF28] =	vst.msk $0xff, v0  }
0x1cc: {  	v0 =	vld [tilespmem:s20+$0xFFFFFE60];
	_ =	sdelay $0x4  }
0x1cd: {  	v0 =	vpack.c.f32.bf16 v0, v0;
	_ =	sdelay $0x1  }
0x1ce: {  	[tilespmem:s18+$0xFFFFFF30] =	vst.msk $0xff, v0  }
0x1cf: {  	v0 =	vld [tilespmem:s20+$0xFFFFFE70];
	_ =	sdelay $0x4  }
0x1d0: {  	v0 =	vpack.c.f32.bf16 v0, v0;
	_ =	sdelay $0x1  }
0x1d1: {  	[tilespmem:s18+$0xFFFFFF38] =	vst.msk $0xff, v0  }
0x1d2: {  	v0 =	vld [tilespmem:s20+$0xFFFFFE80];
	_ =	sdelay $0x4  }
0x1d3: {  	v0 =	vpack.c.f32.bf16 v0, v0;
	_ =	sdelay $0x1  }
0x1d4: {  	[tilespmem:s18+$0xFFFFFF40] =	vst.msk $0xff, v0  }
0x1d5: {  	v0 =	vld [tilespmem:s20+$0xFFFFFE90];
	_ =	sdelay $0x4  }
0x1d6: {  	v0 =	vpack.c.f32.bf16 v0, v0;
	_ =	sdelay $0x1  }
0x1d7: {  	[tilespmem:s18+$0xFFFFFF48] =	vst.msk $0xff, v0  }
0x1d8: {  	v0 =	vld [tilespmem:s20+$0xFFFFFEA0];
	_ =	sdelay $0x4  }
0x1d9: {  	v0 =	vpack.c.f32.bf16 v0, v0;
	_ =	sdelay $0x1  }
0x1da: {  	[tilespmem:s18+$0xFFFFFF50] =	vst.msk $0xff, v0  }
0x1db: {  	v0 =	vld [tilespmem:s20+$0xFFFFFEB0];
	_ =	sdelay $0x4  }
0x1dc: {  	v0 =	vpack.c.f32.bf16 v0, v0;
	_ =	sdelay $0x1  }
0x1dd: {  	[tilespmem:s18+$0xFFFFFF58] =	vst.msk $0xff, v0  }
0x1de: {  	v0 =	vld [tilespmem:s20+$0xFFFFFEC0];
	_ =	sdelay $0x4  }
0x1df: {  	v0 =	vpack.c.f32.bf16 v0, v0;
	_ =	sdelay $0x1  }
0x1e0: {  	[tilespmem:s18+$0xFFFFFF60] =	vst.msk $0xff, v0  }
0x1e1: {  	v0 =	vld [tilespmem:s20+$0xFFFFFED0];
	_ =	sdelay $0x4  }
0x1e2: {  	v0 =	vpack.c.f32.bf16 v0, v0;
	_ =	sdelay $0x1  }
0x1e3: {  	[tilespmem:s18+$0xFFFFFF68] =	vst.msk $0xff, v0  }
0x1e4: {  	v0 =	vld [tilespmem:s20+$0xFFFFFEE0];
	_ =	sdelay $0x4  }
0x1e5: {  	v0 =	vpack.c.f32.bf16 v0, v0;
	_ =	sdelay $0x1  }
0x1e6: {  	[tilespmem:s18+$0xFFFFFF70] =	vst.msk $0xff, v0  }
0x1e7: {  	v0 =	vld [tilespmem:s20+$0xFFFFFEF0];
	_ =	sdelay $0x4  }
0x1e8: {  	v0 =	vpack.c.f32.bf16 v0, v0;
	_ =	sdelay $0x1  }
0x1e9: {  	[tilespmem:s18+$0xFFFFFF78] =	vst.msk $0xff, v0  }
0x1ea: {  	v0 =	vld [tilespmem:s20+$0xFFFFFF00];
	_ =	sdelay $0x4  }
0x1eb: {  	v0 =	vpack.c.f32.bf16 v0, v0;
	_ =	sdelay $0x1  }
0x1ec: {  	[tilespmem:s18+$0xFFFFFF80] =	vst.msk $0xff, v0  }
0x1ed: {  	v0 =	vld [tilespmem:s20+$0xFFFFFF10];
	_ =	sdelay $0x4  }
0x1ee: {  	v0 =	vpack.c.f32.bf16 v0, v0;
	_ =	sdelay $0x1  }
0x1ef: {  	[tilespmem:s18+$0xFFFFFF88] =	vst.msk $0xff, v0  }
0x1f0: {  	v0 =	vld [tilespmem:s20+$0xFFFFFF20];
	_ =	sdelay $0x4  }
0x1f1: {  	v0 =	vpack.c.f32.bf16 v0, v0;
	_ =	sdelay $0x1  }
0x1f2: {  	[tilespmem:s18+$0xFFFFFF90] =	vst.msk $0xff, v0  }
0x1f3: {  	v0 =	vld [tilespmem:s20+$0xFFFFFF30];
	_ =	sdelay $0x4  }
0x1f4: {  	v0 =	vpack.c.f32.bf16 v0, v0;
	_ =	sdelay $0x1  }
0x1f5: {  	[tilespmem:s18+$0xFFFFFF98] =	vst.msk $0xff, v0  }
0x1f6: {  	v0 =	vld [tilespmem:s20+$0xFFFFFF40];
	_ =	sdelay $0x4  }
0x1f7: {  	v0 =	vpack.c.f32.bf16 v0, v0;
	_ =	sdelay $0x1  }
0x1f8: {  	[tilespmem:s18+$0xFFFFFFA0] =	vst.msk $0xff, v0  }
0x1f9: {  	v0 =	vld [tilespmem:s20+$0xFFFFFF50];
	_ =	sdelay $0x4  }
0x1fa: {  	v0 =	vpack.c.f32.bf16 v0, v0;
	_ =	sdelay $0x1  }
0x1fb: {  	[tilespmem:s18+$0xFFFFFFA8] =	vst.msk $0xff, v0  }
0x1fc: {  	v0 =	vld [tilespmem:s20+$0xFFFFFF60];
	_ =	sdelay $0x4  }
0x1fd: {  	v0 =	vpack.c.f32.bf16 v0, v0;
	_ =	sdelay $0x1  }
0x1fe: {  	[tilespmem:s18+$0xFFFFFFB0] =	vst.msk $0xff, v0  }
0x1ff: {  	v0 =	vld [tilespmem:s20+$0xFFFFFF70];
	_ =	sdelay $0x4  }
0x200: {  	v0 =	vpack.c.f32.bf16 v0, v0;
	_ =	sdelay $0x1  }
0x201: {  	[tilespmem:s18+$0xFFFFFFB8] =	vst.msk $0xff, v0  }
0x202: {  	v0 =	vld [tilespmem:s20+$0xFFFFFF80];
	_ =	sdelay $0x4  }
0x203: {  	v0 =	vpack.c.f32.bf16 v0, v0;
	_ =	sdelay $0x1  }
0x204: {  	[tilespmem:s18+$0xFFFFFFC0] =	vst.msk $0xff, v0  }
0x205: {  	v0 =	vld [tilespmem:s20+$0xFFFFFF90];
	_ =	sdelay $0x4  }
0x206: {  	v0 =	vpack.c.f32.bf16 v0, v0;
	_ =	sdelay $0x1  }
0x207: {  	[tilespmem:s18+$0xFFFFFFC8] =	vst.msk $0xff, v0  }
0x208: {  	v0 =	vld [tilespmem:s20+$0xFFFFFFA0];
	_ =	sdelay $0x4  }
0x209: {  	v0 =	vpack.c.f32.bf16 v0, v0;
	_ =	sdelay $0x1  }
0x20a: {  	[tilespmem:s18+$0xFFFFFFD0] =	vst.msk $0xff, v0  }
0x20b: {  	v0 =	vld [tilespmem:s20+$0xFFFFFFB0];
	_ =	sdelay $0x4  }
0x20c: {  	v0 =	vpack.c.f32.bf16 v0, v0;
	_ =	sdelay $0x1  }
0x20d: {  	[tilespmem:s18+$0xFFFFFFD8] =	vst.msk $0xff, v0  }
0x20e: {  	v0 =	vld [tilespmem:s20+$0xFFFFFFC0];
	_ =	sdelay $0x4  }
0x20f: {  	v0 =	vpack.c.f32.bf16 v0, v0;
	_ =	sdelay $0x1  }
0x210: {  	[tilespmem:s18+$0xFFFFFFE0] =	vst.msk $0xff, v0  }
0x211: {  	v0 =	vld [tilespmem:s20+$0xFFFFFFD0];
	_ =	sdelay $0x4  }
0x212: {  	v0 =	vpack.c.f32.bf16 v0, v0;
	_ =	sdelay $0x1  }
0x213: {  	[tilespmem:s18+$0xFFFFFFE8] =	vst.msk $0xff, v0  }
0x214: {  	v0 =	vld [tilespmem:s20+$0xFFFFFFE0];
	_ =	sdelay $0x4  }
0x215: {  	v0 =	vpack.c.f32.bf16 v0, v0;
	_ =	sdelay $0x1  }
0x216: {  	[tilespmem:s18+$0xFFFFFFF0] =	vst.msk $0xff, v0  }
0x217: {  	v0 =	vld [tilespmem:s20+$0xFFFFFFF0];
	_ =	sdelay $0x4  }
0x218: {  	v0 =	vpack.c.f32.bf16 v0, v0;
	_ =	sdelay $0x1  }
0x219: {  	[tilespmem:s18+$0xFFFFFFF8] =	vst.msk $0xff, v0  }
0x21a: {  	v0 =	vld [tilespmem:s20+$0x0];
	_ =	sdelay $0x2  }
.Ltmp6:
0x21b: {  	(pc) =	sbr.rel @p0 .LBB2_6-.Ltmp6, $3  }
0x21c: {  	_ = 	snop  }
0x21d: {  	v0 =	vpack.c.f32.bf16 v0, v0;
	_ =	sdelay $0x1  }
0x21e: {  	s20 =	sadd.s32 $0x280, s20;
	[tilespmem:s18+$0x0] =	vst.msk $0xff, v0  }
0x21f: {  	s17 =	smul.u32 $0x7D, s17;
	_ =	sdelay $0x1  }
.Ltmp7:
0x220: {  	s17 =	sadd.s32 s4, s17;
	(pc) =	sbr.rel .LBB2_8-.Ltmp7, $4  }
0x221: {  	s17 =	sshll.u32 s17, $0x3  }
0x222: {  	s17 =	sand.u32 $0xFFFFFF8, s17  }
0x223: {  	s17 =	sadd.s32 s5, s17  }
0x224: {  	[hbm4b:s17+s3] =	stream.linear.scatter [tilespmem:s12], [sflag:$0x4], $0x1F40, $0x38;
	[tilespmem:$0xBB80] =	vst v63  }
.LBB2_10:
0x225: {  	_ =	sfence.sel $0x180000  }
0x226: {  	[bflag:$0x0] =	sbarrier.arrive $0xFFFF  }
0x227: {  	p0 =	sne.s32 s0, $0x0;
	_ =	strace $0x90000047  }
0x228: {  	s0 =	sadd.s32 @!p0 $0x100000, s1;
	[bflag:$0x2] =	sbarrier.arrive $0xFFFF  }
0x229: {  	[sflag:s0] =	ssyncadd.tile.s32 @!p0 $0x1;
	_ =	shalt  }
.Lfunc_end2:
_tile_overlayer_lowered:
.L_overlay_start_2:
0x22a: {  	(tag) =	ssettag $0x2  }
0x22b: {  	s0 =	rddreg [dreg:$0x0];
	s2 =	stileid.u32  }
0x22c: {  	s1 =	rddreg [dreg:$0x1];
	p0 =	sne.s32 s2, $0x0  }
0x22d: {  	s3 =	rddreg [dreg:$0x2];
	[bflag:$0x3] =	sbarrier.arrive $0xFFFF;
	s2 =	simm.s32 @!p0 $0x1C05  }
0x22e: {  	[timem:s3], [sflag:s2] =	dma.local @!p0 [hbm:s0], s1  }
0x22f: {  	s0 =	simm.s32 @!p0 $0x5  }
0x230: {  	_ =	swait.ge @!p0 [sflag:s0], s1  }
0x231: {  	s1 =	ssub.s32 @!p0 $0x0, s1;
	[sflag:s0] =	ssyncset.done @!p0 $0x0  }
0x232: {  	[sflag:s0] =	ssyncadd.s32 @!p0 s1  }
0x233: {  	[bflag:$0x3] =	sbarrier.arrive $0xFFFF  }
0x234: {  	_ =	shalt  }

// kernel: kernel.8.cloned.1.call-start
scs
__scs_entry_jumppad:
0x0: {  	(pc) =	sbr.rel $0x88, $3  }
0x1: {  	(tag) =	ssettag $0x0;
	lr =	simm.s32 $0x1  }
0x2: {  	[smem:$0x3F9B] =	sst lr;
	_ =	strace $0xD0000000  }
0x3: {  	_ = 	snop  }
0x4: {  	_ = 	snop  }
0x5: {  	_ = 	snop  }
0x6: {  	_ = 	snop  }
0x7: {  	_ = 	snop  }
__scs_overlays_trampoline_lowered:
0x8: {  	[smem:$0x3FAA] =	sst s0  }
0x9: {  	[smem:$0x3FAB] =	sst s1  }
0xa: {  	[smem:$0x3FAC] =	sst s2  }
0xb: {  	[smem:$0x3FAD] =	sst s3  }
0xc: {  	[smem:$0x3FAE] =	sst s4  }
0xd: {  	[smem:$0x3FAF] =	sst s5  }
0xe: {  	[smem:$0x3FB0] =	sst s6  }
0xf: {  	[smem:$0x3FB1] =	sst s7  }
0x10: {  	[smem:$0x3FB2] =	sst s8  }
0x11: {  	[smem:$0x3FB3] =	sst s9;
	s0 =	simm.s32 @!p0 $0x0  }
0x12: {  	s1 =	sld [smem:$0x3F99];
	s0 =	simm.s32 @p0 $0x1  }
0x13: {  	[smem:$0x3FB4] =	sst s0;
	s0 =	simm.s32 @!p1 $0x0  }
0x14: {  	s2 =	sld [smem:$0x3F98];
	s0 =	simm.s32 @p1 $0x1  }
0x15: {  	[smem:$0x3FB5] =	sst s0;
	s0 =	simm.s32 @!p2 $0x0  }
0x16: {  	s3 =	sld [smem:$0x3FDB];
	s0 =	simm.s32 @p2 $0x1  }
0x17: {  	s4 =	simm.s32 $0x1BF5;
	[smem:$0x3FB7] =	sst s0  }
0x18: {  	s0 =	sld [smem:$0x3F9A];
	_ =	swait.ge [sflag:s4], $0x0  }
0x19: {  	s7 =	sld [smem:$0x3F9B]  }
0x1a: {  	s8 =	sadd.s32 $0xFFFFE003, lr  }
0x1b: {  	s9 =	sadd.s32 $0xFFFFFEF7, lr;
	s5 =	simm.s32 $0xFFFFFFFF;
	p2 =	slt.u32 s8, $0xFFFFF086  }
0x1c: {  	p1 =	slt.u32 s9, $0xF7A;
	s5 =	simm.s32 @!p2 $0x0  }
0x1d: {  	s5 =	simm.s32 @p1 $0x1;
	p0 =	seq.s32 s7, s2  }
0x1e: {  	s7 =	smul.u32 @!p0 $0xF7A, s2;
	p2 =	seq.s32 @!p0 s5, $0x0  }
0x1f: {  	s9 =	smul.u32 $0xF7A, s1;
	s8 =	simm.s32 @!p0 $0x1BF5;
	p2 =	por !p2, p0  }
0x20: {  	[sflag:s8] =	ssyncset.s32 @!p0 $0xFFFFF086;
	s6 =	sadd.s32 @!p0 s3, s7;
	s7 =	simm.s32 @!p0 $0x108  }
0x21: {  	s3 =	sadd.s32 s3, s9;
	s6 =	sadd.s32 @!p0 $0x88, s6;
	s7 =	simm.s32 @p2 $0x1082  }
0x22: {  	[simem:s7], [sflag:s8] =	dma.local @!p0 [hbm:s6], $0xF7A  }
0x23: {  	s9 =	sor.u32 $0xD0000000, s2;
	s6 =	simm.s32 $0x108;
	_ =	swait.ge @!p0 [sflag:s8], $0x0  }
0x24: {  	s3 =	sadd.s32 $0x88, s3;
	s6 =	simm.s32 @!p1 $0x1082;
	[sflag:s4] =	ssyncset.s32 $0xFFFFF086  }
0x25: {  	[simem:s6], [sflag:s4] =	dma.local [hbm:s3], $0xF7A  }
0x26: {  	[smem:$0x3F9B] =	sst s1;
	(tag) =	ssettag s2;
	_ =	strace s9  }
0x27: {  	s1 =	sld [smem:$0x3FAB]  }
0x28: {  	s2 =	sld [smem:$0x3FAC]  }
0x29: {  	s4 =	sld [smem:$0x3FAE]  }
0x2a: {  	p0 =	seq.s32 s5, $0x0;
	s5 =	sld [smem:$0x3FAF]  }
0x2b: {  	s6 =	sld [smem:$0x3FB0]  }
0x2c: {  	s7 =	sld [smem:$0x3FB1]  }
0x2d: {  	s3 =	simm.s32 $0x108;
	s8 =	sld [smem:$0x3FB2]  }
0x2e: {  	s3 =	simm.s32 @!p0 $0x1082;
	s9 =	sld [smem:$0x3FB3]  }
0x2f: {  	lr =	sadd.s32 s0, s3;
	s0 =	sld [smem:$0x3FAA]  }
0x30: {  	s3 =	sld [smem:$0x3FAD]  }
0x31: {  	[smem:$0x3FB6] =	sst s10  }
0x32: {  	s10 =	sld [smem:$0x3FB4];
	_ =	sdelay $0x3  }
0x33: {  	p0 =	seq.s32 s10, $0x1;
	s10 =	sld [smem:$0x3FB6];
	_ =	sdelay $0x3  }
0x34: {  	[smem:$0x3FB6] =	sst s10  }
0x35: {  	s10 =	sld [smem:$0x3FB5];
	_ =	sdelay $0x3  }
0x36: {  	p1 =	seq.s32 s10, $0x1;
	s10 =	sld [smem:$0x3FB6];
	_ =	sdelay $0x3  }
0x37: {  	[smem:$0x3FB6] =	sst s10  }
0x38: {  	s10 =	sld [smem:$0x3FB7]  }
0x39: {  	_ = 	snop;
	(pc) =	sbr.ind lr, $3  }
0x3a: {  	_ = 	snop  }
0x3b: {  	_ = 	snop  }
0x3c: {  	p2 =	seq.s32 s10, $0x1;
	s10 =	sld [smem:$0x3FB6]  }
0x3d: {  	_ =	shalt  }
0x3e: {  	_ =	shalt  }
0x3f: {  	_ =	shalt  }
0x40: {  	_ =	shalt  }
0x41: {  	_ =	shalt  }
0x42: {  	_ =	shalt  }
0x43: {  	_ =	shalt  }
0x44: {  	_ =	shalt  }
0x45: {  	_ =	shalt  }
0x46: {  	_ =	shalt  }
0x47: {  	_ =	shalt  }
0x48: {  	_ =	shalt  }
0x49: {  	_ =	shalt  }
0x4a: {  	_ =	shalt  }
0x4b: {  	_ =	shalt  }
0x4c: {  	_ =	shalt  }
0x4d: {  	_ =	shalt  }
0x4e: {  	_ =	shalt  }
0x4f: {  	_ =	shalt  }
0x50: {  	_ =	shalt  }
0x51: {  	_ =	shalt  }
0x52: {  	_ =	shalt  }
0x53: {  	_ =	shalt  }
0x54: {  	_ =	shalt  }
0x55: {  	_ =	shalt  }
0x56: {  	_ =	shalt  }
0x57: {  	_ =	shalt  }
0x58: {  	_ =	shalt  }
0x59: {  	_ =	shalt  }
0x5a: {  	_ =	shalt  }
0x5b: {  	_ =	shalt  }
0x5c: {  	_ =	shalt  }
0x5d: {  	_ =	shalt  }
0x5e: {  	_ =	shalt  }
0x5f: {  	_ =	shalt  }
0x60: {  	_ =	shalt  }
0x61: {  	_ =	shalt  }
0x62: {  	_ =	shalt  }
0x63: {  	_ =	shalt  }
0x64: {  	_ =	shalt  }
0x65: {  	_ =	shalt  }
0x66: {  	_ =	shalt  }
0x67: {  	_ =	shalt  }
0x68: {  	_ =	shalt  }
0x69: {  	_ =	shalt  }
0x6a: {  	_ =	shalt  }
0x6b: {  	_ =	shalt  }
0x6c: {  	_ =	shalt  }
0x6d: {  	_ =	shalt  }
0x6e: {  	_ =	shalt  }
0x6f: {  	_ =	shalt  }
0x70: {  	_ =	shalt  }
0x71: {  	_ =	shalt  }
0x72: {  	_ =	shalt  }
0x73: {  	_ =	shalt  }
0x74: {  	_ =	shalt  }
0x75: {  	_ =	shalt  }
0x76: {  	_ =	shalt  }
0x77: {  	_ =	shalt  }
0x78: {  	_ =	shalt  }
0x79: {  	_ =	shalt  }
0x7a: {  	_ =	shalt  }
0x7b: {  	_ =	shalt  }
0x7c: {  	_ =	shalt  }
0x7d: {  	_ =	shalt  }
0x7e: {  	_ =	shalt  }
0x7f: {  	_ =	shalt  }
0x80: {  	_ =	shalt  }
0x81: {  	_ =	shalt  }
0x82: {  	_ =	shalt  }
0x83: {  	_ =	shalt  }
0x84: {  	_ =	shalt  }
0x85: {  	_ =	shalt  }
0x86: {  	_ =	shalt  }
0x87: {  	_ =	shalt  }
.Lfunc_end0:
.L_simem_size_0:
called_computation.1_lowered:
.L_overlay_start_0:
0x88: {  	s2 =	sld [smem:$0x3FD9]  }
0x89: {  	s3 =	sld [smem:$0x3FFE];
	_ =	sdelay $0x1  }
0x8a: {  	s1 =	srdreg.scid  }
0x8b: {  	s0 =	sand.u32 $0x1, s1  }
0x8c: {  	s16 =	sshll.u32 s0, $0xA;
	s2 =	sadd.s32 s3, s2  }
0x8d: {  	s2 =	sadd.s32 s2, s16  }
0x8e: {  	[smem:$0x3FC2] =	sst s2  }
0x8f: {  	_ = 	snop  }
0x90: {  	(tm) =	ssettm $0x1  }
0x91: {  	s17 =	sld [smem:$0x3FFB];
	_ =	sdelay $0x3  }
0x92: {  	_ =	strace s17  }
0x93: {  	s2 =	sld [smem:$0x3FFC];
	_ =	sdelay $0x3  }
0x94: {  	_ =	strace s2  }
0x95: {  	s2 =	sld [smem:$0x3FFD];
	_ =	sdelay $0x3  }
0x96: {  	_ =	strace s2  }
0x97: {  	_ =	strace $0x8FFFFFFF  }
0x98: {  	s18 =	sld [smem:$0x3FDB];
	_ =	sdelay $0x1  }
0x99: {  	s19 =	simm.s32 $_scs_section_size  }
0x9a: {  	s4 =	simm.s32 $_size__tile_overlayer_lowered;
	s5 =	simm.s32 $_tile_overlayer_lowered  }
0x9b: {  	s22 =	simm.s32 $0x1BFF;
	s21 =	sshll.u32 s5, $0x1;
	s2 =	sadd.s32 s19, s18  }
0x9c: {  	s6 =	simm.s32 $0x0;
	s20 =	sshll.u32 s4, $0x1;
	s4 =	sadd.s32 s21, s2  }
0x9d: {  	[timem:s6], [sflag:s22] =	dma.local [hbm:s4], s20  }
0x9e: {  	_ =	swait.ge [sflag:s22], s20  }
0x9f: {  	s3 =	ssub.s32 $0x0, s20;
	[sflag:s22] =	ssyncset.done $0x0  }
0xa0: {  	[sflag:s22] =	ssyncadd.s32 s3;
	_ =	sdelay $0x1  }
0xa1: {  	s23 =	simm.s32 $0x1B8B  }
0xa2: {  	_ =	swait.ge [sflag:s23], $0x1  }
0xa3: {  	[sflag:s23] =	ssyncset.done $0x0  }
0xa4: {  	s25 =	simm.s32 $0x1B8E;
	s24 =	sld [smem:$0x3FFE];
	[sflag:s23] =	ssyncadd.s32 $0xFFFFFFFF  }
0xa5: {  	s26 =	simm.s32 $execute0_lowered;
	[smem:$0x3FD2] =	sst s25  }
0xa6: {  	s4 =	sshll.u32 s26, $0x1;
	_ =	strace $0x80000049;
	[dreg:$0x1] =	wrdreg $0xFFFFFFFF  }
0xa7: {  	s28 =	simm.s32 $_size_execute0_lowered;
	s2 =	sadd.s32 s2, s4;
	[dreg:$0x0] =	wrdreg $0x0  }
0xa8: {  	s4 =	sshll.u32 s28, $0x1;
	[dreg:$0x2] =	wrdreg s2  }
0xa9: {  	[dreg:$0x3] =	wrdreg s4  }
0xaa: {  	[dreg:$0x4] =	wrdreg $0xC0  }
0xab: {  	_ =	task [dreg:s6], $0x5FFFF  }
0xac: {  	[dreg:$0x1] =	wrdreg $0xFFFFFFFF  }
0xad: {  	[dreg:$0x0] =	wrdreg $0x60  }
0xae: {  	[dreg:$0x2] =	wrdreg s24  }
0xaf: {  	[dreg:$0x3] =	wrdreg $0x9  }
0xb0: {  	_ =	task.clear_ibuf [dreg:s6], $0x4FFFF;
	_ =	strace $0x90000049  }
0xb1: {  	s29 =	simm.s32 $0x9;
	_ =	strace $0x8000004B  }
0xb2: {  	_ =	swait.ge [sflag:s29], $0x1  }
0xb3: {  	[sflag:s29] =	ssyncadd.s32 $0xFFFFFFFF  }
0xb4: {  	_ =	strace $0x9000004B  }
0xb5: {  	_ =	sfence  }
0xb6: {  	s30 =	sld [smem:$0x0];
	_ =	sdelay $0x2  }
0xb7: {  	s31 =	sshll.u32 s1, $0xD;
	s1 =	sshrl.u32 s1, $0x2  }
0xb8: {  	s3 =	sand.u32 $0x4000, s31;
	s1 =	sadd.s32 s1, s30  }
0xb9: {  	s0 =	sor.u32 s3, s0;
	s1 =	sshll.u32 s1, $0x11  }
0xba: {  	s0 =	sor.u32 s1, s0  }
0xbb: {  	s0 =	sadd.s32 $0x8F2B, s0  }
0xbc: {  	[sflag:s0] =	ssyncadd.remote.s32 $0x1  }
0xbd: {  	_ =	sfence.sel $0xFFFF  }
0xbe: {  	[dreg:$0x0] =	wrdreg $0xFFFFFFFF;
	(pc) =	sbr.abs _section_cstart, $3  }
0xbf: {  	[dreg:$0x1] =	wrdreg $0xFFFFFFFF  }
0xc0: {  	_ =	task.clear_ibuf [dreg:s6], $0x2FFFF;
	_ =	strace $0x9FFFFFFF  }
0xc1: {  	(tm) =	ssettm $0x7FFFFFFF  }
tec
execute0_lowered:
.L_overlay_start_1:
0x0: {  	(tag) =	ssettag $0x1  }
0x1: {  	s4 =	rddreg [dreg:$0x0]  }
0x2: {  	s2 =	srdreg.scid;
	s0 =	rddreg [dreg:$0x1]  }
0x3: {  	s1 =	stileid.u32;
	s9 =	simm.s32 $0x6400;
	s10 =	simm.s32 $0x48  }
0x4: {  	s11 =	simm.s32 $0x8400;
	s12 =	simm.s32 $0x9600;
	s13 =	simm.s32 $0xB600  }
0x5: {  	s14 =	simm.s32 $0x1;
	s15 =	simm.s32 $0x2;
	s16 =	simm.s32 $0xC800  }
0x6: {  	s17 =	simm.s32 $0x0;
	s5 =	sand.u32 $0x1, s2;
	s2 =	simm.s32 $0x0  }
0x7: {  	s3 =	sshll.u32 s1, $0x8;
	s6 =	sshll.u32 s5, $0x7;
	[smem:$0x7FF] =	sst s2  }
0x8: {  	s5 =	ssub.s32 $0x2, s5;
	s6 =	sor.u32 s6, s3;
	_ =	strace $0x8000004A  }
0x9: {  	s31 =	sshrl.u32 s5, $0x1;
	s7 =	smul.u32 $0x19, s6;
	s6 =	sshll.u32 s6, $0x4  }
0xa: {  	s3 =	sadd.s32 $0xE00, s4;
	s8 =	ssub.s32 s5, s31;
	s6 =	sadd.s32 s6, s4  }
0xb: {  	s7 =	sadd.s32 s7, s4;
	s5 =	sadd.s32 $0xDD400, s6;
	s6 =	smax.u32 s8, $0x1  }
0xc: {  	s8 =	simm.s32 $0x80;
	s4 =	sadd.s32 $0xC4400, s7;
	s7 =	simm.s32 $0x3  }
.LBB2_1:
0xd: {  	[tilespmem:s2], [sflag:$0x3] =	stream.linear.gather [hbm4b:s4+s2], $0x6400, $0x38;
	[tilespmem:$0x10800] =	vst v63  }
0xe: {  	_ =	swait.ge [sflag:s7], $0x6400  }
0xf: {  	[sflag:s7] =	ssyncset.done $0x0  }
0x10: {  	[sflag:s7] =	ssyncadd.s32 $0xFFFF9C00  }
0x11: {  	[tilespmem:s9], [sflag:$0x1] =	stream.indirect.gather [hbm4b:s3+s8], $0x40, s2, s8, $0xb8;
	[tilespmem:$0x10800] =	vst v63  }
0x12: {  	s18 =	simm.s32 $0x0  }
0x13: {  	[tilespmem:s11], [sflag:$0x1] =	stream.indirect.gather [hbm4b:s3+s10], $0x40, s8, s10, $0xb8;
	[tilespmem:$0x10800] =	vst v63  }
.LBB2_2:
0x14: {  	s19 =	sshllo.u32 s18, $0x1  }
0x15: {  	s20 =	smul.u32 $0x320, s19;
	_ =	sdelay $0x1  }
0x16: {  	s20 =	sshra.s32 s20, $0x2  }
0x17: {  	[tilespmem:s12], [sflag:$0x2] =	stream.indirect.gather [hbm4b:s3+s8], $0x40, s20, s8, $0xb8;
	[tilespmem:$0x10800] =	vst v63  }
0x18: {  	s20 =	sadd.s32 $0x80, s20  }
0x19: {  	[tilespmem:s13], [sflag:$0x2] =	stream.indirect.gather [hbm4b:s3+s10], $0x40, s20, s10, $0xb8;
	[tilespmem:$0x10800] =	vst v63  }
0x1a: {  	_ =	swait.ge [sflag:s14], $0x3200  }
0x1b: {  	[sflag:s14] =	ssyncset.done $0x0  }
0x1c: {  	s21 =	simm.s32 $0x6400;
	[sflag:s14] =	ssyncadd.s32 $0xFFFFCE00  }
0x1d: {  	v0 =	vld.msk [tilespmem:s21+$0x1C0], $0xff  }
0x1e: {  	v1 =	vld.msk [tilespmem:s21+$0x1C8], $0xff  }
0x1f: {  	v2 =	vld.msk [tilespmem:s21+$0x1D0], $0xff  }
0x20: {  	v3 =	vld.msk [tilespmem:s21+$0x1D8], $0xff  }
0x21: {  	v4 =	vld.msk [tilespmem:s21+$0x1E0], $0xff  }
0x22: {  	v5 =	vld.msk [tilespmem:s21+$0x1E8], $0xff  }
0x23: {  	v6 =	vld.msk [tilespmem:s21+$0x180], $0xff  }
0x24: {  	v7 =	vld.msk [tilespmem:s21+$0x188], $0xff  }
0x25: {  	v8 =	vld.msk [tilespmem:s21+$0x190], $0xff  }
0x26: {  	v9 =	vld.msk [tilespmem:s21+$0x198], $0xff  }
0x27: {  	v10 =	vld.msk [tilespmem:s21+$0x1A0], $0xff  }
0x28: {  	v11 =	vld.msk [tilespmem:s21+$0x1A8], $0xff  }
0x29: {  	v12 =	vld.msk [tilespmem:s21+$0x140], $0xff  }
0x2a: {  	v13 =	vld.msk [tilespmem:s21+$0x148], $0xff  }
0x2b: {  	v14 =	vld.msk [tilespmem:s21+$0x150], $0xff  }
0x2c: {  	v15 =	vld.msk [tilespmem:s21+$0x158], $0xff  }
0x2d: {  	v16 =	vld.msk [tilespmem:s21+$0x160], $0xff  }
0x2e: {  	v17 =	vld.msk [tilespmem:s21+$0x168], $0xff  }
0x2f: {  	v18 =	vld.msk [tilespmem:s21+$0x100], $0xff  }
0x30: {  	v19 =	vld.msk [tilespmem:s21+$0x108], $0xff  }
0x31: {  	v20 =	vld.msk [tilespmem:s21+$0x110], $0xff  }
0x32: {  	v21 =	vld.msk [tilespmem:s21+$0x118], $0xff  }
0x33: {  	v22 =	vld.msk [tilespmem:s21+$0x120], $0xff  }
0x34: {  	v23 =	vld.msk [tilespmem:s21+$0x128], $0xff  }
0x35: {  	v24 =	vld.msk [tilespmem:s21+$0xC0], $0xff  }
0x36: {  	v25 =	vld.msk [tilespmem:s21+$0xC8], $0xff  }
0x37: {  	v26 =	vld.msk [tilespmem:s21+$0x80], $0xff  }
0x38: {  	v27 =	vimm.f32 $0.0e+00;
	v28 =	vld.msk [tilespmem:s21+$0x88], $0xff;
	v29 =	vunpack.c.l.bf16.f32 v0  }
0x39: {  	v30 =	vld.msk [tilespmem:s21+$0x40], $0xff;
	v31 =	vunpack.c.l.bf16.f32 v1;
	v32 =	vunpack.c.l.bf16.f32 v2;
	v33 =	vunpack.c.l.bf16.f32 v3  }
0x3a: {  	v34 =	vld.msk [tilespmem:s21+$0x48], $0xff;
	v6 =	vunpack.c.l.bf16.f32 v6;
	v1 =	vunpack.c.l.bf16.f32 v4;
	v0 =	vunpack.c.l.bf16.f32 v5  }
0x3b: {  	v35 =	vld.msk [tilespmem:s21+$0x0], $0xff;
	v7 =	vunpack.c.l.bf16.f32 v7;
	v8 =	vunpack.c.l.bf16.f32 v8;
	v9 =	vunpack.c.l.bf16.f32 v9  }
0x3c: {  	v36 =	vld.msk [tilespmem:s21+$0x8], $0xff;
	v12 =	vunpack.c.l.bf16.f32 v12;
	v3 =	vunpack.c.l.bf16.f32 v10;
	v2 =	vunpack.c.l.bf16.f32 v11  }
0x3d: {  	v37 =	vld.msk [tilespmem:s21+$0x90], $0xff;
	v11 =	vunpack.c.l.bf16.f32 v13;
	v13 =	vunpack.c.l.bf16.f32 v14;
	v14 =	vunpack.c.l.bf16.f32 v15  }
0x3e: {  	v10 =	vld.msk [tilespmem:s21+$0x10], $0xff;
	v18 =	vunpack.c.l.bf16.f32 v18;
	v5 =	vunpack.c.l.bf16.f32 v16;
	v4 =	vunpack.c.l.bf16.f32 v17  }
0x3f: {  	v15 =	vld.msk [tilespmem:s21+$0x18], $0xff;
	v17 =	vunpack.c.l.bf16.f32 v19;
	v19 =	vunpack.c.l.bf16.f32 v20;
	v20 =	vunpack.c.l.bf16.f32 v21  }
0x40: {  	v16 =	vld.msk [tilespmem:s21+$0x50], $0xff;
	v24 =	vunpack.c.l.bf16.f32 v24;
	v22 =	vunpack.c.l.bf16.f32 v22;
	v35 =	vunpack.c.l.bf16.f32 v35  }
0x41: {  	v21 =	vld.msk [tilespmem:s21+$0x58], $0xff;
	v23 =	vunpack.c.l.bf16.f32 v23;
	v26 =	vunpack.c.l.bf16.f32 v26;
	v36 =	vunpack.c.l.bf16.f32 v36  }
0x42: {  	v38 =	vld.msk [tilespmem:s21+$0x98], $0xff;
	v28 =	vunpack.c.l.bf16.f32 v28;
	v30 =	vunpack.c.l.bf16.f32 v30;
	v35 =	vadd.f32 v35, v27  }
0x43: {  	v39 =	vld.msk [tilespmem:s21+$0xD0], $0xff;
	v34 =	vunpack.c.l.bf16.f32 v34;
	v36 =	vadd.f32 v36, v27;
	v10 =	vunpack.c.l.bf16.f32 v10  }
0x44: {  	v40 =	vld.msk [tilespmem:s21+$0xD8], $0xff;
	v25 =	vunpack.c.l.bf16.f32 v25;
	v30 =	vadd.f32 v30, v35;
	v15 =	vunpack.c.l.bf16.f32 v15  }
0x45: {  	v41 =	vld.msk [tilespmem:s21+$0xE0], $0xff;
	v34 =	vadd.f32 v34, v36;
	v16 =	vunpack.c.l.bf16.f32 v16;
	v10 =	vadd.f32 v10, v27  }
0x46: {  	v50 =	vld.msk [tilespmem:s21+$0xE8], $0xff;
	v21 =	vunpack.c.l.bf16.f32 v21;
	v26 =	vadd.f32 v26, v30;
	v15 =	vadd.f32 v15, v27  }
0x47: {  	v51 =	vld.msk [tilespmem:s21+$0xA8], $0xff;
	v49 =	vunpack.c.l.bf16.f32 v37;
	v28 =	vadd.f32 v28, v34;
	v10 =	vadd.f32 v16, v10  }
0x48: {  	v58 =	vld.msk [tilespmem:s21+$0x30], $0xff;
	v24 =	vadd.f32 v24, v26;
	v15 =	vadd.f32 v21, v15;
	v16 =	vunpack.c.l.bf16.f32 v38  }
0x49: {  	v54 =	vld.msk [tilespmem:s21+$0x68], $0xff;
	v52 =	vunpack.c.l.bf16.f32 v39;
	v25 =	vadd.f32 v25, v28;
	v10 =	vadd.f32 v49, v10  }
0x4a: {  	v57 =	vld.msk [tilespmem:s21+$0x28], $0xff;
	v18 =	vadd.f32 v18, v24;
	v15 =	vadd.f32 v16, v15;
	v16 =	vunpack.c.l.bf16.f32 v40  }
0x4b: {  	v55 =	vunpack.c.l.bf16.f32 v41;
	v21 =	vld.msk [tilespmem:s21+$0xA0], $0xff;
	v17 =	vadd.f32 v17, v25;
	v10 =	vadd.f32 v52, v10  }
0x4c: {  	v53 =	vld.msk [tilespmem:s21+$0x60], $0xff;
	v59 =	vunpack.c.l.bf16.f32 v51;
	v12 =	vadd.f32 v12, v18;
	v15 =	vadd.f32 v16, v15  }
0x4d: {  	v56 =	vld.msk [tilespmem:s21+$0x20], $0xff;
	v24 =	vunpack.c.l.bf16.f32 v58;
	v11 =	vadd.f32 v11, v17;
	v10 =	vadd.f32 v19, v10  }
0x4e: {  	v17 =	vunpack.c.l.bf16.f32 v54;
	v16 =	vunpack.c.l.bf16.f32 v50;
	v15 =	vadd.f32 v20, v15;
	v19 =	vld.msk [tilespmem:s21+$0x38], $0xff  }
0x4f: {  	v18 =	vld.msk [tilespmem:s21+$0x70], $0xff;
	v7 =	vadd.f32 v7, v11;
	v11 =	vunpack.c.l.bf16.f32 v57;
	v10 =	vadd.f32 v13, v10  }
0x50: {  	v21 =	vunpack.c.l.bf16.f32 v21;
	v6 =	vadd.f32 v6, v12;
	v13 =	vadd.f32 v14, v15;
	v15 =	vld.msk [tilespmem:s21+$0x78], $0xff  }
0x51: {  	v60 =	vld.msk [tilespmem:s21+$0xB8], $0xff;
	v20 =	vunpack.c.l.bf16.f32 v53;
	v11 =	vadd.f32 v11, v27;
	v10 =	vadd.f32 v8, v10  }
0x52: {  	v12 =	vld.msk [tilespmem:s21+$0xB0], $0xff;
	v14 =	vunpack.c.l.bf16.f32 v56;
	v13 =	vadd.f32 v9, v13;
	v9 =	vadd.f32 v29, v6  }
0x53: {  	v61 =	vld.msk [tilespmem:s21+$0xF0], $0xff;
	v8 =	vadd.f32 v31, v7;
	v19 =	vunpack.c.l.bf16.f32 v19;
	v7 =	vadd.f32 v32, v10  }
0x54: {  	v6 =	vadd.f32 v33, v13;
	v10 =	vadd.f32 v14, v27;
	v13 =	vunpack.c.l.bf16.f32 v18;
	v14 =	vld.msk [tilespmem:s21+$0xF8], $0xff  }
0x55: {  	v62 =	vld.msk [tilespmem:s21+$0x130], $0xff;
	v18 =	vadd.f32 v24, v27;
	v19 =	vadd.f32 v19, v27;
	v15 =	vunpack.c.l.bf16.f32 v15  }
0x56: {  	v11 =	vadd.f32 v17, v11;
	v17 =	vunpack.c.l.bf16.f32 v60;
	v10 =	vadd.f32 v20, v10;
	v20 =	vld.msk [tilespmem:s21+$0x138], $0xff  }
0x57: {  	v63 =	vld.msk [tilespmem:s21+$0x170], $0xff;
	v12 =	vunpack.c.l.bf16.f32 v12;
	v13 =	vadd.f32 v13, v18;
	v15 =	vadd.f32 v15, v19  }
0x58: {  	v11 =	vadd.f32 v59, v11;
	v19 =	vunpack.c.l.bf16.f32 v61;
	v18 =	vadd.f32 v21, v10;
	v10 =	vld.msk [tilespmem:s21+$0x178], $0xff  }
0x59: {  	v13 =	vadd.f32 v12, v13;
	v12 =	vld.msk [tilespmem:s21+$0x1B0], $0xff;
	v15 =	vadd.f32 v17, v15;
	v14 =	vunpack.c.l.bf16.f32 v14  }
0x5a: {  	v25 =	vadd.f32 v16, v11;
	v16 =	vunpack.c.l.bf16.f32 v62;
	v11 =	vld.msk [tilespmem:s21+$0x1B8], $0xff;
	v21 =	vadd.f32 v55, v18  }
0x5b: {  	v18 =	vadd.f32 v19, v13;
	v13 =	vld.msk [tilespmem:s21+$0x1F0], $0xff;
	v17 =	vadd.f32 v14, v15;
	v19 =	vunpack.c.l.bf16.f32 v20  }
0x5c: {  	s20 =	simm.s32 $0x0;
	v20 =	vadd.f32 v23, v25;
	v15 =	vunpack.c.l.bf16.f32 v63;
	v14 =	vld.msk [tilespmem:s21+$0x1F8], $0xff;
	s21 =	simm.s32 $0x6600;
	v21 =	vadd.f32 v22, v21  }
.LBB2_3:
0x5d: {  	v22 =	vld.msk [tilespmem:s21+$0x1C0], $0xff;
	v16 =	vadd.f32 v16, v18;
	v17 =	vadd.f32 v19, v17;
	v10 =	vunpack.c.l.bf16.f32 v10  }
0x5e: {  	v19 =	vld.msk [tilespmem:s21+$0x1C8], $0xff;
	v5 =	vadd.f32 v5, v21;
	v4 =	vadd.f32 v4, v20;
	v12 =	vunpack.c.l.bf16.f32 v12  }
0x5f: {  	v20 =	vld.msk [tilespmem:s21+$0x1D0], $0xff;
	v15 =	vadd.f32 v15, v16;
	v10 =	vadd.f32 v10, v17;
	v11 =	vunpack.c.l.bf16.f32 v11  }
0x60: {  	v17 =	vld.msk [tilespmem:s21+$0x1D8], $0xff;
	v3 =	vadd.f32 v3, v5;
	v2 =	vadd.f32 v2, v4;
	v4 =	vunpack.c.l.bf16.f32 v13  }
0x61: {  	v5 =	vld.msk [tilespmem:s21+$0x1E0], $0xff;
	v15 =	vadd.f32 v12, v15;
	v11 =	vadd.f32 v11, v10;
	v14 =	vunpack.c.l.bf16.f32 v14  }
0x62: {  	v21 =	vld.msk [tilespmem:s21+$0x1E8], $0xff;
	v12 =	vadd.f32 v1, v3;
	v13 =	vadd.f32 v0, v2  }
0x63: {  	v0 =	vld.msk [tilespmem:s21+$0x180], $0xff;
	v10 =	vadd.f32 v4, v15;
	v11 =	vadd.f32 v14, v11  }
0x64: {  	v2 =	vld.msk [tilespmem:s21+$0x188], $0xff  }
0x65: {  	v3 =	vld.msk [tilespmem:s21+$0x190], $0xff  }
0x66: {  	v4 =	vld.msk [tilespmem:s21+$0x198], $0xff  }
0x67: {  	v14 =	vld.msk [tilespmem:s21+$0x1A0], $0xff  }
0x68: {  	v15 =	vld.msk [tilespmem:s21+$0x1A8], $0xff  }
0x69: {  	v23 =	vld.msk [tilespmem:s21+$0x140], $0xff  }
0x6a: {  	v24 =	vld.msk [tilespmem:s21+$0x148], $0xff  }
0x6b: {  	v25 =	vld.msk [tilespmem:s21+$0x150], $0xff  }
0x6c: {  	v26 =	vld.msk [tilespmem:s21+$0x158], $0xff  }
0x6d: {  	v27 =	vld.msk [tilespmem:s21+$0x160], $0xff  }
0x6e: {  	v28 =	vld.msk [tilespmem:s21+$0x168], $0xff  }
0x6f: {  	v29 =	vld.msk [tilespmem:s21+$0x100], $0xff  }
0x70: {  	v30 =	vld.msk [tilespmem:s21+$0x108], $0xff  }
0x71: {  	v31 =	vld.msk [tilespmem:s21+$0x110], $0xff  }
0x72: {  	v32 =	vld.msk [tilespmem:s21+$0x118], $0xff  }
0x73: {  	v33 =	vld.msk [tilespmem:s21+$0x120], $0xff  }
0x74: {  	v34 =	vld.msk [tilespmem:s21+$0x128], $0xff  }
0x75: {  	v35 =	vld.msk [tilespmem:s21+$0xC0], $0xff  }
0x76: {  	v36 =	vld.msk [tilespmem:s21+$0xC8], $0xff  }
0x77: {  	v37 =	vld.msk [tilespmem:s21+$0x80], $0xff  }
0x78: {  	v18 =	vunpack.c.l.bf16.f32 v22;
	v38 =	vld.msk [tilespmem:s21+$0x88], $0xff  }
0x79: {  	v19 =	vunpack.c.l.bf16.f32 v19;
	v16 =	vunpack.c.l.bf16.f32 v20;
	v17 =	vunpack.c.l.bf16.f32 v17;
	v22 =	vld.msk [tilespmem:s21+$0x40], $0xff  }
0x7a: {  	v1 =	vunpack.c.l.bf16.f32 v5;
	v39 =	vunpack.c.l.bf16.f32 v0;
	v0 =	vunpack.c.l.bf16.f32 v21;
	v20 =	vld.msk [tilespmem:s21+$0x48], $0xff  }
0x7b: {  	v40 =	vunpack.c.l.bf16.f32 v2;
	v41 =	vunpack.c.l.bf16.f32 v3;
	v42 =	vunpack.c.l.bf16.f32 v4;
	v21 =	vld.msk [tilespmem:s21+$0x0], $0xff  }
0x7c: {  	v3 =	vunpack.c.l.bf16.f32 v14;
	v2 =	vunpack.c.l.bf16.f32 v15;
	v23 =	vunpack.c.l.bf16.f32 v23;
	v43 =	vld.msk [tilespmem:s21+$0x8], $0xff  }
0x7d: {  	v24 =	vunpack.c.l.bf16.f32 v24;
	v25 =	vunpack.c.l.bf16.f32 v25;
	v26 =	vunpack.c.l.bf16.f32 v26;
	v44 =	vld.msk [tilespmem:s21+$0x10], $0xff  }
0x7e: {  	v5 =	vunpack.c.l.bf16.f32 v27;
	v4 =	vunpack.c.l.bf16.f32 v28;
	v29 =	vunpack.c.l.bf16.f32 v29;
	v45 =	vld.msk [tilespmem:s21+$0x18], $0xff  }
0x7f: {  	v28 =	vunpack.c.l.bf16.f32 v30;
	v30 =	vunpack.c.l.bf16.f32 v31;
	v31 =	vunpack.c.l.bf16.f32 v32;
	v27 =	vld.msk [tilespmem:s21+$0x50], $0xff  }
0x80: {  	v14 =	vunpack.c.l.bf16.f32 v33;
	v15 =	vunpack.c.l.bf16.f32 v34;
	v35 =	vunpack.c.l.bf16.f32 v35;
	v32 =	vld.msk [tilespmem:s21+$0x58], $0xff  }
0x81: {  	v36 =	vunpack.c.l.bf16.f32 v36;
	v33 =	vunpack.c.l.bf16.f32 v37;
	v34 =	vunpack.c.l.bf16.f32 v38;
	v37 =	vld.msk [tilespmem:s21+$0x90], $0xff  }
0x82: {  	v22 =	vunpack.c.l.bf16.f32 v22;
	v21 =	vunpack.c.l.bf16.f32 v21;
	v38 =	vunpack.c.l.bf16.f32 v43;
	v43 =	vld.msk [tilespmem:s21+$0x98], $0xff  }
0x83: {  	v20 =	vunpack.c.l.bf16.f32 v20;
	v44 =	vunpack.c.l.bf16.f32 v44;
	v45 =	vunpack.c.l.bf16.f32 v45;
	v46 =	vld.msk [tilespmem:s21+$0xD0], $0xff  }
0x84: {  	v9 =	vadd.f32 v21, v9;
	v8 =	vadd.f32 v38, v8;
	v21 =	vunpack.c.l.bf16.f32 v27;
	v27 =	vld.msk [tilespmem:s21+$0xD8], $0xff  }
0x85: {  	v7 =	vadd.f32 v44, v7;
	v6 =	vadd.f32 v45, v6;
	v32 =	vunpack.c.l.bf16.f32 v32;
	v38 =	vld.msk [tilespmem:s21+$0xE0], $0xff  }
0x86: {  	v9 =	vadd.f32 v22, v9;
	v8 =	vadd.f32 v20, v8;
	v20 =	vunpack.c.l.bf16.f32 v37;
	v22 =	vld.msk [tilespmem:s21+$0xE8], $0xff  }
0x87: {  	v7 =	vadd.f32 v21, v7;
	v6 =	vadd.f32 v32, v6;
	v21 =	vunpack.c.l.bf16.f32 v43;
	v32 =	vld.msk [tilespmem:s21+$0xA0], $0xff  }
0x88: {  	v9 =	vadd.f32 v33, v9;
	v8 =	vadd.f32 v34, v8;
	v33 =	vld.msk [tilespmem:s21+$0xA8], $0xff;
	v34 =	vunpack.c.l.bf16.f32 v46  }
0x89: {  	v7 =	vadd.f32 v20, v7;
	v37 =	vld.msk [tilespmem:s21+$0x60], $0xff;
	v6 =	vadd.f32 v21, v6;
	v20 =	vunpack.c.l.bf16.f32 v27  }
0x8a: {  	v9 =	vadd.f32 v35, v9;
	v8 =	vadd.f32 v36, v8;
	v21 =	vld.msk [tilespmem:s21+$0x68], $0xff;
	v27 =	vunpack.c.l.bf16.f32 v38  }
0x8b: {  	v7 =	vadd.f32 v34, v7;
	v35 =	vld.msk [tilespmem:s21+$0x20], $0xff;
	v6 =	vadd.f32 v20, v6;
	v20 =	vunpack.c.l.bf16.f32 v22  }
0x8c: {  	v9 =	vadd.f32 v29, v9;
	v8 =	vadd.f32 v28, v8;
	v22 =	vld.msk [tilespmem:s21+$0x28], $0xff;
	v32 =	vunpack.c.l.bf16.f32 v32  }
0x8d: {  	v7 =	vadd.f32 v30, v7;
	v28 =	vld.msk [tilespmem:s21+$0x30], $0xff;
	v29 =	vunpack.c.l.bf16.f32 v33;
	v6 =	vadd.f32 v31, v6  }
0x8e: {  	s20 =	sadd.s32 $0x8, s20;
	v9 =	vadd.f32 v23, v9;
	v8 =	vadd.f32 v24, v8;
	v30 =	vld.msk [tilespmem:s21+$0x38], $0xff;
	v31 =	vunpack.c.l.bf16.f32 v37  }
0x8f: {  	p0 =	slt.u32 s20, $0xC0;
	v7 =	vadd.f32 v25, v7;
	v21 =	vunpack.c.l.bf16.f32 v21;
	v23 =	vld.msk [tilespmem:s21+$0x70], $0xff;
	v6 =	vadd.f32 v26, v6  }
0x90: {  	v9 =	vadd.f32 v39, v9;
	v8 =	vadd.f32 v40, v8;
	v24 =	vunpack.c.l.bf16.f32 v35;
	v25 =	vld.msk [tilespmem:s21+$0x78], $0xff  }
0x91: {  	v7 =	vadd.f32 v41, v7;
	v22 =	vunpack.c.l.bf16.f32 v22;
	v26 =	vld.msk [tilespmem:s21+$0xB0], $0xff;
	v6 =	vadd.f32 v42, v6  }
0x92: {  	v9 =	vadd.f32 v18, v9;
	v8 =	vadd.f32 v19, v8;
	v28 =	vunpack.c.l.bf16.f32 v28;
	v33 =	vld.msk [tilespmem:s21+$0xB8], $0xff  }
0x93: {  	v7 =	vadd.f32 v16, v7;
	v18 =	vunpack.c.l.bf16.f32 v30;
	v19 =	vld.msk [tilespmem:s21+$0xF0], $0xff;
	v6 =	vadd.f32 v17, v6  }
0x94: {  	v12 =	vadd.f32 v24, v12;
	v13 =	vadd.f32 v22, v13;
	v16 =	vunpack.c.l.bf16.f32 v23;
	v17 =	vld.msk [tilespmem:s21+$0xF8], $0xff  }
0x95: {  	v10 =	vadd.f32 v28, v10;
	v11 =	vadd.f32 v18, v11;
	v18 =	vunpack.c.l.bf16.f32 v25;
	v22 =	vld.msk [tilespmem:s21+$0x130], $0xff  }
0x96: {  	v12 =	vadd.f32 v31, v12;
	v13 =	vadd.f32 v21, v13;
	v21 =	vunpack.c.l.bf16.f32 v26;
	v23 =	vld.msk [tilespmem:s21+$0x138], $0xff  }
0x97: {  	v16 =	vadd.f32 v16, v10;
	v11 =	vadd.f32 v18, v11;
	v18 =	vunpack.c.l.bf16.f32 v33;
	v24 =	vld.msk [tilespmem:s21+$0x170], $0xff  }
.Ltmp0:
0x98: {  	v25 =	vadd.f32 v32, v12;
	v13 =	vadd.f32 v29, v13;
	v19 =	vunpack.c.l.bf16.f32 v19;
	v10 =	vld.msk [tilespmem:s21+$0x178], $0xff;
	(pc) =	sbr.rel @p0 .LBB2_3-.Ltmp0, $4  }
0x99: {  	v21 =	vadd.f32 v21, v16;
	v26 =	vadd.f32 v18, v11;
	v17 =	vunpack.c.l.bf16.f32 v17;
	v12 =	vld.msk [tilespmem:s21+$0x1B0], $0xff  }
0x9a: {  	v25 =	vadd.f32 v27, v25;
	v20 =	vadd.f32 v20, v13;
	v16 =	vunpack.c.l.bf16.f32 v22;
	v11 =	vld.msk [tilespmem:s21+$0x1B8], $0xff  }
0x9b: {  	v18 =	vadd.f32 v19, v21;
	v17 =	vadd.f32 v17, v26;
	v19 =	vunpack.c.l.bf16.f32 v23;
	v13 =	vld.msk [tilespmem:s21+$0x1F0], $0xff  }
0x9c: {  	v21 =	vadd.f32 v14, v25;
	v20 =	vadd.f32 v15, v20;
	v15 =	vunpack.c.l.bf16.f32 v24;
	v14 =	vld.msk [tilespmem:s21+$0x1F8], $0xff;
	s21 =	sadd.s32 $0x200, s21  }
0x9d: {  	_ = 	snop  }
0x9e: {  	v16 =	vadd.f32 v16, v18;
	s20 =	sshll.u32 s18, $0x8;
	v5 =	vadd.f32 v5, v21  }
0x9f: {  	v17 =	vadd.f32 v19, v17;
	v10 =	vunpack.c.l.bf16.f32 v10;
	v4 =	vadd.f32 v4, v20;
	s20 =	sand.u32 $0x3FFFFF00, s20  }
0xa0: {  	v12 =	vunpack.c.l.bf16.f32 v12;
	v15 =	vadd.f32 v15, v16;
	[tilespmem:s20+$0xC800] =	vst v9;
	v3 =	vadd.f32 v3, v5  }
0xa1: {  	v9 =	vunpack.c.l.bf16.f32 v11;
	[tilespmem:s20+$0xC810] =	vst v8;
	v5 =	vadd.f32 v10, v17;
	v2 =	vadd.f32 v2, v4  }
0xa2: {  	[tilespmem:s20+$0xC820] =	vst v7;
	v4 =	vunpack.c.l.bf16.f32 v13;
	v8 =	vadd.f32 v12, v15;
	v1 =	vadd.f32 v1, v3  }
0xa3: {  	p0 =	seq.s32 s18, $0x3F;
	[tilespmem:s20+$0xC830] =	vst v6;
	v3 =	vadd.f32 v9, v5;
	v5 =	vunpack.c.l.bf16.f32 v14;
	v0 =	vadd.f32 v0, v2  }
0xa4: {  	s21 =	smul.u32 @!p0 $0x640, s18;
	v2 =	vadd.f32 v4, v8;
	[tilespmem:s20+$0xC840] =	vst v1  }
0xa5: {  	v1 =	vadd.f32 v5, v3;
	[tilespmem:s20+$0xC850] =	vst v0  }
0xa6: {  	s21 =	sshra.s32 @!p0 s21, $0x2;
	[tilespmem:s20+$0xC860] =	vst v2  }
0xa7: {  	s22 =	simm.s32 @!p0 $0x80;
	s23 =	simm.s32 @!p0 $0x6400;
	[tilespmem:s20+$0xC870] =	vst v1;
	s20 =	sadd.s32 @!p0 $0x190, s21  }
0xa8: {  	[tilespmem:s23], [sflag:$0x1] =	stream.indirect.gather @!p0 [hbm4b:s3+s22], $0x40, s20, s22, $0xb8;
	[tilespmem:$0x10800] =	vst v63  }
0xa9: {  	s20 =	sadd.s32 @!p0 $0x210, s21;
	s21 =	simm.s32 @!p0 $0x48;
	s22 =	simm.s32 @!p0 $0x8400  }
0xaa: {  	[tilespmem:s22], [sflag:$0x1] =	stream.indirect.gather @!p0 [hbm4b:s3+s21], $0x40, s20, s21, $0xb8;
	[tilespmem:$0x10800] =	vst v63  }
0xab: {  	_ =	swait.ge [sflag:s15], $0x3200  }
0xac: {  	[sflag:s15] =	ssyncset.done $0x0  }
0xad: {  	s31 =	simm.s32 $0x9600;
	[sflag:s15] =	ssyncadd.s32 $0xFFFFCE00  }
0xae: {  	v0 =	vld.msk [tilespmem:s31+$0x1C0], $0xff  }
0xaf: {  	v1 =	vld.msk [tilespmem:s31+$0x1C8], $0xff  }
0xb0: {  	v2 =	vld.msk [tilespmem:s31+$0x1D0], $0xff  }
0xb1: {  	v3 =	vld.msk [tilespmem:s31+$0x1D8], $0xff  }
0xb2: {  	v4 =	vld.msk [tilespmem:s31+$0x1E0], $0xff  }
0xb3: {  	v5 =	vld.msk [tilespmem:s31+$0x1E8], $0xff  }
0xb4: {  	v6 =	vld.msk [tilespmem:s31+$0x180], $0xff  }
0xb5: {  	v7 =	vld.msk [tilespmem:s31+$0x188], $0xff  }
0xb6: {  	v8 =	vld.msk [tilespmem:s31+$0x190], $0xff  }
0xb7: {  	v9 =	vld.msk [tilespmem:s31+$0x198], $0xff  }
0xb8: {  	v10 =	vld.msk [tilespmem:s31+$0x1A0], $0xff  }
0xb9: {  	v11 =	vld.msk [tilespmem:s31+$0x1A8], $0xff  }
0xba: {  	v12 =	vld.msk [tilespmem:s31+$0x140], $0xff  }
0xbb: {  	v13 =	vld.msk [tilespmem:s31+$0x148], $0xff  }
0xbc: {  	v14 =	vld.msk [tilespmem:s31+$0x150], $0xff  }
0xbd: {  	v15 =	vld.msk [tilespmem:s31+$0x158], $0xff  }
0xbe: {  	v16 =	vld.msk [tilespmem:s31+$0x160], $0xff  }
0xbf: {  	v17 =	vld.msk [tilespmem:s31+$0x168], $0xff  }
0xc0: {  	v18 =	vld.msk [tilespmem:s31+$0x100], $0xff  }
0xc1: {  	v19 =	vld.msk [tilespmem:s31+$0x108], $0xff  }
0xc2: {  	v20 =	vld.msk [tilespmem:s31+$0x110], $0xff  }
0xc3: {  	v21 =	vld.msk [tilespmem:s31+$0x118], $0xff  }
0xc4: {  	v22 =	vld.msk [tilespmem:s31+$0x120], $0xff  }
0xc5: {  	v23 =	vld.msk [tilespmem:s31+$0x128], $0xff  }
0xc6: {  	v24 =	vld.msk [tilespmem:s31+$0xC0], $0xff  }
0xc7: {  	v25 =	vld.msk [tilespmem:s31+$0xC8], $0xff  }
0xc8: {  	v26 =	vld.msk [tilespmem:s31+$0x80], $0xff  }
0xc9: {  	v27 =	vimm.f32 $0.0e+00;
	v28 =	vld.msk [tilespmem:s31+$0x88], $0xff;
	v29 =	vunpack.c.l.bf16.f32 v0  }
0xca: {  	v30 =	vld.msk [tilespmem:s31+$0x40], $0xff;
	v31 =	vunpack.c.l.bf16.f32 v1;
	v32 =	vunpack.c.l.bf16.f32 v2;
	v33 =	vunpack.c.l.bf16.f32 v3  }
0xcb: {  	v34 =	vld.msk [tilespmem:s31+$0x48], $0xff;
	v6 =	vunpack.c.l.bf16.f32 v6;
	v1 =	vunpack.c.l.bf16.f32 v4;
	v0 =	vunpack.c.l.bf16.f32 v5  }
0xcc: {  	v35 =	vld.msk [tilespmem:s31+$0x0], $0xff;
	v7 =	vunpack.c.l.bf16.f32 v7;
	v8 =	vunpack.c.l.bf16.f32 v8;
	v9 =	vunpack.c.l.bf16.f32 v9  }
0xcd: {  	v36 =	vld.msk [tilespmem:s31+$0x8], $0xff;
	v12 =	vunpack.c.l.bf16.f32 v12;
	v3 =	vunpack.c.l.bf16.f32 v10;
	v2 =	vunpack.c.l.bf16.f32 v11  }
0xce: {  	v37 =	vld.msk [tilespmem:s31+$0x90], $0xff;
	v11 =	vunpack.c.l.bf16.f32 v13;
	v13 =	vunpack.c.l.bf16.f32 v14;
	v14 =	vunpack.c.l.bf16.f32 v15  }
0xcf: {  	v10 =	vld.msk [tilespmem:s31+$0x10], $0xff;
	v18 =	vunpack.c.l.bf16.f32 v18;
	v5 =	vunpack.c.l.bf16.f32 v16;
	v4 =	vunpack.c.l.bf16.f32 v17  }
0xd0: {  	v15 =	vld.msk [tilespmem:s31+$0x18], $0xff;
	v17 =	vunpack.c.l.bf16.f32 v19;
	v19 =	vunpack.c.l.bf16.f32 v20;
	v20 =	vunpack.c.l.bf16.f32 v21  }
0xd1: {  	v16 =	vld.msk [tilespmem:s31+$0x50], $0xff;
	v24 =	vunpack.c.l.bf16.f32 v24;
	v22 =	vunpack.c.l.bf16.f32 v22;
	v35 =	vunpack.c.l.bf16.f32 v35  }
0xd2: {  	v21 =	vld.msk [tilespmem:s31+$0x58], $0xff;
	v23 =	vunpack.c.l.bf16.f32 v23;
	v26 =	vunpack.c.l.bf16.f32 v26;
	v36 =	vunpack.c.l.bf16.f32 v36  }
0xd3: {  	v38 =	vld.msk [tilespmem:s31+$0x98], $0xff;
	v28 =	vunpack.c.l.bf16.f32 v28;
	v30 =	vunpack.c.l.bf16.f32 v30;
	v35 =	vadd.f32 v35, v27  }
0xd4: {  	v39 =	vld.msk [tilespmem:s31+$0xD0], $0xff;
	v34 =	vunpack.c.l.bf16.f32 v34;
	v36 =	vadd.f32 v36, v27;
	v10 =	vunpack.c.l.bf16.f32 v10  }
0xd5: {  	v40 =	vld.msk [tilespmem:s31+$0xD8], $0xff;
	v25 =	vunpack.c.l.bf16.f32 v25;
	v30 =	vadd.f32 v30, v35;
	v15 =	vunpack.c.l.bf16.f32 v15  }
0xd6: {  	v41 =	vld.msk [tilespmem:s31+$0xE0], $0xff;
	v34 =	vadd.f32 v34, v36;
	v16 =	vunpack.c.l.bf16.f32 v16;
	v10 =	vadd.f32 v10, v27  }
0xd7: {  	v50 =	vld.msk [tilespmem:s31+$0xE8], $0xff;
	v21 =	vunpack.c.l.bf16.f32 v21;
	v26 =	vadd.f32 v26, v30;
	v15 =	vadd.f32 v15, v27  }
0xd8: {  	v51 =	vld.msk [tilespmem:s31+$0xA8], $0xff;
	v49 =	vunpack.c.l.bf16.f32 v37;
	v28 =	vadd.f32 v28, v34;
	v10 =	vadd.f32 v16, v10  }
0xd9: {  	v58 =	vld.msk [tilespmem:s31+$0x30], $0xff;
	v24 =	vadd.f32 v24, v26;
	v15 =	vadd.f32 v21, v15;
	v16 =	vunpack.c.l.bf16.f32 v38  }
0xda: {  	v54 =	vld.msk [tilespmem:s31+$0x68], $0xff;
	v52 =	vunpack.c.l.bf16.f32 v39;
	v25 =	vadd.f32 v25, v28;
	v10 =	vadd.f32 v49, v10  }
0xdb: {  	v57 =	vld.msk [tilespmem:s31+$0x28], $0xff;
	v18 =	vadd.f32 v18, v24;
	v15 =	vadd.f32 v16, v15;
	v16 =	vunpack.c.l.bf16.f32 v40  }
0xdc: {  	v55 =	vunpack.c.l.bf16.f32 v41;
	v21 =	vld.msk [tilespmem:s31+$0xA0], $0xff;
	v17 =	vadd.f32 v17, v25;
	v10 =	vadd.f32 v52, v10  }
0xdd: {  	v53 =	vld.msk [tilespmem:s31+$0x60], $0xff;
	v59 =	vunpack.c.l.bf16.f32 v51;
	v12 =	vadd.f32 v12, v18;
	v15 =	vadd.f32 v16, v15  }
0xde: {  	v56 =	vld.msk [tilespmem:s31+$0x20], $0xff;
	v24 =	vunpack.c.l.bf16.f32 v58;
	v11 =	vadd.f32 v11, v17;
	v10 =	vadd.f32 v19, v10  }
0xdf: {  	v17 =	vunpack.c.l.bf16.f32 v54;
	v16 =	vunpack.c.l.bf16.f32 v50;
	v15 =	vadd.f32 v20, v15;
	v19 =	vld.msk [tilespmem:s31+$0x38], $0xff  }
0xe0: {  	v18 =	vld.msk [tilespmem:s31+$0x70], $0xff;
	v7 =	vadd.f32 v7, v11;
	v11 =	vunpack.c.l.bf16.f32 v57;
	v10 =	vadd.f32 v13, v10  }
0xe1: {  	v21 =	vunpack.c.l.bf16.f32 v21;
	v6 =	vadd.f32 v6, v12;
	v13 =	vadd.f32 v14, v15;
	v15 =	vld.msk [tilespmem:s31+$0x78], $0xff  }
0xe2: {  	v60 =	vld.msk [tilespmem:s31+$0xB8], $0xff;
	v20 =	vunpack.c.l.bf16.f32 v53;
	v11 =	vadd.f32 v11, v27;
	v10 =	vadd.f32 v8, v10  }
0xe3: {  	v12 =	vld.msk [tilespmem:s31+$0xB0], $0xff;
	v14 =	vunpack.c.l.bf16.f32 v56;
	v13 =	vadd.f32 v9, v13;
	v9 =	vadd.f32 v29, v6  }
0xe4: {  	v61 =	vld.msk [tilespmem:s31+$0xF0], $0xff;
	v8 =	vadd.f32 v31, v7;
	v19 =	vunpack.c.l.bf16.f32 v19;
	v7 =	vadd.f32 v32, v10  }
0xe5: {  	v6 =	vadd.f32 v33, v13;
	v10 =	vadd.f32 v14, v27;
	v13 =	vunpack.c.l.bf16.f32 v18;
	v14 =	vld.msk [tilespmem:s31+$0xF8], $0xff  }
0xe6: {  	v62 =	vld.msk [tilespmem:s31+$0x130], $0xff;
	v18 =	vadd.f32 v24, v27;
	v19 =	vadd.f32 v19, v27;
	v15 =	vunpack.c.l.bf16.f32 v15  }
0xe7: {  	v11 =	vadd.f32 v17, v11;
	v17 =	vunpack.c.l.bf16.f32 v60;
	v10 =	vadd.f32 v20, v10;
	v20 =	vld.msk [tilespmem:s31+$0x138], $0xff  }
0xe8: {  	v63 =	vld.msk [tilespmem:s31+$0x170], $0xff;
	v12 =	vunpack.c.l.bf16.f32 v12;
	v13 =	vadd.f32 v13, v18;
	v15 =	vadd.f32 v15, v19  }
0xe9: {  	v11 =	vadd.f32 v59, v11;
	v19 =	vunpack.c.l.bf16.f32 v61;
	v18 =	vadd.f32 v21, v10;
	v10 =	vld.msk [tilespmem:s31+$0x178], $0xff  }
0xea: {  	v13 =	vadd.f32 v12, v13;
	v12 =	vld.msk [tilespmem:s31+$0x1B0], $0xff;
	v15 =	vadd.f32 v17, v15;
	v14 =	vunpack.c.l.bf16.f32 v14  }
0xeb: {  	v25 =	vadd.f32 v16, v11;
	v16 =	vunpack.c.l.bf16.f32 v62;
	v11 =	vld.msk [tilespmem:s31+$0x1B8], $0xff;
	v21 =	vadd.f32 v55, v18  }
0xec: {  	v18 =	vadd.f32 v19, v13;
	v13 =	vld.msk [tilespmem:s31+$0x1F0], $0xff;
	v17 =	vadd.f32 v14, v15;
	v19 =	vunpack.c.l.bf16.f32 v20  }
0xed: {  	s20 =	simm.s32 $0x0;
	s21 =	simm.s32 $0x9800;
	v20 =	vadd.f32 v23, v25;
	v15 =	vunpack.c.l.bf16.f32 v63;
	v14 =	vld.msk [tilespmem:s31+$0x1F8], $0xff;
	v21 =	vadd.f32 v22, v21  }
.LBB2_5:
0xee: {  	v22 =	vld.msk [tilespmem:s21+$0x1C0], $0xff;
	v16 =	vadd.f32 v16, v18;
	v17 =	vadd.f32 v19, v17;
	v10 =	vunpack.c.l.bf16.f32 v10  }
0xef: {  	v19 =	vld.msk [tilespmem:s21+$0x1C8], $0xff;
	v5 =	vadd.f32 v5, v21;
	v4 =	vadd.f32 v4, v20;
	v12 =	vunpack.c.l.bf16.f32 v12  }
0xf0: {  	v20 =	vld.msk [tilespmem:s21+$0x1D0], $0xff;
	v15 =	vadd.f32 v15, v16;
	v10 =	vadd.f32 v10, v17;
	v11 =	vunpack.c.l.bf16.f32 v11  }
0xf1: {  	v17 =	vld.msk [tilespmem:s21+$0x1D8], $0xff;
	v3 =	vadd.f32 v3, v5;
	v2 =	vadd.f32 v2, v4;
	v4 =	vunpack.c.l.bf16.f32 v13  }
0xf2: {  	v5 =	vld.msk [tilespmem:s21+$0x1E0], $0xff;
	v15 =	vadd.f32 v12, v15;
	v11 =	vadd.f32 v11, v10;
	v14 =	vunpack.c.l.bf16.f32 v14  }
0xf3: {  	v21 =	vld.msk [tilespmem:s21+$0x1E8], $0xff;
	v12 =	vadd.f32 v1, v3;
	v13 =	vadd.f32 v0, v2  }
0xf4: {  	v0 =	vld.msk [tilespmem:s21+$0x180], $0xff;
	v10 =	vadd.f32 v4, v15;
	v11 =	vadd.f32 v14, v11  }
0xf5: {  	v2 =	vld.msk [tilespmem:s21+$0x188], $0xff  }
0xf6: {  	v3 =	vld.msk [tilespmem:s21+$0x190], $0xff  }
0xf7: {  	v4 =	vld.msk [tilespmem:s21+$0x198], $0xff  }
0xf8: {  	v14 =	vld.msk [tilespmem:s21+$0x1A0], $0xff  }
0xf9: {  	v15 =	vld.msk [tilespmem:s21+$0x1A8], $0xff  }
0xfa: {  	v23 =	vld.msk [tilespmem:s21+$0x140], $0xff  }
0xfb: {  	v24 =	vld.msk [tilespmem:s21+$0x148], $0xff  }
0xfc: {  	v25 =	vld.msk [tilespmem:s21+$0x150], $0xff  }
0xfd: {  	v26 =	vld.msk [tilespmem:s21+$0x158], $0xff  }
0xfe: {  	v27 =	vld.msk [tilespmem:s21+$0x160], $0xff  }
0xff: {  	v28 =	vld.msk [tilespmem:s21+$0x168], $0xff  }
0x100: {  	v29 =	vld.msk [tilespmem:s21+$0x100], $0xff  }
0x101: {  	v30 =	vld.msk [tilespmem:s21+$0x108], $0xff  }
0x102: {  	v31 =	vld.msk [tilespmem:s21+$0x110], $0xff  }
0x103: {  	v32 =	vld.msk [tilespmem:s21+$0x118], $0xff  }
0x104: {  	v33 =	vld.msk [tilespmem:s21+$0x120], $0xff  }
0x105: {  	v34 =	vld.msk [tilespmem:s21+$0x128], $0xff  }
0x106: {  	v35 =	vld.msk [tilespmem:s21+$0xC0], $0xff  }
0x107: {  	v36 =	vld.msk [tilespmem:s21+$0xC8], $0xff  }
0x108: {  	v37 =	vld.msk [tilespmem:s21+$0x80], $0xff  }
0x109: {  	v18 =	vunpack.c.l.bf16.f32 v22;
	v38 =	vld.msk [tilespmem:s21+$0x88], $0xff  }
0x10a: {  	v19 =	vunpack.c.l.bf16.f32 v19;
	v16 =	vunpack.c.l.bf16.f32 v20;
	v17 =	vunpack.c.l.bf16.f32 v17;
	v22 =	vld.msk [tilespmem:s21+$0x40], $0xff  }
0x10b: {  	v1 =	vunpack.c.l.bf16.f32 v5;
	v39 =	vunpack.c.l.bf16.f32 v0;
	v0 =	vunpack.c.l.bf16.f32 v21;
	v20 =	vld.msk [tilespmem:s21+$0x48], $0xff  }
0x10c: {  	v40 =	vunpack.c.l.bf16.f32 v2;
	v41 =	vunpack.c.l.bf16.f32 v3;
	v42 =	vunpack.c.l.bf16.f32 v4;
	v21 =	vld.msk [tilespmem:s21+$0x0], $0xff  }
0x10d: {  	v3 =	vunpack.c.l.bf16.f32 v14;
	v2 =	vunpack.c.l.bf16.f32 v15;
	v23 =	vunpack.c.l.bf16.f32 v23;
	v43 =	vld.msk [tilespmem:s21+$0x8], $0xff  }
0x10e: {  	v24 =	vunpack.c.l.bf16.f32 v24;
	v25 =	vunpack.c.l.bf16.f32 v25;
	v26 =	vunpack.c.l.bf16.f32 v26;
	v44 =	vld.msk [tilespmem:s21+$0x10], $0xff  }
0x10f: {  	v5 =	vunpack.c.l.bf16.f32 v27;
	v4 =	vunpack.c.l.bf16.f32 v28;
	v29 =	vunpack.c.l.bf16.f32 v29;
	v45 =	vld.msk [tilespmem:s21+$0x18], $0xff  }
0x110: {  	v28 =	vunpack.c.l.bf16.f32 v30;
	v30 =	vunpack.c.l.bf16.f32 v31;
	v31 =	vunpack.c.l.bf16.f32 v32;
	v27 =	vld.msk [tilespmem:s21+$0x50], $0xff  }
0x111: {  	v14 =	vunpack.c.l.bf16.f32 v33;
	v15 =	vunpack.c.l.bf16.f32 v34;
	v35 =	vunpack.c.l.bf16.f32 v35;
	v32 =	vld.msk [tilespmem:s21+$0x58], $0xff  }
0x112: {  	v36 =	vunpack.c.l.bf16.f32 v36;
	v33 =	vunpack.c.l.bf16.f32 v37;
	v34 =	vunpack.c.l.bf16.f32 v38;
	v37 =	vld.msk [tilespmem:s21+$0x90], $0xff  }
0x113: {  	v22 =	vunpack.c.l.bf16.f32 v22;
	v21 =	vunpack.c.l.bf16.f32 v21;
	v38 =	vunpack.c.l.bf16.f32 v43;
	v43 =	vld.msk [tilespmem:s21+$0x98], $0xff  }
0x114: {  	v20 =	vunpack.c.l.bf16.f32 v20;
	v44 =	vunpack.c.l.bf16.f32 v44;
	v45 =	vunpack.c.l.bf16.f32 v45;
	v46 =	vld.msk [tilespmem:s21+$0xD0], $0xff  }
0x115: {  	v9 =	vadd.f32 v21, v9;
	v8 =	vadd.f32 v38, v8;
	v21 =	vunpack.c.l.bf16.f32 v27;
	v27 =	vld.msk [tilespmem:s21+$0xD8], $0xff  }
0x116: {  	v7 =	vadd.f32 v44, v7;
	v6 =	vadd.f32 v45, v6;
	v32 =	vunpack.c.l.bf16.f32 v32;
	v38 =	vld.msk [tilespmem:s21+$0xE0], $0xff  }
0x117: {  	v9 =	vadd.f32 v22, v9;
	v8 =	vadd.f32 v20, v8;
	v20 =	vunpack.c.l.bf16.f32 v37;
	v22 =	vld.msk [tilespmem:s21+$0xE8], $0xff  }
0x118: {  	v7 =	vadd.f32 v21, v7;
	v6 =	vadd.f32 v32, v6;
	v21 =	vunpack.c.l.bf16.f32 v43;
	v32 =	vld.msk [tilespmem:s21+$0xA0], $0xff  }
0x119: {  	v9 =	vadd.f32 v33, v9;
	v8 =	vadd.f32 v34, v8;
	v33 =	vld.msk [tilespmem:s21+$0xA8], $0xff;
	v34 =	vunpack.c.l.bf16.f32 v46  }
0x11a: {  	v7 =	vadd.f32 v20, v7;
	v37 =	vld.msk [tilespmem:s21+$0x60], $0xff;
	v6 =	vadd.f32 v21, v6;
	v20 =	vunpack.c.l.bf16.f32 v27  }
0x11b: {  	v9 =	vadd.f32 v35, v9;
	v8 =	vadd.f32 v36, v8;
	v21 =	vld.msk [tilespmem:s21+$0x68], $0xff;
	v27 =	vunpack.c.l.bf16.f32 v38  }
0x11c: {  	v7 =	vadd.f32 v34, v7;
	v35 =	vld.msk [tilespmem:s21+$0x20], $0xff;
	v6 =	vadd.f32 v20, v6;
	v20 =	vunpack.c.l.bf16.f32 v22  }
0x11d: {  	v9 =	vadd.f32 v29, v9;
	v8 =	vadd.f32 v28, v8;
	v22 =	vld.msk [tilespmem:s21+$0x28], $0xff;
	v32 =	vunpack.c.l.bf16.f32 v32  }
0x11e: {  	v7 =	vadd.f32 v30, v7;
	v28 =	vld.msk [tilespmem:s21+$0x30], $0xff;
	v29 =	vunpack.c.l.bf16.f32 v33;
	v6 =	vadd.f32 v31, v6  }
0x11f: {  	s20 =	sadd.s32 $0x8, s20;
	v9 =	vadd.f32 v23, v9;
	v8 =	vadd.f32 v24, v8;
	v30 =	vld.msk [tilespmem:s21+$0x38], $0xff;
	v31 =	vunpack.c.l.bf16.f32 v37  }
0x120: {  	p0 =	slt.u32 s20, $0xC0;
	v7 =	vadd.f32 v25, v7;
	v21 =	vunpack.c.l.bf16.f32 v21;
	v23 =	vld.msk [tilespmem:s21+$0x70], $0xff;
	v6 =	vadd.f32 v26, v6  }
0x121: {  	v9 =	vadd.f32 v39, v9;
	v8 =	vadd.f32 v40, v8;
	v24 =	vunpack.c.l.bf16.f32 v35;
	v25 =	vld.msk [tilespmem:s21+$0x78], $0xff  }
0x122: {  	v7 =	vadd.f32 v41, v7;
	v22 =	vunpack.c.l.bf16.f32 v22;
	v26 =	vld.msk [tilespmem:s21+$0xB0], $0xff;
	v6 =	vadd.f32 v42, v6  }
0x123: {  	v9 =	vadd.f32 v18, v9;
	v8 =	vadd.f32 v19, v8;
	v28 =	vunpack.c.l.bf16.f32 v28;
	v33 =	vld.msk [tilespmem:s21+$0xB8], $0xff  }
0x124: {  	v7 =	vadd.f32 v16, v7;
	v18 =	vunpack.c.l.bf16.f32 v30;
	v19 =	vld.msk [tilespmem:s21+$0xF0], $0xff;
	v6 =	vadd.f32 v17, v6  }
0x125: {  	v12 =	vadd.f32 v24, v12;
	v13 =	vadd.f32 v22, v13;
	v16 =	vunpack.c.l.bf16.f32 v23;
	v17 =	vld.msk [tilespmem:s21+$0xF8], $0xff  }
0x126: {  	v10 =	vadd.f32 v28, v10;
	v11 =	vadd.f32 v18, v11;
	v18 =	vunpack.c.l.bf16.f32 v25;
	v22 =	vld.msk [tilespmem:s21+$0x130], $0xff  }
0x127: {  	v12 =	vadd.f32 v31, v12;
	v13 =	vadd.f32 v21, v13;
	v21 =	vunpack.c.l.bf16.f32 v26;
	v23 =	vld.msk [tilespmem:s21+$0x138], $0xff  }
0x128: {  	v16 =	vadd.f32 v16, v10;
	v11 =	vadd.f32 v18, v11;
	v18 =	vunpack.c.l.bf16.f32 v33;
	v24 =	vld.msk [tilespmem:s21+$0x170], $0xff  }
.Ltmp1:
0x129: {  	v25 =	vadd.f32 v32, v12;
	v13 =	vadd.f32 v29, v13;
	v19 =	vunpack.c.l.bf16.f32 v19;
	v10 =	vld.msk [tilespmem:s21+$0x178], $0xff;
	(pc) =	sbr.rel @p0 .LBB2_5-.Ltmp1, $4  }
0x12a: {  	v21 =	vadd.f32 v21, v16;
	v26 =	vadd.f32 v18, v11;
	v17 =	vunpack.c.l.bf16.f32 v17;
	v12 =	vld.msk [tilespmem:s21+$0x1B0], $0xff  }
0x12b: {  	v25 =	vadd.f32 v27, v25;
	v20 =	vadd.f32 v20, v13;
	v16 =	vunpack.c.l.bf16.f32 v22;
	v11 =	vld.msk [tilespmem:s21+$0x1B8], $0xff  }
0x12c: {  	v18 =	vadd.f32 v19, v21;
	v17 =	vadd.f32 v17, v26;
	v19 =	vunpack.c.l.bf16.f32 v23;
	v13 =	vld.msk [tilespmem:s21+$0x1F0], $0xff  }
0x12d: {  	v21 =	vadd.f32 v14, v25;
	v20 =	vadd.f32 v15, v20;
	v15 =	vunpack.c.l.bf16.f32 v24;
	v14 =	vld.msk [tilespmem:s21+$0x1F8], $0xff;
	s21 =	sadd.s32 $0x200, s21  }
0x12e: {  	_ = 	snop  }
0x12f: {  	v16 =	vadd.f32 v16, v18;
	s19 =	sshll.u32 s19, $0x7;
	v5 =	vadd.f32 v5, v21  }
0x130: {  	v17 =	vadd.f32 v19, v17;
	v10 =	vunpack.c.l.bf16.f32 v10;
	v4 =	vadd.f32 v4, v20;
	s19 =	sand.u32 $0x3FFFFF80, s19  }
0x131: {  	v12 =	vunpack.c.l.bf16.f32 v12;
	v15 =	vadd.f32 v15, v16;
	[tilespmem:s19+$0xC800] =	vst v9;
	v3 =	vadd.f32 v3, v5  }
0x132: {  	s18 =	sadd.s32 $0x1, s18;
	v56 =	vadd.f32 v10, v17;
	v57 =	vunpack.c.l.bf16.f32 v11;
	[tilespmem:s19+$0xC810] =	vst v8;
	v2 =	vadd.f32 v2, v4  }
0x133: {  	p0 =	sne.s32 s18, $0x40;
	[tilespmem:s19+$0xC820] =	vst v7;
	v58 =	vunpack.c.l.bf16.f32 v13;
	v59 =	vadd.f32 v12, v15;
	v1 =	vadd.f32 v1, v3  }
.Ltmp2:
0x134: {  	[tilespmem:s19+$0xC830] =	vst v6;
	v60 =	vadd.f32 v57, v56;
	v61 =	vunpack.c.l.bf16.f32 v14;
	v0 =	vadd.f32 v0, v2;
	(pc) =	sbr.rel @p0 .LBB2_2-.Ltmp2, $4  }
0x135: {  	v62 =	vadd.f32 v58, v59;
	[tilespmem:s19+$0xC840] =	vst v1  }
0x136: {  	v63 =	vadd.f32 v61, v60;
	[tilespmem:s19+$0xC850] =	vst v0  }
0x137: {  	[tilespmem:s19+$0xC860] =	vst v62  }
0x138: {  	[tilespmem:s19+$0xC870] =	vst v63  }
0x139: {  	s17 =	sadd.s32 $0x1, s17  }
0x13a: {  	p0 =	sne.s32 s17, s6  }
.Ltmp3:
0x13b: {  	_ = 	snop;
	(pc) =	sbr.rel @p0 .LBB2_1-.Ltmp3, $4  }
0x13c: {  	[hbm4b:s5+s2] =	stream.linear.scatter [tilespmem:s16], [sflag:$0x3], $0x4000, $0x38;
	[tilespmem:$0x10800] =	vst v63  }
0x13d: {  	_ =	swait.ge [sflag:s7], $0x4000  }
0x13e: {  	[sflag:s7] =	ssyncset.done $0x0  }
0x13f: {  	[sflag:s7] =	ssyncadd.s32 $0xFFFFC000  }
0x140: {  	_ =	sfence.sel $0x180000  }
0x141: {  	[bflag:$0x0] =	sbarrier.arrive $0xFFFF  }
0x142: {  	p0 =	sne.s32 s1, $0x0;
	_ =	strace $0x9000004A  }
0x143: {  	s0 =	sadd.s32 @!p0 $0x100000, s0;
	[bflag:$0x2] =	sbarrier.arrive $0xFFFF  }
0x144: {  	[sflag:s0] =	ssyncadd.tile.s32 @!p0 $0x1;
	_ =	shalt  }
.Lfunc_end2:
_tile_overlayer_lowered:
.L_overlay_start_2:
0x145: {  	(tag) =	ssettag $0x2  }
0x146: {  	s0 =	rddreg [dreg:$0x0];
	s2 =	stileid.u32  }
0x147: {  	s1 =	rddreg [dreg:$0x1];
	p0 =	sne.s32 s2, $0x0  }
0x148: {  	s3 =	rddreg [dreg:$0x2];
	[bflag:$0x3] =	sbarrier.arrive $0xFFFF;
	s2 =	simm.s32 @!p0 $0x1C03  }
0x149: {  	[timem:s3], [sflag:s2] =	dma.local @!p0 [hbm:s0], s1  }
0x14a: {  	s0 =	simm.s32 @!p0 $0x3  }
0x14b: {  	_ =	swait.ge @!p0 [sflag:s0], s1  }
0x14c: {  	s1 =	ssub.s32 @!p0 $0x0, s1;
	[sflag:s0] =	ssyncset.done @!p0 $0x0  }
0x14d: {  	[sflag:s0] =	ssyncadd.s32 @!p0 s1  }
0x14e: {  	[bflag:$0x3] =	sbarrier.arrive $0xFFFF  }
0x14f: {  	_ =	shalt  }

</sc_bundles>
